<compile_context>
chip_gen: v7x
topology: tpu7x:2x2x1
jax: 0.10.2.dev20260603
libtpu: 0.0.44.dev20260713+nightly
codegen_flags: <defaults>
</compile_context>

<pallas_src>
import jax
import jax.numpy as jnp
from jax import lax
from jax.experimental import pallas as pl
from jax.experimental.pallas import tpu as pltpu
from jax.experimental.pallas import tpu_sc as plsc

N = 10000
E = 320000
D_IN = 128
D = 64
G = 128
W = 128

NC = 2
NS = 16
NW = NC * NS
EPT = E // NW
C = 80
CHUNKS = EPT // C
NPAD = 10240
NPT = NPAD // NS
ZROWS = 128

_mesh = plsc.VectorSubcoreMesh(core_axis_name="c", subcore_axis_name="s")



def _sc_layer_body(pd_hbm, ps_hbm, ee_hbm, dst_hbm, src_hbm, zeros_hbm,
                   out_hbm, dstbuf, srcbuf, sbuf, gd, gs, msgbuf, acc,
                   sem1, sem2, isem1, isem2, esem):
    c = lax.axis_index("c")
    s = lax.axis_index("s")
    wid = s * NC + c

    zero16 = jnp.zeros((16,), jnp.float32)
    for j in range(NPT // ZROWS):
        pltpu.sync_copy(zeros_hbm, acc.at[pl.ds(s * NPT + j * ZROWS, ZROWS)])

    one_hot0 = jnp.where(jax.lax.iota(jnp.int32, 16) == 0, 1.0, 0.0)

    def fill_pad(e, _):
        msgbuf[e, pl.ds(64, 16)] = one_hot0
        for v in range(5, 8):
            msgbuf[e, pl.ds(v * 16, 16)] = zero16
        return 0

    lax.fori_loop(0, C, fill_pad, 0)
    plsc.subcore_barrier()

    def chunk(k, _):
        gbase = wid * EPT + k * C
        ci1 = pltpu.async_copy(dst_hbm.at[pl.ds(gbase, C)], dstbuf, isem1)
        ci2 = pltpu.async_copy(src_hbm.at[pl.ds(gbase, C)], srcbuf, isem2)
        ce = pltpu.async_copy(ee_hbm.at[pl.ds(gbase, C), :], sbuf, esem)
        ci1.wait()
        ci2.wait()
        cp1 = pltpu.async_copy(pd_hbm.at[dstbuf], gd, sem1)
        cp2 = pltpu.async_copy(ps_hbm.at[srcbuf], gs, sem2)
        ce.wait()
        cp1.wait()
        cp2.wait()

        def edge(e, _):
            for v in range(4):
                af = (sbuf[e, pl.ds(v * 16, 16)]
                      + gd[e, pl.ds(v * 16, 16)]
                      + gs[e, pl.ds(v * 16, 16)])
                asv = (sbuf[e, pl.ds(64 + v * 16, 16)]
                       + gd[e, pl.ds(64 + v * 16, 16)]
                       + gs[e, pl.ds(64 + v * 16, 16)])
                sig = 1.0 / (1.0 + jnp.exp(-af))
                t = jnp.exp(-jnp.abs(asv))
                u = t / (2.0 + t)
                u2 = u * u
                poly = u * (1.0 + u2 * (1.0 / 3.0 + u2 * (0.2 + u2 * (
                    1.0 / 7.0 + u2 * (1.0 / 9.0)))))
                sp = jnp.maximum(asv, 0.0) + 2.0 * poly
                msgbuf[e, pl.ds(v * 16, 16)] = sig * sp
            return 0

        lax.fori_loop(0, C, edge, 0)
        pltpu.sync_copy(msgbuf, acc.at[dstbuf], add=True)
        return 0

    lax.fori_loop(0, CHUNKS, chunk, 0)
    plsc.subcore_barrier()
    pltpu.sync_copy(acc.at[pl.ds(s * NPT, NPT)],
                    out_hbm.at[c, pl.ds(s * NPT, NPT)])


_sc_layer = pl.kernel(
    _sc_layer_body,
    out_type=jax.ShapeDtypeStruct((NC, NPAD, W), jnp.float32),
    mesh=_mesh,
    scratch_types=[
        pltpu.VMEM((C,), jnp.int32),
        pltpu.VMEM((C,), jnp.int32),
        pltpu.VMEM((C, W), jnp.float32),
        pltpu.VMEM((C, W), jnp.float32),
        pltpu.VMEM((C, W), jnp.float32),
        pltpu.VMEM((C, W), jnp.float32),
        pltpu.VMEM_SHARED((NPAD, W), jnp.float32),
        pltpu.SemaphoreType.DMA,
        pltpu.SemaphoreType.DMA,
        pltpu.SemaphoreType.DMA,
        pltpu.SemaphoreType.DMA,
        pltpu.SemaphoreType.DMA,
    ],
)



def _tc_pre_body(x_ref, wpre_ref, bpre_ref, wd_ref, ws_ref,
                 out_ref, pd_ref, psrc_ref):
    out = jnp.maximum(
        jnp.dot(x_ref[...], wpre_ref[...],
                preferred_element_type=jnp.float32) + bpre_ref[...], 0.0)
    out_ref[...] = out
    pd_ref[...] = jnp.dot(out, wd_ref[...], preferred_element_type=jnp.float32)
    psrc_ref[...] = jnp.dot(out, ws_ref[...],
                            preferred_element_type=jnp.float32)


_tc_pre = pl.pallas_call(
    _tc_pre_body,
    out_shape=(
        jax.ShapeDtypeStruct((N, D), jnp.float32),
        jax.ShapeDtypeStruct((N, 2 * D), jnp.float32),
        jax.ShapeDtypeStruct((N, 2 * D), jnp.float32),
    ),
)

_BE = 6400


def _tc_ee_body(eat_ref, w_ref, b_ref, e0_ref, e1_ref, e2_ref):
    ee = jax.lax.dot_general(
        eat_ref[...], w_ref[...], (((0,), (0,)), ((), ())),
        preferred_element_type=jnp.float32) + b_ref[...]
    e0_ref[...] = ee[:, 0:128]
    e1_ref[...] = ee[:, 128:256]
    e2_ref[...] = ee[:, 256:384]


_tc_ee = pl.pallas_call(
    _tc_ee_body,
    grid=(E // _BE,),
    in_specs=[
        pl.BlockSpec((3, _BE), lambda k: (0, k)),
        pl.BlockSpec((3, 384), lambda k: (0, 0)),
        pl.BlockSpec((1, 384), lambda k: (0, 0)),
    ],
    out_specs=(
        pl.BlockSpec((_BE, 128), lambda k: (k, 0)),
        pl.BlockSpec((_BE, 128), lambda k: (k, 0)),
        pl.BlockSpec((_BE, 128), lambda k: (k, 0)),
    ),
    out_shape=(
        jax.ShapeDtypeStruct((E, 128), jnp.float32),
        jax.ShapeDtypeStruct((E, 128), jnp.float32),
        jax.ShapeDtypeStruct((E, 128), jnp.float32),
    ),
)


def _bn_update(out_prev, p0, p1, gam, bet):
    deg = jnp.maximum(p0[:, D:D + 1] + p1[:, D:D + 1], 1.0)
    o = out_prev + (p0[:, :D] + p1[:, :D]) / deg
    mean = jnp.mean(o, axis=0, keepdims=True)
    var = jnp.mean((o - mean) * (o - mean), axis=0, keepdims=True)
    return (o - mean) * lax.rsqrt(var + 1e-5) * gam + bet


def _tc_mid_body(out_ref, p0_ref, p1_ref, gam_ref, bet_ref,
                 wd_ref, ws_ref, on_ref, pd_ref, psrc_ref):
    on = _bn_update(out_ref[...], p0_ref[...], p1_ref[...],
                    gam_ref[...], bet_ref[...])
    on_ref[...] = on
    pd_ref[...] = jnp.dot(on, wd_ref[...], preferred_element_type=jnp.float32)
    psrc_ref[...] = jnp.dot(on, ws_ref[...],
                            preferred_element_type=jnp.float32)


_tc_mid = pl.pallas_call(
    _tc_mid_body,
    out_shape=(
        jax.ShapeDtypeStruct((N, D), jnp.float32),
        jax.ShapeDtypeStruct((N, 2 * D), jnp.float32),
        jax.ShapeDtypeStruct((N, 2 * D), jnp.float32),
    ),
)


def _tc_final_body(out_ref, p0_ref, p1_ref, gam_ref, bet_ref,
                   batch_ref, wpost_ref, bpost_ref, wout_ref, bout_ref,
                   o_ref):
    on = _bn_update(out_ref[...], p0_ref[...], p1_ref[...],
                    gam_ref[...], bet_ref[...])
    gids = lax.broadcasted_iota(jnp.int32, (G, N), 0)
    oh = (batch_ref[...] == gids).astype(jnp.float32)
    cnt = jnp.maximum(jnp.sum(oh, axis=1, keepdims=True), 1.0)
    pooled = jnp.dot(oh, on, preferred_element_type=jnp.float32) / cnt
    h = jnp.maximum(
        jnp.dot(pooled, wpost_ref[...],
                preferred_element_type=jnp.float32) + bpost_ref[...], 0.0)
    o_ref[...] = jnp.dot(h, wout_ref[...],
                         preferred_element_type=jnp.float32) + bout_ref[...]


_tc_final = pl.pallas_call(
    _tc_final_body,
    out_shape=jax.ShapeDtypeStruct((G, 1), jnp.float32),
)



def kernel(x, edge_index, edge_attr, batch, W_pre, b_pre, Wf, bf, Ws, bs,
           gamma, beta, W_post, b_post, W_out, b_out):
    src = edge_index[0]
    dst = edge_index[1]

    wd = [jnp.concatenate([Wf[i][:D], Ws[i][:D]], axis=1) for i in range(3)]
    ws = [jnp.concatenate([Wf[i][D:2 * D], Ws[i][D:2 * D]], axis=1)
          for i in range(3)]
    wecat = jnp.concatenate(
        [jnp.concatenate([Wf[i][2 * D:], Ws[i][2 * D:]], axis=1)
         for i in range(3)], axis=1)
    becat = jnp.concatenate(
        [jnp.concatenate([bf[i], bs[i]]) for i in range(3)]).reshape(1, 384)

    ee = _tc_ee(edge_attr.T, wecat, becat)
    zrows = jnp.zeros((ZROWS, W), jnp.float32)
    out, pd, psrc = _tc_pre(x, W_pre, b_pre.reshape(1, D), wd[0], ws[0])

    for i in range(3):
        part = _sc_layer(pd, psrc, ee[i], dst, src, zrows)
        p0 = part[0, :N]
        p1 = part[1, :N]
        if i < 2:
            out, pd, psrc = _tc_mid(
                out, p0, p1, gamma[i].reshape(1, D),
                beta[i].reshape(1, D), wd[i + 1], ws[i + 1])
        else:
            o = _tc_final(
                out, p0, p1, gamma[i].reshape(1, D),
                beta[i].reshape(1, D),
                batch.reshape(1, N),
                W_post, b_post.reshape(1, D), W_out, b_out.reshape(1, 1))
    return o.reshape(-1)

# --- scband reference (transcript-rebuilt; emitter-appended) ---
"""Pipeline reference for scband-cgcnn-29102698398262 (READ-ONLY COPY).

The authoritative reference and input builder live on the scoring server;
editing this copy changes nothing except your own understanding.
"""

import jax, jax.numpy as jnp
import numpy as np

N = 10000
E = 320000
D_IN = 128
D = 64
EDGE_D = 3
G = 128
ZD = 2 * D + EDGE_D

def setup_inputs(seed: int = 0):
    key = jax.random.key(seed)
    ks = jax.random.split(key, 16)
    x = jax.random.normal(ks[0], (N, D_IN), dtype=jnp.float32)
    edge_index = jax.random.randint(ks[1], (2, E), 0, N, dtype=jnp.int32)
    edge_attr = jax.random.uniform(ks[2], (E, EDGE_D), dtype=jnp.float32)
    batch = jnp.sort(jax.random.randint(ks[3], (N,), 0, G, dtype=jnp.int32))
    W_pre = jax.random.normal(ks[4], (D_IN, D), dtype=jnp.float32) * 0.1
    b_pre = jnp.zeros((D,), jnp.float32)
    Wf = jax.random.normal(ks[5], (3, ZD, D), dtype=jnp.float32) * 0.1
    bf = jnp.zeros((3, D), jnp.float32)
    Ws = jax.random.normal(ks[6], (3, ZD, D), dtype=jnp.float32) * 0.1
    bs = jnp.zeros((3, D), jnp.float32)
    gamma = jnp.ones((3, D), jnp.float32)
    beta = jnp.zeros((3, D), jnp.float32)
    W_post = jax.random.normal(ks[7], (D, D), dtype=jnp.float32) * 0.1
    b_post = jnp.zeros((D,), jnp.float32)
    W_out = jax.random.normal(ks[8], (D, 1), dtype=jnp.float32) * 0.1
    b_out = jnp.zeros((1,), jnp.float32)
    return {"x": x, "edge_index": edge_index, "edge_attr": edge_attr, "batch": batch,
            "W_pre": W_pre, "b_pre": b_pre, "Wf": Wf, "bf": bf, "Ws": Ws, "bs": bs,
            "gamma": gamma, "beta": beta, "W_post": W_post, "b_post": b_post,
            "W_out": W_out, "b_out": b_out}

def reference(x, edge_index, edge_attr, batch, W_pre, b_pre, Wf, bf, Ws, bs, gamma, beta, W_post, b_post, W_out, b_out):
    src = edge_index[0]
    dst = edge_index[1]
    # pre FC
    out = jax.nn.relu(x @ W_pre + b_pre)
    # precompute in-degree for mean aggregation (clamped to 1 like torch_scatter)
    deg = jax.ops.segment_sum(jnp.ones((E,), jnp.float32), dst, num_segments=N)
    deg = jnp.clip(deg, 1.0, None)
    # 3 x CGConv (aggr='mean') + BatchNorm1d (training-mode batch stats)
    for i in range(3):
        z = jnp.concatenate([out[dst], out[src], edge_attr], axis=1)
        msg = jax.nn.sigmoid(z @ Wf[i] + bf[i]) * jax.nn.softplus(z @ Ws[i] + bs[i])
        agg = jax.ops.segment_sum(msg, dst, num_segments=N) / deg[:, None]
        out = out + agg
        mean = jnp.mean(out, axis=0)
        var = jnp.var(out, axis=0)
        out = (out - mean) / jnp.sqrt(var + 1e-5) * gamma[i] + beta[i]
    # early global_mean_pool over graphs
    gcnt = jax.ops.segment_sum(jnp.ones((N,), jnp.float32), batch, num_segments=G)
    gcnt = jnp.clip(gcnt, 1.0, None)
    pooled = jax.ops.segment_sum(out, batch, num_segments=G) / gcnt[:, None]
    # post FC + output head
    h = jax.nn.relu(pooled @ W_post + b_post)
    o = h @ W_out + b_out
    return o.reshape(-1)

if __name__ == "__main__":
    import jax
    _d = setup_inputs()
    print(jax.jit(kernel)(*tuple(_d.values())))

</pallas_src>

<mosaic_0001>
#map = affine_map<(d0, d1) -> (0, 0)>
#map1 = affine_map<(d0, d1) -> (0)>
#map2 = affine_map<(d0, d1) -> (0, 0, 0)>
module attributes {stable_mosaic.version = 14 : i64} {
  func.func @_sc_layer_body(%arg0: i32, %arg1: i32, %arg2: memref<10000x128xf32, #tpu.memory_space<hbm>>, %arg3: memref<10000x128xf32, #tpu.memory_space<hbm>>, %arg4: memref<320000x128xf32, #tpu.memory_space<hbm>>, %arg5: memref<320000xi32, #tpu.memory_space<hbm>>, %arg6: memref<320000xi32, #tpu.memory_space<hbm>>, %arg7: memref<128x128xf32, #tpu.memory_space<hbm>>, %arg8: memref<2x10240x128xf32, #tpu.memory_space<hbm>>, %arg9: memref<80xi32, #tpu.memory_space<vmem>>, %arg10: memref<80xi32, #tpu.memory_space<vmem>>, %arg11: memref<80x128xf32, #tpu.memory_space<vmem>>, %arg12: memref<80x128xf32, #tpu.memory_space<vmem>>, %arg13: memref<80x128xf32, #tpu.memory_space<vmem>>, %arg14: memref<80x128xf32, #tpu.memory_space<vmem>>, %arg15: memref<10240x128xf32, #tpu.memory_space<vmem_shared>>, %arg16: memref<!tpu.dma_semaphore, #tpu.memory_space<semaphore_mem>>, %arg17: memref<!tpu.dma_semaphore, #tpu.memory_space<semaphore_mem>>, %arg18: memref<!tpu.dma_semaphore, #tpu.memory_space<semaphore_mem>>, %arg19: memref<!tpu.dma_semaphore, #tpu.memory_space<semaphore_mem>>, %arg20: memref<!tpu.dma_semaphore, #tpu.memory_space<semaphore_mem>>) attributes {dimension_semantics = [#tpu.dimension_semantics<core_parallel>, #tpu.dimension_semantics<subcore_parallel>], iteration_bounds = array<i64: 2, 16>, scalar_prefetch = 0 : i64, scratch_operands = 12 : i64, tpu.core_type = #tpu.core_type<sc_vector_subcore>, window_params = [{transform_indices = #map}, {transform_indices = #map}, {transform_indices = #map}, {transform_indices = #map1}, {transform_indices = #map1}, {transform_indices = #map}, {transform_indices = #map2}]} {
    %mul3A = arith.constant 2 : i32
    %mul3A_0 = arith.muli %arg1, %mul3A : i32
    %add3A = arith.addi %mul3A_0, %arg0 : i32
    %broadcast_in_dim3A = arith.constant 0.000000e+00 : f32
    %broadcast_in_dim3A_1 = vector.broadcast %broadcast_in_dim3A : f32 to vector<16xf32>
    %mul3A_2 = arith.constant 640 : i32
    %mul3A_3 = arith.muli %arg1, %mul3A_2 : i32
    %add3A_4 = arith.constant 0 : i32
    %add3A_5 = arith.addi %mul3A_3, %add3A_4 : i32
    "tpu.region"() ({
      %run_scoped3A = tpu.sem_alloc : memref<!tpu.dma_semaphore, #tpu.memory_space<semaphore_mem>>
      %dma_start3A = arith.constant 0 : i32
      %dma_start3A_45 = tpu.memref_slice %arg15[%add3A_5, %dma_start3A] : memref<10240x128xf32, #tpu.memory_space<vmem_shared>> -> memref<128x128xf32, #tpu.memory_space<vmem_shared>>
      tpu.enqueue_dma source(%arg7 : memref<128x128xf32, #tpu.memory_space<hbm>>) target(%dma_start3A_45 : memref<128x128xf32, #tpu.memory_space<vmem_shared>>) target_semaphore(%run_scoped3A : memref<!tpu.dma_semaphore, #tpu.memory_space<semaphore_mem>>)
      %dma_wait3A = arith.constant 0 : i32
      %dma_wait3A_46 = tpu.memref_slice %arg15[%add3A_5, %dma_wait3A] : memref<10240x128xf32, #tpu.memory_space<vmem_shared>> -> memref<128x128xf32, #tpu.memory_space<vmem_shared>>
      tpu.wait_dma2 semaphore(%run_scoped3A : memref<!tpu.dma_semaphore, #tpu.memory_space<semaphore_mem>>) src(%arg7 : memref<128x128xf32, #tpu.memory_space<hbm>>) dst(%dma_wait3A_46 : memref<128x128xf32, #tpu.memory_space<vmem_shared>>)
      tpu.yield
    }) : () -> ()
    %mul3A_6 = arith.constant 640 : i32
    %mul3A_7 = arith.muli %arg1, %mul3A_6 : i32
    %add3A_8 = arith.constant 128 : i32
    %add3A_9 = arith.addi %mul3A_7, %add3A_8 : i32
    "tpu.region"() ({
      %run_scoped3A = tpu.sem_alloc : memref<!tpu.dma_semaphore, #tpu.memory_space<semaphore_mem>>
      %dma_start3A = arith.constant 0 : i32
      %dma_start3A_45 = tpu.memref_slice %arg15[%add3A_9, %dma_start3A] : memref<10240x128xf32, #tpu.memory_space<vmem_shared>> -> memref<128x128xf32, #tpu.memory_space<vmem_shared>>
      tpu.enqueue_dma source(%arg7 : memref<128x128xf32, #tpu.memory_space<hbm>>) target(%dma_start3A_45 : memref<128x128xf32, #tpu.memory_space<vmem_shared>>) target_semaphore(%run_scoped3A : memref<!tpu.dma_semaphore, #tpu.memory_space<semaphore_mem>>)
      %dma_wait3A = arith.constant 0 : i32
      %dma_wait3A_46 = tpu.memref_slice %arg15[%add3A_9, %dma_wait3A] : memref<10240x128xf32, #tpu.memory_space<vmem_shared>> -> memref<128x128xf32, #tpu.memory_space<vmem_shared>>
      tpu.wait_dma2 semaphore(%run_scoped3A : memref<!tpu.dma_semaphore, #tpu.memory_space<semaphore_mem>>) src(%arg7 : memref<128x128xf32, #tpu.memory_space<hbm>>) dst(%dma_wait3A_46 : memref<128x128xf32, #tpu.memory_space<vmem_shared>>)
      tpu.yield
    }) : () -> ()
    %mul3A_10 = arith.constant 640 : i32
    %mul3A_11 = arith.muli %arg1, %mul3A_10 : i32
    %add3A_12 = arith.constant 256 : i32
    %add3A_13 = arith.addi %mul3A_11, %add3A_12 : i32
    "tpu.region"() ({
      %run_scoped3A = tpu.sem_alloc : memref<!tpu.dma_semaphore, #tpu.memory_space<semaphore_mem>>
      %dma_start3A = arith.constant 0 : i32
      %dma_start3A_45 = tpu.memref_slice %arg15[%add3A_13, %dma_start3A] : memref<10240x128xf32, #tpu.memory_space<vmem_shared>> -> memref<128x128xf32, #tpu.memory_space<vmem_shared>>
      tpu.enqueue_dma source(%arg7 : memref<128x128xf32, #tpu.memory_space<hbm>>) target(%dma_start3A_45 : memref<128x128xf32, #tpu.memory_space<vmem_shared>>) target_semaphore(%run_scoped3A : memref<!tpu.dma_semaphore, #tpu.memory_space<semaphore_mem>>)
      %dma_wait3A = arith.constant 0 : i32
      %dma_wait3A_46 = tpu.memref_slice %arg15[%add3A_13, %dma_wait3A] : memref<10240x128xf32, #tpu.memory_space<vmem_shared>> -> memref<128x128xf32, #tpu.memory_space<vmem_shared>>
      tpu.wait_dma2 semaphore(%run_scoped3A : memref<!tpu.dma_semaphore, #tpu.memory_space<semaphore_mem>>) src(%arg7 : memref<128x128xf32, #tpu.memory_space<hbm>>) dst(%dma_wait3A_46 : memref<128x128xf32, #tpu.memory_space<vmem_shared>>)
      tpu.yield
    }) : () -> ()
    %mul3A_14 = arith.constant 640 : i32
    %mul3A_15 = arith.muli %arg1, %mul3A_14 : i32
    %add3A_16 = arith.constant 384 : i32
    %add3A_17 = arith.addi %mul3A_15, %add3A_16 : i32
    "tpu.region"() ({
      %run_scoped3A = tpu.sem_alloc : memref<!tpu.dma_semaphore, #tpu.memory_space<semaphore_mem>>
      %dma_start3A = arith.constant 0 : i32
      %dma_start3A_45 = tpu.memref_slice %arg15[%add3A_17, %dma_start3A] : memref<10240x128xf32, #tpu.memory_space<vmem_shared>> -> memref<128x128xf32, #tpu.memory_space<vmem_shared>>
      tpu.enqueue_dma source(%arg7 : memref<128x128xf32, #tpu.memory_space<hbm>>) target(%dma_start3A_45 : memref<128x128xf32, #tpu.memory_space<vmem_shared>>) target_semaphore(%run_scoped3A : memref<!tpu.dma_semaphore, #tpu.memory_space<semaphore_mem>>)
      %dma_wait3A = arith.constant 0 : i32
      %dma_wait3A_46 = tpu.memref_slice %arg15[%add3A_17, %dma_wait3A] : memref<10240x128xf32, #tpu.memory_space<vmem_shared>> -> memref<128x128xf32, #tpu.memory_space<vmem_shared>>
      tpu.wait_dma2 semaphore(%run_scoped3A : memref<!tpu.dma_semaphore, #tpu.memory_space<semaphore_mem>>) src(%arg7 : memref<128x128xf32, #tpu.memory_space<hbm>>) dst(%dma_wait3A_46 : memref<128x128xf32, #tpu.memory_space<vmem_shared>>)
      tpu.yield
    }) : () -> ()
    %mul3A_18 = arith.constant 640 : i32
    %mul3A_19 = arith.muli %arg1, %mul3A_18 : i32
    %add3A_20 = arith.constant 512 : i32
    %add3A_21 = arith.addi %mul3A_19, %add3A_20 : i32
    "tpu.region"() ({
      %run_scoped3A = tpu.sem_alloc : memref<!tpu.dma_semaphore, #tpu.memory_space<semaphore_mem>>
      %dma_start3A = arith.constant 0 : i32
      %dma_start3A_45 = tpu.memref_slice %arg15[%add3A_21, %dma_start3A] : memref<10240x128xf32, #tpu.memory_space<vmem_shared>> -> memref<128x128xf32, #tpu.memory_space<vmem_shared>>
      tpu.enqueue_dma source(%arg7 : memref<128x128xf32, #tpu.memory_space<hbm>>) target(%dma_start3A_45 : memref<128x128xf32, #tpu.memory_space<vmem_shared>>) target_semaphore(%run_scoped3A : memref<!tpu.dma_semaphore, #tpu.memory_space<semaphore_mem>>)
      %dma_wait3A = arith.constant 0 : i32
      %dma_wait3A_46 = tpu.memref_slice %arg15[%add3A_21, %dma_wait3A] : memref<10240x128xf32, #tpu.memory_space<vmem_shared>> -> memref<128x128xf32, #tpu.memory_space<vmem_shared>>
      tpu.wait_dma2 semaphore(%run_scoped3A : memref<!tpu.dma_semaphore, #tpu.memory_space<semaphore_mem>>) src(%arg7 : memref<128x128xf32, #tpu.memory_space<hbm>>) dst(%dma_wait3A_46 : memref<128x128xf32, #tpu.memory_space<vmem_shared>>)
      tpu.yield
    }) : () -> ()
    %iota3A = tpu.iota {dimensions = array<i32: 0>} : vector<16xi32>
    %eq3A = arith.constant 0 : i32
    %eq3A_22 = vector.broadcast %eq3A : i32 to vector<16xi32>
    %eq3A_23 = arith.cmpi eq, %iota3A, %eq3A_22 : vector<16xi32>
    %jit3A = arith.constant 1.000000e+00 : f32
    %jit3A_24 = arith.constant 0.000000e+00 : f32
    %broadcast_in_dim3A_25 = vector.broadcast %jit3A : f32 to vector<16xf32>
    %broadcast_in_dim3A_26 = vector.broadcast %jit3A_24 : f32 to vector<16xf32>
    %select_n3A = arith.select %eq3A_23, %broadcast_in_dim3A_25, %broadcast_in_dim3A_26 : vector<16xi1>, vector<16xf32>
    %scan3A = arith.constant 0 : i32
    %scan3A_27 = arith.constant 0 : i32
    %scan3A_28 = arith.constant 80 : i32
    %scan3A_29 = arith.addi %scan3A_27, %scan3A_28 : i32
    %scan3A_30 = arith.constant 1 : i32
    %scan3A_31 = scf.for %scan3A_45 = %scan3A_27 to %scan3A_29 step %scan3A_30 iter_args(%scan3A_46 = %scan3A) -> (i32)  : i32 {
      %swap3A = arith.index_cast %scan3A_45 : i32 to index
      %swap3A_47 = arith.constant 64 : index
      %swap3A_48 = tpu.vector_load %arg14[%swap3A, %swap3A_47] {strides = array<i32>} : memref<80x128xf32, #tpu.memory_space<vmem>>, vector<1x16xf32>,
      %swap3A_49 = vector.shape_cast %swap3A_48 : vector<1x16xf32> to vector<16xf32>
      %swap3A_50 = vector.shape_cast %select_n3A : vector<16xf32> to vector<1x16xf32>
      tpu.vector_store %arg14[%swap3A, %swap3A_47], %swap3A_50 {strides = array<i32>} : memref<80x128xf32, #tpu.memory_space<vmem>>, vector<1x16xf32>,
      %swap3A_51 = arith.index_cast %scan3A_45 : i32 to index
      %swap3A_52 = arith.constant 80 : index
      %swap3A_53 = tpu.vector_load %arg14[%swap3A_51, %swap3A_52] {strides = array<i32>} : memref<80x128xf32, #tpu.memory_space<vmem>>, vector<1x16xf32>,
      %swap3A_54 = vector.shape_cast %swap3A_53 : vector<1x16xf32> to vector<16xf32>
      %swap3A_55 = vector.shape_cast %broadcast_in_dim3A_1 : vector<16xf32> to vector<1x16xf32>
      tpu.vector_store %arg14[%swap3A_51, %swap3A_52], %swap3A_55 {strides = array<i32>} : memref<80x128xf32, #tpu.memory_space<vmem>>, vector<1x16xf32>,
      %swap3A_56 = arith.index_cast %scan3A_45 : i32 to index
      %swap3A_57 = arith.constant 96 : index
      %swap3A_58 = tpu.vector_load %arg14[%swap3A_56, %swap3A_57] {strides = array<i32>} : memref<80x128xf32, #tpu.memory_space<vmem>>, vector<1x16xf32>,
      %swap3A_59 = vector.shape_cast %swap3A_58 : vector<1x16xf32> to vector<16xf32>
      %swap3A_60 = vector.shape_cast %broadcast_in_dim3A_1 : vector<16xf32> to vector<1x16xf32>
      tpu.vector_store %arg14[%swap3A_56, %swap3A_57], %swap3A_60 {strides = array<i32>} : memref<80x128xf32, #tpu.memory_space<vmem>>, vector<1x16xf32>,
      %swap3A_61 = arith.index_cast %scan3A_45 : i32 to index
      %swap3A_62 = arith.constant 112 : index
      %swap3A_63 = tpu.vector_load %arg14[%swap3A_61, %swap3A_62] {strides = array<i32>} : memref<80x128xf32, #tpu.memory_space<vmem>>, vector<1x16xf32>,
      %swap3A_64 = vector.shape_cast %swap3A_63 : vector<1x16xf32> to vector<16xf32>
      %swap3A_65 = vector.shape_cast %broadcast_in_dim3A_1 : vector<16xf32> to vector<1x16xf32>
      tpu.vector_store %arg14[%swap3A_61, %swap3A_62], %swap3A_65 {strides = array<i32>} : memref<80x128xf32, #tpu.memory_space<vmem>>, vector<1x16xf32>,
      %scan3A_66 = arith.constant 0 : i32
      scf.yield %scan3A_66 : i32
    }
    %scan3A_32 = arith.constant 80 : i32
    %barrier3A = arith.constant 0 : index
    tpu.barrier barrier_id(%barrier3A)
    %scan3A_33 = arith.constant 0 : i32
    %scan3A_34 = arith.constant 0 : i32
    %scan3A_35 = arith.constant 125 : i32
    %scan3A_36 = arith.addi %scan3A_34, %scan3A_35 : i32
    %scan3A_37 = arith.constant 1 : i32
    %scan3A_38 = scf.for %scan3A_45 = %scan3A_34 to %scan3A_36 step %scan3A_37 iter_args(%scan3A_46 = %scan3A_33) -> (i32)  : i32 {
      %mul3A_47 = arith.constant 10000 : i32
      %mul3A_48 = arith.muli %add3A, %mul3A_47 : i32
      %mul3A_49 = arith.constant 80 : i32
      %mul3A_50 = arith.muli %scan3A_45, %mul3A_49 : i32
      %add3A_51 = arith.addi %mul3A_48, %mul3A_50 : i32
      %dma_start3A = tpu.memref_slice %arg5[%add3A_51] : memref<320000xi32, #tpu.memory_space<hbm>> -> memref<80xi32, #tpu.memory_space<hbm>>
      %dma_start3A_52 = tpu.memref_slice %arg5[%add3A_51] : memref<320000xi32, #tpu.memory_space<hbm>> -> memref<80xi32, #tpu.memory_space<hbm>>
      tpu.enqueue_dma source(%dma_start3A_52 : memref<80xi32, #tpu.memory_space<hbm>>) target(%arg9 : memref<80xi32, #tpu.memory_space<vmem>>) target_semaphore(%arg18 : memref<!tpu.dma_semaphore, #tpu.memory_space<semaphore_mem>>)
      %dma_start3A_53 = tpu.memref_slice %arg6[%add3A_51] : memref<320000xi32, #tpu.memory_space<hbm>> -> memref<80xi32, #tpu.memory_space<hbm>>
      %dma_start3A_54 = tpu.memref_slice %arg6[%add3A_51] : memref<320000xi32, #tpu.memory_space<hbm>> -> memref<80xi32, #tpu.memory_space<hbm>>
      tpu.enqueue_dma source(%dma_start3A_54 : memref<80xi32, #tpu.memory_space<hbm>>) target(%arg10 : memref<80xi32, #tpu.memory_space<vmem>>) target_semaphore(%arg19 : memref<!tpu.dma_semaphore, #tpu.memory_space<semaphore_mem>>)
      %dma_start3A_55 = arith.constant 0 : i32
      %dma_start3A_56 = tpu.memref_slice %arg4[%add3A_51, %dma_start3A_55] : memref<320000x128xf32, #tpu.memory_space<hbm>> -> memref<80x128xf32, #tpu.memory_space<hbm>>
      %dma_start3A_57 = arith.constant 0 : i32
      %dma_start3A_58 = tpu.memref_slice %arg4[%add3A_51, %dma_start3A_57] : memref<320000x128xf32, #tpu.memory_space<hbm>> -> memref<80x128xf32, #tpu.memory_space<hbm>>
      tpu.enqueue_dma source(%dma_start3A_58 : memref<80x128xf32, #tpu.memory_space<hbm>>) target(%arg11 : memref<80x128xf32, #tpu.memory_space<vmem>>) target_semaphore(%arg20 : memref<!tpu.dma_semaphore, #tpu.memory_space<semaphore_mem>>)
      %dma_wait3A = tpu.memref_slice %arg5[%add3A_51] : memref<320000xi32, #tpu.memory_space<hbm>> -> memref<80xi32, #tpu.memory_space<hbm>>
      %dma_wait3A_59 = tpu.memref_slice %arg5[%add3A_51] : memref<320000xi32, #tpu.memory_space<hbm>> -> memref<80xi32, #tpu.memory_space<hbm>>
      tpu.wait_dma2 semaphore(%arg18 : memref<!tpu.dma_semaphore, #tpu.memory_space<semaphore_mem>>) src(%dma_wait3A_59 : memref<80xi32, #tpu.memory_space<hbm>>) dst(%arg9 : memref<80xi32, #tpu.memory_space<vmem>>)
      %dma_wait3A_60 = tpu.memref_slice %arg6[%add3A_51] : memref<320000xi32, #tpu.memory_space<hbm>> -> memref<80xi32, #tpu.memory_space<hbm>>
      %dma_wait3A_61 = tpu.memref_slice %arg6[%add3A_51] : memref<320000xi32, #tpu.memory_space<hbm>> -> memref<80xi32, #tpu.memory_space<hbm>>
      tpu.wait_dma2 semaphore(%arg19 : memref<!tpu.dma_semaphore, #tpu.memory_space<semaphore_mem>>) src(%dma_wait3A_61 : memref<80xi32, #tpu.memory_space<hbm>>) dst(%arg10 : memref<80xi32, #tpu.memory_space<vmem>>)
      %dma_start3A_62 = arith.constant 0 : i32
      %dma_start3A_63 = arith.constant 0 : i32
      %dma_start3A_64 = tpu.memref_slice %arg2[%dma_start3A_62, %dma_start3A_63] : memref<10000x128xf32, #tpu.memory_space<hbm>> -> memref<10000x128xf32, #tpu.memory_space<hbm>>
      tpu.enqueue_indirect_dma source(%dma_start3A_64 : memref<10000x128xf32, #tpu.memory_space<hbm>>) target(%arg12 : memref<80x128xf32, #tpu.memory_space<vmem>>) offsets(%arg9 : memref<80xi32, #tpu.memory_space<vmem>>) semaphore(%arg16 : memref<!tpu.dma_semaphore, #tpu.memory_space<semaphore_mem>>)
      %dma_start3A_65 = arith.constant 0 : i32
      %dma_start3A_66 = arith.constant 0 : i32
      %dma_start3A_67 = tpu.memref_slice %arg3[%dma_start3A_65, %dma_start3A_66] : memref<10000x128xf32, #tpu.memory_space<hbm>> -> memref<10000x128xf32, #tpu.memory_space<hbm>>
      tpu.enqueue_indirect_dma source(%dma_start3A_67 : memref<10000x128xf32, #tpu.memory_space<hbm>>) target(%arg13 : memref<80x128xf32, #tpu.memory_space<vmem>>) offsets(%arg10 : memref<80xi32, #tpu.memory_space<vmem>>) semaphore(%arg17 : memref<!tpu.dma_semaphore, #tpu.memory_space<semaphore_mem>>)
      %dma_wait3A_68 = arith.constant 0 : i32
      %dma_wait3A_69 = tpu.memref_slice %arg4[%add3A_51, %dma_wait3A_68] : memref<320000x128xf32, #tpu.memory_space<hbm>> -> memref<80x128xf32, #tpu.memory_space<hbm>>
      %dma_wait3A_70 = arith.constant 0 : i32
      %dma_wait3A_71 = tpu.memref_slice %arg4[%add3A_51, %dma_wait3A_70] : memref<320000x128xf32, #tpu.memory_space<hbm>> -> memref<80x128xf32, #tpu.memory_space<hbm>>
      tpu.wait_dma2 semaphore(%arg20 : memref<!tpu.dma_semaphore, #tpu.memory_space<semaphore_mem>>) src(%dma_wait3A_71 : memref<80x128xf32, #tpu.memory_space<hbm>>) dst(%arg11 : memref<80x128xf32, #tpu.memory_space<vmem>>)
      %dma_wait3A_72 = arith.constant 0 : i32
      %dma_wait3A_73 = arith.constant 0 : i32
      %dma_wait3A_74 = tpu.memref_slice %arg2[%dma_wait3A_72, %dma_wait3A_73] : memref<10000x128xf32, #tpu.memory_space<hbm>> -> memref<10000x128xf32, #tpu.memory_space<hbm>>
      tpu.wait_indirect_dma semaphore(%arg16 : memref<!tpu.dma_semaphore, #tpu.memory_space<semaphore_mem>>) src(%dma_wait3A_74 : memref<10000x128xf32, #tpu.memory_space<hbm>>) dst(%arg12 : memref<80x128xf32, #tpu.memory_space<vmem>>)
      %dma_wait3A_75 = arith.constant 0 : i32
      %dma_wait3A_76 = arith.constant 0 : i32
      %dma_wait3A_77 = tpu.memref_slice %arg3[%dma_wait3A_75, %dma_wait3A_76] : memref<10000x128xf32, #tpu.memory_space<hbm>> -> memref<10000x128xf32, #tpu.memory_space<hbm>>
      tpu.wait_indirect_dma semaphore(%arg17 : memref<!tpu.dma_semaphore, #tpu.memory_space<semaphore_mem>>) src(%dma_wait3A_77 : memref<10000x128xf32, #tpu.memory_space<hbm>>) dst(%arg13 : memref<80x128xf32, #tpu.memory_space<vmem>>)
      %scan3A_78 = arith.constant 0 : i32
      %scan3A_79 = arith.constant 0 : i32
      %scan3A_80 = arith.constant 80 : i32
      %scan3A_81 = arith.addi %scan3A_79, %scan3A_80 : i32
      %scan3A_82 = arith.constant 1 : i32
      %scan3A_83 = scf.for %scan3A_86 = %scan3A_79 to %scan3A_81 step %scan3A_82 iter_args(%scan3A_87 = %scan3A_78) -> (i32)  : i32 {
        %get3A = arith.index_cast %scan3A_86 : i32 to index
        %get3A_88 = arith.constant 0 : index
        %get3A_89 = tpu.vector_load %arg11[%get3A, %get3A_88] {strides = array<i32>} : memref<80x128xf32, #tpu.memory_space<vmem>>, vector<1x16xf32>,
        %get3A_90 = vector.shape_cast %get3A_89 : vector<1x16xf32> to vector<16xf32>
        %get3A_91 = arith.index_cast %scan3A_86 : i32 to index
        %get3A_92 = arith.constant 0 : index
        %get3A_93 = tpu.vector_load %arg12[%get3A_91, %get3A_92] {strides = array<i32>} : memref<80x128xf32, #tpu.memory_space<vmem>>, vector<1x16xf32>,
        %get3A_94 = vector.shape_cast %get3A_93 : vector<1x16xf32> to vector<16xf32>
        %add3A_95 = arith.addf %get3A_90, %get3A_94 : vector<16xf32>
        %get3A_96 = arith.index_cast %scan3A_86 : i32 to index
        %get3A_97 = arith.constant 0 : index
        %get3A_98 = tpu.vector_load %arg13[%get3A_96, %get3A_97] {strides = array<i32>} : memref<80x128xf32, #tpu.memory_space<vmem>>, vector<1x16xf32>,
        %get3A_99 = vector.shape_cast %get3A_98 : vector<1x16xf32> to vector<16xf32>
        %add3A_100 = arith.addf %add3A_95, %get3A_99 : vector<16xf32>
        %get3A_101 = arith.index_cast %scan3A_86 : i32 to index
        %get3A_102 = arith.constant 64 : index
        %get3A_103 = tpu.vector_load %arg11[%get3A_101, %get3A_102] {strides = array<i32>} : memref<80x128xf32, #tpu.memory_space<vmem>>, vector<1x16xf32>,
        %get3A_104 = vector.shape_cast %get3A_103 : vector<1x16xf32> to vector<16xf32>
        %get3A_105 = arith.index_cast %scan3A_86 : i32 to index
        %get3A_106 = arith.constant 64 : index
        %get3A_107 = tpu.vector_load %arg12[%get3A_105, %get3A_106] {strides = array<i32>} : memref<80x128xf32, #tpu.memory_space<vmem>>, vector<1x16xf32>,
        %get3A_108 = vector.shape_cast %get3A_107 : vector<1x16xf32> to vector<16xf32>
        %add3A_109 = arith.addf %get3A_104, %get3A_108 : vector<16xf32>
        %get3A_110 = arith.index_cast %scan3A_86 : i32 to index
        %get3A_111 = arith.constant 64 : index
        %get3A_112 = tpu.vector_load %arg13[%get3A_110, %get3A_111] {strides = array<i32>} : memref<80x128xf32, #tpu.memory_space<vmem>>, vector<1x16xf32>,
        %get3A_113 = vector.shape_cast %get3A_112 : vector<1x16xf32> to vector<16xf32>
        %add3A_114 = arith.addf %add3A_109, %get3A_113 : vector<16xf32>
        %neg3A = arith.constant 0.000000e+00 : f32
        %neg3A_115 = vector.broadcast %neg3A : f32 to vector<16xf32>
        %neg3A_116 = arith.subf %neg3A_115, %add3A_100 : vector<16xf32>
        %exp3A = math.exp %neg3A_116 : vector<16xf32>
        %add3A_117 = arith.constant 1.000000e+00 : f32
        %add3A_118 = vector.broadcast %add3A_117 : f32 to vector<16xf32>
        %add3A_119 = arith.addf %add3A_118, %exp3A : vector<16xf32>
        %div3A = arith.constant 1.000000e+00 : f32
        %div3A_120 = vector.broadcast %div3A : f32 to vector<16xf32>
        %div3A_121 = arith.divf %div3A_120, %add3A_119 : vector<16xf32>
        %abs3A = math.absf %add3A_114 : vector<16xf32>
        %neg3A_122 = arith.constant 0.000000e+00 : f32
        %neg3A_123 = vector.broadcast %neg3A_122 : f32 to vector<16xf32>
        %neg3A_124 = arith.subf %neg3A_123, %abs3A : vector<16xf32>
        %exp3A_125 = math.exp %neg3A_124 : vector<16xf32>
        %add3A_126 = arith.constant 2.000000e+00 : f32
        %add3A_127 = vector.broadcast %add3A_126 : f32 to vector<16xf32>
        %add3A_128 = arith.addf %add3A_127, %exp3A_125 : vector<16xf32>
        %div3A_129 = arith.divf %exp3A_125, %add3A_128 : vector<16xf32>
        %mul3A_130 = arith.mulf %div3A_129, %div3A_129 : vector<16xf32>
        %mul3A_131 = arith.constant 0.111111112 : f32
        %mul3A_132 = vector.broadcast %mul3A_131 : f32 to vector<16xf32>
        %mul3A_133 = arith.mulf %mul3A_130, %mul3A_132 : vector<16xf32>
        %add3A_134 = arith.constant 0.142857149 : f32
        %add3A_135 = vector.broadcast %add3A_134 : f32 to vector<16xf32>
        %add3A_136 = arith.addf %add3A_135, %mul3A_133 : vector<16xf32>
        %mul3A_137 = arith.mulf %mul3A_130, %add3A_136 : vector<16xf32>
        %add3A_138 = arith.constant 2.000000e-01 : f32
        %add3A_139 = vector.broadcast %add3A_138 : f32 to vector<16xf32>
        %add3A_140 = arith.addf %add3A_139, %mul3A_137 : vector<16xf32>
        %mul3A_141 = arith.mulf %mul3A_130, %add3A_140 : vector<16xf32>
        %add3A_142 = arith.constant 0.333333343 : f32
        %add3A_143 = vector.broadcast %add3A_142 : f32 to vector<16xf32>
        %add3A_144 = arith.addf %add3A_143, %mul3A_141 : vector<16xf32>
        %mul3A_145 = arith.mulf %mul3A_130, %add3A_144 : vector<16xf32>
        %add3A_146 = arith.constant 1.000000e+00 : f32
        %add3A_147 = vector.broadcast %add3A_146 : f32 to vector<16xf32>
        %add3A_148 = arith.addf %add3A_147, %mul3A_145 : vector<16xf32>
        %mul3A_149 = arith.mulf %div3A_129, %add3A_148 : vector<16xf32>
        %max3A = arith.constant 0.000000e+00 : f32
        %max3A_150 = vector.broadcast %max3A : f32 to vector<16xf32>
        %max3A_151 = arith.maximumf %add3A_114, %max3A_150 : vector<16xf32>
        %mul3A_152 = arith.constant 2.000000e+00 : f32
        %mul3A_153 = vector.broadcast %mul3A_152 : f32 to vector<16xf32>
        %mul3A_154 = arith.mulf %mul3A_153, %mul3A_149 : vector<16xf32>
        %add3A_155 = arith.addf %max3A_151, %mul3A_154 : vector<16xf32>
        %mul3A_156 = arith.mulf %div3A_121, %add3A_155 : vector<16xf32>
        %swap3A = arith.index_cast %scan3A_86 : i32 to index
        %swap3A_157 = arith.constant 0 : index
        %swap3A_158 = tpu.vector_load %arg14[%swap3A, %swap3A_157] {strides = array<i32>} : memref<80x128xf32, #tpu.memory_space<vmem>>, vector<1x16xf32>,
        %swap3A_159 = vector.shape_cast %swap3A_158 : vector<1x16xf32> to vector<16xf32>
        %swap3A_160 = vector.shape_cast %mul3A_156 : vector<16xf32> to vector<1x16xf32>
        tpu.vector_store %arg14[%swap3A, %swap3A_157], %swap3A_160 {strides = array<i32>} : memref<80x128xf32, #tpu.memory_space<vmem>>, vector<1x16xf32>,
        %get3A_161 = arith.index_cast %scan3A_86 : i32 to index
        %get3A_162 = arith.constant 16 : index
        %get3A_163 = tpu.vector_load %arg11[%get3A_161, %get3A_162] {strides = array<i32>} : memref<80x128xf32, #tpu.memory_space<vmem>>, vector<1x16xf32>,
        %get3A_164 = vector.shape_cast %get3A_163 : vector<1x16xf32> to vector<16xf32>
        %get3A_165 = arith.index_cast %scan3A_86 : i32 to index
        %get3A_166 = arith.constant 16 : index
        %get3A_167 = tpu.vector_load %arg12[%get3A_165, %get3A_166] {strides = array<i32>} : memref<80x128xf32, #tpu.memory_space<vmem>>, vector<1x16xf32>,
        %get3A_168 = vector.shape_cast %get3A_167 : vector<1x16xf32> to vector<16xf32>
        %add3A_169 = arith.addf %get3A_164, %get3A_168 : vector<16xf32>
        %get3A_170 = arith.index_cast %scan3A_86 : i32 to index
        %get3A_171 = arith.constant 16 : index
        %get3A_172 = tpu.vector_load %arg13[%get3A_170, %get3A_171] {strides = array<i32>} : memref<80x128xf32, #tpu.memory_space<vmem>>, vector<1x16xf32>,
        %get3A_173 = vector.shape_cast %get3A_172 : vector<1x16xf32> to vector<16xf32>
        %add3A_174 = arith.addf %add3A_169, %get3A_173 : vector<16xf32>
        %get3A_175 = arith.index_cast %scan3A_86 : i32 to index
        %get3A_176 = arith.constant 80 : index
        %get3A_177 = tpu.vector_load %arg11[%get3A_175, %get3A_176] {strides = array<i32>} : memref<80x128xf32, #tpu.memory_space<vmem>>, vector<1x16xf32>,
        %get3A_178 = vector.shape_cast %get3A_177 : vector<1x16xf32> to vector<16xf32>
        %get3A_179 = arith.index_cast %scan3A_86 : i32 to index
        %get3A_180 = arith.constant 80 : index
        %get3A_181 = tpu.vector_load %arg12[%get3A_179, %get3A_180] {strides = array<i32>} : memref<80x128xf32, #tpu.memory_space<vmem>>, vector<1x16xf32>,
        %get3A_182 = vector.shape_cast %get3A_181 : vector<1x16xf32> to vector<16xf32>
        %add3A_183 = arith.addf %get3A_178, %get3A_182 : vector<16xf32>
        %get3A_184 = arith.index_cast %scan3A_86 : i32 to index
        %get3A_185 = arith.constant 80 : index
        %get3A_186 = tpu.vector_load %arg13[%get3A_184, %get3A_185] {strides = array<i32>} : memref<80x128xf32, #tpu.memory_space<vmem>>, vector<1x16xf32>,
        %get3A_187 = vector.shape_cast %get3A_186 : vector<1x16xf32> to vector<16xf32>
        %add3A_188 = arith.addf %add3A_183, %get3A_187 : vector<16xf32>
        %neg3A_189 = arith.constant 0.000000e+00 : f32
        %neg3A_190 = vector.broadcast %neg3A_189 : f32 to vector<16xf32>
        %neg3A_191 = arith.subf %neg3A_190, %add3A_174 : vector<16xf32>
        %exp3A_192 = math.exp %neg3A_191 : vector<16xf32>
        %add3A_193 = arith.constant 1.000000e+00 : f32
        %add3A_194 = vector.broadcast %add3A_193 : f32 to vector<16xf32>
        %add3A_195 = arith.addf %add3A_194, %exp3A_192 : vector<16xf32>
        %div3A_196 = arith.constant 1.000000e+00 : f32
        %div3A_197 = vector.broadcast %div3A_196 : f32 to vector<16xf32>
        %div3A_198 = arith.divf %div3A_197, %add3A_195 : vector<16xf32>
        %abs3A_199 = math.absf %add3A_188 : vector<16xf32>
        %neg3A_200 = arith.constant 0.000000e+00 : f32
        %neg3A_201 = vector.broadcast %neg3A_200 : f32 to vector<16xf32>
        %neg3A_202 = arith.subf %neg3A_201, %abs3A_199 : vector<16xf32>
        %exp3A_203 = math.exp %neg3A_202 : vector<16xf32>
        %add3A_204 = arith.constant 2.000000e+00 : f32
        %add3A_205 = vector.broadcast %add3A_204 : f32 to vector<16xf32>
        %add3A_206 = arith.addf %add3A_205, %exp3A_203 : vector<16xf32>
        %div3A_207 = arith.divf %exp3A_203, %add3A_206 : vector<16xf32>
        %mul3A_208 = arith.mulf %div3A_207, %div3A_207 : vector<16xf32>
        %mul3A_209 = arith.constant 0.111111112 : f32
        %mul3A_210 = vector.broadcast %mul3A_209 : f32 to vector<16xf32>
        %mul3A_211 = arith.mulf %mul3A_208, %mul3A_210 : vector<16xf32>
        %add3A_212 = arith.constant 0.142857149 : f32
        %add3A_213 = vector.broadcast %add3A_212 : f32 to vector<16xf32>
        %add3A_214 = arith.addf %add3A_213, %mul3A_211 : vector<16xf32>
        %mul3A_215 = arith.mulf %mul3A_208, %add3A_214 : vector<16xf32>
        %add3A_216 = arith.constant 2.000000e-01 : f32
        %add3A_217 = vector.broadcast %add3A_216 : f32 to vector<16xf32>
        %add3A_218 = arith.addf %add3A_217, %mul3A_215 : vector<16xf32>
        %mul3A_219 = arith.mulf %mul3A_208, %add3A_218 : vector<16xf32>
        %add3A_220 = arith.constant 0.333333343 : f32
        %add3A_221 = vector.broadcast %add3A_220 : f32 to vector<16xf32>
        %add3A_222 = arith.addf %add3A_221, %mul3A_219 : vector<16xf32>
        %mul3A_223 = arith.mulf %mul3A_208, %add3A_222 : vector<16xf32>
        %add3A_224 = arith.constant 1.000000e+00 : f32
        %add3A_225 = vector.broadcast %add3A_224 : f32 to vector<16xf32>
        %add3A_226 = arith.addf %add3A_225, %mul3A_223 : vector<16xf32>
        %mul3A_227 = arith.mulf %div3A_207, %add3A_226 : vector<16xf32>
        %max3A_228 = arith.constant 0.000000e+00 : f32
        %max3A_229 = vector.broadcast %max3A_228 : f32 to vector<16xf32>
        %max3A_230 = arith.maximumf %add3A_188, %max3A_229 : vector<16xf32>
        %mul3A_231 = arith.constant 2.000000e+00 : f32
        %mul3A_232 = vector.broadcast %mul3A_231 : f32 to vector<16xf32>
        %mul3A_233 = arith.mulf %mul3A_232, %mul3A_227 : vector<16xf32>
        %add3A_234 = arith.addf %max3A_230, %mul3A_233 : vector<16xf32>
        %mul3A_235 = arith.mulf %div3A_198, %add3A_234 : vector<16xf32>
        %swap3A_236 = arith.index_cast %scan3A_86 : i32 to index
        %swap3A_237 = arith.constant 16 : index
        %swap3A_238 = tpu.vector_load %arg14[%swap3A_236, %swap3A_237] {strides = array<i32>} : memref<80x128xf32, #tpu.memory_space<vmem>>, vector<1x16xf32>,
        %swap3A_239 = vector.shape_cast %swap3A_238 : vector<1x16xf32> to vector<16xf32>
        %swap3A_240 = vector.shape_cast %mul3A_235 : vector<16xf32> to vector<1x16xf32>
        tpu.vector_store %arg14[%swap3A_236, %swap3A_237], %swap3A_240 {strides = array<i32>} : memref<80x128xf32, #tpu.memory_space<vmem>>, vector<1x16xf32>,
        %get3A_241 = arith.index_cast %scan3A_86 : i32 to index
        %get3A_242 = arith.constant 32 : index
        %get3A_243 = tpu.vector_load %arg11[%get3A_241, %get3A_242] {strides = array<i32>} : memref<80x128xf32, #tpu.memory_space<vmem>>, vector<1x16xf32>,
        %get3A_244 = vector.shape_cast %get3A_243 : vector<1x16xf32> to vector<16xf32>
        %get3A_245 = arith.index_cast %scan3A_86 : i32 to index
        %get3A_246 = arith.constant 32 : index
        %get3A_247 = tpu.vector_load %arg12[%get3A_245, %get3A_246] {strides = array<i32>} : memref<80x128xf32, #tpu.memory_space<vmem>>, vector<1x16xf32>,
        %get3A_248 = vector.shape_cast %get3A_247 : vector<1x16xf32> to vector<16xf32>
        %add3A_249 = arith.addf %get3A_244, %get3A_248 : vector<16xf32>
        %get3A_250 = arith.index_cast %scan3A_86 : i32 to index
        %get3A_251 = arith.constant 32 : index
        %get3A_252 = tpu.vector_load %arg13[%get3A_250, %get3A_251] {strides = array<i32>} : memref<80x128xf32, #tpu.memory_space<vmem>>, vector<1x16xf32>,
        %get3A_253 = vector.shape_cast %get3A_252 : vector<1x16xf32> to vector<16xf32>
        %add3A_254 = arith.addf %add3A_249, %get3A_253 : vector<16xf32>
        %get3A_255 = arith.index_cast %scan3A_86 : i32 to index
        %get3A_256 = arith.constant 96 : index
        %get3A_257 = tpu.vector_load %arg11[%get3A_255, %get3A_256] {strides = array<i32>} : memref<80x128xf32, #tpu.memory_space<vmem>>, vector<1x16xf32>,
        %get3A_258 = vector.shape_cast %get3A_257 : vector<1x16xf32> to vector<16xf32>
        %get3A_259 = arith.index_cast %scan3A_86 : i32 to index
        %get3A_260 = arith.constant 96 : index
        %get3A_261 = tpu.vector_load %arg12[%get3A_259, %get3A_260] {strides = array<i32>} : memref<80x128xf32, #tpu.memory_space<vmem>>, vector<1x16xf32>,
        %get3A_262 = vector.shape_cast %get3A_261 : vector<1x16xf32> to vector<16xf32>
        %add3A_263 = arith.addf %get3A_258, %get3A_262 : vector<16xf32>
        %get3A_264 = arith.index_cast %scan3A_86 : i32 to index
        %get3A_265 = arith.constant 96 : index
        %get3A_266 = tpu.vector_load %arg13[%get3A_264, %get3A_265] {strides = array<i32>} : memref<80x128xf32, #tpu.memory_space<vmem>>, vector<1x16xf32>,
        %get3A_267 = vector.shape_cast %get3A_266 : vector<1x16xf32> to vector<16xf32>
        %add3A_268 = arith.addf %add3A_263, %get3A_267 : vector<16xf32>
        %neg3A_269 = arith.constant 0.000000e+00 : f32
        %neg3A_270 = vector.broadcast %neg3A_269 : f32 to vector<16xf32>
        %neg3A_271 = arith.subf %neg3A_270, %add3A_254 : vector<16xf32>
        %exp3A_272 = math.exp %neg3A_271 : vector<16xf32>
        %add3A_273 = arith.constant 1.000000e+00 : f32
        %add3A_274 = vector.broadcast %add3A_273 : f32 to vector<16xf32>
        %add3A_275 = arith.addf %add3A_274, %exp3A_272 : vector<16xf32>
        %div3A_276 = arith.constant 1.000000e+00 : f32
        %div3A_277 = vector.broadcast %div3A_276 : f32 to vector<16xf32>
        %div3A_278 = arith.divf %div3A_277, %add3A_275 : vector<16xf32>
        %abs3A_279 = math.absf %add3A_268 : vector<16xf32>
        %neg3A_280 = arith.constant 0.000000e+00 : f32
        %neg3A_281 = vector.broadcast %neg3A_280 : f32 to vector<16xf32>
        %neg3A_282 = arith.subf %neg3A_281, %abs3A_279 : vector<16xf32>
        %exp3A_283 = math.exp %neg3A_282 : vector<16xf32>
        %add3A_284 = arith.constant 2.000000e+00 : f32
        %add3A_285 = vector.broadcast %add3A_284 : f32 to vector<16xf32>
        %add3A_286 = arith.addf %add3A_285, %exp3A_283 : vector<16xf32>
        %div3A_287 = arith.divf %exp3A_283, %add3A_286 : vector<16xf32>
        %mul3A_288 = arith.mulf %div3A_287, %div3A_287 : vector<16xf32>
        %mul3A_289 = arith.constant 0.111111112 : f32
        %mul3A_290 = vector.broadcast %mul3A_289 : f32 to vector<16xf32>
        %mul3A_291 = arith.mulf %mul3A_288, %mul3A_290 : vector<16xf32>
        %add3A_292 = arith.constant 0.142857149 : f32
        %add3A_293 = vector.broadcast %add3A_292 : f32 to vector<16xf32>
        %add3A_294 = arith.addf %add3A_293, %mul3A_291 : vector<16xf32>
        %mul3A_295 = arith.mulf %mul3A_288, %add3A_294 : vector<16xf32>
        %add3A_296 = arith.constant 2.000000e-01 : f32
        %add3A_297 = vector.broadcast %add3A_296 : f32 to vector<16xf32>
        %add3A_298 = arith.addf %add3A_297, %mul3A_295 : vector<16xf32>
        %mul3A_299 = arith.mulf %mul3A_288, %add3A_298 : vector<16xf32>
        %add3A_300 = arith.constant 0.333333343 : f32
        %add3A_301 = vector.broadcast %add3A_300 : f32 to vector<16xf32>
        %add3A_302 = arith.addf %add3A_301, %mul3A_299 : vector<16xf32>
        %mul3A_303 = arith.mulf %mul3A_288, %add3A_302 : vector<16xf32>
        %add3A_304 = arith.constant 1.000000e+00 : f32
        %add3A_305 = vector.broadcast %add3A_304 : f32 to vector<16xf32>
        %add3A_306 = arith.addf %add3A_305, %mul3A_303 : vector<16xf32>
        %mul3A_307 = arith.mulf %div3A_287, %add3A_306 : vector<16xf32>
        %max3A_308 = arith.constant 0.000000e+00 : f32
        %max3A_309 = vector.broadcast %max3A_308 : f32 to vector<16xf32>
        %max3A_310 = arith.maximumf %add3A_268, %max3A_309 : vector<16xf32>
        %mul3A_311 = arith.constant 2.000000e+00 : f32
        %mul3A_312 = vector.broadcast %mul3A_311 : f32 to vector<16xf32>
        %mul3A_313 = arith.mulf %mul3A_312, %mul3A_307 : vector<16xf32>
        %add3A_314 = arith.addf %max3A_310, %mul3A_313 : vector<16xf32>
        %mul3A_315 = arith.mulf %div3A_278, %add3A_314 : vector<16xf32>
        %swap3A_316 = arith.index_cast %scan3A_86 : i32 to index
        %swap3A_317 = arith.constant 32 : index
        %swap3A_318 = tpu.vector_load %arg14[%swap3A_316, %swap3A_317] {strides = array<i32>} : memref<80x128xf32, #tpu.memory_space<vmem>>, vector<1x16xf32>,
        %swap3A_319 = vector.shape_cast %swap3A_318 : vector<1x16xf32> to vector<16xf32>
        %swap3A_320 = vector.shape_cast %mul3A_315 : vector<16xf32> to vector<1x16xf32>
        tpu.vector_store %arg14[%swap3A_316, %swap3A_317], %swap3A_320 {strides = array<i32>} : memref<80x128xf32, #tpu.memory_space<vmem>>, vector<1x16xf32>,
        %get3A_321 = arith.index_cast %scan3A_86 : i32 to index
        %get3A_322 = arith.constant 48 : index
        %get3A_323 = tpu.vector_load %arg11[%get3A_321, %get3A_322] {strides = array<i32>} : memref<80x128xf32, #tpu.memory_space<vmem>>, vector<1x16xf32>,
        %get3A_324 = vector.shape_cast %get3A_323 : vector<1x16xf32> to vector<16xf32>
        %get3A_325 = arith.index_cast %scan3A_86 : i32 to index
        %get3A_326 = arith.constant 48 : index
        %get3A_327 = tpu.vector_load %arg12[%get3A_325, %get3A_326] {strides = array<i32>} : memref<80x128xf32, #tpu.memory_space<vmem>>, vector<1x16xf32>,
        %get3A_328 = vector.shape_cast %get3A_327 : vector<1x16xf32> to vector<16xf32>
        %add3A_329 = arith.addf %get3A_324, %get3A_328 : vector<16xf32>
        %get3A_330 = arith.index_cast %scan3A_86 : i32 to index
        %get3A_331 = arith.constant 48 : index
        %get3A_332 = tpu.vector_load %arg13[%get3A_330, %get3A_331] {strides = array<i32>} : memref<80x128xf32, #tpu.memory_space<vmem>>, vector<1x16xf32>,
        %get3A_333 = vector.shape_cast %get3A_332 : vector<1x16xf32> to vector<16xf32>
        %add3A_334 = arith.addf %add3A_329, %get3A_333 : vector<16xf32>
        %get3A_335 = arith.index_cast %scan3A_86 : i32 to index
        %get3A_336 = arith.constant 112 : index
        %get3A_337 = tpu.vector_load %arg11[%get3A_335, %get3A_336] {strides = array<i32>} : memref<80x128xf32, #tpu.memory_space<vmem>>, vector<1x16xf32>,
        %get3A_338 = vector.shape_cast %get3A_337 : vector<1x16xf32> to vector<16xf32>
        %get3A_339 = arith.index_cast %scan3A_86 : i32 to index
        %get3A_340 = arith.constant 112 : index
        %get3A_341 = tpu.vector_load %arg12[%get3A_339, %get3A_340] {strides = array<i32>} : memref<80x128xf32, #tpu.memory_space<vmem>>, vector<1x16xf32>,
        %get3A_342 = vector.shape_cast %get3A_341 : vector<1x16xf32> to vector<16xf32>
        %add3A_343 = arith.addf %get3A_338, %get3A_342 : vector<16xf32>
        %get3A_344 = arith.index_cast %scan3A_86 : i32 to index
        %get3A_345 = arith.constant 112 : index
        %get3A_346 = tpu.vector_load %arg13[%get3A_344, %get3A_345] {strides = array<i32>} : memref<80x128xf32, #tpu.memory_space<vmem>>, vector<1x16xf32>,
        %get3A_347 = vector.shape_cast %get3A_346 : vector<1x16xf32> to vector<16xf32>
        %add3A_348 = arith.addf %add3A_343, %get3A_347 : vector<16xf32>
        %neg3A_349 = arith.constant 0.000000e+00 : f32
        %neg3A_350 = vector.broadcast %neg3A_349 : f32 to vector<16xf32>
        %neg3A_351 = arith.subf %neg3A_350, %add3A_334 : vector<16xf32>
        %exp3A_352 = math.exp %neg3A_351 : vector<16xf32>
        %add3A_353 = arith.constant 1.000000e+00 : f32
        %add3A_354 = vector.broadcast %add3A_353 : f32 to vector<16xf32>
        %add3A_355 = arith.addf %add3A_354, %exp3A_352 : vector<16xf32>
        %div3A_356 = arith.constant 1.000000e+00 : f32
        %div3A_357 = vector.broadcast %div3A_356 : f32 to vector<16xf32>
        %div3A_358 = arith.divf %div3A_357, %add3A_355 : vector<16xf32>
        %abs3A_359 = math.absf %add3A_348 : vector<16xf32>
        %neg3A_360 = arith.constant 0.000000e+00 : f32
        %neg3A_361 = vector.broadcast %neg3A_360 : f32 to vector<16xf32>
        %neg3A_362 = arith.subf %neg3A_361, %abs3A_359 : vector<16xf32>
        %exp3A_363 = math.exp %neg3A_362 : vector<16xf32>
        %add3A_364 = arith.constant 2.000000e+00 : f32
        %add3A_365 = vector.broadcast %add3A_364 : f32 to vector<16xf32>
        %add3A_366 = arith.addf %add3A_365, %exp3A_363 : vector<16xf32>
        %div3A_367 = arith.divf %exp3A_363, %add3A_366 : vector<16xf32>
        %mul3A_368 = arith.mulf %div3A_367, %div3A_367 : vector<16xf32>
        %mul3A_369 = arith.constant 0.111111112 : f32
        %mul3A_370 = vector.broadcast %mul3A_369 : f32 to vector<16xf32>
        %mul3A_371 = arith.mulf %mul3A_368, %mul3A_370 : vector<16xf32>
        %add3A_372 = arith.constant 0.142857149 : f32
        %add3A_373 = vector.broadcast %add3A_372 : f32 to vector<16xf32>
        %add3A_374 = arith.addf %add3A_373, %mul3A_371 : vector<16xf32>
        %mul3A_375 = arith.mulf %mul3A_368, %add3A_374 : vector<16xf32>
        %add3A_376 = arith.constant 2.000000e-01 : f32
        %add3A_377 = vector.broadcast %add3A_376 : f32 to vector<16xf32>
        %add3A_378 = arith.addf %add3A_377, %mul3A_375 : vector<16xf32>
        %mul3A_379 = arith.mulf %mul3A_368, %add3A_378 : vector<16xf32>
        %add3A_380 = arith.constant 0.333333343 : f32
        %add3A_381 = vector.broadcast %add3A_380 : f32 to vector<16xf32>
        %add3A_382 = arith.addf %add3A_381, %mul3A_379 : vector<16xf32>
        %mul3A_383 = arith.mulf %mul3A_368, %add3A_382 : vector<16xf32>
        %add3A_384 = arith.constant 1.000000e+00 : f32
        %add3A_385 = vector.broadcast %add3A_384 : f32 to vector<16xf32>
        %add3A_386 = arith.addf %add3A_385, %mul3A_383 : vector<16xf32>
        %mul3A_387 = arith.mulf %div3A_367, %add3A_386 : vector<16xf32>
        %max3A_388 = arith.constant 0.000000e+00 : f32
        %max3A_389 = vector.broadcast %max3A_388 : f32 to vector<16xf32>
        %max3A_390 = arith.maximumf %add3A_348, %max3A_389 : vector<16xf32>
        %mul3A_391 = arith.constant 2.000000e+00 : f32
        %mul3A_392 = vector.broadcast %mul3A_391 : f32 to vector<16xf32>
        %mul3A_393 = arith.mulf %mul3A_392, %mul3A_387 : vector<16xf32>
        %add3A_394 = arith.addf %max3A_390, %mul3A_393 : vector<16xf32>
        %mul3A_395 = arith.mulf %div3A_358, %add3A_394 : vector<16xf32>
        %swap3A_396 = arith.index_cast %scan3A_86 : i32 to index
        %swap3A_397 = arith.constant 48 : index
        %swap3A_398 = tpu.vector_load %arg14[%swap3A_396, %swap3A_397] {strides = array<i32>} : memref<80x128xf32, #tpu.memory_space<vmem>>, vector<1x16xf32>,
        %swap3A_399 = vector.shape_cast %swap3A_398 : vector<1x16xf32> to vector<16xf32>
        %swap3A_400 = vector.shape_cast %mul3A_395 : vector<16xf32> to vector<1x16xf32>
        tpu.vector_store %arg14[%swap3A_396, %swap3A_397], %swap3A_400 {strides = array<i32>} : memref<80x128xf32, #tpu.memory_space<vmem>>, vector<1x16xf32>,
        %scan3A_401 = arith.constant 0 : i32
        scf.yield %scan3A_401 : i32
      }
      %scan3A_84 = arith.constant 80 : i32
      "tpu.region"() ({
        %run_scoped3A = tpu.sem_alloc : memref<!tpu.dma_semaphore, #tpu.memory_space<semaphore_mem>>
        %dma_start3A_86 = arith.constant 0 : i32
        %dma_start3A_87 = arith.constant 0 : i32
        %dma_start3A_88 = tpu.memref_slice %arg15[%dma_start3A_86, %dma_start3A_87] : memref<10240x128xf32, #tpu.memory_space<vmem_shared>> -> memref<10240x128xf32, #tpu.memory_space<vmem_shared>>
        tpu.enqueue_indirect_dma source(%arg14 : memref<80x128xf32, #tpu.memory_space<vmem>>) target(%dma_start3A_88 : memref<10240x128xf32, #tpu.memory_space<vmem_shared>>) offsets(%arg9 : memref<80xi32, #tpu.memory_space<vmem>>) semaphore(%run_scoped3A : memref<!tpu.dma_semaphore, #tpu.memory_space<semaphore_mem>>) {add = true}
        %dma_wait3A_89 = arith.constant 0 : i32
        %dma_wait3A_90 = arith.constant 0 : i32
        %dma_wait3A_91 = tpu.memref_slice %arg15[%dma_wait3A_89, %dma_wait3A_90] : memref<10240x128xf32, #tpu.memory_space<vmem_shared>> -> memref<10240x128xf32, #tpu.memory_space<vmem_shared>>
        tpu.wait_indirect_dma semaphore(%run_scoped3A : memref<!tpu.dma_semaphore, #tpu.memory_space<semaphore_mem>>) src(%arg14 : memref<80x128xf32, #tpu.memory_space<vmem>>) dst(%dma_wait3A_91 : memref<10240x128xf32, #tpu.memory_space<vmem_shared>>)
        tpu.yield
      }) : () -> ()
      %scan3A_85 = arith.constant 0 : i32
      scf.yield %scan3A_85 : i32
    }
    %scan3A_39 = arith.constant 125 : i32
    %barrier3A_40 = arith.constant 0 : index
    tpu.barrier barrier_id(%barrier3A_40)
    %mul3A_41 = arith.constant 640 : i32
    %mul3A_42 = arith.muli %arg1, %mul3A_41 : i32
    %mul3A_43 = arith.constant 640 : i32
    %mul3A_44 = arith.muli %arg1, %mul3A_43 : i32
    "tpu.region"() ({
      %run_scoped3A = tpu.sem_alloc : memref<!tpu.dma_semaphore, #tpu.memory_space<semaphore_mem>>
      %dma_start3A = arith.constant 0 : i32
      %dma_start3A_45 = tpu.memref_slice %arg8[%arg0, %mul3A_44, %dma_start3A] : memref<2x10240x128xf32, #tpu.memory_space<hbm>> -> memref<1x640x128xf32, #tpu.memory_space<hbm>>
      %dma_start3A_46 = tpu.memref_squeeze %dma_start3A_45 : memref<1x640x128xf32, #tpu.memory_space<hbm>> -> memref<640x128xf32, #tpu.memory_space<hbm>>
      %dma_start3A_47 = arith.constant 0 : i32
      %dma_start3A_48 = tpu.memref_slice %arg15[%mul3A_42, %dma_start3A_47] : memref<10240x128xf32, #tpu.memory_space<vmem_shared>> -> memref<640x128xf32, #tpu.memory_space<vmem_shared>>
      tpu.enqueue_dma source(%dma_start3A_48 : memref<640x128xf32, #tpu.memory_space<vmem_shared>>) target(%dma_start3A_46 : memref<640x128xf32, #tpu.memory_space<hbm>>) target_semaphore(%run_scoped3A : memref<!tpu.dma_semaphore, #tpu.memory_space<semaphore_mem>>)
      %dma_wait3A = arith.constant 0 : i32
      %dma_wait3A_49 = tpu.memref_slice %arg8[%arg0, %mul3A_44, %dma_wait3A] : memref<2x10240x128xf32, #tpu.memory_space<hbm>> -> memref<1x640x128xf32, #tpu.memory_space<hbm>>
      %dma_wait3A_50 = tpu.memref_squeeze %dma_wait3A_49 : memref<1x640x128xf32, #tpu.memory_space<hbm>> -> memref<640x128xf32, #tpu.memory_space<hbm>>
      %dma_wait3A_51 = arith.constant 0 : i32
      %dma_wait3A_52 = tpu.memref_slice %arg15[%mul3A_42, %dma_wait3A_51] : memref<10240x128xf32, #tpu.memory_space<vmem_shared>> -> memref<640x128xf32, #tpu.memory_space<vmem_shared>>
      tpu.wait_dma2 semaphore(%run_scoped3A : memref<!tpu.dma_semaphore, #tpu.memory_space<semaphore_mem>>) src(%dma_wait3A_52 : memref<640x128xf32, #tpu.memory_space<vmem_shared>>) dst(%dma_wait3A_50 : memref<640x128xf32, #tpu.memory_space<hbm>>)
      tpu.yield
    }) : () -> ()
    return
  }
}

#map = affine_map<(d0, d1) -> (0, 0)>
#map1 = affine_map<(d0, d1) -> (0)>
#map2 = affine_map<(d0, d1) -> (0, 0, 0)>
module attributes {stable_mosaic.version = 14 : i64} {
  func.func @_sc_layer_body(%arg0: i32, %arg1: i32, %arg2: memref<10000x128xf32, #tpu.memory_space<hbm>>, %arg3: memref<10000x128xf32, #tpu.memory_space<hbm>>, %arg4: memref<320000x128xf32, #tpu.memory_space<hbm>>, %arg5: memref<320000xi32, #tpu.memory_space<hbm>>, %arg6: memref<320000xi32, #tpu.memory_space<hbm>>, %arg7: memref<128x128xf32, #tpu.memory_space<hbm>>, %arg8: memref<2x10240x128xf32, #tpu.memory_space<hbm>>, %arg9: memref<80xi32, #tpu.memory_space<vmem>>, %arg10: memref<80xi32, #tpu.memory_space<vmem>>, %arg11: memref<80x128xf32, #tpu.memory_space<vmem>>, %arg12: memref<80x128xf32, #tpu.memory_space<vmem>>, %arg13: memref<80x128xf32, #tpu.memory_space<vmem>>, %arg14: memref<80x128xf32, #tpu.memory_space<vmem>>, %arg15: memref<10240x128xf32, #tpu.memory_space<vmem_shared>>, %arg16: memref<!tpu.dma_semaphore, #tpu.memory_space<semaphore_mem>>, %arg17: memref<!tpu.dma_semaphore, #tpu.memory_space<semaphore_mem>>, %arg18: memref<!tpu.dma_semaphore, #tpu.memory_space<semaphore_mem>>, %arg19: memref<!tpu.dma_semaphore, #tpu.memory_space<semaphore_mem>>, %arg20: memref<!tpu.dma_semaphore, #tpu.memory_space<semaphore_mem>>) attributes {dimension_semantics = [#tpu.dimension_semantics<core_parallel>, #tpu.dimension_semantics<subcore_parallel>], iteration_bounds = array<i64: 2, 16>, scalar_prefetch = 0 : i64, scratch_operands = 12 : i64, tpu.core_type = #tpu.core_type<sc_vector_subcore>, window_params = [{transform_indices = #map}, {transform_indices = #map}, {transform_indices = #map}, {transform_indices = #map1}, {transform_indices = #map1}, {transform_indices = #map}, {transform_indices = #map2}]} {
    %mul3A = arith.constant 2 : i32
    %mul3A_0 = arith.muli %arg1, %mul3A : i32
    %add3A = arith.addi %mul3A_0, %arg0 : i32
    %broadcast_in_dim3A = arith.constant 0.000000e+00 : f32
    %broadcast_in_dim3A_1 = vector.broadcast %broadcast_in_dim3A : f32 to vector<16xf32>
    %mul3A_2 = arith.constant 640 : i32
    %mul3A_3 = arith.muli %arg1, %mul3A_2 : i32
    %add3A_4 = arith.constant 0 : i32
    %add3A_5 = arith.addi %mul3A_3, %add3A_4 : i32
    "tpu.region"() ({
      %run_scoped3A = tpu.sem_alloc : memref<!tpu.dma_semaphore, #tpu.memory_space<semaphore_mem>>
      %dma_start3A = arith.constant 0 : i32
      %dma_start3A_45 = tpu.memref_slice %arg15[%add3A_5, %dma_start3A] : memref<10240x128xf32, #tpu.memory_space<vmem_shared>> -> memref<128x128xf32, #tpu.memory_space<vmem_shared>>
      tpu.enqueue_dma source(%arg7 : memref<128x128xf32, #tpu.memory_space<hbm>>) target(%dma_start3A_45 : memref<128x128xf32, #tpu.memory_space<vmem_shared>>) target_semaphore(%run_scoped3A : memref<!tpu.dma_semaphore, #tpu.memory_space<semaphore_mem>>)
      %dma_wait3A = arith.constant 0 : i32
      %dma_wait3A_46 = tpu.memref_slice %arg15[%add3A_5, %dma_wait3A] : memref<10240x128xf32, #tpu.memory_space<vmem_shared>> -> memref<128x128xf32, #tpu.memory_space<vmem_shared>>
      tpu.wait_dma2 semaphore(%run_scoped3A : memref<!tpu.dma_semaphore, #tpu.memory_space<semaphore_mem>>) src(%arg7 : memref<128x128xf32, #tpu.memory_space<hbm>>) dst(%dma_wait3A_46 : memref<128x128xf32, #tpu.memory_space<vmem_shared>>)
      tpu.yield
    }) : () -> ()
    %mul3A_6 = arith.constant 640 : i32
    %mul3A_7 = arith.muli %arg1, %mul3A_6 : i32
    %add3A_8 = arith.constant 128 : i32
    %add3A_9 = arith.addi %mul3A_7, %add3A_8 : i32
    "tpu.region"() ({
      %run_scoped3A = tpu.sem_alloc : memref<!tpu.dma_semaphore, #tpu.memory_space<semaphore_mem>>
      %dma_start3A = arith.constant 0 : i32
      %dma_start3A_45 = tpu.memref_slice %arg15[%add3A_9, %dma_start3A] : memref<10240x128xf32, #tpu.memory_space<vmem_shared>> -> memref<128x128xf32, #tpu.memory_space<vmem_shared>>
      tpu.enqueue_dma source(%arg7 : memref<128x128xf32, #tpu.memory_space<hbm>>) target(%dma_start3A_45 : memref<128x128xf32, #tpu.memory_space<vmem_shared>>) target_semaphore(%run_scoped3A : memref<!tpu.dma_semaphore, #tpu.memory_space<semaphore_mem>>)
      %dma_wait3A = arith.constant 0 : i32
      %dma_wait3A_46 = tpu.memref_slice %arg15[%add3A_9, %dma_wait3A] : memref<10240x128xf32, #tpu.memory_space<vmem_shared>> -> memref<128x128xf32, #tpu.memory_space<vmem_shared>>
      tpu.wait_dma2 semaphore(%run_scoped3A : memref<!tpu.dma_semaphore, #tpu.memory_space<semaphore_mem>>) src(%arg7 : memref<128x128xf32, #tpu.memory_space<hbm>>) dst(%dma_wait3A_46 : memref<128x128xf32, #tpu.memory_space<vmem_shared>>)
      tpu.yield
    }) : () -> ()
    %mul3A_10 = arith.constant 640 : i32
    %mul3A_11 = arith.muli %arg1, %mul3A_10 : i32
    %add3A_12 = arith.constant 256 : i32
    %add3A_13 = arith.addi %mul3A_11, %add3A_12 : i32
    "tpu.region"() ({
      %run_scoped3A = tpu.sem_alloc : memref<!tpu.dma_semaphore, #tpu.memory_space<semaphore_mem>>
      %dma_start3A = arith.constant 0 : i32
      %dma_start3A_45 = tpu.memref_slice %arg15[%add3A_13, %dma_start3A] : memref<10240x128xf32, #tpu.memory_space<vmem_shared>> -> memref<128x128xf32, #tpu.memory_space<vmem_shared>>
      tpu.enqueue_dma source(%arg7 : memref<128x128xf32, #tpu.memory_space<hbm>>) target(%dma_start3A_45 : memref<128x128xf32, #tpu.memory_space<vmem_shared>>) target_semaphore(%run_scoped3A : memref<!tpu.dma_semaphore, #tpu.memory_space<semaphore_mem>>)
      %dma_wait3A = arith.constant 0 : i32
      %dma_wait3A_46 = tpu.memref_slice %arg15[%add3A_13, %dma_wait3A] : memref<10240x128xf32, #tpu.memory_space<vmem_shared>> -> memref<128x128xf32, #tpu.memory_space<vmem_shared>>
      tpu.wait_dma2 semaphore(%run_scoped3A : memref<!tpu.dma_semaphore, #tpu.memory_space<semaphore_mem>>) src(%arg7 : memref<128x128xf32, #tpu.memory_space<hbm>>) dst(%dma_wait3A_46 : memref<128x128xf32, #tpu.memory_space<vmem_shared>>)
      tpu.yield
    }) : () -> ()
    %mul3A_14 = arith.constant 640 : i32
    %mul3A_15 = arith.muli %arg1, %mul3A_14 : i32
    %add3A_16 = arith.constant 384 : i32
    %add3A_17 = arith.addi %mul3A_15, %add3A_16 : i32
    "tpu.region"() ({
      %run_scoped3A = tpu.sem_alloc : memref<!tpu.dma_semaphore, #tpu.memory_space<semaphore_mem>>
      %dma_start3A = arith.constant 0 : i32
      %dma_start3A_45 = tpu.memref_slice %arg15[%add3A_17, %dma_start3A] : memref<10240x128xf32, #tpu.memory_space<vmem_shared>> -> memref<128x128xf32, #tpu.memory_space<vmem_shared>>
      tpu.enqueue_dma source(%arg7 : memref<128x128xf32, #tpu.memory_space<hbm>>) target(%dma_start3A_45 : memref<128x128xf32, #tpu.memory_space<vmem_shared>>) target_semaphore(%run_scoped3A : memref<!tpu.dma_semaphore, #tpu.memory_space<semaphore_mem>>)
      %dma_wait3A = arith.constant 0 : i32
      %dma_wait3A_46 = tpu.memref_slice %arg15[%add3A_17, %dma_wait3A] : memref<10240x128xf32, #tpu.memory_space<vmem_shared>> -> memref<128x128xf32, #tpu.memory_space<vmem_shared>>
      tpu.wait_dma2 semaphore(%run_scoped3A : memref<!tpu.dma_semaphore, #tpu.memory_space<semaphore_mem>>) src(%arg7 : memref<128x128xf32, #tpu.memory_space<hbm>>) dst(%dma_wait3A_46 : memref<128x128xf32, #tpu.memory_space<vmem_shared>>)
      tpu.yield
    }) : () -> ()
    %mul3A_18 = arith.constant 640 : i32
    %mul3A_19 = arith.muli %arg1, %mul3A_18 : i32
    %add3A_20 = arith.constant 512 : i32
    %add3A_21 = arith.addi %mul3A_19, %add3A_20 : i32
    "tpu.region"() ({
      %run_scoped3A = tpu.sem_alloc : memref<!tpu.dma_semaphore, #tpu.memory_space<semaphore_mem>>
      %dma_start3A = arith.constant 0 : i32
      %dma_start3A_45 = tpu.memref_slice %arg15[%add3A_21, %dma_start3A] : memref<10240x128xf32, #tpu.memory_space<vmem_shared>> -> memref<128x128xf32, #tpu.memory_space<vmem_shared>>
      tpu.enqueue_dma source(%arg7 : memref<128x128xf32, #tpu.memory_space<hbm>>) target(%dma_start3A_45 : memref<128x128xf32, #tpu.memory_space<vmem_shared>>) target_semaphore(%run_scoped3A : memref<!tpu.dma_semaphore, #tpu.memory_space<semaphore_mem>>)
      %dma_wait3A = arith.constant 0 : i32
      %dma_wait3A_46 = tpu.memref_slice %arg15[%add3A_21, %dma_wait3A] : memref<10240x128xf32, #tpu.memory_space<vmem_shared>> -> memref<128x128xf32, #tpu.memory_space<vmem_shared>>
      tpu.wait_dma2 semaphore(%run_scoped3A : memref<!tpu.dma_semaphore, #tpu.memory_space<semaphore_mem>>) src(%arg7 : memref<128x128xf32, #tpu.memory_space<hbm>>) dst(%dma_wait3A_46 : memref<128x128xf32, #tpu.memory_space<vmem_shared>>)
      tpu.yield
    }) : () -> ()
    %iota3A = tpu.iota {dimensions = array<i32: 0>} : vector<16xi32>
    %eq3A = arith.constant 0 : i32
    %eq3A_22 = vector.broadcast %eq3A : i32 to vector<16xi32>
    %eq3A_23 = arith.cmpi eq, %iota3A, %eq3A_22 : vector<16xi32>
    %jit3A = arith.constant 1.000000e+00 : f32
    %jit3A_24 = arith.constant 0.000000e+00 : f32
    %broadcast_in_dim3A_25 = vector.broadcast %jit3A : f32 to vector<16xf32>
    %broadcast_in_dim3A_26 = vector.broadcast %jit3A_24 : f32 to vector<16xf32>
    %select_n3A = arith.select %eq3A_23, %broadcast_in_dim3A_25, %broadcast_in_dim3A_26 : vector<16xi1>, vector<16xf32>
    %scan3A = arith.constant 0 : i32
    %scan3A_27 = arith.constant 0 : i32
    %scan3A_28 = arith.constant 80 : i32
    %scan3A_29 = arith.addi %scan3A_27, %scan3A_28 : i32
    %scan3A_30 = arith.constant 1 : i32
    %scan3A_31 = scf.for %scan3A_45 = %scan3A_27 to %scan3A_29 step %scan3A_30 iter_args(%scan3A_46 = %scan3A) -> (i32)  : i32 {
      %swap3A = arith.index_cast %scan3A_45 : i32 to index
      %swap3A_47 = arith.constant 64 : index
      %swap3A_48 = tpu.vector_load %arg14[%swap3A, %swap3A_47] {strides = array<i32>} : memref<80x128xf32, #tpu.memory_space<vmem>>, vector<1x16xf32>,
      %swap3A_49 = vector.shape_cast %swap3A_48 : vector<1x16xf32> to vector<16xf32>
      %swap3A_50 = vector.shape_cast %select_n3A : vector<16xf32> to vector<1x16xf32>
      tpu.vector_store %arg14[%swap3A, %swap3A_47], %swap3A_50 {strides = array<i32>} : memref<80x128xf32, #tpu.memory_space<vmem>>, vector<1x16xf32>,
      %swap3A_51 = arith.index_cast %scan3A_45 : i32 to index
      %swap3A_52 = arith.constant 80 : index
      %swap3A_53 = tpu.vector_load %arg14[%swap3A_51, %swap3A_52] {strides = array<i32>} : memref<80x128xf32, #tpu.memory_space<vmem>>, vector<1x16xf32>,
      %swap3A_54 = vector.shape_cast %swap3A_53 : vector<1x16xf32> to vector<16xf32>
      %swap3A_55 = vector.shape_cast %broadcast_in_dim3A_1 : vector<16xf32> to vector<1x16xf32>
      tpu.vector_store %arg14[%swap3A_51, %swap3A_52], %swap3A_55 {strides = array<i32>} : memref<80x128xf32, #tpu.memory_space<vmem>>, vector<1x16xf32>,
      %swap3A_56 = arith.index_cast %scan3A_45 : i32 to index
      %swap3A_57 = arith.constant 96 : index
      %swap3A_58 = tpu.vector_load %arg14[%swap3A_56, %swap3A_57] {strides = array<i32>} : memref<80x128xf32, #tpu.memory_space<vmem>>, vector<1x16xf32>,
      %swap3A_59 = vector.shape_cast %swap3A_58 : vector<1x16xf32> to vector<16xf32>
      %swap3A_60 = vector.shape_cast %broadcast_in_dim3A_1 : vector<16xf32> to vector<1x16xf32>
      tpu.vector_store %arg14[%swap3A_56, %swap3A_57], %swap3A_60 {strides = array<i32>} : memref<80x128xf32, #tpu.memory_space<vmem>>, vector<1x16xf32>,
      %swap3A_61 = arith.index_cast %scan3A_45 : i32 to index
      %swap3A_62 = arith.constant 112 : index
      %swap3A_63 = tpu.vector_load %arg14[%swap3A_61, %swap3A_62] {strides = array<i32>} : memref<80x128xf32, #tpu.memory_space<vmem>>, vector<1x16xf32>,
      %swap3A_64 = vector.shape_cast %swap3A_63 : vector<1x16xf32> to vector<16xf32>
      %swap3A_65 = vector.shape_cast %broadcast_in_dim3A_1 : vector<16xf32> to vector<1x16xf32>
      tpu.vector_store %arg14[%swap3A_61, %swap3A_62], %swap3A_65 {strides = array<i32>} : memref<80x128xf32, #tpu.memory_space<vmem>>, vector<1x16xf32>,
      %scan3A_66 = arith.constant 0 : i32
      scf.yield %scan3A_66 : i32
    }
    %scan3A_32 = arith.constant 80 : i32
    %barrier3A = arith.constant 0 : index
    tpu.barrier barrier_id(%barrier3A)
    %scan3A_33 = arith.constant 0 : i32
    %scan3A_34 = arith.constant 0 : i32
    %scan3A_35 = arith.constant 125 : i32
    %scan3A_36 = arith.addi %scan3A_34, %scan3A_35 : i32
    %scan3A_37 = arith.constant 1 : i32
    %scan3A_38 = scf.for %scan3A_45 = %scan3A_34 to %scan3A_36 step %scan3A_37 iter_args(%scan3A_46 = %scan3A_33) -> (i32)  : i32 {
      %mul3A_47 = arith.constant 10000 : i32
      %mul3A_48 = arith.muli %add3A, %mul3A_47 : i32
      %mul3A_49 = arith.constant 80 : i32
      %mul3A_50 = arith.muli %scan3A_45, %mul3A_49 : i32
      %add3A_51 = arith.addi %mul3A_48, %mul3A_50 : i32
      %dma_start3A = tpu.memref_slice %arg5[%add3A_51] : memref<320000xi32, #tpu.memory_space<hbm>> -> memref<80xi32, #tpu.memory_space<hbm>>
      %dma_start3A_52 = tpu.memref_slice %arg5[%add3A_51] : memref<320000xi32, #tpu.memory_space<hbm>> -> memref<80xi32, #tpu.memory_space<hbm>>
      tpu.enqueue_dma source(%dma_start3A_52 : memref<80xi32, #tpu.memory_space<hbm>>) target(%arg9 : memref<80xi32, #tpu.memory_space<vmem>>) target_semaphore(%arg18 : memref<!tpu.dma_semaphore, #tpu.memory_space<semaphore_mem>>)
      %dma_start3A_53 = tpu.memref_slice %arg6[%add3A_51] : memref<320000xi32, #tpu.memory_space<hbm>> -> memref<80xi32, #tpu.memory_space<hbm>>
      %dma_start3A_54 = tpu.memref_slice %arg6[%add3A_51] : memref<320000xi32, #tpu.memory_space<hbm>> -> memref<80xi32, #tpu.memory_space<hbm>>
      tpu.enqueue_dma source(%dma_start3A_54 : memref<80xi32, #tpu.memory_space<hbm>>) target(%arg10 : memref<80xi32, #tpu.memory_space<vmem>>) target_semaphore(%arg19 : memref<!tpu.dma_semaphore, #tpu.memory_space<semaphore_mem>>)
      %dma_start3A_55 = arith.constant 0 : i32
      %dma_start3A_56 = tpu.memref_slice %arg4[%add3A_51, %dma_start3A_55] : memref<320000x128xf32, #tpu.memory_space<hbm>> -> memref<80x128xf32, #tpu.memory_space<hbm>>
      %dma_start3A_57 = arith.constant 0 : i32
      %dma_start3A_58 = tpu.memref_slice %arg4[%add3A_51, %dma_start3A_57] : memref<320000x128xf32, #tpu.memory_space<hbm>> -> memref<80x128xf32, #tpu.memory_space<hbm>>
      tpu.enqueue_dma source(%dma_start3A_58 : memref<80x128xf32, #tpu.memory_space<hbm>>) target(%arg11 : memref<80x128xf32, #tpu.memory_space<vmem>>) target_semaphore(%arg20 : memref<!tpu.dma_semaphore, #tpu.memory_space<semaphore_mem>>)
      %dma_wait3A = tpu.memref_slice %arg5[%add3A_51] : memref<320000xi32, #tpu.memory_space<hbm>> -> memref<80xi32, #tpu.memory_space<hbm>>
      %dma_wait3A_59 = tpu.memref_slice %arg5[%add3A_51] : memref<320000xi32, #tpu.memory_space<hbm>> -> memref<80xi32, #tpu.memory_space<hbm>>
      tpu.wait_dma2 semaphore(%arg18 : memref<!tpu.dma_semaphore, #tpu.memory_space<semaphore_mem>>) src(%dma_wait3A_59 : memref<80xi32, #tpu.memory_space<hbm>>) dst(%arg9 : memref<80xi32, #tpu.memory_space<vmem>>)
      %dma_wait3A_60 = tpu.memref_slice %arg6[%add3A_51] : memref<320000xi32, #tpu.memory_space<hbm>> -> memref<80xi32, #tpu.memory_space<hbm>>
      %dma_wait3A_61 = tpu.memref_slice %arg6[%add3A_51] : memref<320000xi32, #tpu.memory_space<hbm>> -> memref<80xi32, #tpu.memory_space<hbm>>
      tpu.wait_dma2 semaphore(%arg19 : memref<!tpu.dma_semaphore, #tpu.memory_space<semaphore_mem>>) src(%dma_wait3A_61 : memref<80xi32, #tpu.memory_space<hbm>>) dst(%arg10 : memref<80xi32, #tpu.memory_space<vmem>>)
      %dma_start3A_62 = arith.constant 0 : i32
      %dma_start3A_63 = arith.constant 0 : i32
      %dma_start3A_64 = tpu.memref_slice %arg2[%dma_start3A_62, %dma_start3A_63] : memref<10000x128xf32, #tpu.memory_space<hbm>> -> memref<10000x128xf32, #tpu.memory_space<hbm>>
      tpu.enqueue_indirect_dma source(%dma_start3A_64 : memref<10000x128xf32, #tpu.memory_space<hbm>>) target(%arg12 : memref<80x128xf32, #tpu.memory_space<vmem>>) offsets(%arg9 : memref<80xi32, #tpu.memory_space<vmem>>) semaphore(%arg16 : memref<!tpu.dma_semaphore, #tpu.memory_space<semaphore_mem>>)
      %dma_start3A_65 = arith.constant 0 : i32
      %dma_start3A_66 = arith.constant 0 : i32
      %dma_start3A_67 = tpu.memref_slice %arg3[%dma_start3A_65, %dma_start3A_66] : memref<10000x128xf32, #tpu.memory_space<hbm>> -> memref<10000x128xf32, #tpu.memory_space<hbm>>
      tpu.enqueue_indirect_dma source(%dma_start3A_67 : memref<10000x128xf32, #tpu.memory_space<hbm>>) target(%arg13 : memref<80x128xf32, #tpu.memory_space<vmem>>) offsets(%arg10 : memref<80xi32, #tpu.memory_space<vmem>>) semaphore(%arg17 : memref<!tpu.dma_semaphore, #tpu.memory_space<semaphore_mem>>)
      %dma_wait3A_68 = arith.constant 0 : i32
      %dma_wait3A_69 = tpu.memref_slice %arg4[%add3A_51, %dma_wait3A_68] : memref<320000x128xf32, #tpu.memory_space<hbm>> -> memref<80x128xf32, #tpu.memory_space<hbm>>
      %dma_wait3A_70 = arith.constant 0 : i32
      %dma_wait3A_71 = tpu.memref_slice %arg4[%add3A_51, %dma_wait3A_70] : memref<320000x128xf32, #tpu.memory_space<hbm>> -> memref<80x128xf32, #tpu.memory_space<hbm>>
      tpu.wait_dma2 semaphore(%arg20 : memref<!tpu.dma_semaphore, #tpu.memory_space<semaphore_mem>>) src(%dma_wait3A_71 : memref<80x128xf32, #tpu.memory_space<hbm>>) dst(%arg11 : memref<80x128xf32, #tpu.memory_space<vmem>>)
      %dma_wait3A_72 = arith.constant 0 : i32
      %dma_wait3A_73 = arith.constant 0 : i32
      %dma_wait3A_74 = tpu.memref_slice %arg2[%dma_wait3A_72, %dma_wait3A_73] : memref<10000x128xf32, #tpu.memory_space<hbm>> -> memref<10000x128xf32, #tpu.memory_space<hbm>>
      tpu.wait_indirect_dma semaphore(%arg16 : memref<!tpu.dma_semaphore, #tpu.memory_space<semaphore_mem>>) src(%dma_wait3A_74 : memref<10000x128xf32, #tpu.memory_space<hbm>>) dst(%arg12 : memref<80x128xf32, #tpu.memory_space<vmem>>)
      %dma_wait3A_75 = arith.constant 0 : i32
      %dma_wait3A_76 = arith.constant 0 : i32
      %dma_wait3A_77 = tpu.memref_slice %arg3[%dma_wait3A_75, %dma_wait3A_76] : memref<10000x128xf32, #tpu.memory_space<hbm>> -> memref<10000x128xf32, #tpu.memory_space<hbm>>
      tpu.wait_indirect_dma semaphore(%arg17 : memref<!tpu.dma_semaphore, #tpu.memory_space<semaphore_mem>>) src(%dma_wait3A_77 : memref<10000x128xf32, #tpu.memory_space<hbm>>) dst(%arg13 : memref<80x128xf32, #tpu.memory_space<vmem>>)
      %scan3A_78 = arith.constant 0 : i32
      %scan3A_79 = arith.constant 0 : i32
      %scan3A_80 = arith.constant 80 : i32
      %scan3A_81 = arith.addi %scan3A_79, %scan3A_80 : i32
      %scan3A_82 = arith.constant 1 : i32
      %scan3A_83 = scf.for %scan3A_86 = %scan3A_79 to %scan3A_81 step %scan3A_82 iter_args(%scan3A_87 = %scan3A_78) -> (i32)  : i32 {
        %get3A = arith.index_cast %scan3A_86 : i32 to index
        %get3A_88 = arith.constant 0 : index
        %get3A_89 = tpu.vector_load %arg11[%get3A, %get3A_88] {strides = array<i32>} : memref<80x128xf32, #tpu.memory_space<vmem>>, vector<1x16xf32>,
        %get3A_90 = vector.shape_cast %get3A_89 : vector<1x16xf32> to vector<16xf32>
        %get3A_91 = arith.index_cast %scan3A_86 : i32 to index
        %get3A_92 = arith.constant 0 : index
        %get3A_93 = tpu.vector_load %arg12[%get3A_91, %get3A_92] {strides = array<i32>} : memref<80x128xf32, #tpu.memory_space<vmem>>, vector<1x16xf32>,
        %get3A_94 = vector.shape_cast %get3A_93 : vector<1x16xf32> to vector<16xf32>
        %add3A_95 = arith.addf %get3A_90, %get3A_94 : vector<16xf32>
        %get3A_96 = arith.index_cast %scan3A_86 : i32 to index
        %get3A_97 = arith.constant 0 : index
        %get3A_98 = tpu.vector_load %arg13[%get3A_96, %get3A_97] {strides = array<i32>} : memref<80x128xf32, #tpu.memory_space<vmem>>, vector<1x16xf32>,
        %get3A_99 = vector.shape_cast %get3A_98 : vector<1x16xf32> to vector<16xf32>
        %add3A_100 = arith.addf %add3A_95, %get3A_99 : vector<16xf32>
        %get3A_101 = arith.index_cast %scan3A_86 : i32 to index
        %get3A_102 = arith.constant 64 : index
        %get3A_103 = tpu.vector_load %arg11[%get3A_101, %get3A_102] {strides = array<i32>} : memref<80x128xf32, #tpu.memory_space<vmem>>, vector<1x16xf32>,
        %get3A_104 = vector.shape_cast %get3A_103 : vector<1x16xf32> to vector<16xf32>
        %get3A_105 = arith.index_cast %scan3A_86 : i32 to index
        %get3A_106 = arith.constant 64 : index
        %get3A_107 = tpu.vector_load %arg12[%get3A_105, %get3A_106] {strides = array<i32>} : memref<80x128xf32, #tpu.memory_space<vmem>>, vector<1x16xf32>,
        %get3A_108 = vector.shape_cast %get3A_107 : vector<1x16xf32> to vector<16xf32>
        %add3A_109 = arith.addf %get3A_104, %get3A_108 : vector<16xf32>
        %get3A_110 = arith.index_cast %scan3A_86 : i32 to index
        %get3A_111 = arith.constant 64 : index
        %get3A_112 = tpu.vector_load %arg13[%get3A_110, %get3A_111] {strides = array<i32>} : memref<80x128xf32, #tpu.memory_space<vmem>>, vector<1x16xf32>,
        %get3A_113 = vector.shape_cast %get3A_112 : vector<1x16xf32> to vector<16xf32>
        %add3A_114 = arith.addf %add3A_109, %get3A_113 : vector<16xf32>
        %neg3A = arith.constant 0.000000e+00 : f32
        %neg3A_115 = vector.broadcast %neg3A : f32 to vector<16xf32>
        %neg3A_116 = arith.subf %neg3A_115, %add3A_100 : vector<16xf32>
        %exp3A = math.exp %neg3A_116 : vector<16xf32>
        %add3A_117 = arith.constant 1.000000e+00 : f32
        %add3A_118 = vector.broadcast %add3A_117 : f32 to vector<16xf32>
        %add3A_119 = arith.addf %add3A_118, %exp3A : vector<16xf32>
        %div3A = arith.constant 1.000000e+00 : f32
        %div3A_120 = vector.broadcast %div3A : f32 to vector<16xf32>
        %div3A_121 = arith.divf %div3A_120, %add3A_119 : vector<16xf32>
        %abs3A = math.absf %add3A_114 : vector<16xf32>
        %neg3A_122 = arith.constant 0.000000e+00 : f32
        %neg3A_123 = vector.broadcast %neg3A_122 : f32 to vector<16xf32>
        %neg3A_124 = arith.subf %neg3A_123, %abs3A : vector<16xf32>
        %exp3A_125 = math.exp %neg3A_124 : vector<16xf32>
        %add3A_126 = arith.constant 2.000000e+00 : f32
        %add3A_127 = vector.broadcast %add3A_126 : f32 to vector<16xf32>
        %add3A_128 = arith.addf %add3A_127, %exp3A_125 : vector<16xf32>
        %div3A_129 = arith.divf %exp3A_125, %add3A_128 : vector<16xf32>
        %mul3A_130 = arith.mulf %div3A_129, %div3A_129 : vector<16xf32>
        %mul3A_131 = arith.constant 0.111111112 : f32
        %mul3A_132 = vector.broadcast %mul3A_131 : f32 to vector<16xf32>
        %mul3A_133 = arith.mulf %mul3A_130, %mul3A_132 : vector<16xf32>
        %add3A_134 = arith.constant 0.142857149 : f32
        %add3A_135 = vector.broadcast %add3A_134 : f32 to vector<16xf32>
        %add3A_136 = arith.addf %add3A_135, %mul3A_133 : vector<16xf32>
        %mul3A_137 = arith.mulf %mul3A_130, %add3A_136 : vector<16xf32>
        %add3A_138 = arith.constant 2.000000e-01 : f32
        %add3A_139 = vector.broadcast %add3A_138 : f32 to vector<16xf32>
        %add3A_140 = arith.addf %add3A_139, %mul3A_137 : vector<16xf32>
        %mul3A_141 = arith.mulf %mul3A_130, %add3A_140 : vector<16xf32>
        %add3A_142 = arith.constant 0.333333343 : f32
        %add3A_143 = vector.broadcast %add3A_142 : f32 to vector<16xf32>
        %add3A_144 = arith.addf %add3A_143, %mul3A_141 : vector<16xf32>
        %mul3A_145 = arith.mulf %mul3A_130, %add3A_144 : vector<16xf32>
        %add3A_146 = arith.constant 1.000000e+00 : f32
        %add3A_147 = vector.broadcast %add3A_146 : f32 to vector<16xf32>
        %add3A_148 = arith.addf %add3A_147, %mul3A_145 : vector<16xf32>
        %mul3A_149 = arith.mulf %div3A_129, %add3A_148 : vector<16xf32>
        %max3A = arith.constant 0.000000e+00 : f32
        %max3A_150 = vector.broadcast %max3A : f32 to vector<16xf32>
        %max3A_151 = arith.maximumf %add3A_114, %max3A_150 : vector<16xf32>
        %mul3A_152 = arith.constant 2.000000e+00 : f32
        %mul3A_153 = vector.broadcast %mul3A_152 : f32 to vector<16xf32>
        %mul3A_154 = arith.mulf %mul3A_153, %mul3A_149 : vector<16xf32>
        %add3A_155 = arith.addf %max3A_151, %mul3A_154 : vector<16xf32>
        %mul3A_156 = arith.mulf %div3A_121, %add3A_155 : vector<16xf32>
        %swap3A = arith.index_cast %scan3A_86 : i32 to index
        %swap3A_157 = arith.constant 0 : index
        %swap3A_158 = tpu.vector_load %arg14[%swap3A, %swap3A_157] {strides = array<i32>} : memref<80x128xf32, #tpu.memory_space<vmem>>, vector<1x16xf32>,
        %swap3A_159 = vector.shape_cast %swap3A_158 : vector<1x16xf32> to vector<16xf32>
        %swap3A_160 = vector.shape_cast %mul3A_156 : vector<16xf32> to vector<1x16xf32>
        tpu.vector_store %arg14[%swap3A, %swap3A_157], %swap3A_160 {strides = array<i32>} : memref<80x128xf32, #tpu.memory_space<vmem>>, vector<1x16xf32>,
        %get3A_161 = arith.index_cast %scan3A_86 : i32 to index
        %get3A_162 = arith.constant 16 : index
        %get3A_163 = tpu.vector_load %arg11[%get3A_161, %get3A_162] {strides = array<i32>} : memref<80x128xf32, #tpu.memory_space<vmem>>, vector<1x16xf32>,
        %get3A_164 = vector.shape_cast %get3A_163 : vector<1x16xf32> to vector<16xf32>
        %get3A_165 = arith.index_cast %scan3A_86 : i32 to index
        %get3A_166 = arith.constant 16 : index
        %get3A_167 = tpu.vector_load %arg12[%get3A_165, %get3A_166] {strides = array<i32>} : memref<80x128xf32, #tpu.memory_space<vmem>>, vector<1x16xf32>,
        %get3A_168 = vector.shape_cast %get3A_167 : vector<1x16xf32> to vector<16xf32>
        %add3A_169 = arith.addf %get3A_164, %get3A_168 : vector<16xf32>
        %get3A_170 = arith.index_cast %scan3A_86 : i32 to index
        %get3A_171 = arith.constant 16 : index
        %get3A_172 = tpu.vector_load %arg13[%get3A_170, %get3A_171] {strides = array<i32>} : memref<80x128xf32, #tpu.memory_space<vmem>>, vector<1x16xf32>,
        %get3A_173 = vector.shape_cast %get3A_172 : vector<1x16xf32> to vector<16xf32>
        %add3A_174 = arith.addf %add3A_169, %get3A_173 : vector<16xf32>
        %get3A_175 = arith.index_cast %scan3A_86 : i32 to index
        %get3A_176 = arith.constant 80 : index
        %get3A_177 = tpu.vector_load %arg11[%get3A_175, %get3A_176] {strides = array<i32>} : memref<80x128xf32, #tpu.memory_space<vmem>>, vector<1x16xf32>,
        %get3A_178 = vector.shape_cast %get3A_177 : vector<1x16xf32> to vector<16xf32>
        %get3A_179 = arith.index_cast %scan3A_86 : i32 to index
        %get3A_180 = arith.constant 80 : index
        %get3A_181 = tpu.vector_load %arg12[%get3A_179, %get3A_180] {strides = array<i32>} : memref<80x128xf32, #tpu.memory_space<vmem>>, vector<1x16xf32>,
        %get3A_182 = vector.shape_cast %get3A_181 : vector<1x16xf32> to vector<16xf32>
        %add3A_183 = arith.addf %get3A_178, %get3A_182 : vector<16xf32>
        %get3A_184 = arith.index_cast %scan3A_86 : i32 to index
        %get3A_185 = arith.constant 80 : index
        %get3A_186 = tpu.vector_load %arg13[%get3A_184, %get3A_185] {strides = array<i32>} : memref<80x128xf32, #tpu.memory_space<vmem>>, vector<1x16xf32>,
        %get3A_187 = vector.shape_cast %get3A_186 : vector<1x16xf32> to vector<16xf32>
        %add3A_188 = arith.addf %add3A_183, %get3A_187 : vector<16xf32>
        %neg3A_189 = arith.constant 0.000000e+00 : f32
        %neg3A_190 = vector.broadcast %neg3A_189 : f32 to vector<16xf32>
        %neg3A_191 = arith.subf %neg3A_190, %add3A_174 : vector<16xf32>
        %exp3A_192 = math.exp %neg3A_191 : vector<16xf32>
        %add3A_193 = arith.constant 1.000000e+00 : f32
        %add3A_194 = vector.broadcast %add3A_193 : f32 to vector<16xf32>
        %add3A_195 = arith.addf %add3A_194, %exp3A_192 : vector<16xf32>
        %div3A_196 = arith.constant 1.000000e+00 : f32
        %div3A_197 = vector.broadcast %div3A_196 : f32 to vector<16xf32>
        %div3A_198 = arith.divf %div3A_197, %add3A_195 : vector<16xf32>
        %abs3A_199 = math.absf %add3A_188 : vector<16xf32>
        %neg3A_200 = arith.constant 0.000000e+00 : f32
        %neg3A_201 = vector.broadcast %neg3A_200 : f32 to vector<16xf32>
        %neg3A_202 = arith.subf %neg3A_201, %abs3A_199 : vector<16xf32>
        %exp3A_203 = math.exp %neg3A_202 : vector<16xf32>
        %add3A_204 = arith.constant 2.000000e+00 : f32
        %add3A_205 = vector.broadcast %add3A_204 : f32 to vector<16xf32>
        %add3A_206 = arith.addf %add3A_205, %exp3A_203 : vector<16xf32>
        %div3A_207 = arith.divf %exp3A_203, %add3A_206 : vector<16xf32>
        %mul3A_208 = arith.mulf %div3A_207, %div3A_207 : vector<16xf32>
        %mul3A_209 = arith.constant 0.111111112 : f32
        %mul3A_210 = vector.broadcast %mul3A_209 : f32 to vector<16xf32>
        %mul3A_211 = arith.mulf %mul3A_208, %mul3A_210 : vector<16xf32>
        %add3A_212 = arith.constant 0.142857149 : f32
        %add3A_213 = vector.broadcast %add3A_212 : f32 to vector<16xf32>
        %add3A_214 = arith.addf %add3A_213, %mul3A_211 : vector<16xf32>
        %mul3A_215 = arith.mulf %mul3A_208, %add3A_214 : vector<16xf32>
        %add3A_216 = arith.constant 2.000000e-01 : f32
        %add3A_217 = vector.broadcast %add3A_216 : f32 to vector<16xf32>
        %add3A_218 = arith.addf %add3A_217, %mul3A_215 : vector<16xf32>
        %mul3A_219 = arith.mulf %mul3A_208, %add3A_218 : vector<16xf32>
        %add3A_220 = arith.constant 0.333333343 : f32
        %add3A_221 = vector.broadcast %add3A_220 : f32 to vector<16xf32>
        %add3A_222 = arith.addf %add3A_221, %mul3A_219 : vector<16xf32>
        %mul3A_223 = arith.mulf %mul3A_208, %add3A_222 : vector<16xf32>
        %add3A_224 = arith.constant 1.000000e+00 : f32
        %add3A_225 = vector.broadcast %add3A_224 : f32 to vector<16xf32>
        %add3A_226 = arith.addf %add3A_225, %mul3A_223 : vector<16xf32>
        %mul3A_227 = arith.mulf %div3A_207, %add3A_226 : vector<16xf32>
        %max3A_228 = arith.constant 0.000000e+00 : f32
        %max3A_229 = vector.broadcast %max3A_228 : f32 to vector<16xf32>
        %max3A_230 = arith.maximumf %add3A_188, %max3A_229 : vector<16xf32>
        %mul3A_231 = arith.constant 2.000000e+00 : f32
        %mul3A_232 = vector.broadcast %mul3A_231 : f32 to vector<16xf32>
        %mul3A_233 = arith.mulf %mul3A_232, %mul3A_227 : vector<16xf32>
        %add3A_234 = arith.addf %max3A_230, %mul3A_233 : vector<16xf32>
        %mul3A_235 = arith.mulf %div3A_198, %add3A_234 : vector<16xf32>
        %swap3A_236 = arith.index_cast %scan3A_86 : i32 to index
        %swap3A_237 = arith.constant 16 : index
        %swap3A_238 = tpu.vector_load %arg14[%swap3A_236, %swap3A_237] {strides = array<i32>} : memref<80x128xf32, #tpu.memory_space<vmem>>, vector<1x16xf32>,
        %swap3A_239 = vector.shape_cast %swap3A_238 : vector<1x16xf32> to vector<16xf32>
        %swap3A_240 = vector.shape_cast %mul3A_235 : vector<16xf32> to vector<1x16xf32>
        tpu.vector_store %arg14[%swap3A_236, %swap3A_237], %swap3A_240 {strides = array<i32>} : memref<80x128xf32, #tpu.memory_space<vmem>>, vector<1x16xf32>,
        %get3A_241 = arith.index_cast %scan3A_86 : i32 to index
        %get3A_242 = arith.constant 32 : index
        %get3A_243 = tpu.vector_load %arg11[%get3A_241, %get3A_242] {strides = array<i32>} : memref<80x128xf32, #tpu.memory_space<vmem>>, vector<1x16xf32>,
        %get3A_244 = vector.shape_cast %get3A_243 : vector<1x16xf32> to vector<16xf32>
        %get3A_245 = arith.index_cast %scan3A_86 : i32 to index
        %get3A_246 = arith.constant 32 : index
        %get3A_247 = tpu.vector_load %arg12[%get3A_245, %get3A_246] {strides = array<i32>} : memref<80x128xf32, #tpu.memory_space<vmem>>, vector<1x16xf32>,
        %get3A_248 = vector.shape_cast %get3A_247 : vector<1x16xf32> to vector<16xf32>
        %add3A_249 = arith.addf %get3A_244, %get3A_248 : vector<16xf32>
        %get3A_250 = arith.index_cast %scan3A_86 : i32 to index
        %get3A_251 = arith.constant 32 : index
        %get3A_252 = tpu.vector_load %arg13[%get3A_250, %get3A_251] {strides = array<i32>} : memref<80x128xf32, #tpu.memory_space<vmem>>, vector<1x16xf32>,
        %get3A_253 = vector.shape_cast %get3A_252 : vector<1x16xf32> to vector<16xf32>
        %add3A_254 = arith.addf %add3A_249, %get3A_253 : vector<16xf32>
        %get3A_255 = arith.index_cast %scan3A_86 : i32 to index
        %get3A_256 = arith.constant 96 : index
        %get3A_257 = tpu.vector_load %arg11[%get3A_255, %get3A_256] {strides = array<i32>} : memref<80x128xf32, #tpu.memory_space<vmem>>, vector<1x16xf32>,
        %get3A_258 = vector.shape_cast %get3A_257 : vector<1x16xf32> to vector<16xf32>
        %get3A_259 = arith.index_cast %scan3A_86 : i32 to index
        %get3A_260 = arith.constant 96 : index
        %get3A_261 = tpu.vector_load %arg12[%get3A_259, %get3A_260] {strides = array<i32>} : memref<80x128xf32, #tpu.memory_space<vmem>>, vector<1x16xf32>,
        %get3A_262 = vector.shape_cast %get3A_261 : vector<1x16xf32> to vector<16xf32>
        %add3A_263 = arith.addf %get3A_258, %get3A_262 : vector<16xf32>
        %get3A_264 = arith.index_cast %scan3A_86 : i32 to index
        %get3A_265 = arith.constant 96 : index
        %get3A_266 = tpu.vector_load %arg13[%get3A_264, %get3A_265] {strides = array<i32>} : memref<80x128xf32, #tpu.memory_space<vmem>>, vector<1x16xf32>,
        %get3A_267 = vector.shape_cast %get3A_266 : vector<1x16xf32> to vector<16xf32>
        %add3A_268 = arith.addf %add3A_263, %get3A_267 : vector<16xf32>
        %neg3A_269 = arith.constant 0.000000e+00 : f32
        %neg3A_270 = vector.broadcast %neg3A_269 : f32 to vector<16xf32>
        %neg3A_271 = arith.subf %neg3A_270, %add3A_254 : vector<16xf32>
        %exp3A_272 = math.exp %neg3A_271 : vector<16xf32>
        %add3A_273 = arith.constant 1.000000e+00 : f32
        %add3A_274 = vector.broadcast %add3A_273 : f32 to vector<16xf32>
        %add3A_275 = arith.addf %add3A_274, %exp3A_272 : vector<16xf32>
        %div3A_276 = arith.constant 1.000000e+00 : f32
        %div3A_277 = vector.broadcast %div3A_276 : f32 to vector<16xf32>
        %div3A_278 = arith.divf %div3A_277, %add3A_275 : vector<16xf32>
        %abs3A_279 = math.absf %add3A_268 : vector<16xf32>
        %neg3A_280 = arith.constant 0.000000e+00 : f32
        %neg3A_281 = vector.broadcast %neg3A_280 : f32 to vector<16xf32>
        %neg3A_282 = arith.subf %neg3A_281, %abs3A_279 : vector<16xf32>
        %exp3A_283 = math.exp %neg3A_282 : vector<16xf32>
        %add3A_284 = arith.constant 2.000000e+00 : f32
        %add3A_285 = vector.broadcast %add3A_284 : f32 to vector<16xf32>
        %add3A_286 = arith.addf %add3A_285, %exp3A_283 : vector<16xf32>
        %div3A_287 = arith.divf %exp3A_283, %add3A_286 : vector<16xf32>
        %mul3A_288 = arith.mulf %div3A_287, %div3A_287 : vector<16xf32>
        %mul3A_289 = arith.constant 0.111111112 : f32
        %mul3A_290 = vector.broadcast %mul3A_289 : f32 to vector<16xf32>
        %mul3A_291 = arith.mulf %mul3A_288, %mul3A_290 : vector<16xf32>
        %add3A_292 = arith.constant 0.142857149 : f32
        %add3A_293 = vector.broadcast %add3A_292 : f32 to vector<16xf32>
        %add3A_294 = arith.addf %add3A_293, %mul3A_291 : vector<16xf32>
        %mul3A_295 = arith.mulf %mul3A_288, %add3A_294 : vector<16xf32>
        %add3A_296 = arith.constant 2.000000e-01 : f32
        %add3A_297 = vector.broadcast %add3A_296 : f32 to vector<16xf32>
        %add3A_298 = arith.addf %add3A_297, %mul3A_295 : vector<16xf32>
        %mul3A_299 = arith.mulf %mul3A_288, %add3A_298 : vector<16xf32>
        %add3A_300 = arith.constant 0.333333343 : f32
        %add3A_301 = vector.broadcast %add3A_300 : f32 to vector<16xf32>
        %add3A_302 = arith.addf %add3A_301, %mul3A_299 : vector<16xf32>
        %mul3A_303 = arith.mulf %mul3A_288, %add3A_302 : vector<16xf32>
        %add3A_304 = arith.constant 1.000000e+00 : f32
        %add3A_305 = vector.broadcast %add3A_304 : f32 to vector<16xf32>
        %add3A_306 = arith.addf %add3A_305, %mul3A_303 : vector<16xf32>
        %mul3A_307 = arith.mulf %div3A_287, %add3A_306 : vector<16xf32>
        %max3A_308 = arith.constant 0.000000e+00 : f32
        %max3A_309 = vector.broadcast %max3A_308 : f32 to vector<16xf32>
        %max3A_310 = arith.maximumf %add3A_268, %max3A_309 : vector<16xf32>
        %mul3A_311 = arith.constant 2.000000e+00 : f32
        %mul3A_312 = vector.broadcast %mul3A_311 : f32 to vector<16xf32>
        %mul3A_313 = arith.mulf %mul3A_312, %mul3A_307 : vector<16xf32>
        %add3A_314 = arith.addf %max3A_310, %mul3A_313 : vector<16xf32>
        %mul3A_315 = arith.mulf %div3A_278, %add3A_314 : vector<16xf32>
        %swap3A_316 = arith.index_cast %scan3A_86 : i32 to index
        %swap3A_317 = arith.constant 32 : index
        %swap3A_318 = tpu.vector_load %arg14[%swap3A_316, %swap3A_317] {strides = array<i32>} : memref<80x128xf32, #tpu.memory_space<vmem>>, vector<1x16xf32>,
        %swap3A_319 = vector.shape_cast %swap3A_318 : vector<1x16xf32> to vector<16xf32>
        %swap3A_320 = vector.shape_cast %mul3A_315 : vector<16xf32> to vector<1x16xf32>
        tpu.vector_store %arg14[%swap3A_316, %swap3A_317], %swap3A_320 {strides = array<i32>} : memref<80x128xf32, #tpu.memory_space<vmem>>, vector<1x16xf32>,
        %get3A_321 = arith.index_cast %scan3A_86 : i32 to index
        %get3A_322 = arith.constant 48 : index
        %get3A_323 = tpu.vector_load %arg11[%get3A_321, %get3A_322] {strides = array<i32>} : memref<80x128xf32, #tpu.memory_space<vmem>>, vector<1x16xf32>,
        %get3A_324 = vector.shape_cast %get3A_323 : vector<1x16xf32> to vector<16xf32>
        %get3A_325 = arith.index_cast %scan3A_86 : i32 to index
        %get3A_326 = arith.constant 48 : index
        %get3A_327 = tpu.vector_load %arg12[%get3A_325, %get3A_326] {strides = array<i32>} : memref<80x128xf32, #tpu.memory_space<vmem>>, vector<1x16xf32>,
        %get3A_328 = vector.shape_cast %get3A_327 : vector<1x16xf32> to vector<16xf32>
        %add3A_329 = arith.addf %get3A_324, %get3A_328 : vector<16xf32>
        %get3A_330 = arith.index_cast %scan3A_86 : i32 to index
        %get3A_331 = arith.constant 48 : index
        %get3A_332 = tpu.vector_load %arg13[%get3A_330, %get3A_331] {strides = array<i32>} : memref<80x128xf32, #tpu.memory_space<vmem>>, vector<1x16xf32>,
        %get3A_333 = vector.shape_cast %get3A_332 : vector<1x16xf32> to vector<16xf32>
        %add3A_334 = arith.addf %add3A_329, %get3A_333 : vector<16xf32>
        %get3A_335 = arith.index_cast %scan3A_86 : i32 to index
        %get3A_336 = arith.constant 112 : index
        %get3A_337 = tpu.vector_load %arg11[%get3A_335, %get3A_336] {strides = array<i32>} : memref<80x128xf32, #tpu.memory_space<vmem>>, vector<1x16xf32>,
        %get3A_338 = vector.shape_cast %get3A_337 : vector<1x16xf32> to vector<16xf32>
        %get3A_339 = arith.index_cast %scan3A_86 : i32 to index
        %get3A_340 = arith.constant 112 : index
        %get3A_341 = tpu.vector_load %arg12[%get3A_339, %get3A_340] {strides = array<i32>} : memref<80x128xf32, #tpu.memory_space<vmem>>, vector<1x16xf32>,
        %get3A_342 = vector.shape_cast %get3A_341 : vector<1x16xf32> to vector<16xf32>
        %add3A_343 = arith.addf %get3A_338, %get3A_342 : vector<16xf32>
        %get3A_344 = arith.index_cast %scan3A_86 : i32 to index
        %get3A_345 = arith.constant 112 : index
        %get3A_346 = tpu.vector_load %arg13[%get3A_344, %get3A_345] {strides = array<i32>} : memref<80x128xf32, #tpu.memory_space<vmem>>, vector<1x16xf32>,
        %get3A_347 = vector.shape_cast %get3A_346 : vector<1x16xf32> to vector<16xf32>
        %add3A_348 = arith.addf %add3A_343, %get3A_347 : vector<16xf32>
        %neg3A_349 = arith.constant 0.000000e+00 : f32
        %neg3A_350 = vector.broadcast %neg3A_349 : f32 to vector<16xf32>
        %neg3A_351 = arith.subf %neg3A_350, %add3A_334 : vector<16xf32>
        %exp3A_352 = math.exp %neg3A_351 : vector<16xf32>
        %add3A_353 = arith.constant 1.000000e+00 : f32
        %add3A_354 = vector.broadcast %add3A_353 : f32 to vector<16xf32>
        %add3A_355 = arith.addf %add3A_354, %exp3A_352 : vector<16xf32>
        %div3A_356 = arith.constant 1.000000e+00 : f32
        %div3A_357 = vector.broadcast %div3A_356 : f32 to vector<16xf32>
        %div3A_358 = arith.divf %div3A_357, %add3A_355 : vector<16xf32>
        %abs3A_359 = math.absf %add3A_348 : vector<16xf32>
        %neg3A_360 = arith.constant 0.000000e+00 : f32
        %neg3A_361 = vector.broadcast %neg3A_360 : f32 to vector<16xf32>
        %neg3A_362 = arith.subf %neg3A_361, %abs3A_359 : vector<16xf32>
        %exp3A_363 = math.exp %neg3A_362 : vector<16xf32>
        %add3A_364 = arith.constant 2.000000e+00 : f32
        %add3A_365 = vector.broadcast %add3A_364 : f32 to vector<16xf32>
        %add3A_366 = arith.addf %add3A_365, %exp3A_363 : vector<16xf32>
        %div3A_367 = arith.divf %exp3A_363, %add3A_366 : vector<16xf32>
        %mul3A_368 = arith.mulf %div3A_367, %div3A_367 : vector<16xf32>
        %mul3A_369 = arith.constant 0.111111112 : f32
        %mul3A_370 = vector.broadcast %mul3A_369 : f32 to vector<16xf32>
        %mul3A_371 = arith.mulf %mul3A_368, %mul3A_370 : vector<16xf32>
        %add3A_372 = arith.constant 0.142857149 : f32
        %add3A_373 = vector.broadcast %add3A_372 : f32 to vector<16xf32>
        %add3A_374 = arith.addf %add3A_373, %mul3A_371 : vector<16xf32>
        %mul3A_375 = arith.mulf %mul3A_368, %add3A_374 : vector<16xf32>
        %add3A_376 = arith.constant 2.000000e-01 : f32
        %add3A_377 = vector.broadcast %add3A_376 : f32 to vector<16xf32>
        %add3A_378 = arith.addf %add3A_377, %mul3A_375 : vector<16xf32>
        %mul3A_379 = arith.mulf %mul3A_368, %add3A_378 : vector<16xf32>
        %add3A_380 = arith.constant 0.333333343 : f32
        %add3A_381 = vector.broadcast %add3A_380 : f32 to vector<16xf32>
        %add3A_382 = arith.addf %add3A_381, %mul3A_379 : vector<16xf32>
        %mul3A_383 = arith.mulf %mul3A_368, %add3A_382 : vector<16xf32>
        %add3A_384 = arith.constant 1.000000e+00 : f32
        %add3A_385 = vector.broadcast %add3A_384 : f32 to vector<16xf32>
        %add3A_386 = arith.addf %add3A_385, %mul3A_383 : vector<16xf32>
        %mul3A_387 = arith.mulf %div3A_367, %add3A_386 : vector<16xf32>
        %max3A_388 = arith.constant 0.000000e+00 : f32
        %max3A_389 = vector.broadcast %max3A_388 : f32 to vector<16xf32>
        %max3A_390 = arith.maximumf %add3A_348, %max3A_389 : vector<16xf32>
        %mul3A_391 = arith.constant 2.000000e+00 : f32
        %mul3A_392 = vector.broadcast %mul3A_391 : f32 to vector<16xf32>
        %mul3A_393 = arith.mulf %mul3A_392, %mul3A_387 : vector<16xf32>
        %add3A_394 = arith.addf %max3A_390, %mul3A_393 : vector<16xf32>
        %mul3A_395 = arith.mulf %div3A_358, %add3A_394 : vector<16xf32>
        %swap3A_396 = arith.index_cast %scan3A_86 : i32 to index
        %swap3A_397 = arith.constant 48 : index
        %swap3A_398 = tpu.vector_load %arg14[%swap3A_396, %swap3A_397] {strides = array<i32>} : memref<80x128xf32, #tpu.memory_space<vmem>>, vector<1x16xf32>,
        %swap3A_399 = vector.shape_cast %swap3A_398 : vector<1x16xf32> to vector<16xf32>
        %swap3A_400 = vector.shape_cast %mul3A_395 : vector<16xf32> to vector<1x16xf32>
        tpu.vector_store %arg14[%swap3A_396, %swap3A_397], %swap3A_400 {strides = array<i32>} : memref<80x128xf32, #tpu.memory_space<vmem>>, vector<1x16xf32>,
        %scan3A_401 = arith.constant 0 : i32
        scf.yield %scan3A_401 : i32
      }
      %scan3A_84 = arith.constant 80 : i32
      "tpu.region"() ({
        %run_scoped3A = tpu.sem_alloc : memref<!tpu.dma_semaphore, #tpu.memory_space<semaphore_mem>>
        %dma_start3A_86 = arith.constant 0 : i32
        %dma_start3A_87 = arith.constant 0 : i32
        %dma_start3A_88 = tpu.memref_slice %arg15[%dma_start3A_86, %dma_start3A_87] : memref<10240x128xf32, #tpu.memory_space<vmem_shared>> -> memref<10240x128xf32, #tpu.memory_space<vmem_shared>>
        tpu.enqueue_indirect_dma source(%arg14 : memref<80x128xf32, #tpu.memory_space<vmem>>) target(%dma_start3A_88 : memref<10240x128xf32, #tpu.memory_space<vmem_shared>>) offsets(%arg9 : memref<80xi32, #tpu.memory_space<vmem>>) semaphore(%run_scoped3A : memref<!tpu.dma_semaphore, #tpu.memory_space<semaphore_mem>>) {add = true}
        %dma_wait3A_89 = arith.constant 0 : i32
        %dma_wait3A_90 = arith.constant 0 : i32
        %dma_wait3A_91 = tpu.memref_slice %arg15[%dma_wait3A_89, %dma_wait3A_90] : memref<10240x128xf32, #tpu.memory_space<vmem_shared>> -> memref<10240x128xf32, #tpu.memory_space<vmem_shared>>
        tpu.wait_indirect_dma semaphore(%run_scoped3A : memref<!tpu.dma_semaphore, #tpu.memory_space<semaphore_mem>>) src(%arg14 : memref<80x128xf32, #tpu.memory_space<vmem>>) dst(%dma_wait3A_91 : memref<10240x128xf32, #tpu.memory_space<vmem_shared>>)
        tpu.yield
      }) : () -> ()
      %scan3A_85 = arith.constant 0 : i32
      scf.yield %scan3A_85 : i32
    }
    %scan3A_39 = arith.constant 125 : i32
    %barrier3A_40 = arith.constant 0 : index
    tpu.barrier barrier_id(%barrier3A_40)
    %mul3A_41 = arith.constant 640 : i32
    %mul3A_42 = arith.muli %arg1, %mul3A_41 : i32
    %mul3A_43 = arith.constant 640 : i32
    %mul3A_44 = arith.muli %arg1, %mul3A_43 : i32
    "tpu.region"() ({
      %run_scoped3A = tpu.sem_alloc : memref<!tpu.dma_semaphore, #tpu.memory_space<semaphore_mem>>
      %dma_start3A = arith.constant 0 : i32
      %dma_start3A_45 = tpu.memref_slice %arg8[%arg0, %mul3A_44, %dma_start3A] : memref<2x10240x128xf32, #tpu.memory_space<hbm>> -> memref<1x640x128xf32, #tpu.memory_space<hbm>>
      %dma_start3A_46 = tpu.memref_squeeze %dma_start3A_45 : memref<1x640x128xf32, #tpu.memory_space<hbm>> -> memref<640x128xf32, #tpu.memory_space<hbm>>
      %dma_start3A_47 = arith.constant 0 : i32
      %dma_start3A_48 = tpu.memref_slice %arg15[%mul3A_42, %dma_start3A_47] : memref<10240x128xf32, #tpu.memory_space<vmem_shared>> -> memref<640x128xf32, #tpu.memory_space<vmem_shared>>
      tpu.enqueue_dma source(%dma_start3A_48 : memref<640x128xf32, #tpu.memory_space<vmem_shared>>) target(%dma_start3A_46 : memref<640x128xf32, #tpu.memory_space<hbm>>) target_semaphore(%run_scoped3A : memref<!tpu.dma_semaphore, #tpu.memory_space<semaphore_mem>>)
      %dma_wait3A = arith.constant 0 : i32
      %dma_wait3A_49 = tpu.memref_slice %arg8[%arg0, %mul3A_44, %dma_wait3A] : memref<2x10240x128xf32, #tpu.memory_space<hbm>> -> memref<1x640x128xf32, #tpu.memory_space<hbm>>
      %dma_wait3A_50 = tpu.memref_squeeze %dma_wait3A_49 : memref<1x640x128xf32, #tpu.memory_space<hbm>> -> memref<640x128xf32, #tpu.memory_space<hbm>>
      %dma_wait3A_51 = arith.constant 0 : i32
      %dma_wait3A_52 = tpu.memref_slice %arg15[%mul3A_42, %dma_wait3A_51] : memref<10240x128xf32, #tpu.memory_space<vmem_shared>> -> memref<640x128xf32, #tpu.memory_space<vmem_shared>>
      tpu.wait_dma2 semaphore(%run_scoped3A : memref<!tpu.dma_semaphore, #tpu.memory_space<semaphore_mem>>) src(%dma_wait3A_52 : memref<640x128xf32, #tpu.memory_space<vmem_shared>>) dst(%dma_wait3A_50 : memref<640x128xf32, #tpu.memory_space<hbm>>)
      tpu.yield
    }) : () -> ()
    return
  }
}

#map = affine_map<(d0, d1) -> (0, 0)>
#map1 = affine_map<(d0, d1) -> (0)>
#map2 = affine_map<(d0, d1) -> (0, 0, 0)>
module attributes {stable_mosaic.version = 14 : i64} {
  func.func @_sc_layer_body(%arg0: i32, %arg1: i32, %arg2: memref<10000x128xf32, #tpu.memory_space<hbm>>, %arg3: memref<10000x128xf32, #tpu.memory_space<hbm>>, %arg4: memref<320000x128xf32, #tpu.memory_space<hbm>>, %arg5: memref<320000xi32, #tpu.memory_space<hbm>>, %arg6: memref<320000xi32, #tpu.memory_space<hbm>>, %arg7: memref<128x128xf32, #tpu.memory_space<hbm>>, %arg8: memref<2x10240x128xf32, #tpu.memory_space<hbm>>, %arg9: memref<80xi32, #tpu.memory_space<vmem>>, %arg10: memref<80xi32, #tpu.memory_space<vmem>>, %arg11: memref<80x128xf32, #tpu.memory_space<vmem>>, %arg12: memref<80x128xf32, #tpu.memory_space<vmem>>, %arg13: memref<80x128xf32, #tpu.memory_space<vmem>>, %arg14: memref<80x128xf32, #tpu.memory_space<vmem>>, %arg15: memref<10240x128xf32, #tpu.memory_space<vmem_shared>>, %arg16: memref<!tpu.dma_semaphore, #tpu.memory_space<semaphore_mem>>, %arg17: memref<!tpu.dma_semaphore, #tpu.memory_space<semaphore_mem>>, %arg18: memref<!tpu.dma_semaphore, #tpu.memory_space<semaphore_mem>>, %arg19: memref<!tpu.dma_semaphore, #tpu.memory_space<semaphore_mem>>, %arg20: memref<!tpu.dma_semaphore, #tpu.memory_space<semaphore_mem>>) attributes {dimension_semantics = [#tpu.dimension_semantics<core_parallel>, #tpu.dimension_semantics<subcore_parallel>], iteration_bounds = array<i64: 2, 16>, scalar_prefetch = 0 : i64, scratch_operands = 12 : i64, tpu.core_type = #tpu.core_type<sc_vector_subcore>, window_params = [{transform_indices = #map}, {transform_indices = #map}, {transform_indices = #map}, {transform_indices = #map1}, {transform_indices = #map1}, {transform_indices = #map}, {transform_indices = #map2}]} {
    %mul3A = arith.constant 2 : i32
    %mul3A_0 = arith.muli %arg1, %mul3A : i32
    %add3A = arith.addi %mul3A_0, %arg0 : i32
    %broadcast_in_dim3A = arith.constant 0.000000e+00 : f32
    %broadcast_in_dim3A_1 = vector.broadcast %broadcast_in_dim3A : f32 to vector<16xf32>
    %mul3A_2 = arith.constant 640 : i32
    %mul3A_3 = arith.muli %arg1, %mul3A_2 : i32
    %add3A_4 = arith.constant 0 : i32
    %add3A_5 = arith.addi %mul3A_3, %add3A_4 : i32
    "tpu.region"() ({
      %run_scoped3A = tpu.sem_alloc : memref<!tpu.dma_semaphore, #tpu.memory_space<semaphore_mem>>
      %dma_start3A = arith.constant 0 : i32
      %dma_start3A_45 = tpu.memref_slice %arg15[%add3A_5, %dma_start3A] : memref<10240x128xf32, #tpu.memory_space<vmem_shared>> -> memref<128x128xf32, #tpu.memory_space<vmem_shared>>
      tpu.enqueue_dma source(%arg7 : memref<128x128xf32, #tpu.memory_space<hbm>>) target(%dma_start3A_45 : memref<128x128xf32, #tpu.memory_space<vmem_shared>>) target_semaphore(%run_scoped3A : memref<!tpu.dma_semaphore, #tpu.memory_space<semaphore_mem>>)
      %dma_wait3A = arith.constant 0 : i32
      %dma_wait3A_46 = tpu.memref_slice %arg15[%add3A_5, %dma_wait3A] : memref<10240x128xf32, #tpu.memory_space<vmem_shared>> -> memref<128x128xf32, #tpu.memory_space<vmem_shared>>
      tpu.wait_dma2 semaphore(%run_scoped3A : memref<!tpu.dma_semaphore, #tpu.memory_space<semaphore_mem>>) src(%arg7 : memref<128x128xf32, #tpu.memory_space<hbm>>) dst(%dma_wait3A_46 : memref<128x128xf32, #tpu.memory_space<vmem_shared>>)
      tpu.yield
    }) : () -> ()
    %mul3A_6 = arith.constant 640 : i32
    %mul3A_7 = arith.muli %arg1, %mul3A_6 : i32
    %add3A_8 = arith.constant 128 : i32
    %add3A_9 = arith.addi %mul3A_7, %add3A_8 : i32
    "tpu.region"() ({
      %run_scoped3A = tpu.sem_alloc : memref<!tpu.dma_semaphore, #tpu.memory_space<semaphore_mem>>
      %dma_start3A = arith.constant 0 : i32
      %dma_start3A_45 = tpu.memref_slice %arg15[%add3A_9, %dma_start3A] : memref<10240x128xf32, #tpu.memory_space<vmem_shared>> -> memref<128x128xf32, #tpu.memory_space<vmem_shared>>
      tpu.enqueue_dma source(%arg7 : memref<128x128xf32, #tpu.memory_space<hbm>>) target(%dma_start3A_45 : memref<128x128xf32, #tpu.memory_space<vmem_shared>>) target_semaphore(%run_scoped3A : memref<!tpu.dma_semaphore, #tpu.memory_space<semaphore_mem>>)
      %dma_wait3A = arith.constant 0 : i32
      %dma_wait3A_46 = tpu.memref_slice %arg15[%add3A_9, %dma_wait3A] : memref<10240x128xf32, #tpu.memory_space<vmem_shared>> -> memref<128x128xf32, #tpu.memory_space<vmem_shared>>
      tpu.wait_dma2 semaphore(%run_scoped3A : memref<!tpu.dma_semaphore, #tpu.memory_space<semaphore_mem>>) src(%arg7 : memref<128x128xf32, #tpu.memory_space<hbm>>) dst(%dma_wait3A_46 : memref<128x128xf32, #tpu.memory_space<vmem_shared>>)
      tpu.yield
    }) : () -> ()
    %mul3A_10 = arith.constant 640 : i32
    %mul3A_11 = arith.muli %arg1, %mul3A_10 : i32
    %add3A_12 = arith.constant 256 : i32
    %add3A_13 = arith.addi %mul3A_11, %add3A_12 : i32
    "tpu.region"() ({
      %run_scoped3A = tpu.sem_alloc : memref<!tpu.dma_semaphore, #tpu.memory_space<semaphore_mem>>
      %dma_start3A = arith.constant 0 : i32
      %dma_start3A_45 = tpu.memref_slice %arg15[%add3A_13, %dma_start3A] : memref<10240x128xf32, #tpu.memory_space<vmem_shared>> -> memref<128x128xf32, #tpu.memory_space<vmem_shared>>
      tpu.enqueue_dma source(%arg7 : memref<128x128xf32, #tpu.memory_space<hbm>>) target(%dma_start3A_45 : memref<128x128xf32, #tpu.memory_space<vmem_shared>>) target_semaphore(%run_scoped3A : memref<!tpu.dma_semaphore, #tpu.memory_space<semaphore_mem>>)
      %dma_wait3A = arith.constant 0 : i32
      %dma_wait3A_46 = tpu.memref_slice %arg15[%add3A_13, %dma_wait3A] : memref<10240x128xf32, #tpu.memory_space<vmem_shared>> -> memref<128x128xf32, #tpu.memory_space<vmem_shared>>
      tpu.wait_dma2 semaphore(%run_scoped3A : memref<!tpu.dma_semaphore, #tpu.memory_space<semaphore_mem>>) src(%arg7 : memref<128x128xf32, #tpu.memory_space<hbm>>) dst(%dma_wait3A_46 : memref<128x128xf32, #tpu.memory_space<vmem_shared>>)
      tpu.yield
    }) : () -> ()
    %mul3A_14 = arith.constant 640 : i32
    %mul3A_15 = arith.muli %arg1, %mul3A_14 : i32
    %add3A_16 = arith.constant 384 : i32
    %add3A_17 = arith.addi %mul3A_15, %add3A_16 : i32
    "tpu.region"() ({
      %run_scoped3A = tpu.sem_alloc : memref<!tpu.dma_semaphore, #tpu.memory_space<semaphore_mem>>
      %dma_start3A = arith.constant 0 : i32
      %dma_start3A_45 = tpu.memref_slice %arg15[%add3A_17, %dma_start3A] : memref<10240x128xf32, #tpu.memory_space<vmem_shared>> -> memref<128x128xf32, #tpu.memory_space<vmem_shared>>
      tpu.enqueue_dma source(%arg7 : memref<128x128xf32, #tpu.memory_space<hbm>>) target(%dma_start3A_45 : memref<128x128xf32, #tpu.memory_space<vmem_shared>>) target_semaphore(%run_scoped3A : memref<!tpu.dma_semaphore, #tpu.memory_space<semaphore_mem>>)
      %dma_wait3A = arith.constant 0 : i32
      %dma_wait3A_46 = tpu.memref_slice %arg15[%add3A_17, %dma_wait3A] : memref<10240x128xf32, #tpu.memory_space<vmem_shared>> -> memref<128x128xf32, #tpu.memory_space<vmem_shared>>
      tpu.wait_dma2 semaphore(%run_scoped3A : memref<!tpu.dma_semaphore, #tpu.memory_space<semaphore_mem>>) src(%arg7 : memref<128x128xf32, #tpu.memory_space<hbm>>) dst(%dma_wait3A_46 : memref<128x128xf32, #tpu.memory_space<vmem_shared>>)
      tpu.yield
    }) : () -> ()
    %mul3A_18 = arith.constant 640 : i32
    %mul3A_19 = arith.muli %arg1, %mul3A_18 : i32
    %add3A_20 = arith.constant 512 : i32
    %add3A_21 = arith.addi %mul3A_19, %add3A_20 : i32
    "tpu.region"() ({
      %run_scoped3A = tpu.sem_alloc : memref<!tpu.dma_semaphore, #tpu.memory_space<semaphore_mem>>
      %dma_start3A = arith.constant 0 : i32
      %dma_start3A_45 = tpu.memref_slice %arg15[%add3A_21, %dma_start3A] : memref<10240x128xf32, #tpu.memory_space<vmem_shared>> -> memref<128x128xf32, #tpu.memory_space<vmem_shared>>
      tpu.enqueue_dma source(%arg7 : memref<128x128xf32, #tpu.memory_space<hbm>>) target(%dma_start3A_45 : memref<128x128xf32, #tpu.memory_space<vmem_shared>>) target_semaphore(%run_scoped3A : memref<!tpu.dma_semaphore, #tpu.memory_space<semaphore_mem>>)
      %dma_wait3A = arith.constant 0 : i32
      %dma_wait3A_46 = tpu.memref_slice %arg15[%add3A_21, %dma_wait3A] : memref<10240x128xf32, #tpu.memory_space<vmem_shared>> -> memref<128x128xf32, #tpu.memory_space<vmem_shared>>
      tpu.wait_dma2 semaphore(%run_scoped3A : memref<!tpu.dma_semaphore, #tpu.memory_space<semaphore_mem>>) src(%arg7 : memref<128x128xf32, #tpu.memory_space<hbm>>) dst(%dma_wait3A_46 : memref<128x128xf32, #tpu.memory_space<vmem_shared>>)
      tpu.yield
    }) : () -> ()
    %iota3A = tpu.iota {dimensions = array<i32: 0>} : vector<16xi32>
    %eq3A = arith.constant 0 : i32
    %eq3A_22 = vector.broadcast %eq3A : i32 to vector<16xi32>
    %eq3A_23 = arith.cmpi eq, %iota3A, %eq3A_22 : vector<16xi32>
    %jit3A = arith.constant 1.000000e+00 : f32
    %jit3A_24 = arith.constant 0.000000e+00 : f32
    %broadcast_in_dim3A_25 = vector.broadcast %jit3A : f32 to vector<16xf32>
    %broadcast_in_dim3A_26 = vector.broadcast %jit3A_24 : f32 to vector<16xf32>
    %select_n3A = arith.select %eq3A_23, %broadcast_in_dim3A_25, %broadcast_in_dim3A_26 : vector<16xi1>, vector<16xf32>
    %scan3A = arith.constant 0 : i32
    %scan3A_27 = arith.constant 0 : i32
    %scan3A_28 = arith.constant 80 : i32
    %scan3A_29 = arith.addi %scan3A_27, %scan3A_28 : i32
    %scan3A_30 = arith.constant 1 : i32
    %scan3A_31 = scf.for %scan3A_45 = %scan3A_27 to %scan3A_29 step %scan3A_30 iter_args(%scan3A_46 = %scan3A) -> (i32)  : i32 {
      %swap3A = arith.index_cast %scan3A_45 : i32 to index
      %swap3A_47 = arith.constant 64 : index
      %swap3A_48 = tpu.vector_load %arg14[%swap3A, %swap3A_47] {strides = array<i32>} : memref<80x128xf32, #tpu.memory_space<vmem>>, vector<1x16xf32>,
      %swap3A_49 = vector.shape_cast %swap3A_48 : vector<1x16xf32> to vector<16xf32>
      %swap3A_50 = vector.shape_cast %select_n3A : vector<16xf32> to vector<1x16xf32>
      tpu.vector_store %arg14[%swap3A, %swap3A_47], %swap3A_50 {strides = array<i32>} : memref<80x128xf32, #tpu.memory_space<vmem>>, vector<1x16xf32>,
      %swap3A_51 = arith.index_cast %scan3A_45 : i32 to index
      %swap3A_52 = arith.constant 80 : index
      %swap3A_53 = tpu.vector_load %arg14[%swap3A_51, %swap3A_52] {strides = array<i32>} : memref<80x128xf32, #tpu.memory_space<vmem>>, vector<1x16xf32>,
      %swap3A_54 = vector.shape_cast %swap3A_53 : vector<1x16xf32> to vector<16xf32>
      %swap3A_55 = vector.shape_cast %broadcast_in_dim3A_1 : vector<16xf32> to vector<1x16xf32>
      tpu.vector_store %arg14[%swap3A_51, %swap3A_52], %swap3A_55 {strides = array<i32>} : memref<80x128xf32, #tpu.memory_space<vmem>>, vector<1x16xf32>,
      %swap3A_56 = arith.index_cast %scan3A_45 : i32 to index
      %swap3A_57 = arith.constant 96 : index
      %swap3A_58 = tpu.vector_load %arg14[%swap3A_56, %swap3A_57] {strides = array<i32>} : memref<80x128xf32, #tpu.memory_space<vmem>>, vector<1x16xf32>,
      %swap3A_59 = vector.shape_cast %swap3A_58 : vector<1x16xf32> to vector<16xf32>
      %swap3A_60 = vector.shape_cast %broadcast_in_dim3A_1 : vector<16xf32> to vector<1x16xf32>
      tpu.vector_store %arg14[%swap3A_56, %swap3A_57], %swap3A_60 {strides = array<i32>} : memref<80x128xf32, #tpu.memory_space<vmem>>, vector<1x16xf32>,
      %swap3A_61 = arith.index_cast %scan3A_45 : i32 to index
      %swap3A_62 = arith.constant 112 : index
      %swap3A_63 = tpu.vector_load %arg14[%swap3A_61, %swap3A_62] {strides = array<i32>} : memref<80x128xf32, #tpu.memory_space<vmem>>, vector<1x16xf32>,
      %swap3A_64 = vector.shape_cast %swap3A_63 : vector<1x16xf32> to vector<16xf32>
      %swap3A_65 = vector.shape_cast %broadcast_in_dim3A_1 : vector<16xf32> to vector<1x16xf32>
      tpu.vector_store %arg14[%swap3A_61, %swap3A_62], %swap3A_65 {strides = array<i32>} : memref<80x128xf32, #tpu.memory_space<vmem>>, vector<1x16xf32>,
      %scan3A_66 = arith.constant 0 : i32
      scf.yield %scan3A_66 : i32
    }
    %scan3A_32 = arith.constant 80 : i32
    %barrier3A = arith.constant 0 : index
    tpu.barrier barrier_id(%barrier3A)
    %scan3A_33 = arith.constant 0 : i32
    %scan3A_34 = arith.constant 0 : i32
    %scan3A_35 = arith.constant 125 : i32
    %scan3A_36 = arith.addi %scan3A_34, %scan3A_35 : i32
    %scan3A_37 = arith.constant 1 : i32
    %scan3A_38 = scf.for %scan3A_45 = %scan3A_34 to %scan3A_36 step %scan3A_37 iter_args(%scan3A_46 = %scan3A_33) -> (i32)  : i32 {
      %mul3A_47 = arith.constant 10000 : i32
      %mul3A_48 = arith.muli %add3A, %mul3A_47 : i32
      %mul3A_49 = arith.constant 80 : i32
      %mul3A_50 = arith.muli %scan3A_45, %mul3A_49 : i32
      %add3A_51 = arith.addi %mul3A_48, %mul3A_50 : i32
      %dma_start3A = tpu.memref_slice %arg5[%add3A_51] : memref<320000xi32, #tpu.memory_space<hbm>> -> memref<80xi32, #tpu.memory_space<hbm>>
      %dma_start3A_52 = tpu.memref_slice %arg5[%add3A_51] : memref<320000xi32, #tpu.memory_space<hbm>> -> memref<80xi32, #tpu.memory_space<hbm>>
      tpu.enqueue_dma source(%dma_start3A_52 : memref<80xi32, #tpu.memory_space<hbm>>) target(%arg9 : memref<80xi32, #tpu.memory_space<vmem>>) target_semaphore(%arg18 : memref<!tpu.dma_semaphore, #tpu.memory_space<semaphore_mem>>)
      %dma_start3A_53 = tpu.memref_slice %arg6[%add3A_51] : memref<320000xi32, #tpu.memory_space<hbm>> -> memref<80xi32, #tpu.memory_space<hbm>>
      %dma_start3A_54 = tpu.memref_slice %arg6[%add3A_51] : memref<320000xi32, #tpu.memory_space<hbm>> -> memref<80xi32, #tpu.memory_space<hbm>>
      tpu.enqueue_dma source(%dma_start3A_54 : memref<80xi32, #tpu.memory_space<hbm>>) target(%arg10 : memref<80xi32, #tpu.memory_space<vmem>>) target_semaphore(%arg19 : memref<!tpu.dma_semaphore, #tpu.memory_space<semaphore_mem>>)
      %dma_start3A_55 = arith.constant 0 : i32
      %dma_start3A_56 = tpu.memref_slice %arg4[%add3A_51, %dma_start3A_55] : memref<320000x128xf32, #tpu.memory_space<hbm>> -> memref<80x128xf32, #tpu.memory_space<hbm>>
      %dma_start3A_57 = arith.constant 0 : i32
      %dma_start3A_58 = tpu.memref_slice %arg4[%add3A_51, %dma_start3A_57] : memref<320000x128xf32, #tpu.memory_space<hbm>> -> memref<80x128xf32, #tpu.memory_space<hbm>>
      tpu.enqueue_dma source(%dma_start3A_58 : memref<80x128xf32, #tpu.memory_space<hbm>>) target(%arg11 : memref<80x128xf32, #tpu.memory_space<vmem>>) target_semaphore(%arg20 : memref<!tpu.dma_semaphore, #tpu.memory_space<semaphore_mem>>)
      %dma_wait3A = tpu.memref_slice %arg5[%add3A_51] : memref<320000xi32, #tpu.memory_space<hbm>> -> memref<80xi32, #tpu.memory_space<hbm>>
      %dma_wait3A_59 = tpu.memref_slice %arg5[%add3A_51] : memref<320000xi32, #tpu.memory_space<hbm>> -> memref<80xi32, #tpu.memory_space<hbm>>
      tpu.wait_dma2 semaphore(%arg18 : memref<!tpu.dma_semaphore, #tpu.memory_space<semaphore_mem>>) src(%dma_wait3A_59 : memref<80xi32, #tpu.memory_space<hbm>>) dst(%arg9 : memref<80xi32, #tpu.memory_space<vmem>>)
      %dma_wait3A_60 = tpu.memref_slice %arg6[%add3A_51] : memref<320000xi32, #tpu.memory_space<hbm>> -> memref<80xi32, #tpu.memory_space<hbm>>
      %dma_wait3A_61 = tpu.memref_slice %arg6[%add3A_51] : memref<320000xi32, #tpu.memory_space<hbm>> -> memref<80xi32, #tpu.memory_space<hbm>>
      tpu.wait_dma2 semaphore(%arg19 : memref<!tpu.dma_semaphore, #tpu.memory_space<semaphore_mem>>) src(%dma_wait3A_61 : memref<80xi32, #tpu.memory_space<hbm>>) dst(%arg10 : memref<80xi32, #tpu.memory_space<vmem>>)
      %dma_start3A_62 = arith.constant 0 : i32
      %dma_start3A_63 = arith.constant 0 : i32
      %dma_start3A_64 = tpu.memref_slice %arg2[%dma_start3A_62, %dma_start3A_63] : memref<10000x128xf32, #tpu.memory_space<hbm>> -> memref<10000x128xf32, #tpu.memory_space<hbm>>
      tpu.enqueue_indirect_dma source(%dma_start3A_64 : memref<10000x128xf32, #tpu.memory_space<hbm>>) target(%arg12 : memref<80x128xf32, #tpu.memory_space<vmem>>) offsets(%arg9 : memref<80xi32, #tpu.memory_space<vmem>>) semaphore(%arg16 : memref<!tpu.dma_semaphore, #tpu.memory_space<semaphore_mem>>)
      %dma_start3A_65 = arith.constant 0 : i32
      %dma_start3A_66 = arith.constant 0 : i32
      %dma_start3A_67 = tpu.memref_slice %arg3[%dma_start3A_65, %dma_start3A_66] : memref<10000x128xf32, #tpu.memory_space<hbm>> -> memref<10000x128xf32, #tpu.memory_space<hbm>>
      tpu.enqueue_indirect_dma source(%dma_start3A_67 : memref<10000x128xf32, #tpu.memory_space<hbm>>) target(%arg13 : memref<80x128xf32, #tpu.memory_space<vmem>>) offsets(%arg10 : memref<80xi32, #tpu.memory_space<vmem>>) semaphore(%arg17 : memref<!tpu.dma_semaphore, #tpu.memory_space<semaphore_mem>>)
      %dma_wait3A_68 = arith.constant 0 : i32
      %dma_wait3A_69 = tpu.memref_slice %arg4[%add3A_51, %dma_wait3A_68] : memref<320000x128xf32, #tpu.memory_space<hbm>> -> memref<80x128xf32, #tpu.memory_space<hbm>>
      %dma_wait3A_70 = arith.constant 0 : i32
      %dma_wait3A_71 = tpu.memref_slice %arg4[%add3A_51, %dma_wait3A_70] : memref<320000x128xf32, #tpu.memory_space<hbm>> -> memref<80x128xf32, #tpu.memory_space<hbm>>
      tpu.wait_dma2 semaphore(%arg20 : memref<!tpu.dma_semaphore, #tpu.memory_space<semaphore_mem>>) src(%dma_wait3A_71 : memref<80x128xf32, #tpu.memory_space<hbm>>) dst(%arg11 : memref<80x128xf32, #tpu.memory_space<vmem>>)
      %dma_wait3A_72 = arith.constant 0 : i32
      %dma_wait3A_73 = arith.constant 0 : i32
      %dma_wait3A_74 = tpu.memref_slice %arg2[%dma_wait3A_72, %dma_wait3A_73] : memref<10000x128xf32, #tpu.memory_space<hbm>> -> memref<10000x128xf32, #tpu.memory_space<hbm>>
      tpu.wait_indirect_dma semaphore(%arg16 : memref<!tpu.dma_semaphore, #tpu.memory_space<semaphore_mem>>) src(%dma_wait3A_74 : memref<10000x128xf32, #tpu.memory_space<hbm>>) dst(%arg12 : memref<80x128xf32, #tpu.memory_space<vmem>>)
      %dma_wait3A_75 = arith.constant 0 : i32
      %dma_wait3A_76 = arith.constant 0 : i32
      %dma_wait3A_77 = tpu.memref_slice %arg3[%dma_wait3A_75, %dma_wait3A_76] : memref<10000x128xf32, #tpu.memory_space<hbm>> -> memref<10000x128xf32, #tpu.memory_space<hbm>>
      tpu.wait_indirect_dma semaphore(%arg17 : memref<!tpu.dma_semaphore, #tpu.memory_space<semaphore_mem>>) src(%dma_wait3A_77 : memref<10000x128xf32, #tpu.memory_space<hbm>>) dst(%arg13 : memref<80x128xf32, #tpu.memory_space<vmem>>)
      %scan3A_78 = arith.constant 0 : i32
      %scan3A_79 = arith.constant 0 : i32
      %scan3A_80 = arith.constant 80 : i32
      %scan3A_81 = arith.addi %scan3A_79, %scan3A_80 : i32
      %scan3A_82 = arith.constant 1 : i32
      %scan3A_83 = scf.for %scan3A_86 = %scan3A_79 to %scan3A_81 step %scan3A_82 iter_args(%scan3A_87 = %scan3A_78) -> (i32)  : i32 {
        %get3A = arith.index_cast %scan3A_86 : i32 to index
        %get3A_88 = arith.constant 0 : index
        %get3A_89 = tpu.vector_load %arg11[%get3A, %get3A_88] {strides = array<i32>} : memref<80x128xf32, #tpu.memory_space<vmem>>, vector<1x16xf32>,
        %get3A_90 = vector.shape_cast %get3A_89 : vector<1x16xf32> to vector<16xf32>
        %get3A_91 = arith.index_cast %scan3A_86 : i32 to index
        %get3A_92 = arith.constant 0 : index
        %get3A_93 = tpu.vector_load %arg12[%get3A_91, %get3A_92] {strides = array<i32>} : memref<80x128xf32, #tpu.memory_space<vmem>>, vector<1x16xf32>,
        %get3A_94 = vector.shape_cast %get3A_93 : vector<1x16xf32> to vector<16xf32>
        %add3A_95 = arith.addf %get3A_90, %get3A_94 : vector<16xf32>
        %get3A_96 = arith.index_cast %scan3A_86 : i32 to index
        %get3A_97 = arith.constant 0 : index
        %get3A_98 = tpu.vector_load %arg13[%get3A_96, %get3A_97] {strides = array<i32>} : memref<80x128xf32, #tpu.memory_space<vmem>>, vector<1x16xf32>,
        %get3A_99 = vector.shape_cast %get3A_98 : vector<1x16xf32> to vector<16xf32>
        %add3A_100 = arith.addf %add3A_95, %get3A_99 : vector<16xf32>
        %get3A_101 = arith.index_cast %scan3A_86 : i32 to index
        %get3A_102 = arith.constant 64 : index
        %get3A_103 = tpu.vector_load %arg11[%get3A_101, %get3A_102] {strides = array<i32>} : memref<80x128xf32, #tpu.memory_space<vmem>>, vector<1x16xf32>,
        %get3A_104 = vector.shape_cast %get3A_103 : vector<1x16xf32> to vector<16xf32>
        %get3A_105 = arith.index_cast %scan3A_86 : i32 to index
        %get3A_106 = arith.constant 64 : index
        %get3A_107 = tpu.vector_load %arg12[%get3A_105, %get3A_106] {strides = array<i32>} : memref<80x128xf32, #tpu.memory_space<vmem>>, vector<1x16xf32>,
        %get3A_108 = vector.shape_cast %get3A_107 : vector<1x16xf32> to vector<16xf32>
        %add3A_109 = arith.addf %get3A_104, %get3A_108 : vector<16xf32>
        %get3A_110 = arith.index_cast %scan3A_86 : i32 to index
        %get3A_111 = arith.constant 64 : index
        %get3A_112 = tpu.vector_load %arg13[%get3A_110, %get3A_111] {strides = array<i32>} : memref<80x128xf32, #tpu.memory_space<vmem>>, vector<1x16xf32>,
        %get3A_113 = vector.shape_cast %get3A_112 : vector<1x16xf32> to vector<16xf32>
        %add3A_114 = arith.addf %add3A_109, %get3A_113 : vector<16xf32>
        %neg3A = arith.constant 0.000000e+00 : f32
        %neg3A_115 = vector.broadcast %neg3A : f32 to vector<16xf32>
        %neg3A_116 = arith.subf %neg3A_115, %add3A_100 : vector<16xf32>
        %exp3A = math.exp %neg3A_116 : vector<16xf32>
        %add3A_117 = arith.constant 1.000000e+00 : f32
        %add3A_118 = vector.broadcast %add3A_117 : f32 to vector<16xf32>
        %add3A_119 = arith.addf %add3A_118, %exp3A : vector<16xf32>
        %div3A = arith.constant 1.000000e+00 : f32
        %div3A_120 = vector.broadcast %div3A : f32 to vector<16xf32>
        %div3A_121 = arith.divf %div3A_120, %add3A_119 : vector<16xf32>
        %abs3A = math.absf %add3A_114 : vector<16xf32>
        %neg3A_122 = arith.constant 0.000000e+00 : f32
        %neg3A_123 = vector.broadcast %neg3A_122 : f32 to vector<16xf32>
        %neg3A_124 = arith.subf %neg3A_123, %abs3A : vector<16xf32>
        %exp3A_125 = math.exp %neg3A_124 : vector<16xf32>
        %add3A_126 = arith.constant 2.000000e+00 : f32
        %add3A_127 = vector.broadcast %add3A_126 : f32 to vector<16xf32>
        %add3A_128 = arith.addf %add3A_127, %exp3A_125 : vector<16xf32>
        %div3A_129 = arith.divf %exp3A_125, %add3A_128 : vector<16xf32>
        %mul3A_130 = arith.mulf %div3A_129, %div3A_129 : vector<16xf32>
        %mul3A_131 = arith.constant 0.111111112 : f32
        %mul3A_132 = vector.broadcast %mul3A_131 : f32 to vector<16xf32>
        %mul3A_133 = arith.mulf %mul3A_130, %mul3A_132 : vector<16xf32>
        %add3A_134 = arith.constant 0.142857149 : f32
        %add3A_135 = vector.broadcast %add3A_134 : f32 to vector<16xf32>
        %add3A_136 = arith.addf %add3A_135, %mul3A_133 : vector<16xf32>
        %mul3A_137 = arith.mulf %mul3A_130, %add3A_136 : vector<16xf32>
        %add3A_138 = arith.constant 2.000000e-01 : f32
        %add3A_139 = vector.broadcast %add3A_138 : f32 to vector<16xf32>
        %add3A_140 = arith.addf %add3A_139, %mul3A_137 : vector<16xf32>
        %mul3A_141 = arith.mulf %mul3A_130, %add3A_140 : vector<16xf32>
        %add3A_142 = arith.constant 0.333333343 : f32
        %add3A_143 = vector.broadcast %add3A_142 : f32 to vector<16xf32>
        %add3A_144 = arith.addf %add3A_143, %mul3A_141 : vector<16xf32>
        %mul3A_145 = arith.mulf %mul3A_130, %add3A_144 : vector<16xf32>
        %add3A_146 = arith.constant 1.000000e+00 : f32
        %add3A_147 = vector.broadcast %add3A_146 : f32 to vector<16xf32>
        %add3A_148 = arith.addf %add3A_147, %mul3A_145 : vector<16xf32>
        %mul3A_149 = arith.mulf %div3A_129, %add3A_148 : vector<16xf32>
        %max3A = arith.constant 0.000000e+00 : f32
        %max3A_150 = vector.broadcast %max3A : f32 to vector<16xf32>
        %max3A_151 = arith.maximumf %add3A_114, %max3A_150 : vector<16xf32>
        %mul3A_152 = arith.constant 2.000000e+00 : f32
        %mul3A_153 = vector.broadcast %mul3A_152 : f32 to vector<16xf32>
        %mul3A_154 = arith.mulf %mul3A_153, %mul3A_149 : vector<16xf32>
        %add3A_155 = arith.addf %max3A_151, %mul3A_154 : vector<16xf32>
        %mul3A_156 = arith.mulf %div3A_121, %add3A_155 : vector<16xf32>
        %swap3A = arith.index_cast %scan3A_86 : i32 to index
        %swap3A_157 = arith.constant 0 : index
        %swap3A_158 = tpu.vector_load %arg14[%swap3A, %swap3A_157] {strides = array<i32>} : memref<80x128xf32, #tpu.memory_space<vmem>>, vector<1x16xf32>,
        %swap3A_159 = vector.shape_cast %swap3A_158 : vector<1x16xf32> to vector<16xf32>
        %swap3A_160 = vector.shape_cast %mul3A_156 : vector<16xf32> to vector<1x16xf32>
        tpu.vector_store %arg14[%swap3A, %swap3A_157], %swap3A_160 {strides = array<i32>} : memref<80x128xf32, #tpu.memory_space<vmem>>, vector<1x16xf32>,
        %get3A_161 = arith.index_cast %scan3A_86 : i32 to index
        %get3A_162 = arith.constant 16 : index
        %get3A_163 = tpu.vector_load %arg11[%get3A_161, %get3A_162] {strides = array<i32>} : memref<80x128xf32, #tpu.memory_space<vmem>>, vector<1x16xf32>,
        %get3A_164 = vector.shape_cast %get3A_163 : vector<1x16xf32> to vector<16xf32>
        %get3A_165 = arith.index_cast %scan3A_86 : i32 to index
        %get3A_166 = arith.constant 16 : index
        %get3A_167 = tpu.vector_load %arg12[%get3A_165, %get3A_166] {strides = array<i32>} : memref<80x128xf32, #tpu.memory_space<vmem>>, vector<1x16xf32>,
        %get3A_168 = vector.shape_cast %get3A_167 : vector<1x16xf32> to vector<16xf32>
        %add3A_169 = arith.addf %get3A_164, %get3A_168 : vector<16xf32>
        %get3A_170 = arith.index_cast %scan3A_86 : i32 to index
        %get3A_171 = arith.constant 16 : index
        %get3A_172 = tpu.vector_load %arg13[%get3A_170, %get3A_171] {strides = array<i32>} : memref<80x128xf32, #tpu.memory_space<vmem>>, vector<1x16xf32>,
        %get3A_173 = vector.shape_cast %get3A_172 : vector<1x16xf32> to vector<16xf32>
        %add3A_174 = arith.addf %add3A_169, %get3A_173 : vector<16xf32>
        %get3A_175 = arith.index_cast %scan3A_86 : i32 to index
        %get3A_176 = arith.constant 80 : index
        %get3A_177 = tpu.vector_load %arg11[%get3A_175, %get3A_176] {strides = array<i32>} : memref<80x128xf32, #tpu.memory_space<vmem>>, vector<1x16xf32>,
        %get3A_178 = vector.shape_cast %get3A_177 : vector<1x16xf32> to vector<16xf32>
        %get3A_179 = arith.index_cast %scan3A_86 : i32 to index
        %get3A_180 = arith.constant 80 : index
        %get3A_181 = tpu.vector_load %arg12[%get3A_179, %get3A_180] {strides = array<i32>} : memref<80x128xf32, #tpu.memory_space<vmem>>, vector<1x16xf32>,
        %get3A_182 = vector.shape_cast %get3A_181 : vector<1x16xf32> to vector<16xf32>
        %add3A_183 = arith.addf %get3A_178, %get3A_182 : vector<16xf32>
        %get3A_184 = arith.index_cast %scan3A_86 : i32 to index
        %get3A_185 = arith.constant 80 : index
        %get3A_186 = tpu.vector_load %arg13[%get3A_184, %get3A_185] {strides = array<i32>} : memref<80x128xf32, #tpu.memory_space<vmem>>, vector<1x16xf32>,
        %get3A_187 = vector.shape_cast %get3A_186 : vector<1x16xf32> to vector<16xf32>
        %add3A_188 = arith.addf %add3A_183, %get3A_187 : vector<16xf32>
        %neg3A_189 = arith.constant 0.000000e+00 : f32
        %neg3A_190 = vector.broadcast %neg3A_189 : f32 to vector<16xf32>
        %neg3A_191 = arith.subf %neg3A_190, %add3A_174 : vector<16xf32>
        %exp3A_192 = math.exp %neg3A_191 : vector<16xf32>
        %add3A_193 = arith.constant 1.000000e+00 : f32
        %add3A_194 = vector.broadcast %add3A_193 : f32 to vector<16xf32>
        %add3A_195 = arith.addf %add3A_194, %exp3A_192 : vector<16xf32>
        %div3A_196 = arith.constant 1.000000e+00 : f32
        %div3A_197 = vector.broadcast %div3A_196 : f32 to vector<16xf32>
        %div3A_198 = arith.divf %div3A_197, %add3A_195 : vector<16xf32>
        %abs3A_199 = math.absf %add3A_188 : vector<16xf32>
        %neg3A_200 = arith.constant 0.000000e+00 : f32
        %neg3A_201 = vector.broadcast %neg3A_200 : f32 to vector<16xf32>
        %neg3A_202 = arith.subf %neg3A_201, %abs3A_199 : vector<16xf32>
        %exp3A_203 = math.exp %neg3A_202 : vector<16xf32>
        %add3A_204 = arith.constant 2.000000e+00 : f32
        %add3A_205 = vector.broadcast %add3A_204 : f32 to vector<16xf32>
        %add3A_206 = arith.addf %add3A_205, %exp3A_203 : vector<16xf32>
        %div3A_207 = arith.divf %exp3A_203, %add3A_206 : vector<16xf32>
        %mul3A_208 = arith.mulf %div3A_207, %div3A_207 : vector<16xf32>
        %mul3A_209 = arith.constant 0.111111112 : f32
        %mul3A_210 = vector.broadcast %mul3A_209 : f32 to vector<16xf32>
        %mul3A_211 = arith.mulf %mul3A_208, %mul3A_210 : vector<16xf32>
        %add3A_212 = arith.constant 0.142857149 : f32
        %add3A_213 = vector.broadcast %add3A_212 : f32 to vector<16xf32>
        %add3A_214 = arith.addf %add3A_213, %mul3A_211 : vector<16xf32>
        %mul3A_215 = arith.mulf %mul3A_208, %add3A_214 : vector<16xf32>
        %add3A_216 = arith.constant 2.000000e-01 : f32
        %add3A_217 = vector.broadcast %add3A_216 : f32 to vector<16xf32>
        %add3A_218 = arith.addf %add3A_217, %mul3A_215 : vector<16xf32>
        %mul3A_219 = arith.mulf %mul3A_208, %add3A_218 : vector<16xf32>
        %add3A_220 = arith.constant 0.333333343 : f32
        %add3A_221 = vector.broadcast %add3A_220 : f32 to vector<16xf32>
        %add3A_222 = arith.addf %add3A_221, %mul3A_219 : vector<16xf32>
        %mul3A_223 = arith.mulf %mul3A_208, %add3A_222 : vector<16xf32>
        %add3A_224 = arith.constant 1.000000e+00 : f32
        %add3A_225 = vector.broadcast %add3A_224 : f32 to vector<16xf32>
        %add3A_226 = arith.addf %add3A_225, %mul3A_223 : vector<16xf32>
        %mul3A_227 = arith.mulf %div3A_207, %add3A_226 : vector<16xf32>
        %max3A_228 = arith.constant 0.000000e+00 : f32
        %max3A_229 = vector.broadcast %max3A_228 : f32 to vector<16xf32>
        %max3A_230 = arith.maximumf %add3A_188, %max3A_229 : vector<16xf32>
        %mul3A_231 = arith.constant 2.000000e+00 : f32
        %mul3A_232 = vector.broadcast %mul3A_231 : f32 to vector<16xf32>
        %mul3A_233 = arith.mulf %mul3A_232, %mul3A_227 : vector<16xf32>
        %add3A_234 = arith.addf %max3A_230, %mul3A_233 : vector<16xf32>
        %mul3A_235 = arith.mulf %div3A_198, %add3A_234 : vector<16xf32>
        %swap3A_236 = arith.index_cast %scan3A_86 : i32 to index
        %swap3A_237 = arith.constant 16 : index
        %swap3A_238 = tpu.vector_load %arg14[%swap3A_236, %swap3A_237] {strides = array<i32>} : memref<80x128xf32, #tpu.memory_space<vmem>>, vector<1x16xf32>,
        %swap3A_239 = vector.shape_cast %swap3A_238 : vector<1x16xf32> to vector<16xf32>
        %swap3A_240 = vector.shape_cast %mul3A_235 : vector<16xf32> to vector<1x16xf32>
        tpu.vector_store %arg14[%swap3A_236, %swap3A_237], %swap3A_240 {strides = array<i32>} : memref<80x128xf32, #tpu.memory_space<vmem>>, vector<1x16xf32>,
        %get3A_241 = arith.index_cast %scan3A_86 : i32 to index
        %get3A_242 = arith.constant 32 : index
        %get3A_243 = tpu.vector_load %arg11[%get3A_241, %get3A_242] {strides = array<i32>} : memref<80x128xf32, #tpu.memory_space<vmem>>, vector<1x16xf32>,
        %get3A_244 = vector.shape_cast %get3A_243 : vector<1x16xf32> to vector<16xf32>
        %get3A_245 = arith.index_cast %scan3A_86 : i32 to index
        %get3A_246 = arith.constant 32 : index
        %get3A_247 = tpu.vector_load %arg12[%get3A_245, %get3A_246] {strides = array<i32>} : memref<80x128xf32, #tpu.memory_space<vmem>>, vector<1x16xf32>,
        %get3A_248 = vector.shape_cast %get3A_247 : vector<1x16xf32> to vector<16xf32>
        %add3A_249 = arith.addf %get3A_244, %get3A_248 : vector<16xf32>
        %get3A_250 = arith.index_cast %scan3A_86 : i32 to index
        %get3A_251 = arith.constant 32 : index
        %get3A_252 = tpu.vector_load %arg13[%get3A_250, %get3A_251] {strides = array<i32>} : memref<80x128xf32, #tpu.memory_space<vmem>>, vector<1x16xf32>,
        %get3A_253 = vector.shape_cast %get3A_252 : vector<1x16xf32> to vector<16xf32>
        %add3A_254 = arith.addf %add3A_249, %get3A_253 : vector<16xf32>
        %get3A_255 = arith.index_cast %scan3A_86 : i32 to index
        %get3A_256 = arith.constant 96 : index
        %get3A_257 = tpu.vector_load %arg11[%get3A_255, %get3A_256] {strides = array<i32>} : memref<80x128xf32, #tpu.memory_space<vmem>>, vector<1x16xf32>,
        %get3A_258 = vector.shape_cast %get3A_257 : vector<1x16xf32> to vector<16xf32>
        %get3A_259 = arith.index_cast %scan3A_86 : i32 to index
        %get3A_260 = arith.constant 96 : index
        %get3A_261 = tpu.vector_load %arg12[%get3A_259, %get3A_260] {strides = array<i32>} : memref<80x128xf32, #tpu.memory_space<vmem>>, vector<1x16xf32>,
        %get3A_262 = vector.shape_cast %get3A_261 : vector<1x16xf32> to vector<16xf32>
        %add3A_263 = arith.addf %get3A_258, %get3A_262 : vector<16xf32>
        %get3A_264 = arith.index_cast %scan3A_86 : i32 to index
        %get3A_265 = arith.constant 96 : index
        %get3A_266 = tpu.vector_load %arg13[%get3A_264, %get3A_265] {strides = array<i32>} : memref<80x128xf32, #tpu.memory_space<vmem>>, vector<1x16xf32>,
        %get3A_267 = vector.shape_cast %get3A_266 : vector<1x16xf32> to vector<16xf32>
        %add3A_268 = arith.addf %add3A_263, %get3A_267 : vector<16xf32>
        %neg3A_269 = arith.constant 0.000000e+00 : f32
        %neg3A_270 = vector.broadcast %neg3A_269 : f32 to vector<16xf32>
        %neg3A_271 = arith.subf %neg3A_270, %add3A_254 : vector<16xf32>
        %exp3A_272 = math.exp %neg3A_271 : vector<16xf32>
        %add3A_273 = arith.constant 1.000000e+00 : f32
        %add3A_274 = vector.broadcast %add3A_273 : f32 to vector<16xf32>
        %add3A_275 = arith.addf %add3A_274, %exp3A_272 : vector<16xf32>
        %div3A_276 = arith.constant 1.000000e+00 : f32
        %div3A_277 = vector.broadcast %div3A_276 : f32 to vector<16xf32>
        %div3A_278 = arith.divf %div3A_277, %add3A_275 : vector<16xf32>
        %abs3A_279 = math.absf %add3A_268 : vector<16xf32>
        %neg3A_280 = arith.constant 0.000000e+00 : f32
        %neg3A_281 = vector.broadcast %neg3A_280 : f32 to vector<16xf32>
        %neg3A_282 = arith.subf %neg3A_281, %abs3A_279 : vector<16xf32>
        %exp3A_283 = math.exp %neg3A_282 : vector<16xf32>
        %add3A_284 = arith.constant 2.000000e+00 : f32
        %add3A_285 = vector.broadcast %add3A_284 : f32 to vector<16xf32>
        %add3A_286 = arith.addf %add3A_285, %exp3A_283 : vector<16xf32>
        %div3A_287 = arith.divf %exp3A_283, %add3A_286 : vector<16xf32>
        %mul3A_288 = arith.mulf %div3A_287, %div3A_287 : vector<16xf32>
        %mul3A_289 = arith.constant 0.111111112 : f32
        %mul3A_290 = vector.broadcast %mul3A_289 : f32 to vector<16xf32>
        %mul3A_291 = arith.mulf %mul3A_288, %mul3A_290 : vector<16xf32>
        %add3A_292 = arith.constant 0.142857149 : f32
        %add3A_293 = vector.broadcast %add3A_292 : f32 to vector<16xf32>
        %add3A_294 = arith.addf %add3A_293, %mul3A_291 : vector<16xf32>
        %mul3A_295 = arith.mulf %mul3A_288, %add3A_294 : vector<16xf32>
        %add3A_296 = arith.constant 2.000000e-01 : f32
        %add3A_297 = vector.broadcast %add3A_296 : f32 to vector<16xf32>
        %add3A_298 = arith.addf %add3A_297, %mul3A_295 : vector<16xf32>
        %mul3A_299 = arith.mulf %mul3A_288, %add3A_298 : vector<16xf32>
        %add3A_300 = arith.constant 0.333333343 : f32
        %add3A_301 = vector.broadcast %add3A_300 : f32 to vector<16xf32>
        %add3A_302 = arith.addf %add3A_301, %mul3A_299 : vector<16xf32>
        %mul3A_303 = arith.mulf %mul3A_288, %add3A_302 : vector<16xf32>
        %add3A_304 = arith.constant 1.000000e+00 : f32
        %add3A_305 = vector.broadcast %add3A_304 : f32 to vector<16xf32>
        %add3A_306 = arith.addf %add3A_305, %mul3A_303 : vector<16xf32>
        %mul3A_307 = arith.mulf %div3A_287, %add3A_306 : vector<16xf32>
        %max3A_308 = arith.constant 0.000000e+00 : f32
        %max3A_309 = vector.broadcast %max3A_308 : f32 to vector<16xf32>
        %max3A_310 = arith.maximumf %add3A_268, %max3A_309 : vector<16xf32>
        %mul3A_311 = arith.constant 2.000000e+00 : f32
        %mul3A_312 = vector.broadcast %mul3A_311 : f32 to vector<16xf32>
        %mul3A_313 = arith.mulf %mul3A_312, %mul3A_307 : vector<16xf32>
        %add3A_314 = arith.addf %max3A_310, %mul3A_313 : vector<16xf32>
        %mul3A_315 = arith.mulf %div3A_278, %add3A_314 : vector<16xf32>
        %swap3A_316 = arith.index_cast %scan3A_86 : i32 to index
        %swap3A_317 = arith.constant 32 : index
        %swap3A_318 = tpu.vector_load %arg14[%swap3A_316, %swap3A_317] {strides = array<i32>} : memref<80x128xf32, #tpu.memory_space<vmem>>, vector<1x16xf32>,
        %swap3A_319 = vector.shape_cast %swap3A_318 : vector<1x16xf32> to vector<16xf32>
        %swap3A_320 = vector.shape_cast %mul3A_315 : vector<16xf32> to vector<1x16xf32>
        tpu.vector_store %arg14[%swap3A_316, %swap3A_317], %swap3A_320 {strides = array<i32>} : memref<80x128xf32, #tpu.memory_space<vmem>>, vector<1x16xf32>,
        %get3A_321 = arith.index_cast %scan3A_86 : i32 to index
        %get3A_322 = arith.constant 48 : index
        %get3A_323 = tpu.vector_load %arg11[%get3A_321, %get3A_322] {strides = array<i32>} : memref<80x128xf32, #tpu.memory_space<vmem>>, vector<1x16xf32>,
        %get3A_324 = vector.shape_cast %get3A_323 : vector<1x16xf32> to vector<16xf32>
        %get3A_325 = arith.index_cast %scan3A_86 : i32 to index
        %get3A_326 = arith.constant 48 : index
        %get3A_327 = tpu.vector_load %arg12[%get3A_325, %get3A_326] {strides = array<i32>} : memref<80x128xf32, #tpu.memory_space<vmem>>, vector<1x16xf32>,
        %get3A_328 = vector.shape_cast %get3A_327 : vector<1x16xf32> to vector<16xf32>
        %add3A_329 = arith.addf %get3A_324, %get3A_328 : vector<16xf32>
        %get3A_330 = arith.index_cast %scan3A_86 : i32 to index
        %get3A_331 = arith.constant 48 : index
        %get3A_332 = tpu.vector_load %arg13[%get3A_330, %get3A_331] {strides = array<i32>} : memref<80x128xf32, #tpu.memory_space<vmem>>, vector<1x16xf32>,
        %get3A_333 = vector.shape_cast %get3A_332 : vector<1x16xf32> to vector<16xf32>
        %add3A_334 = arith.addf %add3A_329, %get3A_333 : vector<16xf32>
        %get3A_335 = arith.index_cast %scan3A_86 : i32 to index
        %get3A_336 = arith.constant 112 : index
        %get3A_337 = tpu.vector_load %arg11[%get3A_335, %get3A_336] {strides = array<i32>} : memref<80x128xf32, #tpu.memory_space<vmem>>, vector<1x16xf32>,
        %get3A_338 = vector.shape_cast %get3A_337 : vector<1x16xf32> to vector<16xf32>
        %get3A_339 = arith.index_cast %scan3A_86 : i32 to index
        %get3A_340 = arith.constant 112 : index
        %get3A_341 = tpu.vector_load %arg12[%get3A_339, %get3A_340] {strides = array<i32>} : memref<80x128xf32, #tpu.memory_space<vmem>>, vector<1x16xf32>,
        %get3A_342 = vector.shape_cast %get3A_341 : vector<1x16xf32> to vector<16xf32>
        %add3A_343 = arith.addf %get3A_338, %get3A_342 : vector<16xf32>
        %get3A_344 = arith.index_cast %scan3A_86 : i32 to index
        %get3A_345 = arith.constant 112 : index
        %get3A_346 = tpu.vector_load %arg13[%get3A_344, %get3A_345] {strides = array<i32>} : memref<80x128xf32, #tpu.memory_space<vmem>>, vector<1x16xf32>,
        %get3A_347 = vector.shape_cast %get3A_346 : vector<1x16xf32> to vector<16xf32>
        %add3A_348 = arith.addf %add3A_343, %get3A_347 : vector<16xf32>
        %neg3A_349 = arith.constant 0.000000e+00 : f32
        %neg3A_350 = vector.broadcast %neg3A_349 : f32 to vector<16xf32>
        %neg3A_351 = arith.subf %neg3A_350, %add3A_334 : vector<16xf32>
        %exp3A_352 = math.exp %neg3A_351 : vector<16xf32>
        %add3A_353 = arith.constant 1.000000e+00 : f32
        %add3A_354 = vector.broadcast %add3A_353 : f32 to vector<16xf32>
        %add3A_355 = arith.addf %add3A_354, %exp3A_352 : vector<16xf32>
        %div3A_356 = arith.constant 1.000000e+00 : f32
        %div3A_357 = vector.broadcast %div3A_356 : f32 to vector<16xf32>
        %div3A_358 = arith.divf %div3A_357, %add3A_355 : vector<16xf32>
        %abs3A_359 = math.absf %add3A_348 : vector<16xf32>
        %neg3A_360 = arith.constant 0.000000e+00 : f32
        %neg3A_361 = vector.broadcast %neg3A_360 : f32 to vector<16xf32>
        %neg3A_362 = arith.subf %neg3A_361, %abs3A_359 : vector<16xf32>
        %exp3A_363 = math.exp %neg3A_362 : vector<16xf32>
        %add3A_364 = arith.constant 2.000000e+00 : f32
        %add3A_365 = vector.broadcast %add3A_364 : f32 to vector<16xf32>
        %add3A_366 = arith.addf %add3A_365, %exp3A_363 : vector<16xf32>
        %div3A_367 = arith.divf %exp3A_363, %add3A_366 : vector<16xf32>
        %mul3A_368 = arith.mulf %div3A_367, %div3A_367 : vector<16xf32>
        %mul3A_369 = arith.constant 0.111111112 : f32
        %mul3A_370 = vector.broadcast %mul3A_369 : f32 to vector<16xf32>
        %mul3A_371 = arith.mulf %mul3A_368, %mul3A_370 : vector<16xf32>
        %add3A_372 = arith.constant 0.142857149 : f32
        %add3A_373 = vector.broadcast %add3A_372 : f32 to vector<16xf32>
        %add3A_374 = arith.addf %add3A_373, %mul3A_371 : vector<16xf32>
        %mul3A_375 = arith.mulf %mul3A_368, %add3A_374 : vector<16xf32>
        %add3A_376 = arith.constant 2.000000e-01 : f32
        %add3A_377 = vector.broadcast %add3A_376 : f32 to vector<16xf32>
        %add3A_378 = arith.addf %add3A_377, %mul3A_375 : vector<16xf32>
        %mul3A_379 = arith.mulf %mul3A_368, %add3A_378 : vector<16xf32>
        %add3A_380 = arith.constant 0.333333343 : f32
        %add3A_381 = vector.broadcast %add3A_380 : f32 to vector<16xf32>
        %add3A_382 = arith.addf %add3A_381, %mul3A_379 : vector<16xf32>
        %mul3A_383 = arith.mulf %mul3A_368, %add3A_382 : vector<16xf32>
        %add3A_384 = arith.constant 1.000000e+00 : f32
        %add3A_385 = vector.broadcast %add3A_384 : f32 to vector<16xf32>
        %add3A_386 = arith.addf %add3A_385, %mul3A_383 : vector<16xf32>
        %mul3A_387 = arith.mulf %div3A_367, %add3A_386 : vector<16xf32>
        %max3A_388 = arith.constant 0.000000e+00 : f32
        %max3A_389 = vector.broadcast %max3A_388 : f32 to vector<16xf32>
        %max3A_390 = arith.maximumf %add3A_348, %max3A_389 : vector<16xf32>
        %mul3A_391 = arith.constant 2.000000e+00 : f32
        %mul3A_392 = vector.broadcast %mul3A_391 : f32 to vector<16xf32>
        %mul3A_393 = arith.mulf %mul3A_392, %mul3A_387 : vector<16xf32>
        %add3A_394 = arith.addf %max3A_390, %mul3A_393 : vector<16xf32>
        %mul3A_395 = arith.mulf %div3A_358, %add3A_394 : vector<16xf32>
        %swap3A_396 = arith.index_cast %scan3A_86 : i32 to index
        %swap3A_397 = arith.constant 48 : index
        %swap3A_398 = tpu.vector_load %arg14[%swap3A_396, %swap3A_397] {strides = array<i32>} : memref<80x128xf32, #tpu.memory_space<vmem>>, vector<1x16xf32>,
        %swap3A_399 = vector.shape_cast %swap3A_398 : vector<1x16xf32> to vector<16xf32>
        %swap3A_400 = vector.shape_cast %mul3A_395 : vector<16xf32> to vector<1x16xf32>
        tpu.vector_store %arg14[%swap3A_396, %swap3A_397], %swap3A_400 {strides = array<i32>} : memref<80x128xf32, #tpu.memory_space<vmem>>, vector<1x16xf32>,
        %scan3A_401 = arith.constant 0 : i32
        scf.yield %scan3A_401 : i32
      }
      %scan3A_84 = arith.constant 80 : i32
      "tpu.region"() ({
        %run_scoped3A = tpu.sem_alloc : memref<!tpu.dma_semaphore, #tpu.memory_space<semaphore_mem>>
        %dma_start3A_86 = arith.constant 0 : i32
        %dma_start3A_87 = arith.constant 0 : i32
        %dma_start3A_88 = tpu.memref_slice %arg15[%dma_start3A_86, %dma_start3A_87] : memref<10240x128xf32, #tpu.memory_space<vmem_shared>> -> memref<10240x128xf32, #tpu.memory_space<vmem_shared>>
        tpu.enqueue_indirect_dma source(%arg14 : memref<80x128xf32, #tpu.memory_space<vmem>>) target(%dma_start3A_88 : memref<10240x128xf32, #tpu.memory_space<vmem_shared>>) offsets(%arg9 : memref<80xi32, #tpu.memory_space<vmem>>) semaphore(%run_scoped3A : memref<!tpu.dma_semaphore, #tpu.memory_space<semaphore_mem>>) {add = true}
        %dma_wait3A_89 = arith.constant 0 : i32
        %dma_wait3A_90 = arith.constant 0 : i32
        %dma_wait3A_91 = tpu.memref_slice %arg15[%dma_wait3A_89, %dma_wait3A_90] : memref<10240x128xf32, #tpu.memory_space<vmem_shared>> -> memref<10240x128xf32, #tpu.memory_space<vmem_shared>>
        tpu.wait_indirect_dma semaphore(%run_scoped3A : memref<!tpu.dma_semaphore, #tpu.memory_space<semaphore_mem>>) src(%arg14 : memref<80x128xf32, #tpu.memory_space<vmem>>) dst(%dma_wait3A_91 : memref<10240x128xf32, #tpu.memory_space<vmem_shared>>)
        tpu.yield
      }) : () -> ()
      %scan3A_85 = arith.constant 0 : i32
      scf.yield %scan3A_85 : i32
    }
    %scan3A_39 = arith.constant 125 : i32
    %barrier3A_40 = arith.constant 0 : index
    tpu.barrier barrier_id(%barrier3A_40)
    %mul3A_41 = arith.constant 640 : i32
    %mul3A_42 = arith.muli %arg1, %mul3A_41 : i32
    %mul3A_43 = arith.constant 640 : i32
    %mul3A_44 = arith.muli %arg1, %mul3A_43 : i32
    "tpu.region"() ({
      %run_scoped3A = tpu.sem_alloc : memref<!tpu.dma_semaphore, #tpu.memory_space<semaphore_mem>>
      %dma_start3A = arith.constant 0 : i32
      %dma_start3A_45 = tpu.memref_slice %arg8[%arg0, %mul3A_44, %dma_start3A] : memref<2x10240x128xf32, #tpu.memory_space<hbm>> -> memref<1x640x128xf32, #tpu.memory_space<hbm>>
      %dma_start3A_46 = tpu.memref_squeeze %dma_start3A_45 : memref<1x640x128xf32, #tpu.memory_space<hbm>> -> memref<640x128xf32, #tpu.memory_space<hbm>>
      %dma_start3A_47 = arith.constant 0 : i32
      %dma_start3A_48 = tpu.memref_slice %arg15[%mul3A_42, %dma_start3A_47] : memref<10240x128xf32, #tpu.memory_space<vmem_shared>> -> memref<640x128xf32, #tpu.memory_space<vmem_shared>>
      tpu.enqueue_dma source(%dma_start3A_48 : memref<640x128xf32, #tpu.memory_space<vmem_shared>>) target(%dma_start3A_46 : memref<640x128xf32, #tpu.memory_space<hbm>>) target_semaphore(%run_scoped3A : memref<!tpu.dma_semaphore, #tpu.memory_space<semaphore_mem>>)
      %dma_wait3A = arith.constant 0 : i32
      %dma_wait3A_49 = tpu.memref_slice %arg8[%arg0, %mul3A_44, %dma_wait3A] : memref<2x10240x128xf32, #tpu.memory_space<hbm>> -> memref<1x640x128xf32, #tpu.memory_space<hbm>>
      %dma_wait3A_50 = tpu.memref_squeeze %dma_wait3A_49 : memref<1x640x128xf32, #tpu.memory_space<hbm>> -> memref<640x128xf32, #tpu.memory_space<hbm>>
      %dma_wait3A_51 = arith.constant 0 : i32
      %dma_wait3A_52 = tpu.memref_slice %arg15[%mul3A_42, %dma_wait3A_51] : memref<10240x128xf32, #tpu.memory_space<vmem_shared>> -> memref<640x128xf32, #tpu.memory_space<vmem_shared>>
      tpu.wait_dma2 semaphore(%run_scoped3A : memref<!tpu.dma_semaphore, #tpu.memory_space<semaphore_mem>>) src(%dma_wait3A_52 : memref<640x128xf32, #tpu.memory_space<vmem_shared>>) dst(%dma_wait3A_50 : memref<640x128xf32, #tpu.memory_space<hbm>>)
      tpu.yield
    }) : () -> ()
    return
  }
}

module attributes {stable_mosaic.version = 14 : i64} {
  func.func @_tc_ee_body(%arg0: i32, %arg1: memref<3x6400xf32, #tpu.memory_space<vmem>>, %arg2: memref<3x384xf32, #tpu.memory_space<vmem>>, %arg3: memref<1x384xf32, #tpu.memory_space<vmem>>, %arg4: memref<6400x128xf32, #tpu.memory_space<vmem>>, %arg5: memref<6400x128xf32, #tpu.memory_space<vmem>>, %arg6: memref<6400x128xf32, #tpu.memory_space<vmem>>) attributes {dimension_semantics = [#tpu.dimension_semantics<arbitrary>], iteration_bounds = array<i64: 50>, scalar_prefetch = 0 : i64, scratch_operands = 0 : i64, tpu.core_type = #tpu.core_type<tc>, window_params = [{transform_indices = @transform_0, window_bounds = array<i64: 3, 6400>}, {pipeline_mode = #tpu.pipeline_mode<synchronous>, transform_indices = @transform_1, window_bounds = array<i64: 3, 384>}, {pipeline_mode = #tpu.pipeline_mode<synchronous>, transform_indices = @transform_2, window_bounds = array<i64: 1, 384>}, {transform_indices = @transform_3, window_bounds = array<i64: 6400, 128>}, {transform_indices = @transform_4, window_bounds = array<i64: 6400, 128>}, {transform_indices = @transform_5, window_bounds = array<i64: 6400, 128>}]} {
    %get3A = arith.constant 0 : index
    %get3A_0 = arith.constant 0 : index
    %get3A_1 = vector.load %arg1[%get3A, %get3A_0] : memref<3x6400xf32, #tpu.memory_space<vmem>>, vector<3x6400xf32>
    %get3A_2 = arith.constant 0 : index
    %get3A_3 = arith.constant 0 : index
    %get3A_4 = vector.load %arg2[%get3A_2, %get3A_3] : memref<3x384xf32, #tpu.memory_space<vmem>>, vector<3x384xf32>
    %dot_general3A = arith.constant dense<0.000000e+00> : vector<6400x384xf32>
    %dot_general3A_5 = tpu.matmul %get3A_1, %get3A_4, %dot_general3A {dimension_numbers = #tpu.dot_dimension_numbers<[0], [0], [1], [1], [0, 1, 1, 1], [], []>, transpose_lhs_hint = false} : vector<3x6400xf32>, vector<3x384xf32>, vector<6400x384xf32> -> vector<6400x384xf32>
    %get3A_6 = arith.constant 0 : index
    %get3A_7 = arith.constant 0 : index
    %get3A_8 = vector.load %arg3[%get3A_6, %get3A_7] : memref<1x384xf32, #tpu.memory_space<vmem>>, vector<1x384xf32>
    %add3A = vector.broadcast %get3A_8 : vector<1x384xf32> to vector<6400x384xf32>
    %add3A_9 = arith.addf %dot_general3A_5, %add3A : vector<6400x384xf32>
    %slice3A = vector.extract_strided_slice %add3A_9 {offsets = [0, 0], sizes = [6400, 128], strides = [1, 1]} : vector<6400x384xf32> to vector<6400x128xf32>
    %swap3A = arith.constant 0 : index
    %swap3A_10 = arith.constant 0 : index
    %swap3A_11 = vector.load %arg4[%swap3A, %swap3A_10] : memref<6400x128xf32, #tpu.memory_space<vmem>>, vector<6400x128xf32>
    tpu.vector_store %arg4[%swap3A, %swap3A_10], %slice3A {strides = array<i32>} : memref<6400x128xf32, #tpu.memory_space<vmem>>, vector<6400x128xf32>,
    %slice3A_12 = vector.extract_strided_slice %add3A_9 {offsets = [0, 128], sizes = [6400, 128], strides = [1, 1]} : vector<6400x384xf32> to vector<6400x128xf32>
    %swap3A_13 = arith.constant 0 : index
    %swap3A_14 = arith.constant 0 : index
    %swap3A_15 = vector.load %arg5[%swap3A_13, %swap3A_14] : memref<6400x128xf32, #tpu.memory_space<vmem>>, vector<6400x128xf32>
    tpu.vector_store %arg5[%swap3A_13, %swap3A_14], %slice3A_12 {strides = array<i32>} : memref<6400x128xf32, #tpu.memory_space<vmem>>, vector<6400x128xf32>,
    %slice3A_16 = vector.extract_strided_slice %add3A_9 {offsets = [0, 256], sizes = [6400, 128], strides = [1, 1]} : vector<6400x384xf32> to vector<6400x128xf32>
    %swap3A_17 = arith.constant 0 : index
    %swap3A_18 = arith.constant 0 : index
    %swap3A_19 = vector.load %arg6[%swap3A_17, %swap3A_18] : memref<6400x128xf32, #tpu.memory_space<vmem>>, vector<6400x128xf32>
    tpu.vector_store %arg6[%swap3A_17, %swap3A_18], %slice3A_16 {strides = array<i32>} : memref<6400x128xf32, #tpu.memory_space<vmem>>, vector<6400x128xf32>,
    return
  }
  func.func @transform_0(%arg0: i32) -> (i32, i32) {
    %c0_i32 = arith.constant 0 : i32
    %c0_i32_0 = arith.constant 0 : i32
    return %c0_i32, %arg0 : i32, i32
  }
  func.func @transform_1(%arg0: i32) -> (i32, i32) {
    %c0_i32 = arith.constant 0 : i32
    %c0_i32_0 = arith.constant 0 : i32
    %c0_i32_1 = arith.constant 0 : i32
    return %c0_i32, %c0_i32_0 : i32, i32
  }
  func.func @transform_2(%arg0: i32) -> (i32, i32) {
    %c0_i32 = arith.constant 0 : i32
    %c0_i32_0 = arith.constant 0 : i32
    %c0_i32_1 = arith.constant 0 : i32
    return %c0_i32, %c0_i32_0 : i32, i32
  }
  func.func @transform_3(%arg0: i32) -> (i32, i32) {
    %c0_i32 = arith.constant 0 : i32
    %c0_i32_0 = arith.constant 0 : i32
    return %arg0, %c0_i32 : i32, i32
  }
  func.func @transform_4(%arg0: i32) -> (i32, i32) {
    %c0_i32 = arith.constant 0 : i32
    %c0_i32_0 = arith.constant 0 : i32
    return %arg0, %c0_i32 : i32, i32
  }
  func.func @transform_5(%arg0: i32) -> (i32, i32) {
    %c0_i32 = arith.constant 0 : i32
    %c0_i32_0 = arith.constant 0 : i32
    return %arg0, %c0_i32 : i32, i32
  }
}

module attributes {stable_mosaic.version = 14 : i64} {
  func.func @_tc_pre_body(%arg0: memref<10000x128xf32, #tpu.memory_space<vmem>>, %arg1: memref<128x64xf32, #tpu.memory_space<vmem>>, %arg2: memref<1x64xf32, #tpu.memory_space<vmem>>, %arg3: memref<64x128xf32, #tpu.memory_space<vmem>>, %arg4: memref<64x128xf32, #tpu.memory_space<vmem>>, %arg5: memref<10000x64xf32, #tpu.memory_space<vmem>>, %arg6: memref<10000x128xf32, #tpu.memory_space<vmem>>, %arg7: memref<10000x128xf32, #tpu.memory_space<vmem>>) attributes {dimension_semantics = [], scalar_prefetch = 0 : i64, scratch_operands = 0 : i64, tpu.core_type = #tpu.core_type<tc>} {
    %get3A = arith.constant 0 : index
    %get3A_0 = arith.constant 0 : index
    %get3A_1 = vector.load %arg0[%get3A, %get3A_0] : memref<10000x128xf32, #tpu.memory_space<vmem>>, vector<10000x128xf32>
    %get3A_2 = arith.constant 0 : index
    %get3A_3 = arith.constant 0 : index
    %get3A_4 = vector.load %arg1[%get3A_2, %get3A_3] : memref<128x64xf32, #tpu.memory_space<vmem>>, vector<128x64xf32>
    %dot_general3A = arith.constant dense<0.000000e+00> : vector<10000x64xf32>
    %dot_general3A_5 = tpu.matmul %get3A_1, %get3A_4, %dot_general3A {dimension_numbers = #tpu.dot_dimension_numbers<[1], [0], [0], [1], [0, 0, 1, 1], [], []>, transpose_lhs_hint = false} : vector<10000x128xf32>, vector<128x64xf32>, vector<10000x64xf32> -> vector<10000x64xf32>
    %get3A_6 = arith.constant 0 : index
    %get3A_7 = arith.constant 0 : index
    %get3A_8 = vector.load %arg2[%get3A_6, %get3A_7] : memref<1x64xf32, #tpu.memory_space<vmem>>, vector<1x64xf32>
    %add3A = vector.broadcast %get3A_8 : vector<1x64xf32> to vector<10000x64xf32>
    %add3A_9 = arith.addf %dot_general3A_5, %add3A : vector<10000x64xf32>
    %max3A = arith.constant 0.000000e+00 : f32
    %max3A_10 = vector.broadcast %max3A : f32 to vector<10000x64xf32>
    %max3A_11 = arith.maximumf %add3A_9, %max3A_10 : vector<10000x64xf32>
    %swap3A = arith.constant 0 : index
    %swap3A_12 = arith.constant 0 : index
    %swap3A_13 = vector.load %arg5[%swap3A, %swap3A_12] : memref<10000x64xf32, #tpu.memory_space<vmem>>, vector<10000x64xf32>
    tpu.vector_store %arg5[%swap3A, %swap3A_12], %max3A_11 {strides = array<i32>} : memref<10000x64xf32, #tpu.memory_space<vmem>>, vector<10000x64xf32>,
    %get3A_14 = arith.constant 0 : index
    %get3A_15 = arith.constant 0 : index
    %get3A_16 = vector.load %arg3[%get3A_14, %get3A_15] : memref<64x128xf32, #tpu.memory_space<vmem>>, vector<64x128xf32>
    %dot_general3A_17 = arith.constant dense<0.000000e+00> : vector<10000x128xf32>
    %dot_general3A_18 = tpu.matmul %max3A_11, %get3A_16, %dot_general3A_17 {dimension_numbers = #tpu.dot_dimension_numbers<[1], [0], [0], [1], [0, 0, 1, 1], [], []>, transpose_lhs_hint = false} : vector<10000x64xf32>, vector<64x128xf32>, vector<10000x128xf32> -> vector<10000x128xf32>
    %swap3A_19 = arith.constant 0 : index
    %swap3A_20 = arith.constant 0 : index
    %swap3A_21 = vector.load %arg6[%swap3A_19, %swap3A_20] : memref<10000x128xf32, #tpu.memory_space<vmem>>, vector<10000x128xf32>
    tpu.vector_store %arg6[%swap3A_19, %swap3A_20], %dot_general3A_18 {strides = array<i32>} : memref<10000x128xf32, #tpu.memory_space<vmem>>, vector<10000x128xf32>,
    %get3A_22 = arith.constant 0 : index
    %get3A_23 = arith.constant 0 : index
    %get3A_24 = vector.load %arg4[%get3A_22, %get3A_23] : memref<64x128xf32, #tpu.memory_space<vmem>>, vector<64x128xf32>
    %dot_general3A_25 = arith.constant dense<0.000000e+00> : vector<10000x128xf32>
    %dot_general3A_26 = tpu.matmul %max3A_11, %get3A_24, %dot_general3A_25 {dimension_numbers = #tpu.dot_dimension_numbers<[1], [0], [0], [1], [0, 0, 1, 1], [], []>, transpose_lhs_hint = false} : vector<10000x64xf32>, vector<64x128xf32>, vector<10000x128xf32> -> vector<10000x128xf32>
    %swap3A_27 = arith.constant 0 : index
    %swap3A_28 = arith.constant 0 : index
    %swap3A_29 = vector.load %arg7[%swap3A_27, %swap3A_28] : memref<10000x128xf32, #tpu.memory_space<vmem>>, vector<10000x128xf32>
    tpu.vector_store %arg7[%swap3A_27, %swap3A_28], %dot_general3A_26 {strides = array<i32>} : memref<10000x128xf32, #tpu.memory_space<vmem>>, vector<10000x128xf32>,
    return
  }
}

module attributes {stable_mosaic.version = 14 : i64} {
  func.func @_tc_mid_body(%arg0: memref<10000x64xf32, #tpu.memory_space<vmem>>, %arg1: memref<10000x128xf32, #tpu.memory_space<vmem>>, %arg2: memref<10000x128xf32, #tpu.memory_space<vmem>>, %arg3: memref<1x64xf32, #tpu.memory_space<vmem>>, %arg4: memref<1x64xf32, #tpu.memory_space<vmem>>, %arg5: memref<64x128xf32, #tpu.memory_space<vmem>>, %arg6: memref<64x128xf32, #tpu.memory_space<vmem>>, %arg7: memref<10000x64xf32, #tpu.memory_space<vmem>>, %arg8: memref<10000x128xf32, #tpu.memory_space<vmem>>, %arg9: memref<10000x128xf32, #tpu.memory_space<vmem>>) attributes {dimension_semantics = [], scalar_prefetch = 0 : i64, scratch_operands = 0 : i64, tpu.core_type = #tpu.core_type<tc>} {
    %get3A = arith.constant 0 : index
    %get3A_0 = arith.constant 0 : index
    %get3A_1 = vector.load %arg0[%get3A, %get3A_0] : memref<10000x64xf32, #tpu.memory_space<vmem>>, vector<10000x64xf32>
    %get3A_2 = arith.constant 0 : index
    %get3A_3 = arith.constant 0 : index
    %get3A_4 = vector.load %arg1[%get3A_2, %get3A_3] : memref<10000x128xf32, #tpu.memory_space<vmem>>, vector<10000x128xf32>
    %get3A_5 = arith.constant 0 : index
    %get3A_6 = arith.constant 0 : index
    %get3A_7 = vector.load %arg2[%get3A_5, %get3A_6] : memref<10000x128xf32, #tpu.memory_space<vmem>>, vector<10000x128xf32>
    %get3A_8 = arith.constant 0 : index
    %get3A_9 = arith.constant 0 : index
    %get3A_10 = vector.load %arg3[%get3A_8, %get3A_9] : memref<1x64xf32, #tpu.memory_space<vmem>>, vector<1x64xf32>
    %get3A_11 = arith.constant 0 : index
    %get3A_12 = arith.constant 0 : index
    %get3A_13 = vector.load %arg4[%get3A_11, %get3A_12] : memref<1x64xf32, #tpu.memory_space<vmem>>, vector<1x64xf32>
    %slice3A = vector.extract_strided_slice %get3A_4 {offsets = [0, 64], sizes = [10000, 1], strides = [1, 1]} : vector<10000x128xf32> to vector<10000x1xf32>
    %slice3A_14 = vector.extract_strided_slice %get3A_7 {offsets = [0, 64], sizes = [10000, 1], strides = [1, 1]} : vector<10000x128xf32> to vector<10000x1xf32>
    %add3A = arith.addf %slice3A, %slice3A_14 : vector<10000x1xf32>
    %max3A = arith.constant 1.000000e+00 : f32
    %max3A_15 = vector.broadcast %max3A : f32 to vector<10000x1xf32>
    %max3A_16 = arith.maximumf %add3A, %max3A_15 : vector<10000x1xf32>
    %slice3A_17 = vector.extract_strided_slice %get3A_4 {offsets = [0, 0], sizes = [10000, 64], strides = [1, 1]} : vector<10000x128xf32> to vector<10000x64xf32>
    %slice3A_18 = vector.extract_strided_slice %get3A_7 {offsets = [0, 0], sizes = [10000, 64], strides = [1, 1]} : vector<10000x128xf32> to vector<10000x64xf32>
    %add3A_19 = arith.addf %slice3A_17, %slice3A_18 : vector<10000x64xf32>
    %div3A = vector.broadcast %max3A_16 : vector<10000x1xf32> to vector<10000x64xf32>
    %div3A_20 = arith.divf %add3A_19, %div3A : vector<10000x64xf32>
    %add3A_21 = arith.addf %get3A_1, %div3A_20 : vector<10000x64xf32>
    %reduce_sum3A = arith.constant dense<0.000000e+00> : vector<64xf32>
    %reduce_sum3A_22 = vector.multi_reduction <add>, %add3A_21, %reduce_sum3A [0] : vector<10000x64xf32> to vector<64xf32>
    %broadcast_in_dim3A = vector.shape_cast %reduce_sum3A_22 : vector<64xf32> to vector<1x64xf32>
    %div3A_23 = arith.constant 1.000000e+04 : f32
    %div3A_24 = vector.broadcast %div3A_23 : f32 to vector<1x64xf32>
    %div3A_25 = arith.divf %broadcast_in_dim3A, %div3A_24 : vector<1x64xf32>
    %sub3A = vector.broadcast %div3A_25 : vector<1x64xf32> to vector<10000x64xf32>
    %sub3A_26 = arith.subf %add3A_21, %sub3A : vector<10000x64xf32>
    %sub3A_27 = vector.broadcast %div3A_25 : vector<1x64xf32> to vector<10000x64xf32>
    %sub3A_28 = arith.subf %add3A_21, %sub3A_27 : vector<10000x64xf32>
    %mul3A = arith.mulf %sub3A_26, %sub3A_28 : vector<10000x64xf32>
    %reduce_sum3A_29 = arith.constant dense<0.000000e+00> : vector<64xf32>
    %reduce_sum3A_30 = vector.multi_reduction <add>, %mul3A, %reduce_sum3A_29 [0] : vector<10000x64xf32> to vector<64xf32>
    %broadcast_in_dim3A_31 = vector.shape_cast %reduce_sum3A_30 : vector<64xf32> to vector<1x64xf32>
    %div3A_32 = arith.constant 1.000000e+04 : f32
    %div3A_33 = vector.broadcast %div3A_32 : f32 to vector<1x64xf32>
    %div3A_34 = arith.divf %broadcast_in_dim3A_31, %div3A_33 : vector<1x64xf32>
    %sub3A_35 = vector.broadcast %div3A_25 : vector<1x64xf32> to vector<10000x64xf32>
    %sub3A_36 = arith.subf %add3A_21, %sub3A_35 : vector<10000x64xf32>
    %add3A_37 = arith.constant 9.99999974E-6 : f32
    %add3A_38 = vector.broadcast %add3A_37 : f32 to vector<1x64xf32>
    %add3A_39 = arith.addf %div3A_34, %add3A_38 : vector<1x64xf32>
    %rsqrt3A = math.rsqrt %add3A_39 : vector<1x64xf32>
    %mul3A_40 = vector.broadcast %rsqrt3A : vector<1x64xf32> to vector<10000x64xf32>
    %mul3A_41 = arith.mulf %sub3A_36, %mul3A_40 : vector<10000x64xf32>
    %mul3A_42 = vector.broadcast %get3A_10 : vector<1x64xf32> to vector<10000x64xf32>
    %mul3A_43 = arith.mulf %mul3A_41, %mul3A_42 : vector<10000x64xf32>
    %add3A_44 = vector.broadcast %get3A_13 : vector<1x64xf32> to vector<10000x64xf32>
    %add3A_45 = arith.addf %mul3A_43, %add3A_44 : vector<10000x64xf32>
    %swap3A = arith.constant 0 : index
    %swap3A_46 = arith.constant 0 : index
    %swap3A_47 = vector.load %arg7[%swap3A, %swap3A_46] : memref<10000x64xf32, #tpu.memory_space<vmem>>, vector<10000x64xf32>
    tpu.vector_store %arg7[%swap3A, %swap3A_46], %add3A_45 {strides = array<i32>} : memref<10000x64xf32, #tpu.memory_space<vmem>>, vector<10000x64xf32>,
    %get3A_48 = arith.constant 0 : index
    %get3A_49 = arith.constant 0 : index
    %get3A_50 = vector.load %arg5[%get3A_48, %get3A_49] : memref<64x128xf32, #tpu.memory_space<vmem>>, vector<64x128xf32>
    %dot_general3A = arith.constant dense<0.000000e+00> : vector<10000x128xf32>
    %dot_general3A_51 = tpu.matmul %add3A_45, %get3A_50, %dot_general3A {dimension_numbers = #tpu.dot_dimension_numbers<[1], [0], [0], [1], [0, 0, 1, 1], [], []>, transpose_lhs_hint = false} : vector<10000x64xf32>, vector<64x128xf32>, vector<10000x128xf32> -> vector<10000x128xf32>
    %swap3A_52 = arith.constant 0 : index
    %swap3A_53 = arith.constant 0 : index
    %swap3A_54 = vector.load %arg8[%swap3A_52, %swap3A_53] : memref<10000x128xf32, #tpu.memory_space<vmem>>, vector<10000x128xf32>
    tpu.vector_store %arg8[%swap3A_52, %swap3A_53], %dot_general3A_51 {strides = array<i32>} : memref<10000x128xf32, #tpu.memory_space<vmem>>, vector<10000x128xf32>,
    %get3A_55 = arith.constant 0 : index
    %get3A_56 = arith.constant 0 : index
    %get3A_57 = vector.load %arg6[%get3A_55, %get3A_56] : memref<64x128xf32, #tpu.memory_space<vmem>>, vector<64x128xf32>
    %dot_general3A_58 = arith.constant dense<0.000000e+00> : vector<10000x128xf32>
    %dot_general3A_59 = tpu.matmul %add3A_45, %get3A_57, %dot_general3A_58 {dimension_numbers = #tpu.dot_dimension_numbers<[1], [0], [0], [1], [0, 0, 1, 1], [], []>, transpose_lhs_hint = false} : vector<10000x64xf32>, vector<64x128xf32>, vector<10000x128xf32> -> vector<10000x128xf32>
    %swap3A_60 = arith.constant 0 : index
    %swap3A_61 = arith.constant 0 : index
    %swap3A_62 = vector.load %arg9[%swap3A_60, %swap3A_61] : memref<10000x128xf32, #tpu.memory_space<vmem>>, vector<10000x128xf32>
    tpu.vector_store %arg9[%swap3A_60, %swap3A_61], %dot_general3A_59 {strides = array<i32>} : memref<10000x128xf32, #tpu.memory_space<vmem>>, vector<10000x128xf32>,
    return
  }
}

module attributes {stable_mosaic.version = 14 : i64} {
  func.func @_tc_final_body(%arg0: memref<10000x64xf32, #tpu.memory_space<vmem>>, %arg1: memref<10000x128xf32, #tpu.memory_space<vmem>>, %arg2: memref<10000x128xf32, #tpu.memory_space<vmem>>, %arg3: memref<1x64xf32, #tpu.memory_space<vmem>>, %arg4: memref<1x64xf32, #tpu.memory_space<vmem>>, %arg5: memref<1x10000xi32, #tpu.memory_space<vmem>>, %arg6: memref<64x64xf32, #tpu.memory_space<vmem>>, %arg7: memref<1x64xf32, #tpu.memory_space<vmem>>, %arg8: memref<64x1xf32, #tpu.memory_space<vmem>>, %arg9: memref<1x1xf32, #tpu.memory_space<vmem>>, %arg10: memref<128x1xf32, #tpu.memory_space<vmem>>) attributes {dimension_semantics = [], scalar_prefetch = 0 : i64, scratch_operands = 0 : i64, tpu.core_type = #tpu.core_type<tc>} {
    %get3A = arith.constant 0 : index
    %get3A_0 = arith.constant 0 : index
    %get3A_1 = vector.load %arg0[%get3A, %get3A_0] : memref<10000x64xf32, #tpu.memory_space<vmem>>, vector<10000x64xf32>
    %get3A_2 = arith.constant 0 : index
    %get3A_3 = arith.constant 0 : index
    %get3A_4 = vector.load %arg1[%get3A_2, %get3A_3] : memref<10000x128xf32, #tpu.memory_space<vmem>>, vector<10000x128xf32>
    %get3A_5 = arith.constant 0 : index
    %get3A_6 = arith.constant 0 : index
    %get3A_7 = vector.load %arg2[%get3A_5, %get3A_6] : memref<10000x128xf32, #tpu.memory_space<vmem>>, vector<10000x128xf32>
    %get3A_8 = arith.constant 0 : index
    %get3A_9 = arith.constant 0 : index
    %get3A_10 = vector.load %arg3[%get3A_8, %get3A_9] : memref<1x64xf32, #tpu.memory_space<vmem>>, vector<1x64xf32>
    %get3A_11 = arith.constant 0 : index
    %get3A_12 = arith.constant 0 : index
    %get3A_13 = vector.load %arg4[%get3A_11, %get3A_12] : memref<1x64xf32, #tpu.memory_space<vmem>>, vector<1x64xf32>
    %slice3A = vector.extract_strided_slice %get3A_4 {offsets = [0, 64], sizes = [10000, 1], strides = [1, 1]} : vector<10000x128xf32> to vector<10000x1xf32>
    %slice3A_14 = vector.extract_strided_slice %get3A_7 {offsets = [0, 64], sizes = [10000, 1], strides = [1, 1]} : vector<10000x128xf32> to vector<10000x1xf32>
    %add3A = arith.addf %slice3A, %slice3A_14 : vector<10000x1xf32>
    %max3A = arith.constant 1.000000e+00 : f32
    %max3A_15 = vector.broadcast %max3A : f32 to vector<10000x1xf32>
    %max3A_16 = arith.maximumf %add3A, %max3A_15 : vector<10000x1xf32>
    %slice3A_17 = vector.extract_strided_slice %get3A_4 {offsets = [0, 0], sizes = [10000, 64], strides = [1, 1]} : vector<10000x128xf32> to vector<10000x64xf32>
    %slice3A_18 = vector.extract_strided_slice %get3A_7 {offsets = [0, 0], sizes = [10000, 64], strides = [1, 1]} : vector<10000x128xf32> to vector<10000x64xf32>
    %add3A_19 = arith.addf %slice3A_17, %slice3A_18 : vector<10000x64xf32>
    %div3A = vector.broadcast %max3A_16 : vector<10000x1xf32> to vector<10000x64xf32>
    %div3A_20 = arith.divf %add3A_19, %div3A : vector<10000x64xf32>
    %add3A_21 = arith.addf %get3A_1, %div3A_20 : vector<10000x64xf32>
    %reduce_sum3A = arith.constant dense<0.000000e+00> : vector<64xf32>
    %reduce_sum3A_22 = vector.multi_reduction <add>, %add3A_21, %reduce_sum3A [0] : vector<10000x64xf32> to vector<64xf32>
    %broadcast_in_dim3A = vector.shape_cast %reduce_sum3A_22 : vector<64xf32> to vector<1x64xf32>
    %div3A_23 = arith.constant 1.000000e+04 : f32
    %div3A_24 = vector.broadcast %div3A_23 : f32 to vector<1x64xf32>
    %div3A_25 = arith.divf %broadcast_in_dim3A, %div3A_24 : vector<1x64xf32>
    %sub3A = vector.broadcast %div3A_25 : vector<1x64xf32> to vector<10000x64xf32>
    %sub3A_26 = arith.subf %add3A_21, %sub3A : vector<10000x64xf32>
    %sub3A_27 = vector.broadcast %div3A_25 : vector<1x64xf32> to vector<10000x64xf32>
    %sub3A_28 = arith.subf %add3A_21, %sub3A_27 : vector<10000x64xf32>
    %mul3A = arith.mulf %sub3A_26, %sub3A_28 : vector<10000x64xf32>
    %reduce_sum3A_29 = arith.constant dense<0.000000e+00> : vector<64xf32>
    %reduce_sum3A_30 = vector.multi_reduction <add>, %mul3A, %reduce_sum3A_29 [0] : vector<10000x64xf32> to vector<64xf32>
    %broadcast_in_dim3A_31 = vector.shape_cast %reduce_sum3A_30 : vector<64xf32> to vector<1x64xf32>
    %div3A_32 = arith.constant 1.000000e+04 : f32
    %div3A_33 = vector.broadcast %div3A_32 : f32 to vector<1x64xf32>
    %div3A_34 = arith.divf %broadcast_in_dim3A_31, %div3A_33 : vector<1x64xf32>
    %sub3A_35 = vector.broadcast %div3A_25 : vector<1x64xf32> to vector<10000x64xf32>
    %sub3A_36 = arith.subf %add3A_21, %sub3A_35 : vector<10000x64xf32>
    %add3A_37 = arith.constant 9.99999974E-6 : f32
    %add3A_38 = vector.broadcast %add3A_37 : f32 to vector<1x64xf32>
    %add3A_39 = arith.addf %div3A_34, %add3A_38 : vector<1x64xf32>
    %rsqrt3A = math.rsqrt %add3A_39 : vector<1x64xf32>
    %mul3A_40 = vector.broadcast %rsqrt3A : vector<1x64xf32> to vector<10000x64xf32>
    %mul3A_41 = arith.mulf %sub3A_36, %mul3A_40 : vector<10000x64xf32>
    %mul3A_42 = vector.broadcast %get3A_10 : vector<1x64xf32> to vector<10000x64xf32>
    %mul3A_43 = arith.mulf %mul3A_41, %mul3A_42 : vector<10000x64xf32>
    %add3A_44 = vector.broadcast %get3A_13 : vector<1x64xf32> to vector<10000x64xf32>
    %add3A_45 = arith.addf %mul3A_43, %add3A_44 : vector<10000x64xf32>
    %iota3A = tpu.iota {dimensions = array<i32: 0>} : vector<128x10000xi32>
    %get3A_46 = arith.constant 0 : index
    %get3A_47 = arith.constant 0 : index
    %get3A_48 = vector.load %arg5[%get3A_46, %get3A_47] : memref<1x10000xi32, #tpu.memory_space<vmem>>, vector<1x10000xi32>
    %eq3A = vector.broadcast %get3A_48 : vector<1x10000xi32> to vector<128x10000xi32>
    %eq3A_49 = arith.cmpi eq, %eq3A, %iota3A : vector<128x10000xi32>
    %convert_element_type3A = arith.extui %eq3A_49 : vector<128x10000xi1> to vector<128x10000xi32>
    %convert_element_type3A_50 = arith.sitofp %convert_element_type3A : vector<128x10000xi32> to vector<128x10000xf32>
    %reduce_sum3A_51 = arith.constant dense<0.000000e+00> : vector<128xf32>
    %reduce_sum3A_52 = vector.multi_reduction <add>, %convert_element_type3A_50, %reduce_sum3A_51 [1] : vector<128x10000xf32> to vector<128xf32>
    %broadcast_in_dim3A_53 = vector.shape_cast %reduce_sum3A_52 : vector<128xf32> to vector<128x1xf32>
    %max3A_54 = arith.constant 1.000000e+00 : f32
    %max3A_55 = vector.broadcast %max3A_54 : f32 to vector<128x1xf32>
    %max3A_56 = arith.maximumf %broadcast_in_dim3A_53, %max3A_55 : vector<128x1xf32>
    %dot_general3A = arith.constant dense<0.000000e+00> : vector<128x64xf32>
    %dot_general3A_57 = tpu.matmul %convert_element_type3A_50, %add3A_45, %dot_general3A {dimension_numbers = #tpu.dot_dimension_numbers<[1], [0], [0], [1], [0, 0, 1, 1], [], []>, transpose_lhs_hint = false} : vector<128x10000xf32>, vector<10000x64xf32>, vector<128x64xf32> -> vector<128x64xf32>
    %div3A_58 = vector.broadcast %max3A_56 : vector<128x1xf32> to vector<128x64xf32>
    %div3A_59 = arith.divf %dot_general3A_57, %div3A_58 : vector<128x64xf32>
    %get3A_60 = arith.constant 0 : index
    %get3A_61 = arith.constant 0 : index
    %get3A_62 = vector.load %arg6[%get3A_60, %get3A_61] : memref<64x64xf32, #tpu.memory_space<vmem>>, vector<64x64xf32>
    %dot_general3A_63 = arith.constant dense<0.000000e+00> : vector<128x64xf32>
    %dot_general3A_64 = tpu.matmul %div3A_59, %get3A_62, %dot_general3A_63 {dimension_numbers = #tpu.dot_dimension_numbers<[1], [0], [0], [1], [0, 0, 1, 1], [], []>, transpose_lhs_hint = false} : vector<128x64xf32>, vector<64x64xf32>, vector<128x64xf32> -> vector<128x64xf32>
    %get3A_65 = arith.constant 0 : index
    %get3A_66 = arith.constant 0 : index
    %get3A_67 = vector.load %arg7[%get3A_65, %get3A_66] : memref<1x64xf32, #tpu.memory_space<vmem>>, vector<1x64xf32>
    %add3A_68 = vector.broadcast %get3A_67 : vector<1x64xf32> to vector<128x64xf32>
    %add3A_69 = arith.addf %dot_general3A_64, %add3A_68 : vector<128x64xf32>
    %max3A_70 = arith.constant 0.000000e+00 : f32
    %max3A_71 = vector.broadcast %max3A_70 : f32 to vector<128x64xf32>
    %max3A_72 = arith.maximumf %add3A_69, %max3A_71 : vector<128x64xf32>
    %get3A_73 = arith.constant 0 : index
    %get3A_74 = arith.constant 0 : index
    %get3A_75 = vector.load %arg8[%get3A_73, %get3A_74] : memref<64x1xf32, #tpu.memory_space<vmem>>, vector<64x1xf32>
    %dot_general3A_76 = arith.constant dense<0.000000e+00> : vector<128x1xf32>
    %dot_general3A_77 = tpu.matmul %max3A_72, %get3A_75, %dot_general3A_76 {dimension_numbers = #tpu.dot_dimension_numbers<[1], [0], [0], [1], [0, 0, 1, 1], [], []>, transpose_lhs_hint = false} : vector<128x64xf32>, vector<64x1xf32>, vector<128x1xf32> -> vector<128x1xf32>
    %get3A_78 = arith.constant 0 : index
    %get3A_79 = arith.constant 0 : index
    %get3A_80 = vector.load %arg9[%get3A_78, %get3A_79] : memref<1x1xf32, #tpu.memory_space<vmem>>, vector<1x1xf32>
    %add3A_81 = vector.broadcast %get3A_80 : vector<1x1xf32> to vector<128x1xf32>
    %add3A_82 = arith.addf %dot_general3A_77, %add3A_81 : vector<128x1xf32>
    %swap3A = arith.constant 0 : index
    %swap3A_83 = arith.constant 0 : index
    %swap3A_84 = vector.load %arg10[%swap3A, %swap3A_83] : memref<128x1xf32, #tpu.memory_space<vmem>>, vector<128x1xf32>
    tpu.vector_store %arg10[%swap3A, %swap3A_83], %add3A_82 {strides = array<i32>} : memref<128x1xf32, #tpu.memory_space<vmem>>, vector<128x1xf32>,
    return
  }
}

</mosaic_0001>

<sc_bundles>
// kernel: kernel.10.cloned.1.call-start
scs
__scs_entry_jumppad:
0x0: {  	(pc) =	sbr.rel $0x88, $3  }
0x1: {  	(tag) =	ssettag $0x0;
	lr =	simm.s32 $0x1  }
0x2: {  	[smem:$0x3F91] =	sst lr;
	_ =	strace $0xD0000000  }
0x3: {  	_ = 	snop  }
0x4: {  	_ = 	snop  }
0x5: {  	_ = 	snop  }
0x6: {  	_ = 	snop  }
0x7: {  	_ = 	snop  }
__scs_overlays_trampoline_lowered:
0x8: {  	[smem:$0x3FA0] =	sst s0  }
0x9: {  	[smem:$0x3FA1] =	sst s1  }
0xa: {  	[smem:$0x3FA2] =	sst s2  }
0xb: {  	[smem:$0x3FA3] =	sst s3  }
0xc: {  	[smem:$0x3FA4] =	sst s4  }
0xd: {  	[smem:$0x3FA5] =	sst s5  }
0xe: {  	[smem:$0x3FA6] =	sst s6  }
0xf: {  	[smem:$0x3FA7] =	sst s7  }
0x10: {  	[smem:$0x3FA8] =	sst s8  }
0x11: {  	[smem:$0x3FA9] =	sst s9;
	s0 =	simm.s32 @!p0 $0x0  }
0x12: {  	s1 =	sld [smem:$0x3F8F];
	s0 =	simm.s32 @p0 $0x1  }
0x13: {  	[smem:$0x3FAA] =	sst s0;
	s0 =	simm.s32 @!p1 $0x0  }
0x14: {  	s2 =	sld [smem:$0x3F8E];
	s0 =	simm.s32 @p1 $0x1  }
0x15: {  	[smem:$0x3FAB] =	sst s0;
	s0 =	simm.s32 @!p2 $0x0  }
0x16: {  	s3 =	sld [smem:$0x3FDB];
	s0 =	simm.s32 @p2 $0x1  }
0x17: {  	s4 =	simm.s32 $0x1BF5;
	[smem:$0x3FAD] =	sst s0  }
0x18: {  	s0 =	sld [smem:$0x3F90];
	_ =	swait.ge [sflag:s4], $0x0  }
0x19: {  	s7 =	sld [smem:$0x3F91]  }
0x1a: {  	s8 =	sadd.s32 $0xFFFFE003, lr  }
0x1b: {  	s9 =	sadd.s32 $0xFFFFFEF7, lr;
	s5 =	simm.s32 $0xFFFFFFFF;
	p2 =	slt.u32 s8, $0xFFFFF086  }
0x1c: {  	p1 =	slt.u32 s9, $0xF7A;
	s5 =	simm.s32 @!p2 $0x0  }
0x1d: {  	s5 =	simm.s32 @p1 $0x1;
	p0 =	seq.s32 s7, s2  }
0x1e: {  	s7 =	smul.u32 @!p0 $0xF7A, s2;
	p2 =	seq.s32 @!p0 s5, $0x0  }
0x1f: {  	s9 =	smul.u32 $0xF7A, s1;
	s8 =	simm.s32 @!p0 $0x1BF5;
	p2 =	por !p2, p0  }
0x20: {  	[sflag:s8] =	ssyncset.s32 @!p0 $0xFFFFF086;
	s6 =	sadd.s32 @!p0 s3, s7;
	s7 =	simm.s32 @!p0 $0x108  }
0x21: {  	s3 =	sadd.s32 s3, s9;
	s6 =	sadd.s32 @!p0 $0x88, s6;
	s7 =	simm.s32 @p2 $0x1082  }
0x22: {  	[simem:s7], [sflag:s8] =	dma.local @!p0 [hbm:s6], $0xF7A  }
0x23: {  	s9 =	sor.u32 $0xD0000000, s2;
	s6 =	simm.s32 $0x108;
	_ =	swait.ge @!p0 [sflag:s8], $0x0  }
0x24: {  	s3 =	sadd.s32 $0x88, s3;
	s6 =	simm.s32 @!p1 $0x1082;
	[sflag:s4] =	ssyncset.s32 $0xFFFFF086  }
0x25: {  	[simem:s6], [sflag:s4] =	dma.local [hbm:s3], $0xF7A  }
0x26: {  	[smem:$0x3F91] =	sst s1;
	(tag) =	ssettag s2;
	_ =	strace s9  }
0x27: {  	s1 =	sld [smem:$0x3FA1]  }
0x28: {  	s2 =	sld [smem:$0x3FA2]  }
0x29: {  	s4 =	sld [smem:$0x3FA4]  }
0x2a: {  	p0 =	seq.s32 s5, $0x0;
	s5 =	sld [smem:$0x3FA5]  }
0x2b: {  	s6 =	sld [smem:$0x3FA6]  }
0x2c: {  	s7 =	sld [smem:$0x3FA7]  }
0x2d: {  	s3 =	simm.s32 $0x108;
	s8 =	sld [smem:$0x3FA8]  }
0x2e: {  	s3 =	simm.s32 @!p0 $0x1082;
	s9 =	sld [smem:$0x3FA9]  }
0x2f: {  	lr =	sadd.s32 s0, s3;
	s0 =	sld [smem:$0x3FA0]  }
0x30: {  	s3 =	sld [smem:$0x3FA3]  }
0x31: {  	[smem:$0x3FAC] =	sst s10  }
0x32: {  	s10 =	sld [smem:$0x3FAA];
	_ =	sdelay $0x3  }
0x33: {  	p0 =	seq.s32 s10, $0x1;
	s10 =	sld [smem:$0x3FAC];
	_ =	sdelay $0x3  }
0x34: {  	[smem:$0x3FAC] =	sst s10  }
0x35: {  	s10 =	sld [smem:$0x3FAB];
	_ =	sdelay $0x3  }
0x36: {  	p1 =	seq.s32 s10, $0x1;
	s10 =	sld [smem:$0x3FAC];
	_ =	sdelay $0x3  }
0x37: {  	[smem:$0x3FAC] =	sst s10  }
0x38: {  	s10 =	sld [smem:$0x3FAD]  }
0x39: {  	_ = 	snop;
	(pc) =	sbr.ind lr, $3  }
0x3a: {  	_ = 	snop  }
0x3b: {  	_ = 	snop  }
0x3c: {  	p2 =	seq.s32 s10, $0x1;
	s10 =	sld [smem:$0x3FAC]  }
0x3d: {  	_ =	shalt  }
0x3e: {  	_ =	shalt  }
0x3f: {  	_ =	shalt  }
0x40: {  	_ =	shalt  }
0x41: {  	_ =	shalt  }
0x42: {  	_ =	shalt  }
0x43: {  	_ =	shalt  }
0x44: {  	_ =	shalt  }
0x45: {  	_ =	shalt  }
0x46: {  	_ =	shalt  }
0x47: {  	_ =	shalt  }
0x48: {  	_ =	shalt  }
0x49: {  	_ =	shalt  }
0x4a: {  	_ =	shalt  }
0x4b: {  	_ =	shalt  }
0x4c: {  	_ =	shalt  }
0x4d: {  	_ =	shalt  }
0x4e: {  	_ =	shalt  }
0x4f: {  	_ =	shalt  }
0x50: {  	_ =	shalt  }
0x51: {  	_ =	shalt  }
0x52: {  	_ =	shalt  }
0x53: {  	_ =	shalt  }
0x54: {  	_ =	shalt  }
0x55: {  	_ =	shalt  }
0x56: {  	_ =	shalt  }
0x57: {  	_ =	shalt  }
0x58: {  	_ =	shalt  }
0x59: {  	_ =	shalt  }
0x5a: {  	_ =	shalt  }
0x5b: {  	_ =	shalt  }
0x5c: {  	_ =	shalt  }
0x5d: {  	_ =	shalt  }
0x5e: {  	_ =	shalt  }
0x5f: {  	_ =	shalt  }
0x60: {  	_ =	shalt  }
0x61: {  	_ =	shalt  }
0x62: {  	_ =	shalt  }
0x63: {  	_ =	shalt  }
0x64: {  	_ =	shalt  }
0x65: {  	_ =	shalt  }
0x66: {  	_ =	shalt  }
0x67: {  	_ =	shalt  }
0x68: {  	_ =	shalt  }
0x69: {  	_ =	shalt  }
0x6a: {  	_ =	shalt  }
0x6b: {  	_ =	shalt  }
0x6c: {  	_ =	shalt  }
0x6d: {  	_ =	shalt  }
0x6e: {  	_ =	shalt  }
0x6f: {  	_ =	shalt  }
0x70: {  	_ =	shalt  }
0x71: {  	_ =	shalt  }
0x72: {  	_ =	shalt  }
0x73: {  	_ =	shalt  }
0x74: {  	_ =	shalt  }
0x75: {  	_ =	shalt  }
0x76: {  	_ =	shalt  }
0x77: {  	_ =	shalt  }
0x78: {  	_ =	shalt  }
0x79: {  	_ =	shalt  }
0x7a: {  	_ =	shalt  }
0x7b: {  	_ =	shalt  }
0x7c: {  	_ =	shalt  }
0x7d: {  	_ =	shalt  }
0x7e: {  	_ =	shalt  }
0x7f: {  	_ =	shalt  }
0x80: {  	_ =	shalt  }
0x81: {  	_ =	shalt  }
0x82: {  	_ =	shalt  }
0x83: {  	_ =	shalt  }
0x84: {  	_ =	shalt  }
0x85: {  	_ =	shalt  }
0x86: {  	_ =	shalt  }
0x87: {  	_ =	shalt  }
.Lfunc_end0:
.L_simem_size_0:
called_computation_lowered:
.L_overlay_start_0:
0x88: {  	s2 =	sld [smem:$0x3FD9]  }
0x89: {  	s3 =	sld [smem:$0x3FFE];
	_ =	sdelay $0x1  }
0x8a: {  	s1 =	srdreg.scid  }
0x8b: {  	s0 =	sand.u32 $0x1, s1  }
0x8c: {  	s16 =	sshll.u32 s0, $0xA;
	s2 =	sadd.s32 s3, s2  }
0x8d: {  	s2 =	sadd.s32 s2, s16  }
0x8e: {  	[smem:$0x3FB8] =	sst s2  }
0x8f: {  	_ = 	snop  }
0x90: {  	(tm) =	ssettm $0x1  }
0x91: {  	s17 =	sld [smem:$0x3FFB];
	_ =	sdelay $0x3  }
0x92: {  	_ =	strace s17  }
0x93: {  	s2 =	sld [smem:$0x3FFC];
	_ =	sdelay $0x3  }
0x94: {  	_ =	strace s2  }
0x95: {  	s2 =	sld [smem:$0x3FFD];
	_ =	sdelay $0x3  }
0x96: {  	_ =	strace s2  }
0x97: {  	_ =	strace $0x8FFFFFFF  }
0x98: {  	s18 =	sld [smem:$0x3FDB];
	_ =	sdelay $0x1  }
0x99: {  	s19 =	simm.s32 $_scs_section_size  }
0x9a: {  	s4 =	simm.s32 $_size__tile_overlayer_lowered;
	s5 =	simm.s32 $_tile_overlayer_lowered  }
0x9b: {  	s22 =	simm.s32 $0x1BFF;
	s21 =	sshll.u32 s5, $0x1;
	s2 =	sadd.s32 s19, s18  }
0x9c: {  	s6 =	simm.s32 $0x0;
	s20 =	sshll.u32 s4, $0x1;
	s4 =	sadd.s32 s21, s2  }
0x9d: {  	[timem:s6], [sflag:s22] =	dma.local [hbm:s4], s20  }
0x9e: {  	_ =	swait.ge [sflag:s22], s20  }
0x9f: {  	s3 =	ssub.s32 $0x0, s20;
	[sflag:s22] =	ssyncset.done $0x0  }
0xa0: {  	[sflag:s22] =	ssyncadd.s32 s3;
	_ =	sdelay $0x1  }
0xa1: {  	s23 =	simm.s32 $0x1B8B  }
0xa2: {  	_ =	swait.ge [sflag:s23], $0x1  }
0xa3: {  	[sflag:s23] =	ssyncset.done $0x0  }
0xa4: {  	s25 =	simm.s32 $0x1B8E;
	s24 =	sld [smem:$0x3FFE];
	[sflag:s23] =	ssyncadd.s32 $0xFFFFFFFF  }
0xa5: {  	s26 =	simm.s32 $execute0_lowered;
	[smem:$0x3FD2] =	sst s25  }
0xa6: {  	s4 =	sshll.u32 s26, $0x1;
	_ =	strace $0x80000046;
	[dreg:$0x1] =	wrdreg $0xFFFFFFFF  }
0xa7: {  	s28 =	simm.s32 $_size_execute0_lowered;
	s2 =	sadd.s32 s2, s4;
	[dreg:$0x0] =	wrdreg $0x0  }
0xa8: {  	s4 =	sshll.u32 s28, $0x1;
	[dreg:$0x2] =	wrdreg s2  }
0xa9: {  	[dreg:$0x3] =	wrdreg s4  }
0xaa: {  	[dreg:$0x4] =	wrdreg $0xC0  }
0xab: {  	_ =	task [dreg:s6], $0x5FFFF  }
0xac: {  	[dreg:$0x1] =	wrdreg $0xFFFFFFFF  }
0xad: {  	[dreg:$0x0] =	wrdreg $0x60  }
0xae: {  	[dreg:$0x2] =	wrdreg s24  }
0xaf: {  	[dreg:$0x3] =	wrdreg $0xA1000  }
0xb0: {  	[dreg:$0x4] =	wrdreg $0x9  }
0xb1: {  	_ =	task.clear_ibuf [dreg:s6], $0x5FFFF;
	_ =	strace $0x90000046  }
0xb2: {  	s29 =	simm.s32 $0x9;
	_ =	strace $0x80000048  }
0xb3: {  	_ =	swait.ge [sflag:s29], $0x1  }
0xb4: {  	[sflag:s29] =	ssyncadd.s32 $0xFFFFFFFF  }
0xb5: {  	_ =	strace $0x90000048  }
0xb6: {  	_ =	sfence  }
0xb7: {  	s30 =	sld [smem:$0x0];
	_ =	sdelay $0x2  }
0xb8: {  	s31 =	sshll.u32 s1, $0xD;
	s1 =	sshrl.u32 s1, $0x2  }
0xb9: {  	s3 =	sand.u32 $0x4000, s31;
	s1 =	sadd.s32 s1, s30  }
0xba: {  	s0 =	sor.u32 s3, s0;
	s1 =	sshll.u32 s1, $0x11  }
0xbb: {  	s0 =	sor.u32 s1, s0  }
0xbc: {  	s0 =	sadd.s32 $0x8F2B, s0  }
0xbd: {  	[sflag:s0] =	ssyncadd.remote.s32 $0x1  }
0xbe: {  	_ =	sfence.sel $0xFFFF  }
0xbf: {  	[dreg:$0x0] =	wrdreg $0xFFFFFFFF;
	(pc) =	sbr.abs _section_cstart, $3  }
0xc0: {  	[dreg:$0x1] =	wrdreg $0xFFFFFFFF  }
0xc1: {  	_ =	task.clear_ibuf [dreg:s6], $0x2FFFF;
	_ =	strace $0x9FFFFFFF  }
0xc2: {  	(tm) =	ssettm $0x7FFFFFFF  }
0xc3: {  	_ =	shalt  }
tec
execute0_lowered:
.L_overlay_start_1:
0x0: {  	(tag) =	ssettag $0x1  }
0x1: {  	s0 =	rddreg [dreg:$0x0]  }
0x2: {  	s1 =	rddreg [dreg:$0x1];
	s2 =	simm.s32 $0x0  }
0x3: {  	s3 =	srdreg.scid;
	s14 =	stileid.u32;
	s15 =	simm.s32 $0x6  }
0x4: {  	s28 =	simm.s32 $0x5;
	s29 =	simm.s32 $0x1;
	s30 =	simm.s32 $0x2  }
0x5: {  	s31 =	simm.s32 $0x7900;
	[smem:$0x7FF] =	sst s2;
	s4 =	sadd.s32 $0xEC4600, s0  }
0x6: {  	s3 =	sand.u32 $0x1, s3;
	s5 =	sadd.s32 $0xEEB800, s0;
	s10 =	smul.u32 $0x14000, s14  }
0x7: {  	s6 =	sadd.s32 $0x1E600, s0;
	s7 =	sadd.s32 $0x14800, s0;
	s8 =	sadd.s32 $0xAA00, s0  }
0x8: {  	s12 =	smul.u32 $0x50000, s14;
	s20 =	sshll.u32 s14, $0x1;
	s21 =	sshll.u32 s14, $0x6  }
0x9: {  	_ =	strace $0x80000047;
	s9 =	smul.u32 $0x140000, s3;
	s11 =	ssub.s32 $0x2, s3  }
0xa: {  	s3 =	sor.u32 s3, s20;
	s20 =	simm.s32 $0x80;
	s13 =	sshrl.u32 s11, $0x1  }
0xb: {  	s19 =	sshrl.u32 s12, $0x2;
	s10 =	sadd.s32 s10, s9;
	s9 =	sadd.s32 $0xF39C00, s0  }
0xc: {  	s13 =	ssub.s32 s11, s13;
	s12 =	sadd.s32 s19, s1;
	s11 =	smul.u32 $0x2710, s3  }
0xd: {  	s10 =	sshrl.u32 s10, $0x3;
	s16 =	sadd.s32 $0x4000, s12;
	s17 =	sadd.s32 $0x8000, s12  }
0xe: {  	s18 =	sadd.s32 $0xC000, s12;
	s19 =	sadd.s32 $0x10000, s12;
	s22 =	smax.u32 s13, $0x1  }
0xf: {  	s14 =	sshrl.u32 s12, $0x3;
	[dreg:$0x4] =	wrdreg s22;
	s23 =	sshrl.u32 s16, $0x3  }
0x10: {  	s0 =	sadd.s32 s10, s0;
	s24 =	sshrl.u32 s17, $0x3;
	[dreg:$0x5] =	wrdreg s23  }
0x11: {  	s10 =	sor.u32 $0x1C06, s21;
	s25 =	sshrl.u32 s18, $0x3;
	[dreg:$0x6] =	wrdreg s24  }
0x12: {  	s26 =	sshrl.u32 s19, $0x3;
	s21 =	simm.s32 $0x100;
	[dreg:$0x7] =	wrdreg s25  }
0x13: {  	s22 =	simm.s32 $0x3;
	s0 =	sadd.s32 $0xF3A400, s0;
	[dreg:$0x8] =	wrdreg s26  }
0x14: {  	vm0 =	vcmask $0x300;
	v0 =	vimm.f32 $0.0e+00;
	s23 =	simm.s32 $0x4;
	s24 =	simm.s32 $0x50;
	s25 =	simm.s32 $0x2900  }
0x15: {  	v1 =	vsel vm0, $0x3F800000, v0;
	s26 =	simm.s32 $0x5100;
	[dreg:$0x3] =	wrdreg s0;
	s0 =	simm.s32 $0x0  }
.LBB2_1:
0x16: {  	[spmem:s14], [sflag:s10] =	dma.local [hbm:s9], $0x800  }
0x17: {  	_ =	swait.ge [sflag:s15], $0x800  }
0x18: {  	[sflag:s15] =	ssyncset.done $0x0  }
0x19: {  	s3 =	rddreg [dreg:$0x5];
	[sflag:s15] =	ssyncadd.s32 $0xFFFFF800  }
0x1a: {  	[spmem:s3], [sflag:s10] =	dma.local [hbm:s9], $0x800  }
0x1b: {  	_ =	swait.ge [sflag:s15], $0x800  }
0x1c: {  	[sflag:s15] =	ssyncset.done $0x0  }
0x1d: {  	s17 =	rddreg [dreg:$0x6];
	[sflag:s15] =	ssyncadd.s32 $0xFFFFF800  }
0x1e: {  	[spmem:s17], [sflag:s10] =	dma.local [hbm:s9], $0x800  }
0x1f: {  	_ =	swait.ge [sflag:s15], $0x800  }
0x20: {  	[sflag:s15] =	ssyncset.done $0x0  }
0x21: {  	s18 =	rddreg [dreg:$0x7];
	[sflag:s15] =	ssyncadd.s32 $0xFFFFF800  }
0x22: {  	[spmem:s18], [sflag:s10] =	dma.local [hbm:s9], $0x800  }
0x23: {  	_ =	swait.ge [sflag:s15], $0x800  }
0x24: {  	[sflag:s15] =	ssyncset.done $0x0  }
0x25: {  	s19 =	rddreg [dreg:$0x8];
	[sflag:s15] =	ssyncadd.s32 $0xFFFFF800  }
0x26: {  	[spmem:s19], [sflag:s10] =	dma.local [hbm:s9], $0x800  }
0x27: {  	_ =	swait.ge [sflag:s15], $0x800  }
0x28: {  	[sflag:s15] =	ssyncset.done $0x0  }
0x29: {  	s12 =	simm.s32 $0x200;
	s3 =	simm.s32 $0x0;
	[sflag:s15] =	ssyncadd.s32 $0xFFFFF800  }
.LBB2_2:
0x2a: {  	p0 =	sne.s32 s12, $0x9E00;
	[tilespmem:s3+$0x7970] =	vst v0;
	s13 =	smov.u32 s12;
	s12 =	sadd.s32 $0x200, s12  }
.Ltmp0:
0x2b: {  	[tilespmem:s3+$0x7960] =	vst v0;
	(pc) =	sbr.rel @p0 .LBB2_2-.Ltmp0, $3  }
0x2c: {  	[tilespmem:s3+$0x7940] =	vst v1  }
0x2d: {  	[tilespmem:s3+$0x7950] =	vst v0;
	_ =	sdelay $0x1  }
0x2e: {  	s3 =	sshra.s32 s13, $0x2  }
0x2f: {  	[tilespmem:s3+$0x7970] =	vst v0  }
0x30: {  	[tilespmem:s3+$0x7960] =	vst v0  }
0x31: {  	[tilespmem:s3+$0x7940] =	vst v1  }
0x32: {  	[tilespmem:s3+$0x7950] =	vst v0  }
0x33: {  	s3 =	simm.s32 $0x0;
	s12 =	simm.s32 $0x0;
	[bflag:$0x0] =	sbarrier.arrive $0xFFFF  }
.LBB2_4:
0x34: {  	s13 =	smul.u32 $0x50, s12;
	_ =	sdelay $0x1  }
0x35: {  	s13 =	sadd.s32 s11, s13  }
0x36: {  	s16 =	sshrl.u32 s13, $0x3  }
0x37: {  	s17 =	sadd.s32 s7, s16  }
0x38: {  	[tilespmem:s3], [sflag:$0x3] =	stream.linear.gather [hbm4b:s17+s3], $0x50, $0x38;
	[tilespmem:$0x1E100] =	vst v63  }
0x39: {  	s13 =	sshll.u32 s13, $0x4;
	s16 =	sadd.s32 s8, s16  }
0x3a: {  	[tilespmem:s20], [sflag:$0x4] =	stream.linear.gather [hbm4b:s16+s3], $0x50, $0x38;
	[tilespmem:$0x1E100] =	vst v63  }
0x3b: {  	s13 =	sadd.s32 s6, s13  }
0x3c: {  	[tilespmem:s21], [sflag:$0x5] =	stream.linear.gather [hbm4b:s13+s3], $0x2800, $0x38;
	[tilespmem:$0x1E100] =	vst v63  }
0x3d: {  	_ =	swait.ge [sflag:s22], $0x50  }
0x3e: {  	[sflag:s22] =	ssyncset.done $0x0  }
0x3f: {  	[sflag:s22] =	ssyncadd.s32 $0xFFFFFFB0  }
0x40: {  	_ =	swait.ge [sflag:s23], $0x50  }
0x41: {  	[sflag:s23] =	ssyncset.done $0x0  }
0x42: {  	[sflag:s23] =	ssyncadd.s32 $0xFFFFFFB0  }
0x43: {  	[tilespmem:s25], [sflag:$0x1] =	stream.indirect.gather [hbm4b:s4+s24], $0x80, s3, s24, $0xb8;
	[tilespmem:$0x1E100] =	vst v63  }
0x44: {  	_ = 	snop  }
0x45: {  	[tilespmem:s26], [sflag:$0x2] =	stream.indirect.gather [hbm4b:s5+s24], $0x80, s20, s24, $0xb8;
	[tilespmem:$0x1E100] =	vst v63  }
0x46: {  	_ =	swait.ge [sflag:s28], $0x2800  }
0x47: {  	[sflag:s28] =	ssyncset.done $0x0  }
0x48: {  	[sflag:s28] =	ssyncadd.s32 $0xFFFFD800  }
0x49: {  	_ =	swait.ge [sflag:s29], $0x2800  }
0x4a: {  	[sflag:s29] =	ssyncset.done $0x0  }
0x4b: {  	[sflag:s29] =	ssyncadd.s32 $0xFFFFD800  }
0x4c: {  	_ =	swait.ge [sflag:s30], $0x2800  }
0x4d: {  	[sflag:s30] =	ssyncset.done $0x0  }
0x4e: {  	s13 =	simm.s32 $0x0;
	[sflag:s30] =	ssyncadd.s32 $0xFFFFD800  }
0x4f: {  	v2 =	vld [tilespmem:s13+$0x170]  }
0x50: {  	v3 =	vld [tilespmem:s13+$0x2970]  }
0x51: {  	v4 =	vld [tilespmem:s13+$0x5170]  }
0x52: {  	v5 =	vld [tilespmem:s13+$0x140]  }
0x53: {  	v6 =	vld [tilespmem:s13+$0x2940]  }
0x54: {  	v7 =	vld [tilespmem:s13+$0x150]  }
0x55: {  	v8 =	vld [tilespmem:s13+$0x160];
	v2 =	vadd.f32 v3, v2  }
0x56: {  	v9 =	vld [tilespmem:s13+$0x5140]  }
0x57: {  	v3 =	vld [tilespmem:s13+$0x2950];
	v2 =	vadd.f32 v4, v2  }
0x58: {  	v11 =	vld [tilespmem:s13+$0x5150]  }
0x59: {  	v4 =	vld [tilespmem:s13+$0x2960];
	v10 =	vand.u32 $0x7FFFFFFF, v2  }
0x5a: {  	v10 =	vsub.f32 $0.0e+00, v10  }
0x5b: {  	v12 =	vld [tilespmem:s13+$0x5160];
	v5 =	vadd.f32 v6, v5  }
0x5c: {  	v13 =	vld [tilespmem:s13+$0x120];
	v3 =	vadd.f32 v3, v7;
	v6 =	vmul.f32 $1.442695020e+00, v10  }
0x5d: {  	v5 =	vadd.f32 v9, v5;
	v7 =	vld [tilespmem:s13+$0x100]  }
0x5e: {  	v10 =	vld [tilespmem:s13+$0x2900];
	v4 =	vadd.f32 v4, v8;
	v3 =	vadd.f32 v11, v3;
	(erf) = vpow2.f32 v6  }
0x5f: {  	v9 =	vld [tilespmem:s13+$0x5100];
	v8 =	vand.u32 $0x7FFFFFFF, v5  }
0x60: {  	v11 =	vld [tilespmem:s13+$0x2910];
	v8 =	vsub.f32 $0.0e+00, v8;
	v4 =	vadd.f32 v12, v4;
	v12 =	vand.u32 $0x7FFFFFFF, v3  }
0x61: {  	v6 =	vld [tilespmem:s13+$0x110];
	v12 =	vsub.f32 $0.0e+00, v12  }
0x62: {  	v15 =	vld [tilespmem:s13+$0x2920];
	v8 =	vmul.f32 $1.442695020e+00, v8  }
0x63: {  	v7 =	vadd.f32 v10, v7;
	v10 =	vld [tilespmem:s13+$0x5110];
	v12 =	vmul.f32 $1.442695020e+00, v12  }
0x64: {  	v16 =	vld [tilespmem:s13+$0x5120];
	v14 =	vand.u32 $0x7FFFFFFF, v4;
	(erf) = vpow2.f32 v8  }
0x65: {  	v14 =	vsub.f32 $0.0e+00, v14;
	v7 =	vadd.f32 v9, v7;
	(erf) = vpow2.f32 v12  }
0x66: {  	v6 =	vadd.f32 v11, v6  }
0x67: {  	v14 =	vmul.f32 $1.442695020e+00, v14;
	v9 =	vadd.f32 v15, v13;
	v7 =	vsub.f32 $0.0e+00, v7;
	v8 =	vpop (erf)  }
0x68: {  	v6 =	vadd.f32 v10, v6;
	v11 =	vadd.f32 $2.000000000e+00, v8  }
0x69: {  	(erf) = vpow2.f32 v14;
	v9 =	vadd.f32 v16, v9;
	v7 =	vmul.f32 $1.442695020e+00, v7  }
0x6a: {  	v6 =	vsub.f32 $0.0e+00, v6;
	(erf) = vrcp.f32 v11  }
0x6b: {  	(erf) = vpow2.f32 v7;
	v7 =	vsub.f32 $0.0e+00, v9  }
0x6c: {  	v10 =	vld [tilespmem:s13+$0x130];
	v6 =	vmul.f32 $1.442695020e+00, v6  }
0x6d: {  	v11 =	vld [tilespmem:s13+$0x2930];
	v12 =	vpop (erf);
	v7 =	vmul.f32 $1.442695020e+00, v7  }
0x6e: {  	(erf) = vpow2.f32 v6;
	v14 =	vpop (erf)  }
0x6f: {  	v9 =	vld [tilespmem:s13+$0x5130];
	(erf) = vpow2.f32 v7;
	v7 =	vadd.f32 $2.000000000e+00, v14  }
0x70: {  	v6 =	vadd.f32 $2.000000000e+00, v12;
	_ =	sdelay $0x1  }
0x71: {  	v15 =	vpop (erf);
	v10 =	vadd.f32 v11, v10;
	(erf) = vrcp.f32 v6  }
0x72: {  	(erf) = vrcp.f32 v7;
	v7 =	vpop (erf)  }
0x73: {  	s16 =	simm.s32 $0x80;
	v11 =	vadd.f32 $2.000000000e+00, v15;
	v6 =	vadd.f32 v9, v10;
	v7 =	vmul.f32 v7, v8  }
0x74: {  	v17 =	vld [tilespmem:s16+$0x5170]  }
0x75: {  	v9 =	vld [tilespmem:s16+$0x170];
	(erf) = vrcp.f32 v11;
	v6 =	vsub.f32 $0.0e+00, v6;
	v8 =	vpop (erf);
	v16 =	vmul.f32 v7, v7  }
0x76: {  	v10 =	vld [tilespmem:s16+$0x2970];
	v8 =	vadd.f32 $1.000000000e+00, v8  }
0x77: {  	v19 =	vld [tilespmem:s16+$0x2940];
	v6 =	vmul.f32 $1.442695020e+00, v6;
	v13 =	vmul.f32 $1.111111120e-01, v16  }
0x78: {  	v21 =	vld [tilespmem:s16+$0x150];
	v11 =	vpop (erf);
	(erf) = vrcp.f32 v8  }
0x79: {  	v28 =	vld [tilespmem:s16+$0x100];
	(erf) = vpow2.f32 v6;
	v18 =	vpop (erf);
	v13 =	vadd.f32 $1.428571490e-01, v13  }
0x7a: {  	v30 =	vld [tilespmem:s16+$0x2900];
	v11 =	vadd.f32 $1.000000000e+00, v11;
	v18 =	vadd.f32 $1.000000000e+00, v18  }
0x7b: {  	v10 =	vadd.f32 v10, v9;
	v8 =	vld [tilespmem:s16+$0x140];
	v6 =	vmax.f32 v5, $0.0e+00;
	v20 =	vpop (erf);
	v22 =	vmul.f32 v13, v16  }
0x7c: {  	v5 =	vmax.f32 v3, $0.0e+00;
	(erf) = vrcp.f32 v11;
	v12 =	vmul.f32 v20, v12;
	v20 =	vld [tilespmem:s16+$0x2950]  }
0x7d: {  	v23 =	vld [tilespmem:s16+$0x160];
	v3 =	vpop (erf);
	v13 =	vmax.f32 v4, $0.0e+00;
	v4 =	vadd.f32 v17, v10;
	v10 =	vadd.f32 $2.000000030e-01, v22  }
0x7e: {  	(erf) = vrcp.f32 v18;
	v11 =	vmul.f32 v3, v14;
	v3 =	vld [tilespmem:s16+$0x2960];
	v18 =	vpop (erf)  }
0x7f: {  	v28 =	vadd.f32 v30, v28;
	v9 =	vmul.f32 v18, v15;
	v15 =	vld [tilespmem:s16+$0x5140];
	v24 =	vand.u32 $0x7FFFFFFF, v4  }
0x80: {  	v14 =	vmul.f32 v12, v12;
	v8 =	vadd.f32 v19, v8;
	v19 =	vld [tilespmem:s16+$0x5150];
	v25 =	vmul.f32 v10, v16  }
0x81: {  	v26 =	vld [tilespmem:s16+$0x5160];
	v33 =	vmax.f32 v2, $0.0e+00;
	v17 =	vmul.f32 v11, v11;
	v20 =	vadd.f32 v20, v21;
	v10 =	vpop (erf)  }
0x82: {  	v22 =	vmul.f32 $1.111111120e-01, v14;
	v21 =	vsub.f32 $0.0e+00, v24;
	v25 =	vadd.f32 $3.333333430e-01, v25;
	v24 =	vpop (erf)  }
0x83: {  	v27 =	vmul.f32 $1.111111120e-01, v17;
	v3 =	vadd.f32 v3, v23;
	v24 =	vadd.f32 $1.000000000e+00, v24  }
0x84: {  	v22 =	vadd.f32 $1.428571490e-01, v22;
	v8 =	vadd.f32 v15, v8;
	v15 =	vmul.f32 v25, v16  }
0x85: {  	v23 =	vld [tilespmem:s16+$0x110];
	v21 =	vmul.f32 $1.442695020e+00, v21;
	v19 =	vadd.f32 v19, v20;
	(erf) = vrcp.f32 v24  }
0x86: {  	v18 =	vmul.f32 v9, v9;
	v3 =	vadd.f32 v26, v3;
	v16 =	vld [tilespmem:s16+$0x2910];
	v15 =	vadd.f32 $1.000000000e+00, v15  }
0x87: {  	v24 =	vand.u32 $0x7FFFFFFF, v8;
	(erf) = vpow2.f32 v21;
	v21 =	vadd.f32 $1.428571490e-01, v27;
	v27 =	vld [tilespmem:s16+$0x5100]  }
0x88: {  	v20 =	vld [tilespmem:s16+$0x120];
	v29 =	vmul.f32 $1.111111120e-01, v18;
	v26 =	vand.u32 $0x7FFFFFFF, v19;
	v24 =	vsub.f32 $0.0e+00, v24  }
0x89: {  	v25 =	vld [tilespmem:s16+$0x2920];
	v31 =	vand.u32 $0x7FFFFFFF, v3;
	v26 =	vsub.f32 $0.0e+00, v26;
	v7 =	vmul.f32 v15, v7  }
0x8a: {  	v22 =	vmul.f32 v22, v14;
	v29 =	vadd.f32 $1.428571490e-01, v29;
	v15 =	vld [tilespmem:s16+$0x5110];
	v24 =	vmul.f32 $1.442695020e+00, v24  }
0x8b: {  	v49 =	vld [tilespmem:s16+$0x5120];
	v31 =	vsub.f32 $0.0e+00, v31;
	v26 =	vmul.f32 $1.442695020e+00, v26;
	v7 =	vadd.f32 v7, v7  }
0x8c: {  	v32 =	vpop (erf);
	v16 =	vadd.f32 v16, v23;
	(erf) = vpow2.f32 v24;
	v23 =	vadd.f32 v27, v28  }
0x8d: {  	v2 =	vpop (erf);
	v31 =	vmul.f32 $1.442695020e+00, v31;
	v7 =	vadd.f32 v7, v33;
	(erf) = vpow2.f32 v26  }
0x8e: {  	v22 =	vadd.f32 $2.000000030e-01, v22;
	v20 =	vadd.f32 v25, v20;
	v24 =	vpop (erf)  }
0x8f: {  	v15 =	vadd.f32 v15, v16;
	(erf) = vpow2.f32 v31;
	v7 =	vmul.f32 v7, v24  }
0x90: {  	v20 =	vadd.f32 v49, v20;
	v16 =	vsub.f32 $0.0e+00, v23;
	v23 =	vpop (erf)  }
0x91: {  	v21 =	vmul.f32 v21, v17;
	v15 =	vsub.f32 $0.0e+00, v15;
	v24 =	vadd.f32 $2.000000000e+00, v23;
	[tilespmem:s13+$0x7930] =	vst v7  }
0x92: {  	v25 =	vmul.f32 v29, v18;
	v7 =	vmul.f32 $1.442695020e+00, v16;
	v16 =	vsub.f32 $0.0e+00, v20;
	v20 =	vld [tilespmem:s16+$0x130]  }
0x93: {  	v21 =	vadd.f32 $2.000000030e-01, v21;
	v15 =	vmul.f32 $1.442695020e+00, v15;
	(erf) = vrcp.f32 v24;
	v24 =	vld [tilespmem:s16+$0x2930]  }
0x94: {  	v25 =	vadd.f32 $2.000000030e-01, v25;
	(erf) = vpow2.f32 v7;
	v16 =	vmul.f32 $1.442695020e+00, v16  }
0x95: {  	v7 =	vmax.f32 v19, $0.0e+00;
	v19 =	vld [tilespmem:s16+$0x5130];
	(erf) = vpow2.f32 v15;
	v15 =	vmul.f32 v22, v14;
	v22 =	vpop (erf)  }
0x96: {  	(erf) = vpow2.f32 v16;
	v16 =	vmul.f32 v21, v17;
	v21 =	vadd.f32 $2.000000000e+00, v22;
	v26 =	vpop (erf)  }
0x97: {  	v15 =	vadd.f32 $3.333333430e-01, v15;
	v27 =	vadd.f32 $2.000000000e+00, v26  }
0x98: {  	v25 =	vmul.f32 v25, v18;
	v28 =	vpop (erf);
	v16 =	vadd.f32 $3.333333430e-01, v16;
	v20 =	vadd.f32 v24, v20  }
0x99: {  	(erf) = vrcp.f32 v21;
	v21 =	vadd.f32 $2.000000000e+00, v28;
	v14 =	vmul.f32 v15, v14  }
0x9a: {  	(erf) = vrcp.f32 v27;
	v15 =	vadd.f32 $3.333333430e-01, v25;
	v19 =	vadd.f32 v19, v20  }
0x9b: {  	v16 =	vmul.f32 v16, v17;
	v14 =	vadd.f32 $1.000000000e+00, v14  }
0x9c: {  	(erf) = vrcp.f32 v21;
	v15 =	vmul.f32 v15, v18;
	v17 =	vpop (erf);
	v18 =	vsub.f32 $0.0e+00, v19  }
0x9d: {  	s17 =	simm.s32 $0x100;
	v16 =	vadd.f32 $1.000000000e+00, v16;
	v19 =	vmul.f32 v17, v23;
	v17 =	vpop (erf);
	v12 =	vmul.f32 v14, v12  }
0x9e: {  	v52 =	vld [tilespmem:s17+$0x100];
	v15 =	vadd.f32 $1.000000000e+00, v15;
	v17 =	vadd.f32 $1.000000000e+00, v17;
	v18 =	vmul.f32 $1.442695020e+00, v18  }
0x9f: {  	v20 =	vld [tilespmem:s17+$0x170];
	v21 =	vpop (erf);
	v11 =	vmul.f32 v16, v11;
	v23 =	vmul.f32 v19, v19  }
0xa0: {  	v14 =	vld [tilespmem:s17+$0x2970];
	v21 =	vadd.f32 $1.000000000e+00, v21;
	v25 =	vpop (erf);
	v12 =	vadd.f32 v12, v12;
	v9 =	vmul.f32 v15, v9  }
0xa1: {  	v36 =	vld [tilespmem:s17+$0x2900];
	(erf) = vrcp.f32 v17;
	v16 =	vadd.f32 $1.000000000e+00, v25;
	v25 =	vmul.f32 $1.111111120e-01, v23  }
0xa2: {  	v24 =	vld [tilespmem:s17+$0x140];
	v11 =	vadd.f32 v11, v11;
	(erf) = vpow2.f32 v18;
	v12 =	vadd.f32 v12, v6;
	v17 =	vpop (erf)  }
0xa3: {  	v27 =	vld [tilespmem:s17+$0x5170];
	(erf) = vrcp.f32 v21;
	v17 =	vmul.f32 v17, v22;
	v15 =	vadd.f32 $1.428571490e-01, v25;
	v22 =	vpop (erf)  }
0xa4: {  	v18 =	vld [tilespmem:s17+$0x2940];
	v5 =	vadd.f32 v11, v5;
	(erf) = vrcp.f32 v16;
	v16 =	vmul.f32 v22, v26  }
0xa5: {  	v21 =	vld [tilespmem:s17+$0x150];
	v26 =	vadd.f32 v9, v9;
	v9 =	vadd.f32 v14, v20;
	v14 =	vmul.f32 v15, v23  }
0xa6: {  	v25 =	vld [tilespmem:s17+$0x2950]  }
0xa7: {  	v11 =	vld [tilespmem:s17+$0x5140];
	v10 =	vmul.f32 v12, v10;
	v6 =	vpop (erf);
	v5 =	vmul.f32 v5, v32;
	v14 =	vadd.f32 $2.000000030e-01, v14  }
0xa8: {  	v4 =	vmax.f32 v4, $0.0e+00;
	v22 =	vld [tilespmem:s17+$0x160];
	v6 =	vmul.f32 v6, v28;
	v20 =	vmul.f32 v17, v17  }
0xa9: {  	v33 =	vadd.f32 v36, v52;
	v15 =	vld [tilespmem:s17+$0x2960];
	v28 =	vmul.f32 v16, v16;
	v14 =	vmul.f32 v14, v23  }
0xaa: {  	v9 =	vadd.f32 v27, v9;
	v27 =	vld [tilespmem:s17+$0x5150];
	v18 =	vadd.f32 v18, v24;
	v29 =	vmul.f32 v6, v6;
	v12 =	vpop (erf)  }
0xab: {  	v50 =	vld [tilespmem:s17+$0x5160];
	v24 =	vmul.f32 $1.111111120e-01, v20;
	v21 =	vadd.f32 v25, v21;
	v25 =	vpop (erf);
	v14 =	vadd.f32 $3.333333430e-01, v14  }
0xac: {  	[tilespmem:s13+$0x7900] =	vst v10;
	v51 =	vand.u32 $0x7FFFFFFF, v9;
	v34 =	vmul.f32 $1.111111120e-01, v28;
	v10 =	vadd.f32 $1.000000000e+00, v25  }
0xad: {  	v11 =	vadd.f32 v11, v18;
	v31 =	vsub.f32 $0.0e+00, v51;
	v25 =	vld [tilespmem:s17+$0x110];
	[tilespmem:s13+$0x7910] =	vst v5;
	v14 =	vmul.f32 v14, v23  }
0xae: {  	v24 =	vadd.f32 $1.428571490e-01, v24;
	v15 =	vadd.f32 v15, v22;
	v5 =	vld [tilespmem:s17+$0x2910];
	(erf) = vrcp.f32 v10  }
0xaf: {  	v22 =	vmul.f32 $1.442695020e+00, v31;
	v18 =	vadd.f32 v27, v21;
	v21 =	vld [tilespmem:s17+$0x120];
	v14 =	vadd.f32 $1.000000000e+00, v14  }
0xb0: {  	v35 =	vmul.f32 $1.111111120e-01, v29;
	v15 =	vadd.f32 v50, v15;
	v27 =	vld [tilespmem:s17+$0x2920];
	v10 =	vadd.f32 $1.428571490e-01, v34  }
0xb1: {  	v54 =	vld [tilespmem:s17+$0x5100];
	(erf) = vpow2.f32 v22;
	v22 =	vand.u32 $0x7FFFFFFF, v11;
	v14 =	vmul.f32 v14, v19  }
0xb2: {  	v56 =	vld [tilespmem:s17+$0x5120];
	v23 =	vand.u32 $0x7FFFFFFF, v18;
	v55 =	vand.u32 $0x7FFFFFFF, v15;
	v22 =	vsub.f32 $0.0e+00, v22  }
0xb3: {  	v23 =	vsub.f32 $0.0e+00, v23;
	v32 =	vsub.f32 $0.0e+00, v55;
	v19 =	vmul.f32 v24, v20;
	v24 =	vld [tilespmem:s17+$0x5110]  }
0xb4: {  	v53 =	vadd.f32 $1.428571490e-01, v35;
	v22 =	vmul.f32 $1.442695020e+00, v22;
	v57 =	vadd.f32 v14, v14  }
0xb5: {  	v23 =	vmul.f32 $1.442695020e+00, v23;
	v32 =	vmul.f32 $1.442695020e+00, v32;
	v5 =	vadd.f32 v5, v25;
	v14 =	vpop (erf)  }
0xb6: {  	v21 =	vadd.f32 v27, v21;
	(erf) = vpow2.f32 v22;
	v22 =	vadd.f32 v57, v4;
	v4 =	vpop (erf)  }
0xb7: {  	v25 =	vadd.f32 v54, v33;
	(erf) = vpow2.f32 v23;
	v23 =	vmul.f32 v10, v28;
	v10 =	vpop (erf)  }
0xb8: {  	v21 =	vadd.f32 v56, v21;
	v5 =	vadd.f32 v24, v5;
	v22 =	vmul.f32 v22, v10  }
0xb9: {  	v19 =	vadd.f32 $2.000000030e-01, v19;
	(erf) = vpow2.f32 v32;
	v24 =	vsub.f32 $0.0e+00, v25  }
0xba: {  	v21 =	vsub.f32 $0.0e+00, v21;
	v27 =	vpop (erf);
	v5 =	vsub.f32 $0.0e+00, v5;
	[tilespmem:s16+$0x7930] =	vst v22  }
0xbb: {  	v10 =	vmax.f32 v11, $0.0e+00;
	v11 =	vmul.f32 $1.442695020e+00, v24;
	v58 =	vadd.f32 $2.000000000e+00, v27;
	v24 =	vld [tilespmem:s17+$0x130]  }
0xbc: {  	v19 =	vmul.f32 v19, v20;
	v25 =	vmul.f32 v53, v29;
	v22 =	vadd.f32 $2.000000030e-01, v23;
	v23 =	vld [tilespmem:s17+$0x2930]  }
0xbd: {  	v5 =	vmul.f32 $1.442695020e+00, v5;
	(erf) = vrcp.f32 v58  }
0xbe: {  	v21 =	vmul.f32 $1.442695020e+00, v21;
	(erf) = vpow2.f32 v11;
	v11 =	vmax.f32 v18, $0.0e+00;
	v18 =	vld [tilespmem:s17+$0x5130]  }
0xbf: {  	v3 =	vmax.f32 v3, $0.0e+00;
	v60 =	vadd.f32 $3.333333430e-01, v19;
	(erf) = vpow2.f32 v5  }
0xc0: {  	v59 =	vadd.f32 $2.000000030e-01, v25;
	v25 =	vpop (erf);
	(erf) = vpow2.f32 v21;
	v21 =	vmul.f32 v22, v28  }
0xc1: {  	v5 =	vmax.f32 v15, $0.0e+00;
	v15 =	vadd.f32 $2.000000000e+00, v25;
	v22 =	vpop (erf);
	v23 =	vadd.f32 v23, v24  }
0xc2: {  	v30 =	vmul.f32 v59, v29;
	v61 =	vadd.f32 $2.000000000e+00, v22;
	v19 =	vpop (erf);
	v21 =	vadd.f32 $3.333333430e-01, v21  }
0xc3: {  	(erf) = vrcp.f32 v15;
	v62 =	vadd.f32 $2.000000000e+00, v19;
	v18 =	vadd.f32 v18, v23  }
0xc4: {  	v13 =	vadd.f32 v26, v13;
	v15 =	vmul.f32 v60, v20;
	(erf) = vrcp.f32 v61  }
0xc5: {  	v20 =	vadd.f32 $3.333333430e-01, v30;
	(erf) = vrcp.f32 v62;
	v21 =	vmul.f32 v21, v28  }
0xc6: {  	v8 =	vmax.f32 v8, $0.0e+00;
	v24 =	vadd.f32 $1.000000000e+00, v15;
	v23 =	vpop (erf);
	v28 =	vsub.f32 $0.0e+00, v18  }
0xc7: {  	v20 =	vmul.f32 v20, v29;
	v29 =	vadd.f32 $1.000000000e+00, v21;
	v15 =	vmul.f32 v23, v27;
	v18 =	vpop (erf)  }
0xc8: {  	s18 =	simm.s32 $0x180;
	v26 =	vmul.f32 v24, v17;
	v27 =	vmul.f32 $1.442695020e+00, v28;
	v63 =	vadd.f32 $1.000000000e+00, v18;
	v18 =	vpop (erf)  }
0xc9: {  	v17 =	vadd.f32 $1.000000000e+00, v20;
	v20 =	vld [tilespmem:s18+$0x170];
	v16 =	vmul.f32 v29, v16;
	v24 =	vmul.f32 v15, v15;
	v21 =	vpop (erf)  }
0xca: {  	s19 =	simm.s32 $0x800;
	v23 =	vld [tilespmem:s18+$0x2970];
	v18 =	vadd.f32 $1.000000000e+00, v18;
	v21 =	vadd.f32 $1.000000000e+00, v21;
	(erf) = vrcp.f32 v63  }
.LBB2_5:
0xcb: {  	p0 =	sne.s32 s19, $0x9E00;
	v28 =	vld [tilespmem:s18+$0x140];
	v29 =	vmul.f32 $1.111111120e-01, v24;
	(erf) = vpow2.f32 v27;
	v26 =	vadd.f32 v26, v26  }
0xcc: {  	v6 =	vmul.f32 v17, v6;
	v27 =	vld [tilespmem:s18+$0x5170];
	v30 =	vpop (erf);
	(erf) = vrcp.f32 v18;
	v31 =	vadd.f32 v16, v16  }
0xcd: {  	v32 =	vld [tilespmem:s18+$0x2940];
	v17 =	vmul.f32 v30, v25;
	v25 =	vadd.f32 $1.428571490e-01, v29;
	v16 =	vpop (erf);
	(erf) = vrcp.f32 v21  }
0xce: {  	v18 =	vadd.f32 v6, v6;
	v29 =	vld [tilespmem:s18+$0x150];
	v16 =	vmul.f32 v16, v22;
	v21 =	vpop (erf);
	v22 =	vadd.f32 v26, v8  }
0xcf: {  	v8 =	vmovc v10;
	v26 =	vld [tilespmem:s18+$0x2950];
	v30 =	vadd.f32 v23, v20;
	v6 =	vmul.f32 v21, v19;
	v19 =	vmul.f32 v25, v24  }
0xd0: {  	v23 =	vmul.f32 v17, v17;
	v25 =	vadd.f32 v31, v7;
	v7 =	vmovc v11;
	v10 =	vld [tilespmem:s18+$0x160];
	v20 =	vmul.f32 v16, v16  }
0xd1: {  	v11 =	vld [tilespmem:s18+$0x2960];
	v27 =	vadd.f32 v27, v30;
	v21 =	vmul.f32 v6, v6;
	v19 =	vadd.f32 $2.000000030e-01, v19  }
0xd2: {  	v31 =	vmul.f32 $1.111111120e-01, v23;
	v28 =	vadd.f32 v32, v28;
	v30 =	vld [tilespmem:s18+$0x5140];
	v32 =	vmul.f32 $1.111111120e-01, v20  }
0xd3: {  	v33 =	vld [tilespmem:s18+$0x5150];
	v34 =	vand.u32 $0x7FFFFFFF, v27;
	v35 =	vmul.f32 $1.111111120e-01, v21;
	v19 =	vmul.f32 v19, v24;
	v36 =	vpop (erf)  }
0xd4: {  	v40 =	vmul.f32 v22, v12;
	v26 =	vadd.f32 v26, v29;
	v29 =	vld [tilespmem:s18+$0x5160];
	v39 =	vsub.f32 $0.0e+00, v34;
	v37 =	vpop (erf)  }
0xd5: {  	v25 =	vmul.f32 v25, v14;
	v22 =	vld [tilespmem:s18+$0x100];
	v37 =	vadd.f32 $1.000000000e+00, v37;
	v19 =	vadd.f32 $3.333333430e-01, v19;
	v14 =	vpop (erf)  }
0xd6: {  	v31 =	vadd.f32 $1.428571490e-01, v31;
	v38 =	vld [tilespmem:s18+$0x2900];
	v10 =	vadd.f32 v11, v10;
	v11 =	vmul.f32 $1.442695020e+00, v39;
	v34 =	vpop (erf);
	[tilespmem:s16+$0x7900] =	vst v40  }
0xd7: {  	v12 =	vmovc v36;
	v28 =	vadd.f32 v30, v28;
	v30 =	vld [tilespmem:s18+$0x110];
	v19 =	vmul.f32 v19, v24;
	(erf) = vrcp.f32 v37;
	[tilespmem:s16+$0x7910] =	vst v25  }
0xd8: {  	v24 =	vld [tilespmem:s18+$0x2910];
	v25 =	vadd.f32 v33, v26;
	v26 =	vmul.f32 v31, v23;
	v31 =	vadd.f32 $1.428571490e-01, v32  }
0xd9: {  	v32 =	vld [tilespmem:s18+$0x120];
	v29 =	vadd.f32 v29, v10;
	(erf) = vpow2.f32 v11;
	v10 =	vadd.f32 $1.000000000e+00, v19  }
0xda: {  	v35 =	vadd.f32 $1.428571490e-01, v35;
	v11 =	vand.u32 $0x7FFFFFFF, v28;
	v19 =	vand.u32 $0x7FFFFFFF, v25;
	v33 =	vld [tilespmem:s18+$0x2920]  }
0xdb: {  	v11 =	vsub.f32 $0.0e+00, v11;
	v36 =	vld [tilespmem:s18+$0x5100];
	v37 =	vand.u32 $0x7FFFFFFF, v29;
	v10 =	vmul.f32 v10, v15  }
0xdc: {  	v31 =	vmul.f32 v31, v20;
	v19 =	vsub.f32 $0.0e+00, v19;
	v15 =	vld [tilespmem:s18+$0x5110];
	v37 =	vsub.f32 $0.0e+00, v37  }
0xdd: {  	v22 =	vadd.f32 v38, v22;
	v11 =	vmul.f32 $1.442695020e+00, v11;
	v38 =	vld [tilespmem:s18+$0x5120];
	v10 =	vadd.f32 v10, v10  }
0xde: {  	v39 =	vmax.f32 v9, $0.0e+00;
	v9 =	vmovc v27;
	v40 =	vmul.f32 $1.442695020e+00, v19;
	v37 =	vmul.f32 $1.442695020e+00, v37  }
0xdf: {  	v27 =	vadd.f32 v24, v30;
	(erf) = vpow2.f32 v11;
	v10 =	vadd.f32 v10, v39  }
0xe0: {  	v11 =	vadd.f32 v36, v22;
	v22 =	vadd.f32 v33, v32;
	(erf) = vpow2.f32 v40;
	v19 =	vpop (erf)  }
0xe1: {  	v15 =	vadd.f32 v15, v27;
	(erf) = vpow2.f32 v37;
	v19 =	vmul.f32 v10, v19  }
0xe2: {  	v27 =	vmul.f32 v35, v21;
	v11 =	vsub.f32 $0.0e+00, v11;
	v22 =	vadd.f32 v38, v22;
	v24 =	vpop (erf)  }
0xe3: {  	v10 =	vmax.f32 v28, $0.0e+00;
	v15 =	vsub.f32 $0.0e+00, v15;
	v28 =	vadd.f32 $2.000000000e+00, v24;
	[tilespmem:s17+$0x7930] =	vst v19  }
0xe4: {  	v11 =	vmul.f32 $1.442695020e+00, v11;
	v19 =	vsub.f32 $0.0e+00, v22;
	v22 =	vadd.f32 $2.000000030e-01, v26  }
0xe5: {  	v15 =	vmul.f32 $1.442695020e+00, v15;
	v26 =	vld [tilespmem:s18+$0x130];
	(erf) = vrcp.f32 v28;
	v28 =	vadd.f32 $2.000000030e-01, v31  }
0xe6: {  	v27 =	vadd.f32 $2.000000030e-01, v27;
	v19 =	vmul.f32 $1.442695020e+00, v19;
	v30 =	vld [tilespmem:s18+$0x2930];
	(erf) = vpow2.f32 v11  }
0xe7: {  	v11 =	vmax.f32 v25, $0.0e+00;
	(erf) = vpow2.f32 v15;
	v15 =	vmul.f32 v22, v23  }
0xe8: {  	v29 =	vmax.f32 v29, $0.0e+00;
	v28 =	vmul.f32 v28, v20;
	v31 =	vld [tilespmem:s18+$0x5130];
	v25 =	vpop (erf);
	(erf) = vpow2.f32 v19  }
0xe9: {  	v27 =	vmul.f32 v27, v21;
	v32 =	vadd.f32 $2.000000000e+00, v25;
	v22 =	vpop (erf);
	v15 =	vadd.f32 $3.333333430e-01, v15  }
0xea: {  	v13 =	vmul.f32 v13, v2;
	v28 =	vadd.f32 $3.333333430e-01, v28;
	v33 =	vadd.f32 $2.000000000e+00, v22;
	v19 =	vpop (erf)  }
0xeb: {  	v2 =	vmovc v4;
	v4 =	vmovc v34;
	v35 =	vadd.f32 $2.000000000e+00, v19;
	v26 =	vadd.f32 v30, v26;
	(erf) = vrcp.f32 v32  }
0xec: {  	v15 =	vmul.f32 v15, v23;
	v23 =	vadd.f32 $3.333333430e-01, v27;
	(erf) = vrcp.f32 v33;
	[tilespmem:s13+$0x7920] =	vst v13;
	s13 =	smov.u32 s16;
	s16 =	smov.u32 s17;
	s17 =	smov.u32 s18  }
0xed: {  	v20 =	vmul.f32 v28, v20;
	v26 =	vadd.f32 v31, v26;
	(erf) = vrcp.f32 v35  }
.Ltmp1:
0xee: {  	v13 =	vadd.f32 v18, v3;
	v28 =	vadd.f32 $1.000000000e+00, v15;
	v21 =	vmul.f32 v23, v21;
	v27 =	vpop (erf);
	(pc) =	sbr.rel @p0 .LBB2_5-.Ltmp1, $4  }
0xef: {  	v30 =	vadd.f32 $1.000000000e+00, v20;
	v23 =	vsub.f32 $0.0e+00, v26;
	v15 =	vmul.f32 v27, v24;
	v18 =	vpop (erf)  }
0xf0: {  	s18 =	sshra.s32 s19, $0x2;
	v26 =	vmul.f32 v28, v17;
	v17 =	vadd.f32 $1.000000000e+00, v21;
	v31 =	vadd.f32 $1.000000000e+00, v18;
	v18 =	vpop (erf)  }
0xf1: {  	v20 =	vld [tilespmem:s18+$0x170];
	v18 =	vadd.f32 $1.000000000e+00, v18;
	v27 =	vmul.f32 $1.442695020e+00, v23;
	v24 =	vmul.f32 v15, v15;
	v3 =	vpop (erf)  }
0xf2: {  	s19 =	sadd.s32 $0x200, s19;
	v16 =	vmul.f32 v30, v16;
	v23 =	vld [tilespmem:s18+$0x2970];
	v21 =	vadd.f32 $1.000000000e+00, v3;
	(erf) = vrcp.f32 v31;
	v3 =	vmovc v5;
	v5 =	vmovc v29  }
0xf3: {  	v28 =	vld [tilespmem:s18+$0x140]  }
0xf4: {  	v29 =	vld [tilespmem:s18+$0x5170]  }
0xf5: {  	v58 =	vld [tilespmem:s18+$0x2940]  }
0xf6: {  	v31 =	vld [tilespmem:s18+$0x150]  }
0xf7: {  	(erf) = vpow2.f32 v27;
	v32 =	vld [tilespmem:s18+$0x2950]  }
0xf8: {  	v30 =	vmul.f32 $1.111111120e-01, v24;
	v33 =	vld [tilespmem:s18+$0x160]  }
0xf9: {  	v26 =	vadd.f32 v26, v26;
	v60 =	vld [tilespmem:s18+$0x2960]  }
0xfa: {  	v34 =	vpop (erf);
	(erf) = vrcp.f32 v18;
	v16 =	vadd.f32 v16, v16;
	v30 =	vadd.f32 $1.428571490e-01, v30  }
0xfb: {  	v35 =	vld [tilespmem:s18+$0x5140];
	v26 =	vadd.f32 v26, v8;
	v18 =	vmul.f32 v34, v25;
	v20 =	vadd.f32 v23, v20  }
0xfc: {  	v63 =	vld [tilespmem:s18+$0x5150];
	v37 =	vadd.f32 v16, v7;
	v59 =	vmul.f32 v30, v24;
	v27 =	vadd.f32 v58, v28  }
0xfd: {  	v38 =	vld [tilespmem:s18+$0x5160];
	v61 =	vpop (erf);
	(erf) = vrcp.f32 v21;
	v41 =	vadd.f32 v32, v31;
	v8 =	vadd.f32 v29, v20  }
0xfe: {  	v36 =	vpop (erf);
	v12 =	vmul.f32 v26, v12;
	v45 =	vadd.f32 v60, v33;
	v62 =	vadd.f32 $2.000000030e-01, v59  }
0xff: {  	v29 =	vmul.f32 v37, v14;
	v14 =	vmul.f32 v36, v19;
	v39 =	vand.u32 $0x7FFFFFFF, v8;
	v7 =	vpop (erf)  }
0x100: {  	v40 =	vld [tilespmem:s18+$0x100];
	v19 =	vadd.f32 v35, v27;
	v20 =	vmul.f32 v62, v24;
	v42 =	vsub.f32 $0.0e+00, v39;
	v43 =	vpop (erf)  }
0x101: {  	v44 =	vld [tilespmem:s18+$0x2900];
	v16 =	vmul.f32 v61, v22;
	[tilespmem:s16+$0x7900] =	vst v12;
	v22 =	vadd.f32 v63, v41;
	v31 =	vadd.f32 $1.000000000e+00, v43  }
0x102: {  	v46 =	vld [tilespmem:s18+$0x110];
	v12 =	vadd.f32 v38, v45;
	[tilespmem:s16+$0x7910] =	vst v29;
	v20 =	vadd.f32 $3.333333430e-01, v20;
	v25 =	vmul.f32 $1.442695020e+00, v42  }
0x103: {  	v47 =	vld [tilespmem:s18+$0x2910];
	v48 =	vand.u32 $0x7FFFFFFF, v19;
	v50 =	vand.u32 $0x7FFFFFFF, v22;
	(erf) = vrcp.f32 v31  }
0x104: {  	v49 =	vld [tilespmem:s18+$0x120];
	v20 =	vmul.f32 v20, v24;
	v24 =	vsub.f32 $0.0e+00, v48;
	(erf) = vpow2.f32 v25  }
0x105: {  	v51 =	vld [tilespmem:s18+$0x2920];
	v25 =	vsub.f32 $0.0e+00, v50  }
0x106: {  	v52 =	vld [tilespmem:s18+$0x5100];
	v53 =	vand.u32 $0x7FFFFFFF, v12;
	v20 =	vadd.f32 $1.000000000e+00, v20;
	v24 =	vmul.f32 $1.442695020e+00, v24  }
0x107: {  	v28 =	vmul.f32 v18, v18;
	v54 =	vld [tilespmem:s18+$0x5110];
	v33 =	vsub.f32 $0.0e+00, v53;
	v25 =	vmul.f32 $1.442695020e+00, v25  }
0x108: {  	v57 =	vmax.f32 v9, $0.0e+00;
	v36 =	vld [tilespmem:s18+$0x5120];
	v20 =	vmul.f32 v20, v15;
	(erf) = vpow2.f32 v24  }
0x109: {  	v55 =	vadd.f32 v44, v40;
	v56 =	vmul.f32 $1.442695020e+00, v33;
	(erf) = vpow2.f32 v25  }
0x10a: {  	v60 =	vmul.f32 $1.111111120e-01, v28;
	v21 =	vadd.f32 v47, v46;
	v15 =	vpop (erf);
	v20 =	vadd.f32 v20, v20  }
0x10b: {  	v58 =	vadd.f32 v52, v55;
	v59 =	vadd.f32 v51, v49;
	v9 =	vpop (erf);
	(erf) = vpow2.f32 v56  }
0x10c: {  	v29 =	vmul.f32 v16, v16;
	v21 =	vadd.f32 v54, v21;
	v20 =	vadd.f32 v20, v57;
	v61 =	vpop (erf)  }
0x10d: {  	v34 =	vmul.f32 v14, v14;
	v23 =	vsub.f32 $0.0e+00, v58;
	v24 =	vadd.f32 v36, v59;
	v63 =	vpop (erf)  }
0x10e: {  	v21 =	vsub.f32 $0.0e+00, v21;
	v20 =	vmul.f32 v20, v61;
	v36 =	vadd.f32 $2.000000000e+00, v63  }
0x10f: {  	v37 =	vmul.f32 $1.111111120e-01, v34;
	v23 =	vmul.f32 $1.442695020e+00, v23;
	v24 =	vsub.f32 $0.0e+00, v24  }
0x110: {  	v39 =	vadd.f32 $1.428571490e-01, v60;
	v38 =	vmul.f32 $1.442695020e+00, v21;
	[tilespmem:s17+$0x7930] =	vst v20;
	(erf) = vrcp.f32 v36  }
0x111: {  	v31 =	vadd.f32 $1.428571490e-01, v37;
	v24 =	vmul.f32 $1.442695020e+00, v24;
	v40 =	vld [tilespmem:s18+$0x130];
	v41 =	vpop (erf);
	(erf) = vpow2.f32 v23  }
0x112: {  	v62 =	vmul.f32 $1.111111120e-01, v29;
	v43 =	vld [tilespmem:s18+$0x2930];
	v44 =	vadd.f32 $2.000000000e+00, v41;
	v45 =	vpop (erf);
	(erf) = vpow2.f32 v38  }
0x113: {  	v50 =	vmul.f32 v31, v34;
	v46 =	vadd.f32 $2.000000000e+00, v45;
	(erf) = vpow2.f32 v24  }
0x114: {  	v21 =	vmul.f32 v39, v28;
	v47 =	vld [tilespmem:s18+$0x5130];
	v48 =	vpop (erf);
	(erf) = vrcp.f32 v44  }
0x115: {  	v42 =	vadd.f32 $1.428571490e-01, v62;
	v49 =	vadd.f32 $2.000000000e+00, v48;
	(erf) = vrcp.f32 v46  }
0x116: {  	v6 =	vmul.f32 v17, v6;
	v51 =	vadd.f32 $2.000000030e-01, v50;
	v21 =	vadd.f32 $2.000000030e-01, v21  }
0x117: {  	v26 =	vmul.f32 v42, v29;
	v25 =	vadd.f32 v43, v40;
	(erf) = vrcp.f32 v49  }
0x118: {  	v6 =	vadd.f32 v6, v6;
	v21 =	vmul.f32 v21, v28;
	v20 =	vmul.f32 v51, v34  }
0x119: {  	v26 =	vadd.f32 $2.000000030e-01, v26;
	v53 =	vadd.f32 v47, v25;
	v54 =	vpop (erf)  }
0x11a: {  	v2 =	vmul.f32 v13, v2;
	v21 =	vadd.f32 $3.333333430e-01, v21;
	v20 =	vadd.f32 $3.333333430e-01, v20;
	v55 =	vpop (erf)  }
0x11b: {  	v52 =	vmul.f32 v26, v29;
	v56 =	vsub.f32 $0.0e+00, v53;
	v57 =	vmul.f32 v54, v63;
	v58 =	vpop (erf)  }
0x11c: {  	v21 =	vmul.f32 v21, v28;
	v20 =	vmul.f32 v20, v34;
	v26 =	vadd.f32 $1.000000000e+00, v55;
	v59 =	vpop (erf)  }
0x11d: {  	v13 =	vmul.f32 $1.442695020e+00, v56;
	v60 =	vmul.f32 v57, v57;
	v61 =	vpop (erf)  }
0x11e: {  	v3 =	vadd.f32 v6, v3;
	(erf) = vrcp.f32 v26;
	v23 =	vmul.f32 v61, v41;
	v62 =	vpop (erf)  }
0x11f: {  	v8 =	vmax.f32 v8, $0.0e+00;
	v63 =	vmul.f32 $1.111111120e-01, v60;
	v26 =	vmul.f32 v62, v45  }
0x120: {  	v24 =	vadd.f32 $3.333333430e-01, v52;
	(erf) = vpow2.f32 v13;
	v33 =	vpop (erf);
	v36 =	vmul.f32 v23, v23  }
0x121: {  	v19 =	vmax.f32 v19, $0.0e+00;
	v13 =	vmul.f32 v33, v48;
	v37 =	vmul.f32 v26, v26  }
0x122: {  	v24 =	vmul.f32 v24, v29;
	v29 =	vadd.f32 $1.428571490e-01, v63;
	v38 =	vmul.f32 $1.111111120e-01, v36  }
0x123: {  	v22 =	vmax.f32 v22, $0.0e+00;
	v39 =	vmul.f32 v13, v13;
	v40 =	vmul.f32 $1.111111120e-01, v37  }
0x124: {  	v21 =	vadd.f32 $1.000000000e+00, v21;
	v29 =	vmul.f32 v29, v60;
	v32 =	vadd.f32 $1.428571490e-01, v38  }
0x125: {  	v20 =	vadd.f32 $1.000000000e+00, v20;
	v41 =	vmul.f32 $1.111111120e-01, v39;
	v33 =	vadd.f32 $1.428571490e-01, v40  }
0x126: {  	v18 =	vmul.f32 v21, v18;
	v29 =	vadd.f32 $2.000000030e-01, v29;
	v32 =	vmul.f32 v32, v36  }
0x127: {  	v25 =	vadd.f32 $1.000000000e+00, v58;
	v21 =	vadd.f32 $1.428571490e-01, v41;
	v33 =	vmul.f32 v33, v37  }
0x128: {  	v27 =	vadd.f32 $1.000000000e+00, v59;
	v29 =	vmul.f32 v29, v60;
	v42 =	vpop (erf);
	v32 =	vadd.f32 $2.000000030e-01, v32  }
0x129: {  	(erf) = vrcp.f32 v25;
	v43 =	vpop (erf);
	v21 =	vmul.f32 v21, v39;
	v33 =	vadd.f32 $2.000000030e-01, v33  }
0x12a: {  	v25 =	vadd.f32 $1.000000000e+00, v43;
	v29 =	vadd.f32 $3.333333430e-01, v29;
	v32 =	vmul.f32 v32, v36  }
0x12b: {  	(erf) = vrcp.f32 v27;
	v21 =	vadd.f32 $2.000000030e-01, v21;
	v44 =	vmul.f32 v33, v37  }
0x12c: {  	v28 =	vmul.f32 v29, v60;
	(erf) = vrcp.f32 v25;
	v45 =	vadd.f32 $3.333333430e-01, v32  }
0x12d: {  	v24 =	vadd.f32 $1.000000000e+00, v24;
	v21 =	vmul.f32 v21, v39;
	v46 =	vadd.f32 $3.333333430e-01, v44  }
0x12e: {  	v14 =	vmul.f32 v20, v14;
	v47 =	vadd.f32 $1.000000000e+00, v28;
	v25 =	vmul.f32 v45, v36  }
0x12f: {  	v16 =	vmul.f32 v24, v16;
	v21 =	vadd.f32 $3.333333430e-01, v21;
	v24 =	vmul.f32 v46, v37  }
0x130: {  	v18 =	vadd.f32 v18, v18;
	v17 =	vmul.f32 v47, v57;
	v48 =	vadd.f32 $1.000000000e+00, v25  }
0x131: {  	v16 =	vadd.f32 v16, v16;
	v6 =	vmul.f32 v21, v39;
	v49 =	vadd.f32 $1.000000000e+00, v24  }
0x132: {  	v10 =	vadd.f32 v18, v10;
	v50 =	vadd.f32 v17, v17;
	v51 =	vmul.f32 v48, v23  }
0x133: {  	v11 =	vadd.f32 v16, v11;
	v52 =	vpop (erf);
	v6 =	vadd.f32 $1.000000000e+00, v6;
	v18 =	vmul.f32 v49, v26  }
0x134: {  	v7 =	vmul.f32 v10, v7;
	v53 =	vpop (erf);
	v8 =	vadd.f32 v50, v8;
	v54 =	vadd.f32 v51, v51  }
0x135: {  	[tilespmem:s13+$0x7920] =	vst v2;
	v2 =	vmul.f32 v11, v15;
	v55 =	vpop (erf);
	v6 =	vmul.f32 v6, v13;
	v56 =	vadd.f32 v18, v18  }
0x136: {  	[tilespmem:s17+$0x7900] =	vst v7;
	v57 =	vadd.f32 v14, v14;
	v58 =	vmul.f32 v8, v55;
	v59 =	vadd.f32 v54, v19  }
0x137: {  	[tilespmem:s17+$0x7910] =	vst v2;
	v2 =	vmul.f32 v3, v4;
	v3 =	vadd.f32 v6, v6;
	v60 =	vadd.f32 v56, v22  }
0x138: {  	v61 =	vmax.f32 v12, $0.0e+00;
	v5 =	vadd.f32 v57, v5;
	[tilespmem:s18+$0x7930] =	vst v58;
	v62 =	vmul.f32 v59, v42  }
0x139: {  	[tilespmem:s16+$0x7920] =	vst v2;
	v3 =	vadd.f32 v3, v61;
	v2 =	vmul.f32 v60, v52  }
0x13a: {  	v63 =	vmul.f32 v5, v9;
	[tilespmem:s18+$0x7900] =	vst v62  }
0x13b: {  	s12 =	sadd.s32 $0x1, s12;
	[tilespmem:s18+$0x7910] =	vst v2;
	v2 =	vmul.f32 v3, v53  }
0x13c: {  	p0 =	sne.s32 s12, $0x7D;
	[tilespmem:s17+$0x7920] =	vst v63  }
.Ltmp2:
0x13d: {  	[tilespmem:s18+$0x7920] =	vst v2;
	(pc) =	sbr.rel @p0 .LBB2_4-.Ltmp2, $4  }
0x13e: {  	[spmem:s1] =	stream.indirect.scatter.add.f32 [tilespmem:s31], [sflag:$0x6], $0x80, s2, s24, $0xb8;
	[tilespmem:$0x1E100] =	vst v63  }
0x13f: {  	_ =	swait.ge [sflag:s15], $0x2800  }
0x140: {  	[sflag:s15] =	ssyncset.done $0x0  }
0x141: {  	[sflag:s15] =	ssyncadd.s32 $0xFFFFD800  }
0x142: {  	[bflag:$0x0] =	sbarrier.arrive $0xFFFF  }
0x143: {  	s3 =	rddreg [dreg:$0x3]  }
0x144: {  	[hbm:s3], [sflag:s10] =	dma.local [spmem:s14], $0x2800  }
0x145: {  	_ =	swait.ge [sflag:s15], $0x2800  }
0x146: {  	s0 =	sadd.s32 $0x1, s0;
	s19 =	rddreg [dreg:$0x4]  }
0x147: {  	p0 =	sne.s32 s0, s19  }
.Ltmp3:
0x148: {  	_ = 	snop;
	(pc) =	sbr.rel @p0 .LBB2_1-.Ltmp3, $3  }
0x149: {  	_ =	sdelay $0x1  }
0x14a: {  	[sflag:s15] =	ssyncset.done $0x0  }
0x14b: {  	[sflag:s15] =	ssyncadd.s32 $0xFFFFD800  }
0x14c: {  	_ =	sfence.sel $0x180000  }
0x14d: {  	[bflag:$0x0] =	sbarrier.arrive $0xFFFF  }
0x14e: {  	_ =	strace $0x90000047  }
0x14f: {  	s0 =	stileid.u32;
	[bflag:$0x2] =	sbarrier.arrive $0xFFFF  }
0x150: {  	p0 =	sne.s32 s0, $0x0;
	s0 =	rddreg [dreg:$0x2]  }
0x151: {  	s0 =	sadd.s32 @!p0 $0x100000, s0  }
0x152: {  	[sflag:s0] =	ssyncadd.tile.s32 @!p0 $0x1;
	_ =	shalt  }
.Lfunc_end2:
_tile_overlayer_lowered:
.L_overlay_start_2:
0x153: {  	(tag) =	ssettag $0x2  }
0x154: {  	s0 =	rddreg [dreg:$0x0];
	s2 =	stileid.u32  }
0x155: {  	s1 =	rddreg [dreg:$0x1];
	p0 =	sne.s32 s2, $0x0  }
0x156: {  	s3 =	rddreg [dreg:$0x2];
	[bflag:$0x3] =	sbarrier.arrive $0xFFFF;
	s2 =	simm.s32 @!p0 $0x1C06  }
0x157: {  	[timem:s3], [sflag:s2] =	dma.local @!p0 [hbm:s0], s1  }
0x158: {  	s0 =	simm.s32 @!p0 $0x6  }
0x159: {  	_ =	swait.ge @!p0 [sflag:s0], s1  }
0x15a: {  	s1 =	ssub.s32 @!p0 $0x0, s1;
	[sflag:s0] =	ssyncset.done @!p0 $0x0  }
0x15b: {  	[sflag:s0] =	ssyncadd.s32 @!p0 s1  }
0x15c: {  	[bflag:$0x3] =	sbarrier.arrive $0xFFFF  }
0x15d: {  	_ =	shalt  }

// kernel: kernel.13.cloned.1.call-start
scs
__scs_entry_jumppad:
0x0: {  	(pc) =	sbr.rel $0x88, $3  }
0x1: {  	(tag) =	ssettag $0x0;
	lr =	simm.s32 $0x1  }
0x2: {  	[smem:$0x3F91] =	sst lr;
	_ =	strace $0xD0000000  }
0x3: {  	_ = 	snop  }
0x4: {  	_ = 	snop  }
0x5: {  	_ = 	snop  }
0x6: {  	_ = 	snop  }
0x7: {  	_ = 	snop  }
__scs_overlays_trampoline_lowered:
0x8: {  	[smem:$0x3FA0] =	sst s0  }
0x9: {  	[smem:$0x3FA1] =	sst s1  }
0xa: {  	[smem:$0x3FA2] =	sst s2  }
0xb: {  	[smem:$0x3FA3] =	sst s3  }
0xc: {  	[smem:$0x3FA4] =	sst s4  }
0xd: {  	[smem:$0x3FA5] =	sst s5  }
0xe: {  	[smem:$0x3FA6] =	sst s6  }
0xf: {  	[smem:$0x3FA7] =	sst s7  }
0x10: {  	[smem:$0x3FA8] =	sst s8  }
0x11: {  	[smem:$0x3FA9] =	sst s9;
	s0 =	simm.s32 @!p0 $0x0  }
0x12: {  	s1 =	sld [smem:$0x3F8F];
	s0 =	simm.s32 @p0 $0x1  }
0x13: {  	[smem:$0x3FAA] =	sst s0;
	s0 =	simm.s32 @!p1 $0x0  }
0x14: {  	s2 =	sld [smem:$0x3F8E];
	s0 =	simm.s32 @p1 $0x1  }
0x15: {  	[smem:$0x3FAB] =	sst s0;
	s0 =	simm.s32 @!p2 $0x0  }
0x16: {  	s3 =	sld [smem:$0x3FDB];
	s0 =	simm.s32 @p2 $0x1  }
0x17: {  	s4 =	simm.s32 $0x1BF5;
	[smem:$0x3FAD] =	sst s0  }
0x18: {  	s0 =	sld [smem:$0x3F90];
	_ =	swait.ge [sflag:s4], $0x0  }
0x19: {  	s7 =	sld [smem:$0x3F91]  }
0x1a: {  	s8 =	sadd.s32 $0xFFFFE003, lr  }
0x1b: {  	s9 =	sadd.s32 $0xFFFFFEF7, lr;
	s5 =	simm.s32 $0xFFFFFFFF;
	p2 =	slt.u32 s8, $0xFFFFF086  }
0x1c: {  	p1 =	slt.u32 s9, $0xF7A;
	s5 =	simm.s32 @!p2 $0x0  }
0x1d: {  	s5 =	simm.s32 @p1 $0x1;
	p0 =	seq.s32 s7, s2  }
0x1e: {  	s7 =	smul.u32 @!p0 $0xF7A, s2;
	p2 =	seq.s32 @!p0 s5, $0x0  }
0x1f: {  	s9 =	smul.u32 $0xF7A, s1;
	s8 =	simm.s32 @!p0 $0x1BF5;
	p2 =	por !p2, p0  }
0x20: {  	[sflag:s8] =	ssyncset.s32 @!p0 $0xFFFFF086;
	s6 =	sadd.s32 @!p0 s3, s7;
	s7 =	simm.s32 @!p0 $0x108  }
0x21: {  	s3 =	sadd.s32 s3, s9;
	s6 =	sadd.s32 @!p0 $0x88, s6;
	s7 =	simm.s32 @p2 $0x1082  }
0x22: {  	[simem:s7], [sflag:s8] =	dma.local @!p0 [hbm:s6], $0xF7A  }
0x23: {  	s9 =	sor.u32 $0xD0000000, s2;
	s6 =	simm.s32 $0x108;
	_ =	swait.ge @!p0 [sflag:s8], $0x0  }
0x24: {  	s3 =	sadd.s32 $0x88, s3;
	s6 =	simm.s32 @!p1 $0x1082;
	[sflag:s4] =	ssyncset.s32 $0xFFFFF086  }
0x25: {  	[simem:s6], [sflag:s4] =	dma.local [hbm:s3], $0xF7A  }
0x26: {  	[smem:$0x3F91] =	sst s1;
	(tag) =	ssettag s2;
	_ =	strace s9  }
0x27: {  	s1 =	sld [smem:$0x3FA1]  }
0x28: {  	s2 =	sld [smem:$0x3FA2]  }
0x29: {  	s4 =	sld [smem:$0x3FA4]  }
0x2a: {  	p0 =	seq.s32 s5, $0x0;
	s5 =	sld [smem:$0x3FA5]  }
0x2b: {  	s6 =	sld [smem:$0x3FA6]  }
0x2c: {  	s7 =	sld [smem:$0x3FA7]  }
0x2d: {  	s3 =	simm.s32 $0x108;
	s8 =	sld [smem:$0x3FA8]  }
0x2e: {  	s3 =	simm.s32 @!p0 $0x1082;
	s9 =	sld [smem:$0x3FA9]  }
0x2f: {  	lr =	sadd.s32 s0, s3;
	s0 =	sld [smem:$0x3FA0]  }
0x30: {  	s3 =	sld [smem:$0x3FA3]  }
0x31: {  	[smem:$0x3FAC] =	sst s10  }
0x32: {  	s10 =	sld [smem:$0x3FAA];
	_ =	sdelay $0x3  }
0x33: {  	p0 =	seq.s32 s10, $0x1;
	s10 =	sld [smem:$0x3FAC];
	_ =	sdelay $0x3  }
0x34: {  	[smem:$0x3FAC] =	sst s10  }
0x35: {  	s10 =	sld [smem:$0x3FAB];
	_ =	sdelay $0x3  }
0x36: {  	p1 =	seq.s32 s10, $0x1;
	s10 =	sld [smem:$0x3FAC];
	_ =	sdelay $0x3  }
0x37: {  	[smem:$0x3FAC] =	sst s10  }
0x38: {  	s10 =	sld [smem:$0x3FAD]  }
0x39: {  	_ = 	snop;
	(pc) =	sbr.ind lr, $3  }
0x3a: {  	_ = 	snop  }
0x3b: {  	_ = 	snop  }
0x3c: {  	p2 =	seq.s32 s10, $0x1;
	s10 =	sld [smem:$0x3FAC]  }
0x3d: {  	_ =	shalt  }
0x3e: {  	_ =	shalt  }
0x3f: {  	_ =	shalt  }
0x40: {  	_ =	shalt  }
0x41: {  	_ =	shalt  }
0x42: {  	_ =	shalt  }
0x43: {  	_ =	shalt  }
0x44: {  	_ =	shalt  }
0x45: {  	_ =	shalt  }
0x46: {  	_ =	shalt  }
0x47: {  	_ =	shalt  }
0x48: {  	_ =	shalt  }
0x49: {  	_ =	shalt  }
0x4a: {  	_ =	shalt  }
0x4b: {  	_ =	shalt  }
0x4c: {  	_ =	shalt  }
0x4d: {  	_ =	shalt  }
0x4e: {  	_ =	shalt  }
0x4f: {  	_ =	shalt  }
0x50: {  	_ =	shalt  }
0x51: {  	_ =	shalt  }
0x52: {  	_ =	shalt  }
0x53: {  	_ =	shalt  }
0x54: {  	_ =	shalt  }
0x55: {  	_ =	shalt  }
0x56: {  	_ =	shalt  }
0x57: {  	_ =	shalt  }
0x58: {  	_ =	shalt  }
0x59: {  	_ =	shalt  }
0x5a: {  	_ =	shalt  }
0x5b: {  	_ =	shalt  }
0x5c: {  	_ =	shalt  }
0x5d: {  	_ =	shalt  }
0x5e: {  	_ =	shalt  }
0x5f: {  	_ =	shalt  }
0x60: {  	_ =	shalt  }
0x61: {  	_ =	shalt  }
0x62: {  	_ =	shalt  }
0x63: {  	_ =	shalt  }
0x64: {  	_ =	shalt  }
0x65: {  	_ =	shalt  }
0x66: {  	_ =	shalt  }
0x67: {  	_ =	shalt  }
0x68: {  	_ =	shalt  }
0x69: {  	_ =	shalt  }
0x6a: {  	_ =	shalt  }
0x6b: {  	_ =	shalt  }
0x6c: {  	_ =	shalt  }
0x6d: {  	_ =	shalt  }
0x6e: {  	_ =	shalt  }
0x6f: {  	_ =	shalt  }
0x70: {  	_ =	shalt  }
0x71: {  	_ =	shalt  }
0x72: {  	_ =	shalt  }
0x73: {  	_ =	shalt  }
0x74: {  	_ =	shalt  }
0x75: {  	_ =	shalt  }
0x76: {  	_ =	shalt  }
0x77: {  	_ =	shalt  }
0x78: {  	_ =	shalt  }
0x79: {  	_ =	shalt  }
0x7a: {  	_ =	shalt  }
0x7b: {  	_ =	shalt  }
0x7c: {  	_ =	shalt  }
0x7d: {  	_ =	shalt  }
0x7e: {  	_ =	shalt  }
0x7f: {  	_ =	shalt  }
0x80: {  	_ =	shalt  }
0x81: {  	_ =	shalt  }
0x82: {  	_ =	shalt  }
0x83: {  	_ =	shalt  }
0x84: {  	_ =	shalt  }
0x85: {  	_ =	shalt  }
0x86: {  	_ =	shalt  }
0x87: {  	_ =	shalt  }
.Lfunc_end0:
.L_simem_size_0:
called_computation.1_lowered:
.L_overlay_start_0:
0x88: {  	s2 =	sld [smem:$0x3FD9]  }
0x89: {  	s3 =	sld [smem:$0x3FFE];
	_ =	sdelay $0x1  }
0x8a: {  	s1 =	srdreg.scid  }
0x8b: {  	s0 =	sand.u32 $0x1, s1  }
0x8c: {  	s16 =	sshll.u32 s0, $0xA;
	s2 =	sadd.s32 s3, s2  }
0x8d: {  	s2 =	sadd.s32 s2, s16  }
0x8e: {  	[smem:$0x3FB8] =	sst s2  }
0x8f: {  	_ = 	snop  }
0x90: {  	(tm) =	ssettm $0x1  }
0x91: {  	s17 =	sld [smem:$0x3FFB];
	_ =	sdelay $0x3  }
0x92: {  	_ =	strace s17  }
0x93: {  	s2 =	sld [smem:$0x3FFC];
	_ =	sdelay $0x3  }
0x94: {  	_ =	strace s2  }
0x95: {  	s2 =	sld [smem:$0x3FFD];
	_ =	sdelay $0x3  }
0x96: {  	_ =	strace s2  }
0x97: {  	_ =	strace $0x8FFFFFFF  }
0x98: {  	s18 =	sld [smem:$0x3FDB];
	_ =	sdelay $0x1  }
0x99: {  	s19 =	simm.s32 $_scs_section_size  }
0x9a: {  	s4 =	simm.s32 $_size__tile_overlayer_lowered;
	s5 =	simm.s32 $_tile_overlayer_lowered  }
0x9b: {  	s22 =	simm.s32 $0x1BFF;
	s21 =	sshll.u32 s5, $0x1;
	s2 =	sadd.s32 s19, s18  }
0x9c: {  	s6 =	simm.s32 $0x0;
	s20 =	sshll.u32 s4, $0x1;
	s4 =	sadd.s32 s21, s2  }
0x9d: {  	[timem:s6], [sflag:s22] =	dma.local [hbm:s4], s20  }
0x9e: {  	_ =	swait.ge [sflag:s22], s20  }
0x9f: {  	s3 =	ssub.s32 $0x0, s20;
	[sflag:s22] =	ssyncset.done $0x0  }
0xa0: {  	[sflag:s22] =	ssyncadd.s32 s3;
	_ =	sdelay $0x1  }
0xa1: {  	s23 =	simm.s32 $0x1B8B  }
0xa2: {  	_ =	swait.ge [sflag:s23], $0x1  }
0xa3: {  	[sflag:s23] =	ssyncset.done $0x0  }
0xa4: {  	s25 =	simm.s32 $0x1B8E;
	s24 =	sld [smem:$0x3FFE];
	[sflag:s23] =	ssyncadd.s32 $0xFFFFFFFF  }
0xa5: {  	s26 =	simm.s32 $execute0_lowered;
	[smem:$0x3FD2] =	sst s25  }
0xa6: {  	s4 =	sshll.u32 s26, $0x1;
	_ =	strace $0x80000049;
	[dreg:$0x1] =	wrdreg $0xFFFFFFFF  }
0xa7: {  	s28 =	simm.s32 $_size_execute0_lowered;
	s2 =	sadd.s32 s2, s4;
	[dreg:$0x0] =	wrdreg $0x0  }
0xa8: {  	s4 =	sshll.u32 s28, $0x1;
	[dreg:$0x2] =	wrdreg s2  }
0xa9: {  	[dreg:$0x3] =	wrdreg s4  }
0xaa: {  	[dreg:$0x4] =	wrdreg $0xC0  }
0xab: {  	_ =	task [dreg:s6], $0x5FFFF  }
0xac: {  	[dreg:$0x1] =	wrdreg $0xFFFFFFFF  }
0xad: {  	[dreg:$0x0] =	wrdreg $0x60  }
0xae: {  	[dreg:$0x2] =	wrdreg s24  }
0xaf: {  	[dreg:$0x3] =	wrdreg $0xA1000  }
0xb0: {  	[dreg:$0x4] =	wrdreg $0x9  }
0xb1: {  	_ =	task.clear_ibuf [dreg:s6], $0x5FFFF;
	_ =	strace $0x90000049  }
0xb2: {  	s29 =	simm.s32 $0x9;
	_ =	strace $0x8000004B  }
0xb3: {  	_ =	swait.ge [sflag:s29], $0x1  }
0xb4: {  	[sflag:s29] =	ssyncadd.s32 $0xFFFFFFFF  }
0xb5: {  	_ =	strace $0x9000004B  }
0xb6: {  	_ =	sfence  }
0xb7: {  	s30 =	sld [smem:$0x0];
	_ =	sdelay $0x2  }
0xb8: {  	s31 =	sshll.u32 s1, $0xD;
	s1 =	sshrl.u32 s1, $0x2  }
0xb9: {  	s3 =	sand.u32 $0x4000, s31;
	s1 =	sadd.s32 s1, s30  }
0xba: {  	s0 =	sor.u32 s3, s0;
	s1 =	sshll.u32 s1, $0x11  }
0xbb: {  	s0 =	sor.u32 s1, s0  }
0xbc: {  	s0 =	sadd.s32 $0x8F2B, s0  }
0xbd: {  	[sflag:s0] =	ssyncadd.remote.s32 $0x1  }
0xbe: {  	_ =	sfence.sel $0xFFFF  }
0xbf: {  	[dreg:$0x0] =	wrdreg $0xFFFFFFFF;
	(pc) =	sbr.abs _section_cstart, $3  }
0xc0: {  	[dreg:$0x1] =	wrdreg $0xFFFFFFFF  }
0xc1: {  	_ =	task.clear_ibuf [dreg:s6], $0x2FFFF;
	_ =	strace $0x9FFFFFFF  }
0xc2: {  	(tm) =	ssettm $0x7FFFFFFF  }
0xc3: {  	_ =	shalt  }
tec
execute0_lowered:
.L_overlay_start_1:
0x0: {  	(tag) =	ssettag $0x1  }
0x1: {  	s0 =	rddreg [dreg:$0x0]  }
0x2: {  	s1 =	rddreg [dreg:$0x1];
	s2 =	simm.s32 $0x0  }
0x3: {  	s3 =	srdreg.scid;
	s14 =	stileid.u32;
	s15 =	simm.s32 $0x6  }
0x4: {  	s28 =	simm.s32 $0x5;
	s29 =	simm.s32 $0x1;
	s30 =	simm.s32 $0x2  }
0x5: {  	s31 =	simm.s32 $0x7900;
	[smem:$0x7FF] =	sst s2;
	s4 =	sadd.s32 $0xEC4600, s0  }
0x6: {  	s3 =	sand.u32 $0x1, s3;
	s5 =	sadd.s32 $0xEEB800, s0;
	s10 =	smul.u32 $0x14000, s14  }
0x7: {  	s6 =	sadd.s32 $0x500600, s0;
	s7 =	sadd.s32 $0x14800, s0;
	s8 =	sadd.s32 $0xAA00, s0  }
0x8: {  	s12 =	smul.u32 $0x50000, s14;
	s20 =	sshll.u32 s14, $0x1;
	s21 =	sshll.u32 s14, $0x6  }
0x9: {  	_ =	strace $0x8000004A;
	s9 =	smul.u32 $0x140000, s3;
	s11 =	ssub.s32 $0x2, s3  }
0xa: {  	s3 =	sor.u32 s3, s20;
	s20 =	simm.s32 $0x80;
	s13 =	sshrl.u32 s11, $0x1  }
0xb: {  	s19 =	sshrl.u32 s12, $0x2;
	s10 =	sadd.s32 s10, s9;
	s9 =	sadd.s32 $0xF39C00, s0  }
0xc: {  	s13 =	ssub.s32 s11, s13;
	s12 =	sadd.s32 s19, s1;
	s11 =	smul.u32 $0x2710, s3  }
0xd: {  	s10 =	sshrl.u32 s10, $0x3;
	s16 =	sadd.s32 $0x4000, s12;
	s17 =	sadd.s32 $0x8000, s12  }
0xe: {  	s18 =	sadd.s32 $0xC000, s12;
	s19 =	sadd.s32 $0x10000, s12;
	s22 =	smax.u32 s13, $0x1  }
0xf: {  	s14 =	sshrl.u32 s12, $0x3;
	[dreg:$0x4] =	wrdreg s22;
	s23 =	sshrl.u32 s16, $0x3  }
0x10: {  	s0 =	sadd.s32 s10, s0;
	s24 =	sshrl.u32 s17, $0x3;
	[dreg:$0x5] =	wrdreg s23  }
0x11: {  	s10 =	sor.u32 $0x1C06, s21;
	s25 =	sshrl.u32 s18, $0x3;
	[dreg:$0x6] =	wrdreg s24  }
0x12: {  	s26 =	sshrl.u32 s19, $0x3;
	s21 =	simm.s32 $0x100;
	[dreg:$0x7] =	wrdreg s25  }
0x13: {  	s22 =	simm.s32 $0x3;
	s0 =	sadd.s32 $0x1E600, s0;
	[dreg:$0x8] =	wrdreg s26  }
0x14: {  	vm0 =	vcmask $0x300;
	v0 =	vimm.f32 $0.0e+00;
	s23 =	simm.s32 $0x4;
	s24 =	simm.s32 $0x50;
	s25 =	simm.s32 $0x2900  }
0x15: {  	v1 =	vsel vm0, $0x3F800000, v0;
	s26 =	simm.s32 $0x5100;
	[dreg:$0x3] =	wrdreg s0;
	s0 =	simm.s32 $0x0  }
.LBB2_1:
0x16: {  	[spmem:s14], [sflag:s10] =	dma.local [hbm:s9], $0x800  }
0x17: {  	_ =	swait.ge [sflag:s15], $0x800  }
0x18: {  	[sflag:s15] =	ssyncset.done $0x0  }
0x19: {  	s3 =	rddreg [dreg:$0x5];
	[sflag:s15] =	ssyncadd.s32 $0xFFFFF800  }
0x1a: {  	[spmem:s3], [sflag:s10] =	dma.local [hbm:s9], $0x800  }
0x1b: {  	_ =	swait.ge [sflag:s15], $0x800  }
0x1c: {  	[sflag:s15] =	ssyncset.done $0x0  }
0x1d: {  	s17 =	rddreg [dreg:$0x6];
	[sflag:s15] =	ssyncadd.s32 $0xFFFFF800  }
0x1e: {  	[spmem:s17], [sflag:s10] =	dma.local [hbm:s9], $0x800  }
0x1f: {  	_ =	swait.ge [sflag:s15], $0x800  }
0x20: {  	[sflag:s15] =	ssyncset.done $0x0  }
0x21: {  	s18 =	rddreg [dreg:$0x7];
	[sflag:s15] =	ssyncadd.s32 $0xFFFFF800  }
0x22: {  	[spmem:s18], [sflag:s10] =	dma.local [hbm:s9], $0x800  }
0x23: {  	_ =	swait.ge [sflag:s15], $0x800  }
0x24: {  	[sflag:s15] =	ssyncset.done $0x0  }
0x25: {  	s19 =	rddreg [dreg:$0x8];
	[sflag:s15] =	ssyncadd.s32 $0xFFFFF800  }
0x26: {  	[spmem:s19], [sflag:s10] =	dma.local [hbm:s9], $0x800  }
0x27: {  	_ =	swait.ge [sflag:s15], $0x800  }
0x28: {  	[sflag:s15] =	ssyncset.done $0x0  }
0x29: {  	s12 =	simm.s32 $0x200;
	s3 =	simm.s32 $0x0;
	[sflag:s15] =	ssyncadd.s32 $0xFFFFF800  }
.LBB2_2:
0x2a: {  	p0 =	sne.s32 s12, $0x9E00;
	[tilespmem:s3+$0x7970] =	vst v0;
	s13 =	smov.u32 s12;
	s12 =	sadd.s32 $0x200, s12  }
.Ltmp0:
0x2b: {  	[tilespmem:s3+$0x7960] =	vst v0;
	(pc) =	sbr.rel @p0 .LBB2_2-.Ltmp0, $3  }
0x2c: {  	[tilespmem:s3+$0x7940] =	vst v1  }
0x2d: {  	[tilespmem:s3+$0x7950] =	vst v0;
	_ =	sdelay $0x1  }
0x2e: {  	s3 =	sshra.s32 s13, $0x2  }
0x2f: {  	[tilespmem:s3+$0x7970] =	vst v0  }
0x30: {  	[tilespmem:s3+$0x7960] =	vst v0  }
0x31: {  	[tilespmem:s3+$0x7940] =	vst v1  }
0x32: {  	[tilespmem:s3+$0x7950] =	vst v0  }
0x33: {  	s3 =	simm.s32 $0x0;
	s12 =	simm.s32 $0x0;
	[bflag:$0x0] =	sbarrier.arrive $0xFFFF  }
.LBB2_4:
0x34: {  	s13 =	smul.u32 $0x50, s12;
	_ =	sdelay $0x1  }
0x35: {  	s13 =	sadd.s32 s11, s13  }
0x36: {  	s16 =	sshrl.u32 s13, $0x3  }
0x37: {  	s17 =	sadd.s32 s7, s16  }
0x38: {  	[tilespmem:s3], [sflag:$0x3] =	stream.linear.gather [hbm4b:s17+s3], $0x50, $0x38;
	[tilespmem:$0x1E100] =	vst v63  }
0x39: {  	s13 =	sshll.u32 s13, $0x4;
	s16 =	sadd.s32 s8, s16  }
0x3a: {  	[tilespmem:s20], [sflag:$0x4] =	stream.linear.gather [hbm4b:s16+s3], $0x50, $0x38;
	[tilespmem:$0x1E100] =	vst v63  }
0x3b: {  	s13 =	sadd.s32 s6, s13  }
0x3c: {  	[tilespmem:s21], [sflag:$0x5] =	stream.linear.gather [hbm4b:s13+s3], $0x2800, $0x38;
	[tilespmem:$0x1E100] =	vst v63  }
0x3d: {  	_ =	swait.ge [sflag:s22], $0x50  }
0x3e: {  	[sflag:s22] =	ssyncset.done $0x0  }
0x3f: {  	[sflag:s22] =	ssyncadd.s32 $0xFFFFFFB0  }
0x40: {  	_ =	swait.ge [sflag:s23], $0x50  }
0x41: {  	[sflag:s23] =	ssyncset.done $0x0  }
0x42: {  	[sflag:s23] =	ssyncadd.s32 $0xFFFFFFB0  }
0x43: {  	[tilespmem:s25], [sflag:$0x1] =	stream.indirect.gather [hbm4b:s4+s24], $0x80, s3, s24, $0xb8;
	[tilespmem:$0x1E100] =	vst v63  }
0x44: {  	_ = 	snop  }
0x45: {  	[tilespmem:s26], [sflag:$0x2] =	stream.indirect.gather [hbm4b:s5+s24], $0x80, s20, s24, $0xb8;
	[tilespmem:$0x1E100] =	vst v63  }
0x46: {  	_ =	swait.ge [sflag:s28], $0x2800  }
0x47: {  	[sflag:s28] =	ssyncset.done $0x0  }
0x48: {  	[sflag:s28] =	ssyncadd.s32 $0xFFFFD800  }
0x49: {  	_ =	swait.ge [sflag:s29], $0x2800  }
0x4a: {  	[sflag:s29] =	ssyncset.done $0x0  }
0x4b: {  	[sflag:s29] =	ssyncadd.s32 $0xFFFFD800  }
0x4c: {  	_ =	swait.ge [sflag:s30], $0x2800  }
0x4d: {  	[sflag:s30] =	ssyncset.done $0x0  }
0x4e: {  	s13 =	simm.s32 $0x0;
	[sflag:s30] =	ssyncadd.s32 $0xFFFFD800  }
0x4f: {  	v2 =	vld [tilespmem:s13+$0x170]  }
0x50: {  	v3 =	vld [tilespmem:s13+$0x2970]  }
0x51: {  	v4 =	vld [tilespmem:s13+$0x5170]  }
0x52: {  	v5 =	vld [tilespmem:s13+$0x140]  }
0x53: {  	v6 =	vld [tilespmem:s13+$0x2940]  }
0x54: {  	v7 =	vld [tilespmem:s13+$0x150]  }
0x55: {  	v8 =	vld [tilespmem:s13+$0x160];
	v2 =	vadd.f32 v3, v2  }
0x56: {  	v9 =	vld [tilespmem:s13+$0x5140]  }
0x57: {  	v3 =	vld [tilespmem:s13+$0x2950];
	v2 =	vadd.f32 v4, v2  }
0x58: {  	v11 =	vld [tilespmem:s13+$0x5150]  }
0x59: {  	v4 =	vld [tilespmem:s13+$0x2960];
	v10 =	vand.u32 $0x7FFFFFFF, v2  }
0x5a: {  	v10 =	vsub.f32 $0.0e+00, v10  }
0x5b: {  	v12 =	vld [tilespmem:s13+$0x5160];
	v5 =	vadd.f32 v6, v5  }
0x5c: {  	v13 =	vld [tilespmem:s13+$0x120];
	v3 =	vadd.f32 v3, v7;
	v6 =	vmul.f32 $1.442695020e+00, v10  }
0x5d: {  	v5 =	vadd.f32 v9, v5;
	v7 =	vld [tilespmem:s13+$0x100]  }
0x5e: {  	v10 =	vld [tilespmem:s13+$0x2900];
	v4 =	vadd.f32 v4, v8;
	v3 =	vadd.f32 v11, v3;
	(erf) = vpow2.f32 v6  }
0x5f: {  	v9 =	vld [tilespmem:s13+$0x5100];
	v8 =	vand.u32 $0x7FFFFFFF, v5  }
0x60: {  	v11 =	vld [tilespmem:s13+$0x2910];
	v8 =	vsub.f32 $0.0e+00, v8;
	v4 =	vadd.f32 v12, v4;
	v12 =	vand.u32 $0x7FFFFFFF, v3  }
0x61: {  	v6 =	vld [tilespmem:s13+$0x110];
	v12 =	vsub.f32 $0.0e+00, v12  }
0x62: {  	v15 =	vld [tilespmem:s13+$0x2920];
	v8 =	vmul.f32 $1.442695020e+00, v8  }
0x63: {  	v7 =	vadd.f32 v10, v7;
	v10 =	vld [tilespmem:s13+$0x5110];
	v12 =	vmul.f32 $1.442695020e+00, v12  }
0x64: {  	v16 =	vld [tilespmem:s13+$0x5120];
	v14 =	vand.u32 $0x7FFFFFFF, v4;
	(erf) = vpow2.f32 v8  }
0x65: {  	v14 =	vsub.f32 $0.0e+00, v14;
	v7 =	vadd.f32 v9, v7;
	(erf) = vpow2.f32 v12  }
0x66: {  	v6 =	vadd.f32 v11, v6  }
0x67: {  	v14 =	vmul.f32 $1.442695020e+00, v14;
	v9 =	vadd.f32 v15, v13;
	v7 =	vsub.f32 $0.0e+00, v7;
	v8 =	vpop (erf)  }
0x68: {  	v6 =	vadd.f32 v10, v6;
	v11 =	vadd.f32 $2.000000000e+00, v8  }
0x69: {  	(erf) = vpow2.f32 v14;
	v9 =	vadd.f32 v16, v9;
	v7 =	vmul.f32 $1.442695020e+00, v7  }
0x6a: {  	v6 =	vsub.f32 $0.0e+00, v6;
	(erf) = vrcp.f32 v11  }
0x6b: {  	(erf) = vpow2.f32 v7;
	v7 =	vsub.f32 $0.0e+00, v9  }
0x6c: {  	v10 =	vld [tilespmem:s13+$0x130];
	v6 =	vmul.f32 $1.442695020e+00, v6  }
0x6d: {  	v11 =	vld [tilespmem:s13+$0x2930];
	v12 =	vpop (erf);
	v7 =	vmul.f32 $1.442695020e+00, v7  }
0x6e: {  	(erf) = vpow2.f32 v6;
	v14 =	vpop (erf)  }
0x6f: {  	v9 =	vld [tilespmem:s13+$0x5130];
	(erf) = vpow2.f32 v7;
	v7 =	vadd.f32 $2.000000000e+00, v14  }
0x70: {  	v6 =	vadd.f32 $2.000000000e+00, v12;
	_ =	sdelay $0x1  }
0x71: {  	v15 =	vpop (erf);
	v10 =	vadd.f32 v11, v10;
	(erf) = vrcp.f32 v6  }
0x72: {  	(erf) = vrcp.f32 v7;
	v7 =	vpop (erf)  }
0x73: {  	s16 =	simm.s32 $0x80;
	v11 =	vadd.f32 $2.000000000e+00, v15;
	v6 =	vadd.f32 v9, v10;
	v7 =	vmul.f32 v7, v8  }
0x74: {  	v17 =	vld [tilespmem:s16+$0x5170]  }
0x75: {  	v9 =	vld [tilespmem:s16+$0x170];
	(erf) = vrcp.f32 v11;
	v6 =	vsub.f32 $0.0e+00, v6;
	v8 =	vpop (erf);
	v16 =	vmul.f32 v7, v7  }
0x76: {  	v10 =	vld [tilespmem:s16+$0x2970];
	v8 =	vadd.f32 $1.000000000e+00, v8  }
0x77: {  	v19 =	vld [tilespmem:s16+$0x2940];
	v6 =	vmul.f32 $1.442695020e+00, v6;
	v13 =	vmul.f32 $1.111111120e-01, v16  }
0x78: {  	v21 =	vld [tilespmem:s16+$0x150];
	v11 =	vpop (erf);
	(erf) = vrcp.f32 v8  }
0x79: {  	v28 =	vld [tilespmem:s16+$0x100];
	(erf) = vpow2.f32 v6;
	v18 =	vpop (erf);
	v13 =	vadd.f32 $1.428571490e-01, v13  }
0x7a: {  	v30 =	vld [tilespmem:s16+$0x2900];
	v11 =	vadd.f32 $1.000000000e+00, v11;
	v18 =	vadd.f32 $1.000000000e+00, v18  }
0x7b: {  	v10 =	vadd.f32 v10, v9;
	v8 =	vld [tilespmem:s16+$0x140];
	v6 =	vmax.f32 v5, $0.0e+00;
	v20 =	vpop (erf);
	v22 =	vmul.f32 v13, v16  }
0x7c: {  	v5 =	vmax.f32 v3, $0.0e+00;
	(erf) = vrcp.f32 v11;
	v12 =	vmul.f32 v20, v12;
	v20 =	vld [tilespmem:s16+$0x2950]  }
0x7d: {  	v23 =	vld [tilespmem:s16+$0x160];
	v3 =	vpop (erf);
	v13 =	vmax.f32 v4, $0.0e+00;
	v4 =	vadd.f32 v17, v10;
	v10 =	vadd.f32 $2.000000030e-01, v22  }
0x7e: {  	(erf) = vrcp.f32 v18;
	v11 =	vmul.f32 v3, v14;
	v3 =	vld [tilespmem:s16+$0x2960];
	v18 =	vpop (erf)  }
0x7f: {  	v28 =	vadd.f32 v30, v28;
	v9 =	vmul.f32 v18, v15;
	v15 =	vld [tilespmem:s16+$0x5140];
	v24 =	vand.u32 $0x7FFFFFFF, v4  }
0x80: {  	v14 =	vmul.f32 v12, v12;
	v8 =	vadd.f32 v19, v8;
	v19 =	vld [tilespmem:s16+$0x5150];
	v25 =	vmul.f32 v10, v16  }
0x81: {  	v26 =	vld [tilespmem:s16+$0x5160];
	v33 =	vmax.f32 v2, $0.0e+00;
	v17 =	vmul.f32 v11, v11;
	v20 =	vadd.f32 v20, v21;
	v10 =	vpop (erf)  }
0x82: {  	v22 =	vmul.f32 $1.111111120e-01, v14;
	v21 =	vsub.f32 $0.0e+00, v24;
	v25 =	vadd.f32 $3.333333430e-01, v25;
	v24 =	vpop (erf)  }
0x83: {  	v27 =	vmul.f32 $1.111111120e-01, v17;
	v3 =	vadd.f32 v3, v23;
	v24 =	vadd.f32 $1.000000000e+00, v24  }
0x84: {  	v22 =	vadd.f32 $1.428571490e-01, v22;
	v8 =	vadd.f32 v15, v8;
	v15 =	vmul.f32 v25, v16  }
0x85: {  	v23 =	vld [tilespmem:s16+$0x110];
	v21 =	vmul.f32 $1.442695020e+00, v21;
	v19 =	vadd.f32 v19, v20;
	(erf) = vrcp.f32 v24  }
0x86: {  	v18 =	vmul.f32 v9, v9;
	v3 =	vadd.f32 v26, v3;
	v16 =	vld [tilespmem:s16+$0x2910];
	v15 =	vadd.f32 $1.000000000e+00, v15  }
0x87: {  	v24 =	vand.u32 $0x7FFFFFFF, v8;
	(erf) = vpow2.f32 v21;
	v21 =	vadd.f32 $1.428571490e-01, v27;
	v27 =	vld [tilespmem:s16+$0x5100]  }
0x88: {  	v20 =	vld [tilespmem:s16+$0x120];
	v29 =	vmul.f32 $1.111111120e-01, v18;
	v26 =	vand.u32 $0x7FFFFFFF, v19;
	v24 =	vsub.f32 $0.0e+00, v24  }
0x89: {  	v25 =	vld [tilespmem:s16+$0x2920];
	v31 =	vand.u32 $0x7FFFFFFF, v3;
	v26 =	vsub.f32 $0.0e+00, v26;
	v7 =	vmul.f32 v15, v7  }
0x8a: {  	v22 =	vmul.f32 v22, v14;
	v29 =	vadd.f32 $1.428571490e-01, v29;
	v15 =	vld [tilespmem:s16+$0x5110];
	v24 =	vmul.f32 $1.442695020e+00, v24  }
0x8b: {  	v49 =	vld [tilespmem:s16+$0x5120];
	v31 =	vsub.f32 $0.0e+00, v31;
	v26 =	vmul.f32 $1.442695020e+00, v26;
	v7 =	vadd.f32 v7, v7  }
0x8c: {  	v32 =	vpop (erf);
	v16 =	vadd.f32 v16, v23;
	(erf) = vpow2.f32 v24;
	v23 =	vadd.f32 v27, v28  }
0x8d: {  	v2 =	vpop (erf);
	v31 =	vmul.f32 $1.442695020e+00, v31;
	v7 =	vadd.f32 v7, v33;
	(erf) = vpow2.f32 v26  }
0x8e: {  	v22 =	vadd.f32 $2.000000030e-01, v22;
	v20 =	vadd.f32 v25, v20;
	v24 =	vpop (erf)  }
0x8f: {  	v15 =	vadd.f32 v15, v16;
	(erf) = vpow2.f32 v31;
	v7 =	vmul.f32 v7, v24  }
0x90: {  	v20 =	vadd.f32 v49, v20;
	v16 =	vsub.f32 $0.0e+00, v23;
	v23 =	vpop (erf)  }
0x91: {  	v21 =	vmul.f32 v21, v17;
	v15 =	vsub.f32 $0.0e+00, v15;
	v24 =	vadd.f32 $2.000000000e+00, v23;
	[tilespmem:s13+$0x7930] =	vst v7  }
0x92: {  	v25 =	vmul.f32 v29, v18;
	v7 =	vmul.f32 $1.442695020e+00, v16;
	v16 =	vsub.f32 $0.0e+00, v20;
	v20 =	vld [tilespmem:s16+$0x130]  }
0x93: {  	v21 =	vadd.f32 $2.000000030e-01, v21;
	v15 =	vmul.f32 $1.442695020e+00, v15;
	(erf) = vrcp.f32 v24;
	v24 =	vld [tilespmem:s16+$0x2930]  }
0x94: {  	v25 =	vadd.f32 $2.000000030e-01, v25;
	(erf) = vpow2.f32 v7;
	v16 =	vmul.f32 $1.442695020e+00, v16  }
0x95: {  	v7 =	vmax.f32 v19, $0.0e+00;
	v19 =	vld [tilespmem:s16+$0x5130];
	(erf) = vpow2.f32 v15;
	v15 =	vmul.f32 v22, v14;
	v22 =	vpop (erf)  }
0x96: {  	(erf) = vpow2.f32 v16;
	v16 =	vmul.f32 v21, v17;
	v21 =	vadd.f32 $2.000000000e+00, v22;
	v26 =	vpop (erf)  }
0x97: {  	v15 =	vadd.f32 $3.333333430e-01, v15;
	v27 =	vadd.f32 $2.000000000e+00, v26  }
0x98: {  	v25 =	vmul.f32 v25, v18;
	v28 =	vpop (erf);
	v16 =	vadd.f32 $3.333333430e-01, v16;
	v20 =	vadd.f32 v24, v20  }
0x99: {  	(erf) = vrcp.f32 v21;
	v21 =	vadd.f32 $2.000000000e+00, v28;
	v14 =	vmul.f32 v15, v14  }
0x9a: {  	(erf) = vrcp.f32 v27;
	v15 =	vadd.f32 $3.333333430e-01, v25;
	v19 =	vadd.f32 v19, v20  }
0x9b: {  	v16 =	vmul.f32 v16, v17;
	v14 =	vadd.f32 $1.000000000e+00, v14  }
0x9c: {  	(erf) = vrcp.f32 v21;
	v15 =	vmul.f32 v15, v18;
	v17 =	vpop (erf);
	v18 =	vsub.f32 $0.0e+00, v19  }
0x9d: {  	s17 =	simm.s32 $0x100;
	v16 =	vadd.f32 $1.000000000e+00, v16;
	v19 =	vmul.f32 v17, v23;
	v17 =	vpop (erf);
	v12 =	vmul.f32 v14, v12  }
0x9e: {  	v52 =	vld [tilespmem:s17+$0x100];
	v15 =	vadd.f32 $1.000000000e+00, v15;
	v17 =	vadd.f32 $1.000000000e+00, v17;
	v18 =	vmul.f32 $1.442695020e+00, v18  }
0x9f: {  	v20 =	vld [tilespmem:s17+$0x170];
	v21 =	vpop (erf);
	v11 =	vmul.f32 v16, v11;
	v23 =	vmul.f32 v19, v19  }
0xa0: {  	v14 =	vld [tilespmem:s17+$0x2970];
	v21 =	vadd.f32 $1.000000000e+00, v21;
	v25 =	vpop (erf);
	v12 =	vadd.f32 v12, v12;
	v9 =	vmul.f32 v15, v9  }
0xa1: {  	v36 =	vld [tilespmem:s17+$0x2900];
	(erf) = vrcp.f32 v17;
	v16 =	vadd.f32 $1.000000000e+00, v25;
	v25 =	vmul.f32 $1.111111120e-01, v23  }
0xa2: {  	v24 =	vld [tilespmem:s17+$0x140];
	v11 =	vadd.f32 v11, v11;
	(erf) = vpow2.f32 v18;
	v12 =	vadd.f32 v12, v6;
	v17 =	vpop (erf)  }
0xa3: {  	v27 =	vld [tilespmem:s17+$0x5170];
	(erf) = vrcp.f32 v21;
	v17 =	vmul.f32 v17, v22;
	v15 =	vadd.f32 $1.428571490e-01, v25;
	v22 =	vpop (erf)  }
0xa4: {  	v18 =	vld [tilespmem:s17+$0x2940];
	v5 =	vadd.f32 v11, v5;
	(erf) = vrcp.f32 v16;
	v16 =	vmul.f32 v22, v26  }
0xa5: {  	v21 =	vld [tilespmem:s17+$0x150];
	v26 =	vadd.f32 v9, v9;
	v9 =	vadd.f32 v14, v20;
	v14 =	vmul.f32 v15, v23  }
0xa6: {  	v25 =	vld [tilespmem:s17+$0x2950]  }
0xa7: {  	v11 =	vld [tilespmem:s17+$0x5140];
	v10 =	vmul.f32 v12, v10;
	v6 =	vpop (erf);
	v5 =	vmul.f32 v5, v32;
	v14 =	vadd.f32 $2.000000030e-01, v14  }
0xa8: {  	v4 =	vmax.f32 v4, $0.0e+00;
	v22 =	vld [tilespmem:s17+$0x160];
	v6 =	vmul.f32 v6, v28;
	v20 =	vmul.f32 v17, v17  }
0xa9: {  	v33 =	vadd.f32 v36, v52;
	v15 =	vld [tilespmem:s17+$0x2960];
	v28 =	vmul.f32 v16, v16;
	v14 =	vmul.f32 v14, v23  }
0xaa: {  	v9 =	vadd.f32 v27, v9;
	v27 =	vld [tilespmem:s17+$0x5150];
	v18 =	vadd.f32 v18, v24;
	v29 =	vmul.f32 v6, v6;
	v12 =	vpop (erf)  }
0xab: {  	v50 =	vld [tilespmem:s17+$0x5160];
	v24 =	vmul.f32 $1.111111120e-01, v20;
	v21 =	vadd.f32 v25, v21;
	v25 =	vpop (erf);
	v14 =	vadd.f32 $3.333333430e-01, v14  }
0xac: {  	[tilespmem:s13+$0x7900] =	vst v10;
	v51 =	vand.u32 $0x7FFFFFFF, v9;
	v34 =	vmul.f32 $1.111111120e-01, v28;
	v10 =	vadd.f32 $1.000000000e+00, v25  }
0xad: {  	v11 =	vadd.f32 v11, v18;
	v31 =	vsub.f32 $0.0e+00, v51;
	v25 =	vld [tilespmem:s17+$0x110];
	[tilespmem:s13+$0x7910] =	vst v5;
	v14 =	vmul.f32 v14, v23  }
0xae: {  	v24 =	vadd.f32 $1.428571490e-01, v24;
	v15 =	vadd.f32 v15, v22;
	v5 =	vld [tilespmem:s17+$0x2910];
	(erf) = vrcp.f32 v10  }
0xaf: {  	v22 =	vmul.f32 $1.442695020e+00, v31;
	v18 =	vadd.f32 v27, v21;
	v21 =	vld [tilespmem:s17+$0x120];
	v14 =	vadd.f32 $1.000000000e+00, v14  }
0xb0: {  	v35 =	vmul.f32 $1.111111120e-01, v29;
	v15 =	vadd.f32 v50, v15;
	v27 =	vld [tilespmem:s17+$0x2920];
	v10 =	vadd.f32 $1.428571490e-01, v34  }
0xb1: {  	v54 =	vld [tilespmem:s17+$0x5100];
	(erf) = vpow2.f32 v22;
	v22 =	vand.u32 $0x7FFFFFFF, v11;
	v14 =	vmul.f32 v14, v19  }
0xb2: {  	v56 =	vld [tilespmem:s17+$0x5120];
	v23 =	vand.u32 $0x7FFFFFFF, v18;
	v55 =	vand.u32 $0x7FFFFFFF, v15;
	v22 =	vsub.f32 $0.0e+00, v22  }
0xb3: {  	v23 =	vsub.f32 $0.0e+00, v23;
	v32 =	vsub.f32 $0.0e+00, v55;
	v19 =	vmul.f32 v24, v20;
	v24 =	vld [tilespmem:s17+$0x5110]  }
0xb4: {  	v53 =	vadd.f32 $1.428571490e-01, v35;
	v22 =	vmul.f32 $1.442695020e+00, v22;
	v57 =	vadd.f32 v14, v14  }
0xb5: {  	v23 =	vmul.f32 $1.442695020e+00, v23;
	v32 =	vmul.f32 $1.442695020e+00, v32;
	v5 =	vadd.f32 v5, v25;
	v14 =	vpop (erf)  }
0xb6: {  	v21 =	vadd.f32 v27, v21;
	(erf) = vpow2.f32 v22;
	v22 =	vadd.f32 v57, v4;
	v4 =	vpop (erf)  }
0xb7: {  	v25 =	vadd.f32 v54, v33;
	(erf) = vpow2.f32 v23;
	v23 =	vmul.f32 v10, v28;
	v10 =	vpop (erf)  }
0xb8: {  	v21 =	vadd.f32 v56, v21;
	v5 =	vadd.f32 v24, v5;
	v22 =	vmul.f32 v22, v10  }
0xb9: {  	v19 =	vadd.f32 $2.000000030e-01, v19;
	(erf) = vpow2.f32 v32;
	v24 =	vsub.f32 $0.0e+00, v25  }
0xba: {  	v21 =	vsub.f32 $0.0e+00, v21;
	v27 =	vpop (erf);
	v5 =	vsub.f32 $0.0e+00, v5;
	[tilespmem:s16+$0x7930] =	vst v22  }
0xbb: {  	v10 =	vmax.f32 v11, $0.0e+00;
	v11 =	vmul.f32 $1.442695020e+00, v24;
	v58 =	vadd.f32 $2.000000000e+00, v27;
	v24 =	vld [tilespmem:s17+$0x130]  }
0xbc: {  	v19 =	vmul.f32 v19, v20;
	v25 =	vmul.f32 v53, v29;
	v22 =	vadd.f32 $2.000000030e-01, v23;
	v23 =	vld [tilespmem:s17+$0x2930]  }
0xbd: {  	v5 =	vmul.f32 $1.442695020e+00, v5;
	(erf) = vrcp.f32 v58  }
0xbe: {  	v21 =	vmul.f32 $1.442695020e+00, v21;
	(erf) = vpow2.f32 v11;
	v11 =	vmax.f32 v18, $0.0e+00;
	v18 =	vld [tilespmem:s17+$0x5130]  }
0xbf: {  	v3 =	vmax.f32 v3, $0.0e+00;
	v60 =	vadd.f32 $3.333333430e-01, v19;
	(erf) = vpow2.f32 v5  }
0xc0: {  	v59 =	vadd.f32 $2.000000030e-01, v25;
	v25 =	vpop (erf);
	(erf) = vpow2.f32 v21;
	v21 =	vmul.f32 v22, v28  }
0xc1: {  	v5 =	vmax.f32 v15, $0.0e+00;
	v15 =	vadd.f32 $2.000000000e+00, v25;
	v22 =	vpop (erf);
	v23 =	vadd.f32 v23, v24  }
0xc2: {  	v30 =	vmul.f32 v59, v29;
	v61 =	vadd.f32 $2.000000000e+00, v22;
	v19 =	vpop (erf);
	v21 =	vadd.f32 $3.333333430e-01, v21  }
0xc3: {  	(erf) = vrcp.f32 v15;
	v62 =	vadd.f32 $2.000000000e+00, v19;
	v18 =	vadd.f32 v18, v23  }
0xc4: {  	v13 =	vadd.f32 v26, v13;
	v15 =	vmul.f32 v60, v20;
	(erf) = vrcp.f32 v61  }
0xc5: {  	v20 =	vadd.f32 $3.333333430e-01, v30;
	(erf) = vrcp.f32 v62;
	v21 =	vmul.f32 v21, v28  }
0xc6: {  	v8 =	vmax.f32 v8, $0.0e+00;
	v24 =	vadd.f32 $1.000000000e+00, v15;
	v23 =	vpop (erf);
	v28 =	vsub.f32 $0.0e+00, v18  }
0xc7: {  	v20 =	vmul.f32 v20, v29;
	v29 =	vadd.f32 $1.000000000e+00, v21;
	v15 =	vmul.f32 v23, v27;
	v18 =	vpop (erf)  }
0xc8: {  	s18 =	simm.s32 $0x180;
	v26 =	vmul.f32 v24, v17;
	v27 =	vmul.f32 $1.442695020e+00, v28;
	v63 =	vadd.f32 $1.000000000e+00, v18;
	v18 =	vpop (erf)  }
0xc9: {  	v17 =	vadd.f32 $1.000000000e+00, v20;
	v20 =	vld [tilespmem:s18+$0x170];
	v16 =	vmul.f32 v29, v16;
	v24 =	vmul.f32 v15, v15;
	v21 =	vpop (erf)  }
0xca: {  	s19 =	simm.s32 $0x800;
	v23 =	vld [tilespmem:s18+$0x2970];
	v18 =	vadd.f32 $1.000000000e+00, v18;
	v21 =	vadd.f32 $1.000000000e+00, v21;
	(erf) = vrcp.f32 v63  }
.LBB2_5:
0xcb: {  	p0 =	sne.s32 s19, $0x9E00;
	v28 =	vld [tilespmem:s18+$0x140];
	v29 =	vmul.f32 $1.111111120e-01, v24;
	(erf) = vpow2.f32 v27;
	v26 =	vadd.f32 v26, v26  }
0xcc: {  	v6 =	vmul.f32 v17, v6;
	v27 =	vld [tilespmem:s18+$0x5170];
	v30 =	vpop (erf);
	(erf) = vrcp.f32 v18;
	v31 =	vadd.f32 v16, v16  }
0xcd: {  	v32 =	vld [tilespmem:s18+$0x2940];
	v17 =	vmul.f32 v30, v25;
	v25 =	vadd.f32 $1.428571490e-01, v29;
	v16 =	vpop (erf);
	(erf) = vrcp.f32 v21  }
0xce: {  	v18 =	vadd.f32 v6, v6;
	v29 =	vld [tilespmem:s18+$0x150];
	v16 =	vmul.f32 v16, v22;
	v21 =	vpop (erf);
	v22 =	vadd.f32 v26, v8  }
0xcf: {  	v8 =	vmovc v10;
	v26 =	vld [tilespmem:s18+$0x2950];
	v30 =	vadd.f32 v23, v20;
	v6 =	vmul.f32 v21, v19;
	v19 =	vmul.f32 v25, v24  }
0xd0: {  	v23 =	vmul.f32 v17, v17;
	v25 =	vadd.f32 v31, v7;
	v7 =	vmovc v11;
	v10 =	vld [tilespmem:s18+$0x160];
	v20 =	vmul.f32 v16, v16  }
0xd1: {  	v11 =	vld [tilespmem:s18+$0x2960];
	v27 =	vadd.f32 v27, v30;
	v21 =	vmul.f32 v6, v6;
	v19 =	vadd.f32 $2.000000030e-01, v19  }
0xd2: {  	v31 =	vmul.f32 $1.111111120e-01, v23;
	v28 =	vadd.f32 v32, v28;
	v30 =	vld [tilespmem:s18+$0x5140];
	v32 =	vmul.f32 $1.111111120e-01, v20  }
0xd3: {  	v33 =	vld [tilespmem:s18+$0x5150];
	v34 =	vand.u32 $0x7FFFFFFF, v27;
	v35 =	vmul.f32 $1.111111120e-01, v21;
	v19 =	vmul.f32 v19, v24;
	v36 =	vpop (erf)  }
0xd4: {  	v40 =	vmul.f32 v22, v12;
	v26 =	vadd.f32 v26, v29;
	v29 =	vld [tilespmem:s18+$0x5160];
	v39 =	vsub.f32 $0.0e+00, v34;
	v37 =	vpop (erf)  }
0xd5: {  	v25 =	vmul.f32 v25, v14;
	v22 =	vld [tilespmem:s18+$0x100];
	v37 =	vadd.f32 $1.000000000e+00, v37;
	v19 =	vadd.f32 $3.333333430e-01, v19;
	v14 =	vpop (erf)  }
0xd6: {  	v31 =	vadd.f32 $1.428571490e-01, v31;
	v38 =	vld [tilespmem:s18+$0x2900];
	v10 =	vadd.f32 v11, v10;
	v11 =	vmul.f32 $1.442695020e+00, v39;
	v34 =	vpop (erf);
	[tilespmem:s16+$0x7900] =	vst v40  }
0xd7: {  	v12 =	vmovc v36;
	v28 =	vadd.f32 v30, v28;
	v30 =	vld [tilespmem:s18+$0x110];
	v19 =	vmul.f32 v19, v24;
	(erf) = vrcp.f32 v37;
	[tilespmem:s16+$0x7910] =	vst v25  }
0xd8: {  	v24 =	vld [tilespmem:s18+$0x2910];
	v25 =	vadd.f32 v33, v26;
	v26 =	vmul.f32 v31, v23;
	v31 =	vadd.f32 $1.428571490e-01, v32  }
0xd9: {  	v32 =	vld [tilespmem:s18+$0x120];
	v29 =	vadd.f32 v29, v10;
	(erf) = vpow2.f32 v11;
	v10 =	vadd.f32 $1.000000000e+00, v19  }
0xda: {  	v35 =	vadd.f32 $1.428571490e-01, v35;
	v11 =	vand.u32 $0x7FFFFFFF, v28;
	v19 =	vand.u32 $0x7FFFFFFF, v25;
	v33 =	vld [tilespmem:s18+$0x2920]  }
0xdb: {  	v11 =	vsub.f32 $0.0e+00, v11;
	v36 =	vld [tilespmem:s18+$0x5100];
	v37 =	vand.u32 $0x7FFFFFFF, v29;
	v10 =	vmul.f32 v10, v15  }
0xdc: {  	v31 =	vmul.f32 v31, v20;
	v19 =	vsub.f32 $0.0e+00, v19;
	v15 =	vld [tilespmem:s18+$0x5110];
	v37 =	vsub.f32 $0.0e+00, v37  }
0xdd: {  	v22 =	vadd.f32 v38, v22;
	v11 =	vmul.f32 $1.442695020e+00, v11;
	v38 =	vld [tilespmem:s18+$0x5120];
	v10 =	vadd.f32 v10, v10  }
0xde: {  	v39 =	vmax.f32 v9, $0.0e+00;
	v9 =	vmovc v27;
	v40 =	vmul.f32 $1.442695020e+00, v19;
	v37 =	vmul.f32 $1.442695020e+00, v37  }
0xdf: {  	v27 =	vadd.f32 v24, v30;
	(erf) = vpow2.f32 v11;
	v10 =	vadd.f32 v10, v39  }
0xe0: {  	v11 =	vadd.f32 v36, v22;
	v22 =	vadd.f32 v33, v32;
	(erf) = vpow2.f32 v40;
	v19 =	vpop (erf)  }
0xe1: {  	v15 =	vadd.f32 v15, v27;
	(erf) = vpow2.f32 v37;
	v19 =	vmul.f32 v10, v19  }
0xe2: {  	v27 =	vmul.f32 v35, v21;
	v11 =	vsub.f32 $0.0e+00, v11;
	v22 =	vadd.f32 v38, v22;
	v24 =	vpop (erf)  }
0xe3: {  	v10 =	vmax.f32 v28, $0.0e+00;
	v15 =	vsub.f32 $0.0e+00, v15;
	v28 =	vadd.f32 $2.000000000e+00, v24;
	[tilespmem:s17+$0x7930] =	vst v19  }
0xe4: {  	v11 =	vmul.f32 $1.442695020e+00, v11;
	v19 =	vsub.f32 $0.0e+00, v22;
	v22 =	vadd.f32 $2.000000030e-01, v26  }
0xe5: {  	v15 =	vmul.f32 $1.442695020e+00, v15;
	v26 =	vld [tilespmem:s18+$0x130];
	(erf) = vrcp.f32 v28;
	v28 =	vadd.f32 $2.000000030e-01, v31  }
0xe6: {  	v27 =	vadd.f32 $2.000000030e-01, v27;
	v19 =	vmul.f32 $1.442695020e+00, v19;
	v30 =	vld [tilespmem:s18+$0x2930];
	(erf) = vpow2.f32 v11  }
0xe7: {  	v11 =	vmax.f32 v25, $0.0e+00;
	(erf) = vpow2.f32 v15;
	v15 =	vmul.f32 v22, v23  }
0xe8: {  	v29 =	vmax.f32 v29, $0.0e+00;
	v28 =	vmul.f32 v28, v20;
	v31 =	vld [tilespmem:s18+$0x5130];
	v25 =	vpop (erf);
	(erf) = vpow2.f32 v19  }
0xe9: {  	v27 =	vmul.f32 v27, v21;
	v32 =	vadd.f32 $2.000000000e+00, v25;
	v22 =	vpop (erf);
	v15 =	vadd.f32 $3.333333430e-01, v15  }
0xea: {  	v13 =	vmul.f32 v13, v2;
	v28 =	vadd.f32 $3.333333430e-01, v28;
	v33 =	vadd.f32 $2.000000000e+00, v22;
	v19 =	vpop (erf)  }
0xeb: {  	v2 =	vmovc v4;
	v4 =	vmovc v34;
	v35 =	vadd.f32 $2.000000000e+00, v19;
	v26 =	vadd.f32 v30, v26;
	(erf) = vrcp.f32 v32  }
0xec: {  	v15 =	vmul.f32 v15, v23;
	v23 =	vadd.f32 $3.333333430e-01, v27;
	(erf) = vrcp.f32 v33;
	[tilespmem:s13+$0x7920] =	vst v13;
	s13 =	smov.u32 s16;
	s16 =	smov.u32 s17;
	s17 =	smov.u32 s18  }
0xed: {  	v20 =	vmul.f32 v28, v20;
	v26 =	vadd.f32 v31, v26;
	(erf) = vrcp.f32 v35  }
.Ltmp1:
0xee: {  	v13 =	vadd.f32 v18, v3;
	v28 =	vadd.f32 $1.000000000e+00, v15;
	v21 =	vmul.f32 v23, v21;
	v27 =	vpop (erf);
	(pc) =	sbr.rel @p0 .LBB2_5-.Ltmp1, $4  }
0xef: {  	v30 =	vadd.f32 $1.000000000e+00, v20;
	v23 =	vsub.f32 $0.0e+00, v26;
	v15 =	vmul.f32 v27, v24;
	v18 =	vpop (erf)  }
0xf0: {  	s18 =	sshra.s32 s19, $0x2;
	v26 =	vmul.f32 v28, v17;
	v17 =	vadd.f32 $1.000000000e+00, v21;
	v31 =	vadd.f32 $1.000000000e+00, v18;
	v18 =	vpop (erf)  }
0xf1: {  	v20 =	vld [tilespmem:s18+$0x170];
	v18 =	vadd.f32 $1.000000000e+00, v18;
	v27 =	vmul.f32 $1.442695020e+00, v23;
	v24 =	vmul.f32 v15, v15;
	v3 =	vpop (erf)  }
0xf2: {  	s19 =	sadd.s32 $0x200, s19;
	v16 =	vmul.f32 v30, v16;
	v23 =	vld [tilespmem:s18+$0x2970];
	v21 =	vadd.f32 $1.000000000e+00, v3;
	(erf) = vrcp.f32 v31;
	v3 =	vmovc v5;
	v5 =	vmovc v29  }
0xf3: {  	v28 =	vld [tilespmem:s18+$0x140]  }
0xf4: {  	v29 =	vld [tilespmem:s18+$0x5170]  }
0xf5: {  	v58 =	vld [tilespmem:s18+$0x2940]  }
0xf6: {  	v31 =	vld [tilespmem:s18+$0x150]  }
0xf7: {  	(erf) = vpow2.f32 v27;
	v32 =	vld [tilespmem:s18+$0x2950]  }
0xf8: {  	v30 =	vmul.f32 $1.111111120e-01, v24;
	v33 =	vld [tilespmem:s18+$0x160]  }
0xf9: {  	v26 =	vadd.f32 v26, v26;
	v60 =	vld [tilespmem:s18+$0x2960]  }
0xfa: {  	v34 =	vpop (erf);
	(erf) = vrcp.f32 v18;
	v16 =	vadd.f32 v16, v16;
	v30 =	vadd.f32 $1.428571490e-01, v30  }
0xfb: {  	v35 =	vld [tilespmem:s18+$0x5140];
	v26 =	vadd.f32 v26, v8;
	v18 =	vmul.f32 v34, v25;
	v20 =	vadd.f32 v23, v20  }
0xfc: {  	v63 =	vld [tilespmem:s18+$0x5150];
	v37 =	vadd.f32 v16, v7;
	v59 =	vmul.f32 v30, v24;
	v27 =	vadd.f32 v58, v28  }
0xfd: {  	v38 =	vld [tilespmem:s18+$0x5160];
	v61 =	vpop (erf);
	(erf) = vrcp.f32 v21;
	v41 =	vadd.f32 v32, v31;
	v8 =	vadd.f32 v29, v20  }
0xfe: {  	v36 =	vpop (erf);
	v12 =	vmul.f32 v26, v12;
	v45 =	vadd.f32 v60, v33;
	v62 =	vadd.f32 $2.000000030e-01, v59  }
0xff: {  	v29 =	vmul.f32 v37, v14;
	v14 =	vmul.f32 v36, v19;
	v39 =	vand.u32 $0x7FFFFFFF, v8;
	v7 =	vpop (erf)  }
0x100: {  	v40 =	vld [tilespmem:s18+$0x100];
	v19 =	vadd.f32 v35, v27;
	v20 =	vmul.f32 v62, v24;
	v42 =	vsub.f32 $0.0e+00, v39;
	v43 =	vpop (erf)  }
0x101: {  	v44 =	vld [tilespmem:s18+$0x2900];
	v16 =	vmul.f32 v61, v22;
	[tilespmem:s16+$0x7900] =	vst v12;
	v22 =	vadd.f32 v63, v41;
	v31 =	vadd.f32 $1.000000000e+00, v43  }
0x102: {  	v46 =	vld [tilespmem:s18+$0x110];
	v12 =	vadd.f32 v38, v45;
	[tilespmem:s16+$0x7910] =	vst v29;
	v20 =	vadd.f32 $3.333333430e-01, v20;
	v25 =	vmul.f32 $1.442695020e+00, v42  }
0x103: {  	v47 =	vld [tilespmem:s18+$0x2910];
	v48 =	vand.u32 $0x7FFFFFFF, v19;
	v50 =	vand.u32 $0x7FFFFFFF, v22;
	(erf) = vrcp.f32 v31  }
0x104: {  	v49 =	vld [tilespmem:s18+$0x120];
	v20 =	vmul.f32 v20, v24;
	v24 =	vsub.f32 $0.0e+00, v48;
	(erf) = vpow2.f32 v25  }
0x105: {  	v51 =	vld [tilespmem:s18+$0x2920];
	v25 =	vsub.f32 $0.0e+00, v50  }
0x106: {  	v52 =	vld [tilespmem:s18+$0x5100];
	v53 =	vand.u32 $0x7FFFFFFF, v12;
	v20 =	vadd.f32 $1.000000000e+00, v20;
	v24 =	vmul.f32 $1.442695020e+00, v24  }
0x107: {  	v28 =	vmul.f32 v18, v18;
	v54 =	vld [tilespmem:s18+$0x5110];
	v33 =	vsub.f32 $0.0e+00, v53;
	v25 =	vmul.f32 $1.442695020e+00, v25  }
0x108: {  	v57 =	vmax.f32 v9, $0.0e+00;
	v36 =	vld [tilespmem:s18+$0x5120];
	v20 =	vmul.f32 v20, v15;
	(erf) = vpow2.f32 v24  }
0x109: {  	v55 =	vadd.f32 v44, v40;
	v56 =	vmul.f32 $1.442695020e+00, v33;
	(erf) = vpow2.f32 v25  }
0x10a: {  	v60 =	vmul.f32 $1.111111120e-01, v28;
	v21 =	vadd.f32 v47, v46;
	v15 =	vpop (erf);
	v20 =	vadd.f32 v20, v20  }
0x10b: {  	v58 =	vadd.f32 v52, v55;
	v59 =	vadd.f32 v51, v49;
	v9 =	vpop (erf);
	(erf) = vpow2.f32 v56  }
0x10c: {  	v29 =	vmul.f32 v16, v16;
	v21 =	vadd.f32 v54, v21;
	v20 =	vadd.f32 v20, v57;
	v61 =	vpop (erf)  }
0x10d: {  	v34 =	vmul.f32 v14, v14;
	v23 =	vsub.f32 $0.0e+00, v58;
	v24 =	vadd.f32 v36, v59;
	v63 =	vpop (erf)  }
0x10e: {  	v21 =	vsub.f32 $0.0e+00, v21;
	v20 =	vmul.f32 v20, v61;
	v36 =	vadd.f32 $2.000000000e+00, v63  }
0x10f: {  	v37 =	vmul.f32 $1.111111120e-01, v34;
	v23 =	vmul.f32 $1.442695020e+00, v23;
	v24 =	vsub.f32 $0.0e+00, v24  }
0x110: {  	v39 =	vadd.f32 $1.428571490e-01, v60;
	v38 =	vmul.f32 $1.442695020e+00, v21;
	[tilespmem:s17+$0x7930] =	vst v20;
	(erf) = vrcp.f32 v36  }
0x111: {  	v31 =	vadd.f32 $1.428571490e-01, v37;
	v24 =	vmul.f32 $1.442695020e+00, v24;
	v40 =	vld [tilespmem:s18+$0x130];
	v41 =	vpop (erf);
	(erf) = vpow2.f32 v23  }
0x112: {  	v62 =	vmul.f32 $1.111111120e-01, v29;
	v43 =	vld [tilespmem:s18+$0x2930];
	v44 =	vadd.f32 $2.000000000e+00, v41;
	v45 =	vpop (erf);
	(erf) = vpow2.f32 v38  }
0x113: {  	v50 =	vmul.f32 v31, v34;
	v46 =	vadd.f32 $2.000000000e+00, v45;
	(erf) = vpow2.f32 v24  }
0x114: {  	v21 =	vmul.f32 v39, v28;
	v47 =	vld [tilespmem:s18+$0x5130];
	v48 =	vpop (erf);
	(erf) = vrcp.f32 v44  }
0x115: {  	v42 =	vadd.f32 $1.428571490e-01, v62;
	v49 =	vadd.f32 $2.000000000e+00, v48;
	(erf) = vrcp.f32 v46  }
0x116: {  	v6 =	vmul.f32 v17, v6;
	v51 =	vadd.f32 $2.000000030e-01, v50;
	v21 =	vadd.f32 $2.000000030e-01, v21  }
0x117: {  	v26 =	vmul.f32 v42, v29;
	v25 =	vadd.f32 v43, v40;
	(erf) = vrcp.f32 v49  }
0x118: {  	v6 =	vadd.f32 v6, v6;
	v21 =	vmul.f32 v21, v28;
	v20 =	vmul.f32 v51, v34  }
0x119: {  	v26 =	vadd.f32 $2.000000030e-01, v26;
	v53 =	vadd.f32 v47, v25;
	v54 =	vpop (erf)  }
0x11a: {  	v2 =	vmul.f32 v13, v2;
	v21 =	vadd.f32 $3.333333430e-01, v21;
	v20 =	vadd.f32 $3.333333430e-01, v20;
	v55 =	vpop (erf)  }
0x11b: {  	v52 =	vmul.f32 v26, v29;
	v56 =	vsub.f32 $0.0e+00, v53;
	v57 =	vmul.f32 v54, v63;
	v58 =	vpop (erf)  }
0x11c: {  	v21 =	vmul.f32 v21, v28;
	v20 =	vmul.f32 v20, v34;
	v26 =	vadd.f32 $1.000000000e+00, v55;
	v59 =	vpop (erf)  }
0x11d: {  	v13 =	vmul.f32 $1.442695020e+00, v56;
	v60 =	vmul.f32 v57, v57;
	v61 =	vpop (erf)  }
0x11e: {  	v3 =	vadd.f32 v6, v3;
	(erf) = vrcp.f32 v26;
	v23 =	vmul.f32 v61, v41;
	v62 =	vpop (erf)  }
0x11f: {  	v8 =	vmax.f32 v8, $0.0e+00;
	v63 =	vmul.f32 $1.111111120e-01, v60;
	v26 =	vmul.f32 v62, v45  }
0x120: {  	v24 =	vadd.f32 $3.333333430e-01, v52;
	(erf) = vpow2.f32 v13;
	v33 =	vpop (erf);
	v36 =	vmul.f32 v23, v23  }
0x121: {  	v19 =	vmax.f32 v19, $0.0e+00;
	v13 =	vmul.f32 v33, v48;
	v37 =	vmul.f32 v26, v26  }
0x122: {  	v24 =	vmul.f32 v24, v29;
	v29 =	vadd.f32 $1.428571490e-01, v63;
	v38 =	vmul.f32 $1.111111120e-01, v36  }
0x123: {  	v22 =	vmax.f32 v22, $0.0e+00;
	v39 =	vmul.f32 v13, v13;
	v40 =	vmul.f32 $1.111111120e-01, v37  }
0x124: {  	v21 =	vadd.f32 $1.000000000e+00, v21;
	v29 =	vmul.f32 v29, v60;
	v32 =	vadd.f32 $1.428571490e-01, v38  }
0x125: {  	v20 =	vadd.f32 $1.000000000e+00, v20;
	v41 =	vmul.f32 $1.111111120e-01, v39;
	v33 =	vadd.f32 $1.428571490e-01, v40  }
0x126: {  	v18 =	vmul.f32 v21, v18;
	v29 =	vadd.f32 $2.000000030e-01, v29;
	v32 =	vmul.f32 v32, v36  }
0x127: {  	v25 =	vadd.f32 $1.000000000e+00, v58;
	v21 =	vadd.f32 $1.428571490e-01, v41;
	v33 =	vmul.f32 v33, v37  }
0x128: {  	v27 =	vadd.f32 $1.000000000e+00, v59;
	v29 =	vmul.f32 v29, v60;
	v42 =	vpop (erf);
	v32 =	vadd.f32 $2.000000030e-01, v32  }
0x129: {  	(erf) = vrcp.f32 v25;
	v43 =	vpop (erf);
	v21 =	vmul.f32 v21, v39;
	v33 =	vadd.f32 $2.000000030e-01, v33  }
0x12a: {  	v25 =	vadd.f32 $1.000000000e+00, v43;
	v29 =	vadd.f32 $3.333333430e-01, v29;
	v32 =	vmul.f32 v32, v36  }
0x12b: {  	(erf) = vrcp.f32 v27;
	v21 =	vadd.f32 $2.000000030e-01, v21;
	v44 =	vmul.f32 v33, v37  }
0x12c: {  	v28 =	vmul.f32 v29, v60;
	(erf) = vrcp.f32 v25;
	v45 =	vadd.f32 $3.333333430e-01, v32  }
0x12d: {  	v24 =	vadd.f32 $1.000000000e+00, v24;
	v21 =	vmul.f32 v21, v39;
	v46 =	vadd.f32 $3.333333430e-01, v44  }
0x12e: {  	v14 =	vmul.f32 v20, v14;
	v47 =	vadd.f32 $1.000000000e+00, v28;
	v25 =	vmul.f32 v45, v36  }
0x12f: {  	v16 =	vmul.f32 v24, v16;
	v21 =	vadd.f32 $3.333333430e-01, v21;
	v24 =	vmul.f32 v46, v37  }
0x130: {  	v18 =	vadd.f32 v18, v18;
	v17 =	vmul.f32 v47, v57;
	v48 =	vadd.f32 $1.000000000e+00, v25  }
0x131: {  	v16 =	vadd.f32 v16, v16;
	v6 =	vmul.f32 v21, v39;
	v49 =	vadd.f32 $1.000000000e+00, v24  }
0x132: {  	v10 =	vadd.f32 v18, v10;
	v50 =	vadd.f32 v17, v17;
	v51 =	vmul.f32 v48, v23  }
0x133: {  	v11 =	vadd.f32 v16, v11;
	v52 =	vpop (erf);
	v6 =	vadd.f32 $1.000000000e+00, v6;
	v18 =	vmul.f32 v49, v26  }
0x134: {  	v7 =	vmul.f32 v10, v7;
	v53 =	vpop (erf);
	v8 =	vadd.f32 v50, v8;
	v54 =	vadd.f32 v51, v51  }
0x135: {  	[tilespmem:s13+$0x7920] =	vst v2;
	v2 =	vmul.f32 v11, v15;
	v55 =	vpop (erf);
	v6 =	vmul.f32 v6, v13;
	v56 =	vadd.f32 v18, v18  }
0x136: {  	[tilespmem:s17+$0x7900] =	vst v7;
	v57 =	vadd.f32 v14, v14;
	v58 =	vmul.f32 v8, v55;
	v59 =	vadd.f32 v54, v19  }
0x137: {  	[tilespmem:s17+$0x7910] =	vst v2;
	v2 =	vmul.f32 v3, v4;
	v3 =	vadd.f32 v6, v6;
	v60 =	vadd.f32 v56, v22  }
0x138: {  	v61 =	vmax.f32 v12, $0.0e+00;
	v5 =	vadd.f32 v57, v5;
	[tilespmem:s18+$0x7930] =	vst v58;
	v62 =	vmul.f32 v59, v42  }
0x139: {  	[tilespmem:s16+$0x7920] =	vst v2;
	v3 =	vadd.f32 v3, v61;
	v2 =	vmul.f32 v60, v52  }
0x13a: {  	v63 =	vmul.f32 v5, v9;
	[tilespmem:s18+$0x7900] =	vst v62  }
0x13b: {  	s12 =	sadd.s32 $0x1, s12;
	[tilespmem:s18+$0x7910] =	vst v2;
	v2 =	vmul.f32 v3, v53  }
0x13c: {  	p0 =	sne.s32 s12, $0x7D;
	[tilespmem:s17+$0x7920] =	vst v63  }
.Ltmp2:
0x13d: {  	[tilespmem:s18+$0x7920] =	vst v2;
	(pc) =	sbr.rel @p0 .LBB2_4-.Ltmp2, $4  }
0x13e: {  	[spmem:s1] =	stream.indirect.scatter.add.f32 [tilespmem:s31], [sflag:$0x6], $0x80, s2, s24, $0xb8;
	[tilespmem:$0x1E100] =	vst v63  }
0x13f: {  	_ =	swait.ge [sflag:s15], $0x2800  }
0x140: {  	[sflag:s15] =	ssyncset.done $0x0  }
0x141: {  	[sflag:s15] =	ssyncadd.s32 $0xFFFFD800  }
0x142: {  	[bflag:$0x0] =	sbarrier.arrive $0xFFFF  }
0x143: {  	s3 =	rddreg [dreg:$0x3]  }
0x144: {  	[hbm:s3], [sflag:s10] =	dma.local [spmem:s14], $0x2800  }
0x145: {  	_ =	swait.ge [sflag:s15], $0x2800  }
0x146: {  	s0 =	sadd.s32 $0x1, s0;
	s19 =	rddreg [dreg:$0x4]  }
0x147: {  	p0 =	sne.s32 s0, s19  }
.Ltmp3:
0x148: {  	_ = 	snop;
	(pc) =	sbr.rel @p0 .LBB2_1-.Ltmp3, $3  }
0x149: {  	_ =	sdelay $0x1  }
0x14a: {  	[sflag:s15] =	ssyncset.done $0x0  }
0x14b: {  	[sflag:s15] =	ssyncadd.s32 $0xFFFFD800  }
0x14c: {  	_ =	sfence.sel $0x180000  }
0x14d: {  	[bflag:$0x0] =	sbarrier.arrive $0xFFFF  }
0x14e: {  	_ =	strace $0x9000004A  }
0x14f: {  	s0 =	stileid.u32;
	[bflag:$0x2] =	sbarrier.arrive $0xFFFF  }
0x150: {  	p0 =	sne.s32 s0, $0x0;
	s0 =	rddreg [dreg:$0x2]  }
0x151: {  	s0 =	sadd.s32 @!p0 $0x100000, s0  }
0x152: {  	[sflag:s0] =	ssyncadd.tile.s32 @!p0 $0x1;
	_ =	shalt  }
.Lfunc_end2:
_tile_overlayer_lowered:
.L_overlay_start_2:
0x153: {  	(tag) =	ssettag $0x2  }
0x154: {  	s0 =	rddreg [dreg:$0x0];
	s2 =	stileid.u32  }
0x155: {  	s1 =	rddreg [dreg:$0x1];
	p0 =	sne.s32 s2, $0x0  }
0x156: {  	s3 =	rddreg [dreg:$0x2];
	[bflag:$0x3] =	sbarrier.arrive $0xFFFF;
	s2 =	simm.s32 @!p0 $0x1C06  }
0x157: {  	[timem:s3], [sflag:s2] =	dma.local @!p0 [hbm:s0], s1  }
0x158: {  	s0 =	simm.s32 @!p0 $0x6  }
0x159: {  	_ =	swait.ge @!p0 [sflag:s0], s1  }
0x15a: {  	s1 =	ssub.s32 @!p0 $0x0, s1;
	[sflag:s0] =	ssyncset.done @!p0 $0x0  }
0x15b: {  	[sflag:s0] =	ssyncadd.s32 @!p0 s1  }
0x15c: {  	[bflag:$0x3] =	sbarrier.arrive $0xFFFF  }
0x15d: {  	_ =	shalt  }

// kernel: kernel.16.cloned.1.call-start
scs
__scs_entry_jumppad:
0x0: {  	(pc) =	sbr.rel $0x88, $3  }
0x1: {  	(tag) =	ssettag $0x0;
	lr =	simm.s32 $0x1  }
0x2: {  	[smem:$0x3F91] =	sst lr;
	_ =	strace $0xD0000000  }
0x3: {  	_ = 	snop  }
0x4: {  	_ = 	snop  }
0x5: {  	_ = 	snop  }
0x6: {  	_ = 	snop  }
0x7: {  	_ = 	snop  }
__scs_overlays_trampoline_lowered:
0x8: {  	[smem:$0x3FA0] =	sst s0  }
0x9: {  	[smem:$0x3FA1] =	sst s1  }
0xa: {  	[smem:$0x3FA2] =	sst s2  }
0xb: {  	[smem:$0x3FA3] =	sst s3  }
0xc: {  	[smem:$0x3FA4] =	sst s4  }
0xd: {  	[smem:$0x3FA5] =	sst s5  }
0xe: {  	[smem:$0x3FA6] =	sst s6  }
0xf: {  	[smem:$0x3FA7] =	sst s7  }
0x10: {  	[smem:$0x3FA8] =	sst s8  }
0x11: {  	[smem:$0x3FA9] =	sst s9;
	s0 =	simm.s32 @!p0 $0x0  }
0x12: {  	s1 =	sld [smem:$0x3F8F];
	s0 =	simm.s32 @p0 $0x1  }
0x13: {  	[smem:$0x3FAA] =	sst s0;
	s0 =	simm.s32 @!p1 $0x0  }
0x14: {  	s2 =	sld [smem:$0x3F8E];
	s0 =	simm.s32 @p1 $0x1  }
0x15: {  	[smem:$0x3FAB] =	sst s0;
	s0 =	simm.s32 @!p2 $0x0  }
0x16: {  	s3 =	sld [smem:$0x3FDB];
	s0 =	simm.s32 @p2 $0x1  }
0x17: {  	s4 =	simm.s32 $0x1BF5;
	[smem:$0x3FAD] =	sst s0  }
0x18: {  	s0 =	sld [smem:$0x3F90];
	_ =	swait.ge [sflag:s4], $0x0  }
0x19: {  	s7 =	sld [smem:$0x3F91]  }
0x1a: {  	s8 =	sadd.s32 $0xFFFFE003, lr  }
0x1b: {  	s9 =	sadd.s32 $0xFFFFFEF7, lr;
	s5 =	simm.s32 $0xFFFFFFFF;
	p2 =	slt.u32 s8, $0xFFFFF086  }
0x1c: {  	p1 =	slt.u32 s9, $0xF7A;
	s5 =	simm.s32 @!p2 $0x0  }
0x1d: {  	s5 =	simm.s32 @p1 $0x1;
	p0 =	seq.s32 s7, s2  }
0x1e: {  	s7 =	smul.u32 @!p0 $0xF7A, s2;
	p2 =	seq.s32 @!p0 s5, $0x0  }
0x1f: {  	s9 =	smul.u32 $0xF7A, s1;
	s8 =	simm.s32 @!p0 $0x1BF5;
	p2 =	por !p2, p0  }
0x20: {  	[sflag:s8] =	ssyncset.s32 @!p0 $0xFFFFF086;
	s6 =	sadd.s32 @!p0 s3, s7;
	s7 =	simm.s32 @!p0 $0x108  }
0x21: {  	s3 =	sadd.s32 s3, s9;
	s6 =	sadd.s32 @!p0 $0x88, s6;
	s7 =	simm.s32 @p2 $0x1082  }
0x22: {  	[simem:s7], [sflag:s8] =	dma.local @!p0 [hbm:s6], $0xF7A  }
0x23: {  	s9 =	sor.u32 $0xD0000000, s2;
	s6 =	simm.s32 $0x108;
	_ =	swait.ge @!p0 [sflag:s8], $0x0  }
0x24: {  	s3 =	sadd.s32 $0x88, s3;
	s6 =	simm.s32 @!p1 $0x1082;
	[sflag:s4] =	ssyncset.s32 $0xFFFFF086  }
0x25: {  	[simem:s6], [sflag:s4] =	dma.local [hbm:s3], $0xF7A  }
0x26: {  	[smem:$0x3F91] =	sst s1;
	(tag) =	ssettag s2;
	_ =	strace s9  }
0x27: {  	s1 =	sld [smem:$0x3FA1]  }
0x28: {  	s2 =	sld [smem:$0x3FA2]  }
0x29: {  	s4 =	sld [smem:$0x3FA4]  }
0x2a: {  	p0 =	seq.s32 s5, $0x0;
	s5 =	sld [smem:$0x3FA5]  }
0x2b: {  	s6 =	sld [smem:$0x3FA6]  }
0x2c: {  	s7 =	sld [smem:$0x3FA7]  }
0x2d: {  	s3 =	simm.s32 $0x108;
	s8 =	sld [smem:$0x3FA8]  }
0x2e: {  	s3 =	simm.s32 @!p0 $0x1082;
	s9 =	sld [smem:$0x3FA9]  }
0x2f: {  	lr =	sadd.s32 s0, s3;
	s0 =	sld [smem:$0x3FA0]  }
0x30: {  	s3 =	sld [smem:$0x3FA3]  }
0x31: {  	[smem:$0x3FAC] =	sst s10  }
0x32: {  	s10 =	sld [smem:$0x3FAA];
	_ =	sdelay $0x3  }
0x33: {  	p0 =	seq.s32 s10, $0x1;
	s10 =	sld [smem:$0x3FAC];
	_ =	sdelay $0x3  }
0x34: {  	[smem:$0x3FAC] =	sst s10  }
0x35: {  	s10 =	sld [smem:$0x3FAB];
	_ =	sdelay $0x3  }
0x36: {  	p1 =	seq.s32 s10, $0x1;
	s10 =	sld [smem:$0x3FAC];
	_ =	sdelay $0x3  }
0x37: {  	[smem:$0x3FAC] =	sst s10  }
0x38: {  	s10 =	sld [smem:$0x3FAD]  }
0x39: {  	_ = 	snop;
	(pc) =	sbr.ind lr, $3  }
0x3a: {  	_ = 	snop  }
0x3b: {  	_ = 	snop  }
0x3c: {  	p2 =	seq.s32 s10, $0x1;
	s10 =	sld [smem:$0x3FAC]  }
0x3d: {  	_ =	shalt  }
0x3e: {  	_ =	shalt  }
0x3f: {  	_ =	shalt  }
0x40: {  	_ =	shalt  }
0x41: {  	_ =	shalt  }
0x42: {  	_ =	shalt  }
0x43: {  	_ =	shalt  }
0x44: {  	_ =	shalt  }
0x45: {  	_ =	shalt  }
0x46: {  	_ =	shalt  }
0x47: {  	_ =	shalt  }
0x48: {  	_ =	shalt  }
0x49: {  	_ =	shalt  }
0x4a: {  	_ =	shalt  }
0x4b: {  	_ =	shalt  }
0x4c: {  	_ =	shalt  }
0x4d: {  	_ =	shalt  }
0x4e: {  	_ =	shalt  }
0x4f: {  	_ =	shalt  }
0x50: {  	_ =	shalt  }
0x51: {  	_ =	shalt  }
0x52: {  	_ =	shalt  }
0x53: {  	_ =	shalt  }
0x54: {  	_ =	shalt  }
0x55: {  	_ =	shalt  }
0x56: {  	_ =	shalt  }
0x57: {  	_ =	shalt  }
0x58: {  	_ =	shalt  }
0x59: {  	_ =	shalt  }
0x5a: {  	_ =	shalt  }
0x5b: {  	_ =	shalt  }
0x5c: {  	_ =	shalt  }
0x5d: {  	_ =	shalt  }
0x5e: {  	_ =	shalt  }
0x5f: {  	_ =	shalt  }
0x60: {  	_ =	shalt  }
0x61: {  	_ =	shalt  }
0x62: {  	_ =	shalt  }
0x63: {  	_ =	shalt  }
0x64: {  	_ =	shalt  }
0x65: {  	_ =	shalt  }
0x66: {  	_ =	shalt  }
0x67: {  	_ =	shalt  }
0x68: {  	_ =	shalt  }
0x69: {  	_ =	shalt  }
0x6a: {  	_ =	shalt  }
0x6b: {  	_ =	shalt  }
0x6c: {  	_ =	shalt  }
0x6d: {  	_ =	shalt  }
0x6e: {  	_ =	shalt  }
0x6f: {  	_ =	shalt  }
0x70: {  	_ =	shalt  }
0x71: {  	_ =	shalt  }
0x72: {  	_ =	shalt  }
0x73: {  	_ =	shalt  }
0x74: {  	_ =	shalt  }
0x75: {  	_ =	shalt  }
0x76: {  	_ =	shalt  }
0x77: {  	_ =	shalt  }
0x78: {  	_ =	shalt  }
0x79: {  	_ =	shalt  }
0x7a: {  	_ =	shalt  }
0x7b: {  	_ =	shalt  }
0x7c: {  	_ =	shalt  }
0x7d: {  	_ =	shalt  }
0x7e: {  	_ =	shalt  }
0x7f: {  	_ =	shalt  }
0x80: {  	_ =	shalt  }
0x81: {  	_ =	shalt  }
0x82: {  	_ =	shalt  }
0x83: {  	_ =	shalt  }
0x84: {  	_ =	shalt  }
0x85: {  	_ =	shalt  }
0x86: {  	_ =	shalt  }
0x87: {  	_ =	shalt  }
.Lfunc_end0:
.L_simem_size_0:
called_computation.2_lowered:
.L_overlay_start_0:
0x88: {  	s2 =	sld [smem:$0x3FD9]  }
0x89: {  	s3 =	sld [smem:$0x3FFE];
	_ =	sdelay $0x1  }
0x8a: {  	s1 =	srdreg.scid  }
0x8b: {  	s0 =	sand.u32 $0x1, s1  }
0x8c: {  	s16 =	sshll.u32 s0, $0xA;
	s2 =	sadd.s32 s3, s2  }
0x8d: {  	s2 =	sadd.s32 s2, s16  }
0x8e: {  	[smem:$0x3FB8] =	sst s2  }
0x8f: {  	_ = 	snop  }
0x90: {  	(tm) =	ssettm $0x1  }
0x91: {  	s17 =	sld [smem:$0x3FFB];
	_ =	sdelay $0x3  }
0x92: {  	_ =	strace s17  }
0x93: {  	s2 =	sld [smem:$0x3FFC];
	_ =	sdelay $0x3  }
0x94: {  	_ =	strace s2  }
0x95: {  	s2 =	sld [smem:$0x3FFD];
	_ =	sdelay $0x3  }
0x96: {  	_ =	strace s2  }
0x97: {  	_ =	strace $0x8FFFFFFF  }
0x98: {  	s18 =	sld [smem:$0x3FDB];
	_ =	sdelay $0x1  }
0x99: {  	s19 =	simm.s32 $_scs_section_size  }
0x9a: {  	s4 =	simm.s32 $_size__tile_overlayer_lowered;
	s5 =	simm.s32 $_tile_overlayer_lowered  }
0x9b: {  	s22 =	simm.s32 $0x1BFF;
	s21 =	sshll.u32 s5, $0x1;
	s2 =	sadd.s32 s19, s18  }
0x9c: {  	s6 =	simm.s32 $0x0;
	s20 =	sshll.u32 s4, $0x1;
	s4 =	sadd.s32 s21, s2  }
0x9d: {  	[timem:s6], [sflag:s22] =	dma.local [hbm:s4], s20  }
0x9e: {  	_ =	swait.ge [sflag:s22], s20  }
0x9f: {  	s3 =	ssub.s32 $0x0, s20;
	[sflag:s22] =	ssyncset.done $0x0  }
0xa0: {  	[sflag:s22] =	ssyncadd.s32 s3;
	_ =	sdelay $0x1  }
0xa1: {  	s23 =	simm.s32 $0x1B8B  }
0xa2: {  	_ =	swait.ge [sflag:s23], $0x1  }
0xa3: {  	[sflag:s23] =	ssyncset.done $0x0  }
0xa4: {  	s25 =	simm.s32 $0x1B8E;
	s24 =	sld [smem:$0x3FFE];
	[sflag:s23] =	ssyncadd.s32 $0xFFFFFFFF  }
0xa5: {  	s26 =	simm.s32 $execute0_lowered;
	[smem:$0x3FD2] =	sst s25  }
0xa6: {  	s4 =	sshll.u32 s26, $0x1;
	_ =	strace $0x8000004C;
	[dreg:$0x1] =	wrdreg $0xFFFFFFFF  }
0xa7: {  	s28 =	simm.s32 $_size_execute0_lowered;
	s2 =	sadd.s32 s2, s4;
	[dreg:$0x0] =	wrdreg $0x0  }
0xa8: {  	s4 =	sshll.u32 s28, $0x1;
	[dreg:$0x2] =	wrdreg s2  }
0xa9: {  	[dreg:$0x3] =	wrdreg s4  }
0xaa: {  	[dreg:$0x4] =	wrdreg $0xC0  }
0xab: {  	_ =	task [dreg:s6], $0x5FFFF  }
0xac: {  	[dreg:$0x1] =	wrdreg $0xFFFFFFFF  }
0xad: {  	[dreg:$0x0] =	wrdreg $0x60  }
0xae: {  	[dreg:$0x2] =	wrdreg s24  }
0xaf: {  	[dreg:$0x3] =	wrdreg $0xA1000  }
0xb0: {  	[dreg:$0x4] =	wrdreg $0x9  }
0xb1: {  	_ =	task.clear_ibuf [dreg:s6], $0x5FFFF;
	_ =	strace $0x9000004C  }
0xb2: {  	s29 =	simm.s32 $0x9;
	_ =	strace $0x8000004E  }
0xb3: {  	_ =	swait.ge [sflag:s29], $0x1  }
0xb4: {  	[sflag:s29] =	ssyncadd.s32 $0xFFFFFFFF  }
0xb5: {  	_ =	strace $0x9000004E  }
0xb6: {  	_ =	sfence  }
0xb7: {  	s30 =	sld [smem:$0x0];
	_ =	sdelay $0x2  }
0xb8: {  	s31 =	sshll.u32 s1, $0xD;
	s1 =	sshrl.u32 s1, $0x2  }
0xb9: {  	s3 =	sand.u32 $0x4000, s31;
	s1 =	sadd.s32 s1, s30  }
0xba: {  	s0 =	sor.u32 s3, s0;
	s1 =	sshll.u32 s1, $0x11  }
0xbb: {  	s0 =	sor.u32 s1, s0  }
0xbc: {  	s0 =	sadd.s32 $0x8F2B, s0  }
0xbd: {  	[sflag:s0] =	ssyncadd.remote.s32 $0x1  }
0xbe: {  	_ =	sfence.sel $0xFFFF  }
0xbf: {  	[dreg:$0x0] =	wrdreg $0xFFFFFFFF;
	(pc) =	sbr.abs _section_cstart, $3  }
0xc0: {  	[dreg:$0x1] =	wrdreg $0xFFFFFFFF  }
0xc1: {  	_ =	task.clear_ibuf [dreg:s6], $0x2FFFF;
	_ =	strace $0x9FFFFFFF  }
0xc2: {  	(tm) =	ssettm $0x7FFFFFFF  }
0xc3: {  	_ =	shalt  }
tec
execute0_lowered:
.L_overlay_start_1:
0x0: {  	(tag) =	ssettag $0x1  }
0x1: {  	s0 =	rddreg [dreg:$0x0]  }
0x2: {  	s1 =	rddreg [dreg:$0x1];
	s2 =	simm.s32 $0x0  }
0x3: {  	s3 =	srdreg.scid;
	s14 =	stileid.u32;
	s15 =	simm.s32 $0x6  }
0x4: {  	s28 =	simm.s32 $0x5;
	s29 =	simm.s32 $0x1;
	s30 =	simm.s32 $0x2  }
0x5: {  	s31 =	simm.s32 $0x7900;
	[smem:$0x7FF] =	sst s2;
	s4 =	sadd.s32 $0xEC4600, s0  }
0x6: {  	s3 =	sand.u32 $0x1, s3;
	s5 =	sadd.s32 $0xEEB800, s0;
	s10 =	smul.u32 $0x14000, s14  }
0x7: {  	s6 =	sadd.s32 $0x9E2600, s0;
	s7 =	sadd.s32 $0x14800, s0;
	s8 =	sadd.s32 $0xAA00, s0  }
0x8: {  	s12 =	smul.u32 $0x50000, s14;
	s20 =	sshll.u32 s14, $0x1;
	s21 =	sshll.u32 s14, $0x6  }
0x9: {  	_ =	strace $0x8000004D;
	s9 =	smul.u32 $0x140000, s3;
	s11 =	ssub.s32 $0x2, s3  }
0xa: {  	s3 =	sor.u32 s3, s20;
	s20 =	simm.s32 $0x80;
	s13 =	sshrl.u32 s11, $0x1  }
0xb: {  	s19 =	sshrl.u32 s12, $0x2;
	s10 =	sadd.s32 s10, s9;
	s9 =	sadd.s32 $0xF39C00, s0  }
0xc: {  	s13 =	ssub.s32 s11, s13;
	s12 =	sadd.s32 s19, s1;
	s11 =	smul.u32 $0x2710, s3  }
0xd: {  	s10 =	sshrl.u32 s10, $0x3;
	s16 =	sadd.s32 $0x4000, s12;
	s17 =	sadd.s32 $0x8000, s12  }
0xe: {  	s18 =	sadd.s32 $0xC000, s12;
	s19 =	sadd.s32 $0x10000, s12;
	s22 =	smax.u32 s13, $0x1  }
0xf: {  	s14 =	sshrl.u32 s12, $0x3;
	[dreg:$0x4] =	wrdreg s22;
	s23 =	sshrl.u32 s16, $0x3  }
0x10: {  	s0 =	sadd.s32 s10, s0;
	s24 =	sshrl.u32 s17, $0x3;
	[dreg:$0x5] =	wrdreg s23  }
0x11: {  	s10 =	sor.u32 $0x1C06, s21;
	s25 =	sshrl.u32 s18, $0x3;
	[dreg:$0x6] =	wrdreg s24  }
0x12: {  	s26 =	sshrl.u32 s19, $0x3;
	s21 =	simm.s32 $0x100;
	[dreg:$0x7] =	wrdreg s25  }
0x13: {  	s22 =	simm.s32 $0x3;
	s0 =	sadd.s32 $0x1E600, s0;
	[dreg:$0x8] =	wrdreg s26  }
0x14: {  	vm0 =	vcmask $0x300;
	v0 =	vimm.f32 $0.0e+00;
	s23 =	simm.s32 $0x4;
	s24 =	simm.s32 $0x50;
	s25 =	simm.s32 $0x2900  }
0x15: {  	v1 =	vsel vm0, $0x3F800000, v0;
	s26 =	simm.s32 $0x5100;
	[dreg:$0x3] =	wrdreg s0;
	s0 =	simm.s32 $0x0  }
.LBB2_1:
0x16: {  	[spmem:s14], [sflag:s10] =	dma.local [hbm:s9], $0x800  }
0x17: {  	_ =	swait.ge [sflag:s15], $0x800  }
0x18: {  	[sflag:s15] =	ssyncset.done $0x0  }
0x19: {  	s3 =	rddreg [dreg:$0x5];
	[sflag:s15] =	ssyncadd.s32 $0xFFFFF800  }
0x1a: {  	[spmem:s3], [sflag:s10] =	dma.local [hbm:s9], $0x800  }
0x1b: {  	_ =	swait.ge [sflag:s15], $0x800  }
0x1c: {  	[sflag:s15] =	ssyncset.done $0x0  }
0x1d: {  	s17 =	rddreg [dreg:$0x6];
	[sflag:s15] =	ssyncadd.s32 $0xFFFFF800  }
0x1e: {  	[spmem:s17], [sflag:s10] =	dma.local [hbm:s9], $0x800  }
0x1f: {  	_ =	swait.ge [sflag:s15], $0x800  }
0x20: {  	[sflag:s15] =	ssyncset.done $0x0  }
0x21: {  	s18 =	rddreg [dreg:$0x7];
	[sflag:s15] =	ssyncadd.s32 $0xFFFFF800  }
0x22: {  	[spmem:s18], [sflag:s10] =	dma.local [hbm:s9], $0x800  }
0x23: {  	_ =	swait.ge [sflag:s15], $0x800  }
0x24: {  	[sflag:s15] =	ssyncset.done $0x0  }
0x25: {  	s19 =	rddreg [dreg:$0x8];
	[sflag:s15] =	ssyncadd.s32 $0xFFFFF800  }
0x26: {  	[spmem:s19], [sflag:s10] =	dma.local [hbm:s9], $0x800  }
0x27: {  	_ =	swait.ge [sflag:s15], $0x800  }
0x28: {  	[sflag:s15] =	ssyncset.done $0x0  }
0x29: {  	s12 =	simm.s32 $0x200;
	s3 =	simm.s32 $0x0;
	[sflag:s15] =	ssyncadd.s32 $0xFFFFF800  }
.LBB2_2:
0x2a: {  	p0 =	sne.s32 s12, $0x9E00;
	[tilespmem:s3+$0x7970] =	vst v0;
	s13 =	smov.u32 s12;
	s12 =	sadd.s32 $0x200, s12  }
.Ltmp0:
0x2b: {  	[tilespmem:s3+$0x7960] =	vst v0;
	(pc) =	sbr.rel @p0 .LBB2_2-.Ltmp0, $3  }
0x2c: {  	[tilespmem:s3+$0x7940] =	vst v1  }
0x2d: {  	[tilespmem:s3+$0x7950] =	vst v0;
	_ =	sdelay $0x1  }
0x2e: {  	s3 =	sshra.s32 s13, $0x2  }
0x2f: {  	[tilespmem:s3+$0x7970] =	vst v0  }
0x30: {  	[tilespmem:s3+$0x7960] =	vst v0  }
0x31: {  	[tilespmem:s3+$0x7940] =	vst v1  }
0x32: {  	[tilespmem:s3+$0x7950] =	vst v0  }
0x33: {  	s3 =	simm.s32 $0x0;
	s12 =	simm.s32 $0x0;
	[bflag:$0x0] =	sbarrier.arrive $0xFFFF  }
.LBB2_4:
0x34: {  	s13 =	smul.u32 $0x50, s12;
	_ =	sdelay $0x1  }
0x35: {  	s13 =	sadd.s32 s11, s13  }
0x36: {  	s16 =	sshrl.u32 s13, $0x3  }
0x37: {  	s17 =	sadd.s32 s7, s16  }
0x38: {  	[tilespmem:s3], [sflag:$0x3] =	stream.linear.gather [hbm4b:s17+s3], $0x50, $0x38;
	[tilespmem:$0x1E100] =	vst v63  }
0x39: {  	s13 =	sshll.u32 s13, $0x4;
	s16 =	sadd.s32 s8, s16  }
0x3a: {  	[tilespmem:s20], [sflag:$0x4] =	stream.linear.gather [hbm4b:s16+s3], $0x50, $0x38;
	[tilespmem:$0x1E100] =	vst v63  }
0x3b: {  	s13 =	sadd.s32 s6, s13  }
0x3c: {  	[tilespmem:s21], [sflag:$0x5] =	stream.linear.gather [hbm4b:s13+s3], $0x2800, $0x38;
	[tilespmem:$0x1E100] =	vst v63  }
0x3d: {  	_ =	swait.ge [sflag:s22], $0x50  }
0x3e: {  	[sflag:s22] =	ssyncset.done $0x0  }
0x3f: {  	[sflag:s22] =	ssyncadd.s32 $0xFFFFFFB0  }
0x40: {  	_ =	swait.ge [sflag:s23], $0x50  }
0x41: {  	[sflag:s23] =	ssyncset.done $0x0  }
0x42: {  	[sflag:s23] =	ssyncadd.s32 $0xFFFFFFB0  }
0x43: {  	[tilespmem:s25], [sflag:$0x1] =	stream.indirect.gather [hbm4b:s4+s24], $0x80, s3, s24, $0xb8;
	[tilespmem:$0x1E100] =	vst v63  }
0x44: {  	_ = 	snop  }
0x45: {  	[tilespmem:s26], [sflag:$0x2] =	stream.indirect.gather [hbm4b:s5+s24], $0x80, s20, s24, $0xb8;
	[tilespmem:$0x1E100] =	vst v63  }
0x46: {  	_ =	swait.ge [sflag:s28], $0x2800  }
0x47: {  	[sflag:s28] =	ssyncset.done $0x0  }
0x48: {  	[sflag:s28] =	ssyncadd.s32 $0xFFFFD800  }
0x49: {  	_ =	swait.ge [sflag:s29], $0x2800  }
0x4a: {  	[sflag:s29] =	ssyncset.done $0x0  }
0x4b: {  	[sflag:s29] =	ssyncadd.s32 $0xFFFFD800  }
0x4c: {  	_ =	swait.ge [sflag:s30], $0x2800  }
0x4d: {  	[sflag:s30] =	ssyncset.done $0x0  }
0x4e: {  	s13 =	simm.s32 $0x0;
	[sflag:s30] =	ssyncadd.s32 $0xFFFFD800  }
0x4f: {  	v2 =	vld [tilespmem:s13+$0x170]  }
0x50: {  	v3 =	vld [tilespmem:s13+$0x2970]  }
0x51: {  	v4 =	vld [tilespmem:s13+$0x5170]  }
0x52: {  	v5 =	vld [tilespmem:s13+$0x140]  }
0x53: {  	v6 =	vld [tilespmem:s13+$0x2940]  }
0x54: {  	v7 =	vld [tilespmem:s13+$0x150]  }
0x55: {  	v8 =	vld [tilespmem:s13+$0x160];
	v2 =	vadd.f32 v3, v2  }
0x56: {  	v9 =	vld [tilespmem:s13+$0x5140]  }
0x57: {  	v3 =	vld [tilespmem:s13+$0x2950];
	v2 =	vadd.f32 v4, v2  }
0x58: {  	v11 =	vld [tilespmem:s13+$0x5150]  }
0x59: {  	v4 =	vld [tilespmem:s13+$0x2960];
	v10 =	vand.u32 $0x7FFFFFFF, v2  }
0x5a: {  	v10 =	vsub.f32 $0.0e+00, v10  }
0x5b: {  	v12 =	vld [tilespmem:s13+$0x5160];
	v5 =	vadd.f32 v6, v5  }
0x5c: {  	v13 =	vld [tilespmem:s13+$0x120];
	v3 =	vadd.f32 v3, v7;
	v6 =	vmul.f32 $1.442695020e+00, v10  }
0x5d: {  	v5 =	vadd.f32 v9, v5;
	v7 =	vld [tilespmem:s13+$0x100]  }
0x5e: {  	v10 =	vld [tilespmem:s13+$0x2900];
	v4 =	vadd.f32 v4, v8;
	v3 =	vadd.f32 v11, v3;
	(erf) = vpow2.f32 v6  }
0x5f: {  	v9 =	vld [tilespmem:s13+$0x5100];
	v8 =	vand.u32 $0x7FFFFFFF, v5  }
0x60: {  	v11 =	vld [tilespmem:s13+$0x2910];
	v8 =	vsub.f32 $0.0e+00, v8;
	v4 =	vadd.f32 v12, v4;
	v12 =	vand.u32 $0x7FFFFFFF, v3  }
0x61: {  	v6 =	vld [tilespmem:s13+$0x110];
	v12 =	vsub.f32 $0.0e+00, v12  }
0x62: {  	v15 =	vld [tilespmem:s13+$0x2920];
	v8 =	vmul.f32 $1.442695020e+00, v8  }
0x63: {  	v7 =	vadd.f32 v10, v7;
	v10 =	vld [tilespmem:s13+$0x5110];
	v12 =	vmul.f32 $1.442695020e+00, v12  }
0x64: {  	v16 =	vld [tilespmem:s13+$0x5120];
	v14 =	vand.u32 $0x7FFFFFFF, v4;
	(erf) = vpow2.f32 v8  }
0x65: {  	v14 =	vsub.f32 $0.0e+00, v14;
	v7 =	vadd.f32 v9, v7;
	(erf) = vpow2.f32 v12  }
0x66: {  	v6 =	vadd.f32 v11, v6  }
0x67: {  	v14 =	vmul.f32 $1.442695020e+00, v14;
	v9 =	vadd.f32 v15, v13;
	v7 =	vsub.f32 $0.0e+00, v7;
	v8 =	vpop (erf)  }
0x68: {  	v6 =	vadd.f32 v10, v6;
	v11 =	vadd.f32 $2.000000000e+00, v8  }
0x69: {  	(erf) = vpow2.f32 v14;
	v9 =	vadd.f32 v16, v9;
	v7 =	vmul.f32 $1.442695020e+00, v7  }
0x6a: {  	v6 =	vsub.f32 $0.0e+00, v6;
	(erf) = vrcp.f32 v11  }
0x6b: {  	(erf) = vpow2.f32 v7;
	v7 =	vsub.f32 $0.0e+00, v9  }
0x6c: {  	v10 =	vld [tilespmem:s13+$0x130];
	v6 =	vmul.f32 $1.442695020e+00, v6  }
0x6d: {  	v11 =	vld [tilespmem:s13+$0x2930];
	v12 =	vpop (erf);
	v7 =	vmul.f32 $1.442695020e+00, v7  }
0x6e: {  	(erf) = vpow2.f32 v6;
	v14 =	vpop (erf)  }
0x6f: {  	v9 =	vld [tilespmem:s13+$0x5130];
	(erf) = vpow2.f32 v7;
	v7 =	vadd.f32 $2.000000000e+00, v14  }
0x70: {  	v6 =	vadd.f32 $2.000000000e+00, v12;
	_ =	sdelay $0x1  }
0x71: {  	v15 =	vpop (erf);
	v10 =	vadd.f32 v11, v10;
	(erf) = vrcp.f32 v6  }
0x72: {  	(erf) = vrcp.f32 v7;
	v7 =	vpop (erf)  }
0x73: {  	s16 =	simm.s32 $0x80;
	v11 =	vadd.f32 $2.000000000e+00, v15;
	v6 =	vadd.f32 v9, v10;
	v7 =	vmul.f32 v7, v8  }
0x74: {  	v17 =	vld [tilespmem:s16+$0x5170]  }
0x75: {  	v9 =	vld [tilespmem:s16+$0x170];
	(erf) = vrcp.f32 v11;
	v6 =	vsub.f32 $0.0e+00, v6;
	v8 =	vpop (erf);
	v16 =	vmul.f32 v7, v7  }
0x76: {  	v10 =	vld [tilespmem:s16+$0x2970];
	v8 =	vadd.f32 $1.000000000e+00, v8  }
0x77: {  	v19 =	vld [tilespmem:s16+$0x2940];
	v6 =	vmul.f32 $1.442695020e+00, v6;
	v13 =	vmul.f32 $1.111111120e-01, v16  }
0x78: {  	v21 =	vld [tilespmem:s16+$0x150];
	v11 =	vpop (erf);
	(erf) = vrcp.f32 v8  }
0x79: {  	v28 =	vld [tilespmem:s16+$0x100];
	(erf) = vpow2.f32 v6;
	v18 =	vpop (erf);
	v13 =	vadd.f32 $1.428571490e-01, v13  }
0x7a: {  	v30 =	vld [tilespmem:s16+$0x2900];
	v11 =	vadd.f32 $1.000000000e+00, v11;
	v18 =	vadd.f32 $1.000000000e+00, v18  }
0x7b: {  	v10 =	vadd.f32 v10, v9;
	v8 =	vld [tilespmem:s16+$0x140];
	v6 =	vmax.f32 v5, $0.0e+00;
	v20 =	vpop (erf);
	v22 =	vmul.f32 v13, v16  }
0x7c: {  	v5 =	vmax.f32 v3, $0.0e+00;
	(erf) = vrcp.f32 v11;
	v12 =	vmul.f32 v20, v12;
	v20 =	vld [tilespmem:s16+$0x2950]  }
0x7d: {  	v23 =	vld [tilespmem:s16+$0x160];
	v3 =	vpop (erf);
	v13 =	vmax.f32 v4, $0.0e+00;
	v4 =	vadd.f32 v17, v10;
	v10 =	vadd.f32 $2.000000030e-01, v22  }
0x7e: {  	(erf) = vrcp.f32 v18;
	v11 =	vmul.f32 v3, v14;
	v3 =	vld [tilespmem:s16+$0x2960];
	v18 =	vpop (erf)  }
0x7f: {  	v28 =	vadd.f32 v30, v28;
	v9 =	vmul.f32 v18, v15;
	v15 =	vld [tilespmem:s16+$0x5140];
	v24 =	vand.u32 $0x7FFFFFFF, v4  }
0x80: {  	v14 =	vmul.f32 v12, v12;
	v8 =	vadd.f32 v19, v8;
	v19 =	vld [tilespmem:s16+$0x5150];
	v25 =	vmul.f32 v10, v16  }
0x81: {  	v26 =	vld [tilespmem:s16+$0x5160];
	v33 =	vmax.f32 v2, $0.0e+00;
	v17 =	vmul.f32 v11, v11;
	v20 =	vadd.f32 v20, v21;
	v10 =	vpop (erf)  }
0x82: {  	v22 =	vmul.f32 $1.111111120e-01, v14;
	v21 =	vsub.f32 $0.0e+00, v24;
	v25 =	vadd.f32 $3.333333430e-01, v25;
	v24 =	vpop (erf)  }
0x83: {  	v27 =	vmul.f32 $1.111111120e-01, v17;
	v3 =	vadd.f32 v3, v23;
	v24 =	vadd.f32 $1.000000000e+00, v24  }
0x84: {  	v22 =	vadd.f32 $1.428571490e-01, v22;
	v8 =	vadd.f32 v15, v8;
	v15 =	vmul.f32 v25, v16  }
0x85: {  	v23 =	vld [tilespmem:s16+$0x110];
	v21 =	vmul.f32 $1.442695020e+00, v21;
	v19 =	vadd.f32 v19, v20;
	(erf) = vrcp.f32 v24  }
0x86: {  	v18 =	vmul.f32 v9, v9;
	v3 =	vadd.f32 v26, v3;
	v16 =	vld [tilespmem:s16+$0x2910];
	v15 =	vadd.f32 $1.000000000e+00, v15  }
0x87: {  	v24 =	vand.u32 $0x7FFFFFFF, v8;
	(erf) = vpow2.f32 v21;
	v21 =	vadd.f32 $1.428571490e-01, v27;
	v27 =	vld [tilespmem:s16+$0x5100]  }
0x88: {  	v20 =	vld [tilespmem:s16+$0x120];
	v29 =	vmul.f32 $1.111111120e-01, v18;
	v26 =	vand.u32 $0x7FFFFFFF, v19;
	v24 =	vsub.f32 $0.0e+00, v24  }
0x89: {  	v25 =	vld [tilespmem:s16+$0x2920];
	v31 =	vand.u32 $0x7FFFFFFF, v3;
	v26 =	vsub.f32 $0.0e+00, v26;
	v7 =	vmul.f32 v15, v7  }
0x8a: {  	v22 =	vmul.f32 v22, v14;
	v29 =	vadd.f32 $1.428571490e-01, v29;
	v15 =	vld [tilespmem:s16+$0x5110];
	v24 =	vmul.f32 $1.442695020e+00, v24  }
0x8b: {  	v49 =	vld [tilespmem:s16+$0x5120];
	v31 =	vsub.f32 $0.0e+00, v31;
	v26 =	vmul.f32 $1.442695020e+00, v26;
	v7 =	vadd.f32 v7, v7  }
0x8c: {  	v32 =	vpop (erf);
	v16 =	vadd.f32 v16, v23;
	(erf) = vpow2.f32 v24;
	v23 =	vadd.f32 v27, v28  }
0x8d: {  	v2 =	vpop (erf);
	v31 =	vmul.f32 $1.442695020e+00, v31;
	v7 =	vadd.f32 v7, v33;
	(erf) = vpow2.f32 v26  }
0x8e: {  	v22 =	vadd.f32 $2.000000030e-01, v22;
	v20 =	vadd.f32 v25, v20;
	v24 =	vpop (erf)  }
0x8f: {  	v15 =	vadd.f32 v15, v16;
	(erf) = vpow2.f32 v31;
	v7 =	vmul.f32 v7, v24  }
0x90: {  	v20 =	vadd.f32 v49, v20;
	v16 =	vsub.f32 $0.0e+00, v23;
	v23 =	vpop (erf)  }
0x91: {  	v21 =	vmul.f32 v21, v17;
	v15 =	vsub.f32 $0.0e+00, v15;
	v24 =	vadd.f32 $2.000000000e+00, v23;
	[tilespmem:s13+$0x7930] =	vst v7  }
0x92: {  	v25 =	vmul.f32 v29, v18;
	v7 =	vmul.f32 $1.442695020e+00, v16;
	v16 =	vsub.f32 $0.0e+00, v20;
	v20 =	vld [tilespmem:s16+$0x130]  }
0x93: {  	v21 =	vadd.f32 $2.000000030e-01, v21;
	v15 =	vmul.f32 $1.442695020e+00, v15;
	(erf) = vrcp.f32 v24;
	v24 =	vld [tilespmem:s16+$0x2930]  }
0x94: {  	v25 =	vadd.f32 $2.000000030e-01, v25;
	(erf) = vpow2.f32 v7;
	v16 =	vmul.f32 $1.442695020e+00, v16  }
0x95: {  	v7 =	vmax.f32 v19, $0.0e+00;
	v19 =	vld [tilespmem:s16+$0x5130];
	(erf) = vpow2.f32 v15;
	v15 =	vmul.f32 v22, v14;
	v22 =	vpop (erf)  }
0x96: {  	(erf) = vpow2.f32 v16;
	v16 =	vmul.f32 v21, v17;
	v21 =	vadd.f32 $2.000000000e+00, v22;
	v26 =	vpop (erf)  }
0x97: {  	v15 =	vadd.f32 $3.333333430e-01, v15;
	v27 =	vadd.f32 $2.000000000e+00, v26  }
0x98: {  	v25 =	vmul.f32 v25, v18;
	v28 =	vpop (erf);
	v16 =	vadd.f32 $3.333333430e-01, v16;
	v20 =	vadd.f32 v24, v20  }
0x99: {  	(erf) = vrcp.f32 v21;
	v21 =	vadd.f32 $2.000000000e+00, v28;
	v14 =	vmul.f32 v15, v14  }
0x9a: {  	(erf) = vrcp.f32 v27;
	v15 =	vadd.f32 $3.333333430e-01, v25;
	v19 =	vadd.f32 v19, v20  }
0x9b: {  	v16 =	vmul.f32 v16, v17;
	v14 =	vadd.f32 $1.000000000e+00, v14  }
0x9c: {  	(erf) = vrcp.f32 v21;
	v15 =	vmul.f32 v15, v18;
	v17 =	vpop (erf);
	v18 =	vsub.f32 $0.0e+00, v19  }
0x9d: {  	s17 =	simm.s32 $0x100;
	v16 =	vadd.f32 $1.000000000e+00, v16;
	v19 =	vmul.f32 v17, v23;
	v17 =	vpop (erf);
	v12 =	vmul.f32 v14, v12  }
0x9e: {  	v52 =	vld [tilespmem:s17+$0x100];
	v15 =	vadd.f32 $1.000000000e+00, v15;
	v17 =	vadd.f32 $1.000000000e+00, v17;
	v18 =	vmul.f32 $1.442695020e+00, v18  }
0x9f: {  	v20 =	vld [tilespmem:s17+$0x170];
	v21 =	vpop (erf);
	v11 =	vmul.f32 v16, v11;
	v23 =	vmul.f32 v19, v19  }
0xa0: {  	v14 =	vld [tilespmem:s17+$0x2970];
	v21 =	vadd.f32 $1.000000000e+00, v21;
	v25 =	vpop (erf);
	v12 =	vadd.f32 v12, v12;
	v9 =	vmul.f32 v15, v9  }
0xa1: {  	v36 =	vld [tilespmem:s17+$0x2900];
	(erf) = vrcp.f32 v17;
	v16 =	vadd.f32 $1.000000000e+00, v25;
	v25 =	vmul.f32 $1.111111120e-01, v23  }
0xa2: {  	v24 =	vld [tilespmem:s17+$0x140];
	v11 =	vadd.f32 v11, v11;
	(erf) = vpow2.f32 v18;
	v12 =	vadd.f32 v12, v6;
	v17 =	vpop (erf)  }
0xa3: {  	v27 =	vld [tilespmem:s17+$0x5170];
	(erf) = vrcp.f32 v21;
	v17 =	vmul.f32 v17, v22;
	v15 =	vadd.f32 $1.428571490e-01, v25;
	v22 =	vpop (erf)  }
0xa4: {  	v18 =	vld [tilespmem:s17+$0x2940];
	v5 =	vadd.f32 v11, v5;
	(erf) = vrcp.f32 v16;
	v16 =	vmul.f32 v22, v26  }
0xa5: {  	v21 =	vld [tilespmem:s17+$0x150];
	v26 =	vadd.f32 v9, v9;
	v9 =	vadd.f32 v14, v20;
	v14 =	vmul.f32 v15, v23  }
0xa6: {  	v25 =	vld [tilespmem:s17+$0x2950]  }
0xa7: {  	v11 =	vld [tilespmem:s17+$0x5140];
	v10 =	vmul.f32 v12, v10;
	v6 =	vpop (erf);
	v5 =	vmul.f32 v5, v32;
	v14 =	vadd.f32 $2.000000030e-01, v14  }
0xa8: {  	v4 =	vmax.f32 v4, $0.0e+00;
	v22 =	vld [tilespmem:s17+$0x160];
	v6 =	vmul.f32 v6, v28;
	v20 =	vmul.f32 v17, v17  }
0xa9: {  	v33 =	vadd.f32 v36, v52;
	v15 =	vld [tilespmem:s17+$0x2960];
	v28 =	vmul.f32 v16, v16;
	v14 =	vmul.f32 v14, v23  }
0xaa: {  	v9 =	vadd.f32 v27, v9;
	v27 =	vld [tilespmem:s17+$0x5150];
	v18 =	vadd.f32 v18, v24;
	v29 =	vmul.f32 v6, v6;
	v12 =	vpop (erf)  }
0xab: {  	v50 =	vld [tilespmem:s17+$0x5160];
	v24 =	vmul.f32 $1.111111120e-01, v20;
	v21 =	vadd.f32 v25, v21;
	v25 =	vpop (erf);
	v14 =	vadd.f32 $3.333333430e-01, v14  }
0xac: {  	[tilespmem:s13+$0x7900] =	vst v10;
	v51 =	vand.u32 $0x7FFFFFFF, v9;
	v34 =	vmul.f32 $1.111111120e-01, v28;
	v10 =	vadd.f32 $1.000000000e+00, v25  }
0xad: {  	v11 =	vadd.f32 v11, v18;
	v31 =	vsub.f32 $0.0e+00, v51;
	v25 =	vld [tilespmem:s17+$0x110];
	[tilespmem:s13+$0x7910] =	vst v5;
	v14 =	vmul.f32 v14, v23  }
0xae: {  	v24 =	vadd.f32 $1.428571490e-01, v24;
	v15 =	vadd.f32 v15, v22;
	v5 =	vld [tilespmem:s17+$0x2910];
	(erf) = vrcp.f32 v10  }
0xaf: {  	v22 =	vmul.f32 $1.442695020e+00, v31;
	v18 =	vadd.f32 v27, v21;
	v21 =	vld [tilespmem:s17+$0x120];
	v14 =	vadd.f32 $1.000000000e+00, v14  }
0xb0: {  	v35 =	vmul.f32 $1.111111120e-01, v29;
	v15 =	vadd.f32 v50, v15;
	v27 =	vld [tilespmem:s17+$0x2920];
	v10 =	vadd.f32 $1.428571490e-01, v34  }
0xb1: {  	v54 =	vld [tilespmem:s17+$0x5100];
	(erf) = vpow2.f32 v22;
	v22 =	vand.u32 $0x7FFFFFFF, v11;
	v14 =	vmul.f32 v14, v19  }
0xb2: {  	v56 =	vld [tilespmem:s17+$0x5120];
	v23 =	vand.u32 $0x7FFFFFFF, v18;
	v55 =	vand.u32 $0x7FFFFFFF, v15;
	v22 =	vsub.f32 $0.0e+00, v22  }
0xb3: {  	v23 =	vsub.f32 $0.0e+00, v23;
	v32 =	vsub.f32 $0.0e+00, v55;
	v19 =	vmul.f32 v24, v20;
	v24 =	vld [tilespmem:s17+$0x5110]  }
0xb4: {  	v53 =	vadd.f32 $1.428571490e-01, v35;
	v22 =	vmul.f32 $1.442695020e+00, v22;
	v57 =	vadd.f32 v14, v14  }
0xb5: {  	v23 =	vmul.f32 $1.442695020e+00, v23;
	v32 =	vmul.f32 $1.442695020e+00, v32;
	v5 =	vadd.f32 v5, v25;
	v14 =	vpop (erf)  }
0xb6: {  	v21 =	vadd.f32 v27, v21;
	(erf) = vpow2.f32 v22;
	v22 =	vadd.f32 v57, v4;
	v4 =	vpop (erf)  }
0xb7: {  	v25 =	vadd.f32 v54, v33;
	(erf) = vpow2.f32 v23;
	v23 =	vmul.f32 v10, v28;
	v10 =	vpop (erf)  }
0xb8: {  	v21 =	vadd.f32 v56, v21;
	v5 =	vadd.f32 v24, v5;
	v22 =	vmul.f32 v22, v10  }
0xb9: {  	v19 =	vadd.f32 $2.000000030e-01, v19;
	(erf) = vpow2.f32 v32;
	v24 =	vsub.f32 $0.0e+00, v25  }
0xba: {  	v21 =	vsub.f32 $0.0e+00, v21;
	v27 =	vpop (erf);
	v5 =	vsub.f32 $0.0e+00, v5;
	[tilespmem:s16+$0x7930] =	vst v22  }
0xbb: {  	v10 =	vmax.f32 v11, $0.0e+00;
	v11 =	vmul.f32 $1.442695020e+00, v24;
	v58 =	vadd.f32 $2.000000000e+00, v27;
	v24 =	vld [tilespmem:s17+$0x130]  }
0xbc: {  	v19 =	vmul.f32 v19, v20;
	v25 =	vmul.f32 v53, v29;
	v22 =	vadd.f32 $2.000000030e-01, v23;
	v23 =	vld [tilespmem:s17+$0x2930]  }
0xbd: {  	v5 =	vmul.f32 $1.442695020e+00, v5;
	(erf) = vrcp.f32 v58  }
0xbe: {  	v21 =	vmul.f32 $1.442695020e+00, v21;
	(erf) = vpow2.f32 v11;
	v11 =	vmax.f32 v18, $0.0e+00;
	v18 =	vld [tilespmem:s17+$0x5130]  }
0xbf: {  	v3 =	vmax.f32 v3, $0.0e+00;
	v60 =	vadd.f32 $3.333333430e-01, v19;
	(erf) = vpow2.f32 v5  }
0xc0: {  	v59 =	vadd.f32 $2.000000030e-01, v25;
	v25 =	vpop (erf);
	(erf) = vpow2.f32 v21;
	v21 =	vmul.f32 v22, v28  }
0xc1: {  	v5 =	vmax.f32 v15, $0.0e+00;
	v15 =	vadd.f32 $2.000000000e+00, v25;
	v22 =	vpop (erf);
	v23 =	vadd.f32 v23, v24  }
0xc2: {  	v30 =	vmul.f32 v59, v29;
	v61 =	vadd.f32 $2.000000000e+00, v22;
	v19 =	vpop (erf);
	v21 =	vadd.f32 $3.333333430e-01, v21  }
0xc3: {  	(erf) = vrcp.f32 v15;
	v62 =	vadd.f32 $2.000000000e+00, v19;
	v18 =	vadd.f32 v18, v23  }
0xc4: {  	v13 =	vadd.f32 v26, v13;
	v15 =	vmul.f32 v60, v20;
	(erf) = vrcp.f32 v61  }
0xc5: {  	v20 =	vadd.f32 $3.333333430e-01, v30;
	(erf) = vrcp.f32 v62;
	v21 =	vmul.f32 v21, v28  }
0xc6: {  	v8 =	vmax.f32 v8, $0.0e+00;
	v24 =	vadd.f32 $1.000000000e+00, v15;
	v23 =	vpop (erf);
	v28 =	vsub.f32 $0.0e+00, v18  }
0xc7: {  	v20 =	vmul.f32 v20, v29;
	v29 =	vadd.f32 $1.000000000e+00, v21;
	v15 =	vmul.f32 v23, v27;
	v18 =	vpop (erf)  }
0xc8: {  	s18 =	simm.s32 $0x180;
	v26 =	vmul.f32 v24, v17;
	v27 =	vmul.f32 $1.442695020e+00, v28;
	v63 =	vadd.f32 $1.000000000e+00, v18;
	v18 =	vpop (erf)  }
0xc9: {  	v17 =	vadd.f32 $1.000000000e+00, v20;
	v20 =	vld [tilespmem:s18+$0x170];
	v16 =	vmul.f32 v29, v16;
	v24 =	vmul.f32 v15, v15;
	v21 =	vpop (erf)  }
0xca: {  	s19 =	simm.s32 $0x800;
	v23 =	vld [tilespmem:s18+$0x2970];
	v18 =	vadd.f32 $1.000000000e+00, v18;
	v21 =	vadd.f32 $1.000000000e+00, v21;
	(erf) = vrcp.f32 v63  }
.LBB2_5:
0xcb: {  	p0 =	sne.s32 s19, $0x9E00;
	v28 =	vld [tilespmem:s18+$0x140];
	v29 =	vmul.f32 $1.111111120e-01, v24;
	(erf) = vpow2.f32 v27;
	v26 =	vadd.f32 v26, v26  }
0xcc: {  	v6 =	vmul.f32 v17, v6;
	v27 =	vld [tilespmem:s18+$0x5170];
	v30 =	vpop (erf);
	(erf) = vrcp.f32 v18;
	v31 =	vadd.f32 v16, v16  }
0xcd: {  	v32 =	vld [tilespmem:s18+$0x2940];
	v17 =	vmul.f32 v30, v25;
	v25 =	vadd.f32 $1.428571490e-01, v29;
	v16 =	vpop (erf);
	(erf) = vrcp.f32 v21  }
0xce: {  	v18 =	vadd.f32 v6, v6;
	v29 =	vld [tilespmem:s18+$0x150];
	v16 =	vmul.f32 v16, v22;
	v21 =	vpop (erf);
	v22 =	vadd.f32 v26, v8  }
0xcf: {  	v8 =	vmovc v10;
	v26 =	vld [tilespmem:s18+$0x2950];
	v30 =	vadd.f32 v23, v20;
	v6 =	vmul.f32 v21, v19;
	v19 =	vmul.f32 v25, v24  }
0xd0: {  	v23 =	vmul.f32 v17, v17;
	v25 =	vadd.f32 v31, v7;
	v7 =	vmovc v11;
	v10 =	vld [tilespmem:s18+$0x160];
	v20 =	vmul.f32 v16, v16  }
0xd1: {  	v11 =	vld [tilespmem:s18+$0x2960];
	v27 =	vadd.f32 v27, v30;
	v21 =	vmul.f32 v6, v6;
	v19 =	vadd.f32 $2.000000030e-01, v19  }
0xd2: {  	v31 =	vmul.f32 $1.111111120e-01, v23;
	v28 =	vadd.f32 v32, v28;
	v30 =	vld [tilespmem:s18+$0x5140];
	v32 =	vmul.f32 $1.111111120e-01, v20  }
0xd3: {  	v33 =	vld [tilespmem:s18+$0x5150];
	v34 =	vand.u32 $0x7FFFFFFF, v27;
	v35 =	vmul.f32 $1.111111120e-01, v21;
	v19 =	vmul.f32 v19, v24;
	v36 =	vpop (erf)  }
0xd4: {  	v40 =	vmul.f32 v22, v12;
	v26 =	vadd.f32 v26, v29;
	v29 =	vld [tilespmem:s18+$0x5160];
	v39 =	vsub.f32 $0.0e+00, v34;
	v37 =	vpop (erf)  }
0xd5: {  	v25 =	vmul.f32 v25, v14;
	v22 =	vld [tilespmem:s18+$0x100];
	v37 =	vadd.f32 $1.000000000e+00, v37;
	v19 =	vadd.f32 $3.333333430e-01, v19;
	v14 =	vpop (erf)  }
0xd6: {  	v31 =	vadd.f32 $1.428571490e-01, v31;
	v38 =	vld [tilespmem:s18+$0x2900];
	v10 =	vadd.f32 v11, v10;
	v11 =	vmul.f32 $1.442695020e+00, v39;
	v34 =	vpop (erf);
	[tilespmem:s16+$0x7900] =	vst v40  }
0xd7: {  	v12 =	vmovc v36;
	v28 =	vadd.f32 v30, v28;
	v30 =	vld [tilespmem:s18+$0x110];
	v19 =	vmul.f32 v19, v24;
	(erf) = vrcp.f32 v37;
	[tilespmem:s16+$0x7910] =	vst v25  }
0xd8: {  	v24 =	vld [tilespmem:s18+$0x2910];
	v25 =	vadd.f32 v33, v26;
	v26 =	vmul.f32 v31, v23;
	v31 =	vadd.f32 $1.428571490e-01, v32  }
0xd9: {  	v32 =	vld [tilespmem:s18+$0x120];
	v29 =	vadd.f32 v29, v10;
	(erf) = vpow2.f32 v11;
	v10 =	vadd.f32 $1.000000000e+00, v19  }
0xda: {  	v35 =	vadd.f32 $1.428571490e-01, v35;
	v11 =	vand.u32 $0x7FFFFFFF, v28;
	v19 =	vand.u32 $0x7FFFFFFF, v25;
	v33 =	vld [tilespmem:s18+$0x2920]  }
0xdb: {  	v11 =	vsub.f32 $0.0e+00, v11;
	v36 =	vld [tilespmem:s18+$0x5100];
	v37 =	vand.u32 $0x7FFFFFFF, v29;
	v10 =	vmul.f32 v10, v15  }
0xdc: {  	v31 =	vmul.f32 v31, v20;
	v19 =	vsub.f32 $0.0e+00, v19;
	v15 =	vld [tilespmem:s18+$0x5110];
	v37 =	vsub.f32 $0.0e+00, v37  }
0xdd: {  	v22 =	vadd.f32 v38, v22;
	v11 =	vmul.f32 $1.442695020e+00, v11;
	v38 =	vld [tilespmem:s18+$0x5120];
	v10 =	vadd.f32 v10, v10  }
0xde: {  	v39 =	vmax.f32 v9, $0.0e+00;
	v9 =	vmovc v27;
	v40 =	vmul.f32 $1.442695020e+00, v19;
	v37 =	vmul.f32 $1.442695020e+00, v37  }
0xdf: {  	v27 =	vadd.f32 v24, v30;
	(erf) = vpow2.f32 v11;
	v10 =	vadd.f32 v10, v39  }
0xe0: {  	v11 =	vadd.f32 v36, v22;
	v22 =	vadd.f32 v33, v32;
	(erf) = vpow2.f32 v40;
	v19 =	vpop (erf)  }
0xe1: {  	v15 =	vadd.f32 v15, v27;
	(erf) = vpow2.f32 v37;
	v19 =	vmul.f32 v10, v19  }
0xe2: {  	v27 =	vmul.f32 v35, v21;
	v11 =	vsub.f32 $0.0e+00, v11;
	v22 =	vadd.f32 v38, v22;
	v24 =	vpop (erf)  }
0xe3: {  	v10 =	vmax.f32 v28, $0.0e+00;
	v15 =	vsub.f32 $0.0e+00, v15;
	v28 =	vadd.f32 $2.000000000e+00, v24;
	[tilespmem:s17+$0x7930] =	vst v19  }
0xe4: {  	v11 =	vmul.f32 $1.442695020e+00, v11;
	v19 =	vsub.f32 $0.0e+00, v22;
	v22 =	vadd.f32 $2.000000030e-01, v26  }
0xe5: {  	v15 =	vmul.f32 $1.442695020e+00, v15;
	v26 =	vld [tilespmem:s18+$0x130];
	(erf) = vrcp.f32 v28;
	v28 =	vadd.f32 $2.000000030e-01, v31  }
0xe6: {  	v27 =	vadd.f32 $2.000000030e-01, v27;
	v19 =	vmul.f32 $1.442695020e+00, v19;
	v30 =	vld [tilespmem:s18+$0x2930];
	(erf) = vpow2.f32 v11  }
0xe7: {  	v11 =	vmax.f32 v25, $0.0e+00;
	(erf) = vpow2.f32 v15;
	v15 =	vmul.f32 v22, v23  }
0xe8: {  	v29 =	vmax.f32 v29, $0.0e+00;
	v28 =	vmul.f32 v28, v20;
	v31 =	vld [tilespmem:s18+$0x5130];
	v25 =	vpop (erf);
	(erf) = vpow2.f32 v19  }
0xe9: {  	v27 =	vmul.f32 v27, v21;
	v32 =	vadd.f32 $2.000000000e+00, v25;
	v22 =	vpop (erf);
	v15 =	vadd.f32 $3.333333430e-01, v15  }
0xea: {  	v13 =	vmul.f32 v13, v2;
	v28 =	vadd.f32 $3.333333430e-01, v28;
	v33 =	vadd.f32 $2.000000000e+00, v22;
	v19 =	vpop (erf)  }
0xeb: {  	v2 =	vmovc v4;
	v4 =	vmovc v34;
	v35 =	vadd.f32 $2.000000000e+00, v19;
	v26 =	vadd.f32 v30, v26;
	(erf) = vrcp.f32 v32  }
0xec: {  	v15 =	vmul.f32 v15, v23;
	v23 =	vadd.f32 $3.333333430e-01, v27;
	(erf) = vrcp.f32 v33;
	[tilespmem:s13+$0x7920] =	vst v13;
	s13 =	smov.u32 s16;
	s16 =	smov.u32 s17;
	s17 =	smov.u32 s18  }
0xed: {  	v20 =	vmul.f32 v28, v20;
	v26 =	vadd.f32 v31, v26;
	(erf) = vrcp.f32 v35  }
.Ltmp1:
0xee: {  	v13 =	vadd.f32 v18, v3;
	v28 =	vadd.f32 $1.000000000e+00, v15;
	v21 =	vmul.f32 v23, v21;
	v27 =	vpop (erf);
	(pc) =	sbr.rel @p0 .LBB2_5-.Ltmp1, $4  }
0xef: {  	v30 =	vadd.f32 $1.000000000e+00, v20;
	v23 =	vsub.f32 $0.0e+00, v26;
	v15 =	vmul.f32 v27, v24;
	v18 =	vpop (erf)  }
0xf0: {  	s18 =	sshra.s32 s19, $0x2;
	v26 =	vmul.f32 v28, v17;
	v17 =	vadd.f32 $1.000000000e+00, v21;
	v31 =	vadd.f32 $1.000000000e+00, v18;
	v18 =	vpop (erf)  }
0xf1: {  	v20 =	vld [tilespmem:s18+$0x170];
	v18 =	vadd.f32 $1.000000000e+00, v18;
	v27 =	vmul.f32 $1.442695020e+00, v23;
	v24 =	vmul.f32 v15, v15;
	v3 =	vpop (erf)  }
0xf2: {  	s19 =	sadd.s32 $0x200, s19;
	v16 =	vmul.f32 v30, v16;
	v23 =	vld [tilespmem:s18+$0x2970];
	v21 =	vadd.f32 $1.000000000e+00, v3;
	(erf) = vrcp.f32 v31;
	v3 =	vmovc v5;
	v5 =	vmovc v29  }
0xf3: {  	v28 =	vld [tilespmem:s18+$0x140]  }
0xf4: {  	v29 =	vld [tilespmem:s18+$0x5170]  }
0xf5: {  	v58 =	vld [tilespmem:s18+$0x2940]  }
0xf6: {  	v31 =	vld [tilespmem:s18+$0x150]  }
0xf7: {  	(erf) = vpow2.f32 v27;
	v32 =	vld [tilespmem:s18+$0x2950]  }
0xf8: {  	v30 =	vmul.f32 $1.111111120e-01, v24;
	v33 =	vld [tilespmem:s18+$0x160]  }
0xf9: {  	v26 =	vadd.f32 v26, v26;
	v60 =	vld [tilespmem:s18+$0x2960]  }
0xfa: {  	v34 =	vpop (erf);
	(erf) = vrcp.f32 v18;
	v16 =	vadd.f32 v16, v16;
	v30 =	vadd.f32 $1.428571490e-01, v30  }
0xfb: {  	v35 =	vld [tilespmem:s18+$0x5140];
	v26 =	vadd.f32 v26, v8;
	v18 =	vmul.f32 v34, v25;
	v20 =	vadd.f32 v23, v20  }
0xfc: {  	v63 =	vld [tilespmem:s18+$0x5150];
	v37 =	vadd.f32 v16, v7;
	v59 =	vmul.f32 v30, v24;
	v27 =	vadd.f32 v58, v28  }
0xfd: {  	v38 =	vld [tilespmem:s18+$0x5160];
	v61 =	vpop (erf);
	(erf) = vrcp.f32 v21;
	v41 =	vadd.f32 v32, v31;
	v8 =	vadd.f32 v29, v20  }
0xfe: {  	v36 =	vpop (erf);
	v12 =	vmul.f32 v26, v12;
	v45 =	vadd.f32 v60, v33;
	v62 =	vadd.f32 $2.000000030e-01, v59  }
0xff: {  	v29 =	vmul.f32 v37, v14;
	v14 =	vmul.f32 v36, v19;
	v39 =	vand.u32 $0x7FFFFFFF, v8;
	v7 =	vpop (erf)  }
0x100: {  	v40 =	vld [tilespmem:s18+$0x100];
	v19 =	vadd.f32 v35, v27;
	v20 =	vmul.f32 v62, v24;
	v42 =	vsub.f32 $0.0e+00, v39;
	v43 =	vpop (erf)  }
0x101: {  	v44 =	vld [tilespmem:s18+$0x2900];
	v16 =	vmul.f32 v61, v22;
	[tilespmem:s16+$0x7900] =	vst v12;
	v22 =	vadd.f32 v63, v41;
	v31 =	vadd.f32 $1.000000000e+00, v43  }
0x102: {  	v46 =	vld [tilespmem:s18+$0x110];
	v12 =	vadd.f32 v38, v45;
	[tilespmem:s16+$0x7910] =	vst v29;
	v20 =	vadd.f32 $3.333333430e-01, v20;
	v25 =	vmul.f32 $1.442695020e+00, v42  }
0x103: {  	v47 =	vld [tilespmem:s18+$0x2910];
	v48 =	vand.u32 $0x7FFFFFFF, v19;
	v50 =	vand.u32 $0x7FFFFFFF, v22;
	(erf) = vrcp.f32 v31  }
0x104: {  	v49 =	vld [tilespmem:s18+$0x120];
	v20 =	vmul.f32 v20, v24;
	v24 =	vsub.f32 $0.0e+00, v48;
	(erf) = vpow2.f32 v25  }
0x105: {  	v51 =	vld [tilespmem:s18+$0x2920];
	v25 =	vsub.f32 $0.0e+00, v50  }
0x106: {  	v52 =	vld [tilespmem:s18+$0x5100];
	v53 =	vand.u32 $0x7FFFFFFF, v12;
	v20 =	vadd.f32 $1.000000000e+00, v20;
	v24 =	vmul.f32 $1.442695020e+00, v24  }
0x107: {  	v28 =	vmul.f32 v18, v18;
	v54 =	vld [tilespmem:s18+$0x5110];
	v33 =	vsub.f32 $0.0e+00, v53;
	v25 =	vmul.f32 $1.442695020e+00, v25  }
0x108: {  	v57 =	vmax.f32 v9, $0.0e+00;
	v36 =	vld [tilespmem:s18+$0x5120];
	v20 =	vmul.f32 v20, v15;
	(erf) = vpow2.f32 v24  }
0x109: {  	v55 =	vadd.f32 v44, v40;
	v56 =	vmul.f32 $1.442695020e+00, v33;
	(erf) = vpow2.f32 v25  }
0x10a: {  	v60 =	vmul.f32 $1.111111120e-01, v28;
	v21 =	vadd.f32 v47, v46;
	v15 =	vpop (erf);
	v20 =	vadd.f32 v20, v20  }
0x10b: {  	v58 =	vadd.f32 v52, v55;
	v59 =	vadd.f32 v51, v49;
	v9 =	vpop (erf);
	(erf) = vpow2.f32 v56  }
0x10c: {  	v29 =	vmul.f32 v16, v16;
	v21 =	vadd.f32 v54, v21;
	v20 =	vadd.f32 v20, v57;
	v61 =	vpop (erf)  }
0x10d: {  	v34 =	vmul.f32 v14, v14;
	v23 =	vsub.f32 $0.0e+00, v58;
	v24 =	vadd.f32 v36, v59;
	v63 =	vpop (erf)  }
0x10e: {  	v21 =	vsub.f32 $0.0e+00, v21;
	v20 =	vmul.f32 v20, v61;
	v36 =	vadd.f32 $2.000000000e+00, v63  }
0x10f: {  	v37 =	vmul.f32 $1.111111120e-01, v34;
	v23 =	vmul.f32 $1.442695020e+00, v23;
	v24 =	vsub.f32 $0.0e+00, v24  }
0x110: {  	v39 =	vadd.f32 $1.428571490e-01, v60;
	v38 =	vmul.f32 $1.442695020e+00, v21;
	[tilespmem:s17+$0x7930] =	vst v20;
	(erf) = vrcp.f32 v36  }
0x111: {  	v31 =	vadd.f32 $1.428571490e-01, v37;
	v24 =	vmul.f32 $1.442695020e+00, v24;
	v40 =	vld [tilespmem:s18+$0x130];
	v41 =	vpop (erf);
	(erf) = vpow2.f32 v23  }
0x112: {  	v62 =	vmul.f32 $1.111111120e-01, v29;
	v43 =	vld [tilespmem:s18+$0x2930];
	v44 =	vadd.f32 $2.000000000e+00, v41;
	v45 =	vpop (erf);
	(erf) = vpow2.f32 v38  }
0x113: {  	v50 =	vmul.f32 v31, v34;
	v46 =	vadd.f32 $2.000000000e+00, v45;
	(erf) = vpow2.f32 v24  }
0x114: {  	v21 =	vmul.f32 v39, v28;
	v47 =	vld [tilespmem:s18+$0x5130];
	v48 =	vpop (erf);
	(erf) = vrcp.f32 v44  }
0x115: {  	v42 =	vadd.f32 $1.428571490e-01, v62;
	v49 =	vadd.f32 $2.000000000e+00, v48;
	(erf) = vrcp.f32 v46  }
0x116: {  	v6 =	vmul.f32 v17, v6;
	v51 =	vadd.f32 $2.000000030e-01, v50;
	v21 =	vadd.f32 $2.000000030e-01, v21  }
0x117: {  	v26 =	vmul.f32 v42, v29;
	v25 =	vadd.f32 v43, v40;
	(erf) = vrcp.f32 v49  }
0x118: {  	v6 =	vadd.f32 v6, v6;
	v21 =	vmul.f32 v21, v28;
	v20 =	vmul.f32 v51, v34  }
0x119: {  	v26 =	vadd.f32 $2.000000030e-01, v26;
	v53 =	vadd.f32 v47, v25;
	v54 =	vpop (erf)  }
0x11a: {  	v2 =	vmul.f32 v13, v2;
	v21 =	vadd.f32 $3.333333430e-01, v21;
	v20 =	vadd.f32 $3.333333430e-01, v20;
	v55 =	vpop (erf)  }
0x11b: {  	v52 =	vmul.f32 v26, v29;
	v56 =	vsub.f32 $0.0e+00, v53;
	v57 =	vmul.f32 v54, v63;
	v58 =	vpop (erf)  }
0x11c: {  	v21 =	vmul.f32 v21, v28;
	v20 =	vmul.f32 v20, v34;
	v26 =	vadd.f32 $1.000000000e+00, v55;
	v59 =	vpop (erf)  }
0x11d: {  	v13 =	vmul.f32 $1.442695020e+00, v56;
	v60 =	vmul.f32 v57, v57;
	v61 =	vpop (erf)  }
0x11e: {  	v3 =	vadd.f32 v6, v3;
	(erf) = vrcp.f32 v26;
	v23 =	vmul.f32 v61, v41;
	v62 =	vpop (erf)  }
0x11f: {  	v8 =	vmax.f32 v8, $0.0e+00;
	v63 =	vmul.f32 $1.111111120e-01, v60;
	v26 =	vmul.f32 v62, v45  }
0x120: {  	v24 =	vadd.f32 $3.333333430e-01, v52;
	(erf) = vpow2.f32 v13;
	v33 =	vpop (erf);
	v36 =	vmul.f32 v23, v23  }
0x121: {  	v19 =	vmax.f32 v19, $0.0e+00;
	v13 =	vmul.f32 v33, v48;
	v37 =	vmul.f32 v26, v26  }
0x122: {  	v24 =	vmul.f32 v24, v29;
	v29 =	vadd.f32 $1.428571490e-01, v63;
	v38 =	vmul.f32 $1.111111120e-01, v36  }
0x123: {  	v22 =	vmax.f32 v22, $0.0e+00;
	v39 =	vmul.f32 v13, v13;
	v40 =	vmul.f32 $1.111111120e-01, v37  }
0x124: {  	v21 =	vadd.f32 $1.000000000e+00, v21;
	v29 =	vmul.f32 v29, v60;
	v32 =	vadd.f32 $1.428571490e-01, v38  }
0x125: {  	v20 =	vadd.f32 $1.000000000e+00, v20;
	v41 =	vmul.f32 $1.111111120e-01, v39;
	v33 =	vadd.f32 $1.428571490e-01, v40  }
0x126: {  	v18 =	vmul.f32 v21, v18;
	v29 =	vadd.f32 $2.000000030e-01, v29;
	v32 =	vmul.f32 v32, v36  }
0x127: {  	v25 =	vadd.f32 $1.000000000e+00, v58;
	v21 =	vadd.f32 $1.428571490e-01, v41;
	v33 =	vmul.f32 v33, v37  }
0x128: {  	v27 =	vadd.f32 $1.000000000e+00, v59;
	v29 =	vmul.f32 v29, v60;
	v42 =	vpop (erf);
	v32 =	vadd.f32 $2.000000030e-01, v32  }
0x129: {  	(erf) = vrcp.f32 v25;
	v43 =	vpop (erf);
	v21 =	vmul.f32 v21, v39;
	v33 =	vadd.f32 $2.000000030e-01, v33  }
0x12a: {  	v25 =	vadd.f32 $1.000000000e+00, v43;
	v29 =	vadd.f32 $3.333333430e-01, v29;
	v32 =	vmul.f32 v32, v36  }
0x12b: {  	(erf) = vrcp.f32 v27;
	v21 =	vadd.f32 $2.000000030e-01, v21;
	v44 =	vmul.f32 v33, v37  }
0x12c: {  	v28 =	vmul.f32 v29, v60;
	(erf) = vrcp.f32 v25;
	v45 =	vadd.f32 $3.333333430e-01, v32  }
0x12d: {  	v24 =	vadd.f32 $1.000000000e+00, v24;
	v21 =	vmul.f32 v21, v39;
	v46 =	vadd.f32 $3.333333430e-01, v44  }
0x12e: {  	v14 =	vmul.f32 v20, v14;
	v47 =	vadd.f32 $1.000000000e+00, v28;
	v25 =	vmul.f32 v45, v36  }
0x12f: {  	v16 =	vmul.f32 v24, v16;
	v21 =	vadd.f32 $3.333333430e-01, v21;
	v24 =	vmul.f32 v46, v37  }
0x130: {  	v18 =	vadd.f32 v18, v18;
	v17 =	vmul.f32 v47, v57;
	v48 =	vadd.f32 $1.000000000e+00, v25  }
0x131: {  	v16 =	vadd.f32 v16, v16;
	v6 =	vmul.f32 v21, v39;
	v49 =	vadd.f32 $1.000000000e+00, v24  }
0x132: {  	v10 =	vadd.f32 v18, v10;
	v50 =	vadd.f32 v17, v17;
	v51 =	vmul.f32 v48, v23  }
0x133: {  	v11 =	vadd.f32 v16, v11;
	v52 =	vpop (erf);
	v6 =	vadd.f32 $1.000000000e+00, v6;
	v18 =	vmul.f32 v49, v26  }
0x134: {  	v7 =	vmul.f32 v10, v7;
	v53 =	vpop (erf);
	v8 =	vadd.f32 v50, v8;
	v54 =	vadd.f32 v51, v51  }
0x135: {  	[tilespmem:s13+$0x7920] =	vst v2;
	v2 =	vmul.f32 v11, v15;
	v55 =	vpop (erf);
	v6 =	vmul.f32 v6, v13;
	v56 =	vadd.f32 v18, v18  }
0x136: {  	[tilespmem:s17+$0x7900] =	vst v7;
	v57 =	vadd.f32 v14, v14;
	v58 =	vmul.f32 v8, v55;
	v59 =	vadd.f32 v54, v19  }
0x137: {  	[tilespmem:s17+$0x7910] =	vst v2;
	v2 =	vmul.f32 v3, v4;
	v3 =	vadd.f32 v6, v6;
	v60 =	vadd.f32 v56, v22  }
0x138: {  	v61 =	vmax.f32 v12, $0.0e+00;
	v5 =	vadd.f32 v57, v5;
	[tilespmem:s18+$0x7930] =	vst v58;
	v62 =	vmul.f32 v59, v42  }
0x139: {  	[tilespmem:s16+$0x7920] =	vst v2;
	v3 =	vadd.f32 v3, v61;
	v2 =	vmul.f32 v60, v52  }
0x13a: {  	v63 =	vmul.f32 v5, v9;
	[tilespmem:s18+$0x7900] =	vst v62  }
0x13b: {  	s12 =	sadd.s32 $0x1, s12;
	[tilespmem:s18+$0x7910] =	vst v2;
	v2 =	vmul.f32 v3, v53  }
0x13c: {  	p0 =	sne.s32 s12, $0x7D;
	[tilespmem:s17+$0x7920] =	vst v63  }
.Ltmp2:
0x13d: {  	[tilespmem:s18+$0x7920] =	vst v2;
	(pc) =	sbr.rel @p0 .LBB2_4-.Ltmp2, $4  }
0x13e: {  	[spmem:s1] =	stream.indirect.scatter.add.f32 [tilespmem:s31], [sflag:$0x6], $0x80, s2, s24, $0xb8;
	[tilespmem:$0x1E100] =	vst v63  }
0x13f: {  	_ =	swait.ge [sflag:s15], $0x2800  }
0x140: {  	[sflag:s15] =	ssyncset.done $0x0  }
0x141: {  	[sflag:s15] =	ssyncadd.s32 $0xFFFFD800  }
0x142: {  	[bflag:$0x0] =	sbarrier.arrive $0xFFFF  }
0x143: {  	s3 =	rddreg [dreg:$0x3]  }
0x144: {  	[hbm:s3], [sflag:s10] =	dma.local [spmem:s14], $0x2800  }
0x145: {  	_ =	swait.ge [sflag:s15], $0x2800  }
0x146: {  	s0 =	sadd.s32 $0x1, s0;
	s19 =	rddreg [dreg:$0x4]  }
0x147: {  	p0 =	sne.s32 s0, s19  }
.Ltmp3:
0x148: {  	_ = 	snop;
	(pc) =	sbr.rel @p0 .LBB2_1-.Ltmp3, $3  }
0x149: {  	_ =	sdelay $0x1  }
0x14a: {  	[sflag:s15] =	ssyncset.done $0x0  }
0x14b: {  	[sflag:s15] =	ssyncadd.s32 $0xFFFFD800  }
0x14c: {  	_ =	sfence.sel $0x180000  }
0x14d: {  	[bflag:$0x0] =	sbarrier.arrive $0xFFFF  }
0x14e: {  	_ =	strace $0x9000004D  }
0x14f: {  	s0 =	stileid.u32;
	[bflag:$0x2] =	sbarrier.arrive $0xFFFF  }
0x150: {  	p0 =	sne.s32 s0, $0x0;
	s0 =	rddreg [dreg:$0x2]  }
0x151: {  	s0 =	sadd.s32 @!p0 $0x100000, s0  }
0x152: {  	[sflag:s0] =	ssyncadd.tile.s32 @!p0 $0x1;
	_ =	shalt  }
.Lfunc_end2:
_tile_overlayer_lowered:
.L_overlay_start_2:
0x153: {  	(tag) =	ssettag $0x2  }
0x154: {  	s0 =	rddreg [dreg:$0x0];
	s2 =	stileid.u32  }
0x155: {  	s1 =	rddreg [dreg:$0x1];
	p0 =	sne.s32 s2, $0x0  }
0x156: {  	s3 =	rddreg [dreg:$0x2];
	[bflag:$0x3] =	sbarrier.arrive $0xFFFF;
	s2 =	simm.s32 @!p0 $0x1C06  }
0x157: {  	[timem:s3], [sflag:s2] =	dma.local @!p0 [hbm:s0], s1  }
0x158: {  	s0 =	simm.s32 @!p0 $0x6  }
0x159: {  	_ =	swait.ge @!p0 [sflag:s0], s1  }
0x15a: {  	s1 =	ssub.s32 @!p0 $0x0, s1;
	[sflag:s0] =	ssyncset.done @!p0 $0x0  }
0x15b: {  	[sflag:s0] =	ssyncadd.s32 @!p0 s1  }
0x15c: {  	[bflag:$0x3] =	sbarrier.arrive $0xFFFF  }
0x15d: {  	_ =	shalt  }

</sc_bundles>
